<compile_context>
chip_gen: v7x
topology: tpu7x:2x2x1
jax: 0.10.2.dev20260603
libtpu: 0.0.44.dev20260713+nightly
codegen_flags: <defaults>
</compile_context>

<pallas_src>
import functools

import jax
import jax.numpy as jnp
from jax import lax
from jax.experimental import pallas as pl
from jax.experimental.pallas import tpu as pltpu
from jax.experimental.pallas import tpu_sc as plsc

B = 1024
S = 200
D = 64
NC = 2
NS = 16
NW = NC * NS
ROWS = B * S
RPW = ROWS // NW
SPW = B // NW
SR = S // 8
G16 = S // 16


def _sc_embed(ids_flat, tbl3, pos3):
    mesh = plsc.VectorSubcoreMesh(core_axis_name="c", subcore_axis_name="s")

    @functools.partial(
        pl.kernel,
        mesh=mesh,
        out_type=jax.ShapeDtypeStruct((ROWS // 8, 8, D), jnp.float32),
        scratch_types=[
            pltpu.VMEM((RPW,), jnp.int32),
            pltpu.VMEM((SR, 8, D), jnp.float32),
            pltpu.VMEM((SR, 8, D), jnp.float32),
            pltpu.VMEM((SR, 8, D), jnp.float32),
            pltpu.SemaphoreType.DMA,
            pltpu.SemaphoreType.DMA,
            pltpu.SemaphoreType.DMA,
            pltpu.SemaphoreType.DMA,
        ],
    )
    def k(ids_hbm, tok_hbm, pos_hbm, out_hbm, idx_v, pos_v, buf0, buf1,
          g0, g1, o0, o1):
        wid = lax.axis_index("s") * NC + lax.axis_index("c")
        base = wid * RPW
        pltpu.sync_copy(ids_hbm.at[pl.ds(base, RPW)], idx_v)
        pltpu.sync_copy(pos_hbm.at[pl.ds(0, SR)], pos_v)

        def enqueue_rows(s, buf, sem):
            off = s * S

            def fetch16(jt0, vec, n):
                for jj in range(n):
                    i = vec[jj]
                    tid = jax.lax.shift_right_logical(i, 3)
                    srow = jax.lax.bitwise_and(i, 7)
                    pltpu.async_copy(
                        tok_hbm.at[tid, srow],
                        buf.at[jt0 + jj // 8, jj % 8], sem)

            def body(g, carry):
                vec = idx_v[pl.ds(off + g * 16, 16)]
                fetch16(g * 2, vec, 16)
                return carry

            lax.fori_loop(0, G16, body, 0)
            tvec = idx_v[pl.ds(off + G16 * 16, 16)]
            fetch16(G16 * 2, tvec, 8)

        def drain(buf, sem):
            pltpu.make_async_copy(tok_hbm.at[pl.ds(0, SR)], buf, sem).wait()

        def add_pos(buf):
            def body(r8, carry):
                for sub in range(8):
                    for kk in range(D // 16):
                        sl = pl.ds(kk * 16, 16)
                        buf[r8, sub, sl] = buf[r8, sub, sl] + pos_v[r8, sub, sl]
                return carry
            lax.fori_loop(0, SR, body, 0)

        def out_slice(s):
            return out_hbm.at[pl.ds(wid * (SPW * SR) + s * SR, SR)]

        enqueue_rows(0, buf0, g0)
        enqueue_rows(1, buf1, g1)

        def outer(t, carry):
            s0 = t * 2
            drain(buf0, g0)
            add_pos(buf0)
            pltpu.async_copy(buf0, out_slice(s0), o0)
            drain(buf1, g1)
            add_pos(buf1)
            pltpu.async_copy(buf1, out_slice(s0 + 1), o1)
            pltpu.make_async_copy(buf0, out_slice(s0), o0).wait()

            @pl.when(t < (SPW // 2 - 1))
            def _():
                enqueue_rows(s0 + 2, buf0, g0)

            pltpu.make_async_copy(buf1, out_slice(s0 + 1), o1).wait()

            @pl.when(t < (SPW // 2 - 1))
            def _():
                enqueue_rows(s0 + 3, buf1, g1)

            return carry

        lax.fori_loop(0, SPW // 2, outer, 0)

    return k(ids_flat, tbl3, pos3)


def kernel(input_ids, token_table, position_table):
    ids_flat = input_ids.reshape(ROWS)
    tbl3 = token_table.reshape(125000, 8, D)
    pos3 = position_table.reshape(64, 8, D)
    out = _sc_embed(ids_flat, tbl3, pos3)
    return out.reshape(B, S, D)

# --- scband reference (transcript-rebuilt; emitter-appended) ---
"""Pipeline reference for scband-gptembedding-64544768525278 (READ-ONLY COPY).

The authoritative reference and input builder live on the scoring server;
editing this copy changes nothing except your own understanding.
"""

import jax, jax.numpy as jnp
import numpy as np

VOCAB_SIZE = 1000000
EMBED_DIM = 64
MAX_LENGTH = 512
BATCH = 1024
SEQ_LEN = 200


def setup_inputs(seed: int = 0) -> dict:
    key = jax.random.key(seed)
    k_ids, k_tok, k_pos = jax.random.split(key, 3)
    input_ids = jax.random.randint(k_ids, (BATCH, SEQ_LEN), 0, VOCAB_SIZE, dtype=jnp.int64 if jax.config.jax_enable_x64 else jnp.int32).astype(jnp.int32)
    token_table = jax.random.normal(k_tok, (VOCAB_SIZE, EMBED_DIM), dtype=jnp.float32)
    position_table = jax.random.normal(k_pos, (MAX_LENGTH, EMBED_DIM), dtype=jnp.float32)
    return {"input_ids": input_ids, "token_table": token_table, "position_table": position_table}


def reference(input_ids, token_table, position_table):
    batch_size, seq_length = input_ids.shape
    # token embedding: gather rows from the token table
    tok_emb = jnp.take(token_table, input_ids, axis=0)  # (B, S, D)
    # position embedding: positions 0..S-1 broadcast over batch
    positions = jnp.arange(seq_length)
    pos_emb = jnp.take(position_table, positions, axis=0)  # (S, D)
    pos_emb = jnp.broadcast_to(pos_emb[None, :, :], (batch_size, seq_length, pos_emb.shape[-1]))
    # dropout is identity in eval mode (p applied only in training)
    return tok_emb + pos_emb

if __name__ == "__main__":
    import jax
    _d = setup_inputs()
    print(jax.jit(kernel)(*tuple(_d.values())))

</pallas_src>

<mosaic_0001>
#map = affine_map<(d0, d1) -> (0)>
#map1 = affine_map<(d0, d1) -> (0, 0, 0)>
module attributes {stable_mosaic.version = 14 : i64} {
  func.func @k(%arg0: i32, %arg1: i32, %arg2: memref<204800xi32, #tpu.memory_space<hbm>>, %arg3: memref<125000x8x64xf32, #tpu.memory_space<hbm>>, %arg4: memref<64x8x64xf32, #tpu.memory_space<hbm>>, %arg5: memref<25600x8x64xf32, #tpu.memory_space<hbm>>, %arg6: memref<6400xi32, #tpu.memory_space<vmem>>, %arg7: memref<25x8x64xf32, #tpu.memory_space<vmem>>, %arg8: memref<25x8x64xf32, #tpu.memory_space<vmem>>, %arg9: memref<25x8x64xf32, #tpu.memory_space<vmem>>, %arg10: memref<!tpu.dma_semaphore, #tpu.memory_space<semaphore_mem>>, %arg11: memref<!tpu.dma_semaphore, #tpu.memory_space<semaphore_mem>>, %arg12: memref<!tpu.dma_semaphore, #tpu.memory_space<semaphore_mem>>, %arg13: memref<!tpu.dma_semaphore, #tpu.memory_space<semaphore_mem>>) attributes {dimension_semantics = [#tpu.dimension_semantics<core_parallel>, #tpu.dimension_semantics<subcore_parallel>], iteration_bounds = array<i64: 2, 16>, scalar_prefetch = 0 : i64, scratch_operands = 8 : i64, tpu.core_type = #tpu.core_type<sc_vector_subcore>, window_params = [{transform_indices = #map}, {transform_indices = #map1}, {transform_indices = #map1}, {transform_indices = #map1}]} {
    %mul3A = arith.constant 2 : i32
    %mul3A_0 = arith.muli %arg1, %mul3A : i32
    %add3A = arith.addi %mul3A_0, %arg0 : i32
    %mul3A_1 = arith.constant 6400 : i32
    %mul3A_2 = arith.muli %add3A, %mul3A_1 : i32
    "tpu.region"() ({
      %run_scoped3A = tpu.sem_alloc : memref<!tpu.dma_semaphore, #tpu.memory_space<semaphore_mem>>
      %dma_start3A_340 = tpu.memref_slice %arg2[%mul3A_2] : memref<204800xi32, #tpu.memory_space<hbm>> -> memref<6400xi32, #tpu.memory_space<hbm>>
      %dma_start3A_341 = tpu.memref_slice %arg2[%mul3A_2] : memref<204800xi32, #tpu.memory_space<hbm>> -> memref<6400xi32, #tpu.memory_space<hbm>>
      tpu.enqueue_dma source(%dma_start3A_341 : memref<6400xi32, #tpu.memory_space<hbm>>) target(%arg6 : memref<6400xi32, #tpu.memory_space<vmem>>) target_semaphore(%run_scoped3A : memref<!tpu.dma_semaphore, #tpu.memory_space<semaphore_mem>>)
      %dma_wait3A = tpu.memref_slice %arg2[%mul3A_2] : memref<204800xi32, #tpu.memory_space<hbm>> -> memref<6400xi32, #tpu.memory_space<hbm>>
      %dma_wait3A_342 = tpu.memref_slice %arg2[%mul3A_2] : memref<204800xi32, #tpu.memory_space<hbm>> -> memref<6400xi32, #tpu.memory_space<hbm>>
      tpu.wait_dma2 semaphore(%run_scoped3A : memref<!tpu.dma_semaphore, #tpu.memory_space<semaphore_mem>>) src(%dma_wait3A_342 : memref<6400xi32, #tpu.memory_space<hbm>>) dst(%arg6 : memref<6400xi32, #tpu.memory_space<vmem>>)
      tpu.yield
    }) : () -> ()
    "tpu.region"() ({
      %run_scoped3A = tpu.sem_alloc : memref<!tpu.dma_semaphore, #tpu.memory_space<semaphore_mem>>
      %dma_start3A_340 = arith.constant 0 : i32
      %dma_start3A_341 = arith.constant 0 : i32
      %dma_start3A_342 = arith.constant 0 : i32
      %dma_start3A_343 = tpu.memref_slice %arg4[%dma_start3A_340, %dma_start3A_341, %dma_start3A_342] : memref<64x8x64xf32, #tpu.memory_space<hbm>> -> memref<25x8x64xf32, #tpu.memory_space<hbm>>
      %dma_start3A_344 = arith.constant 0 : i32
      %dma_start3A_345 = arith.constant 0 : i32
      %dma_start3A_346 = arith.constant 0 : i32
      %dma_start3A_347 = tpu.memref_slice %arg4[%dma_start3A_344, %dma_start3A_345, %dma_start3A_346] : memref<64x8x64xf32, #tpu.memory_space<hbm>> -> memref<25x8x64xf32, #tpu.memory_space<hbm>>
      tpu.enqueue_dma source(%dma_start3A_347 : memref<25x8x64xf32, #tpu.memory_space<hbm>>) target(%arg7 : memref<25x8x64xf32, #tpu.memory_space<vmem>>) target_semaphore(%run_scoped3A : memref<!tpu.dma_semaphore, #tpu.memory_space<semaphore_mem>>)
      %dma_wait3A = arith.constant 0 : i32
      %dma_wait3A_348 = arith.constant 0 : i32
      %dma_wait3A_349 = arith.constant 0 : i32
      %dma_wait3A_350 = tpu.memref_slice %arg4[%dma_wait3A, %dma_wait3A_348, %dma_wait3A_349] : memref<64x8x64xf32, #tpu.memory_space<hbm>> -> memref<25x8x64xf32, #tpu.memory_space<hbm>>
      %dma_wait3A_351 = arith.constant 0 : i32
      %dma_wait3A_352 = arith.constant 0 : i32
      %dma_wait3A_353 = arith.constant 0 : i32
      %dma_wait3A_354 = tpu.memref_slice %arg4[%dma_wait3A_351, %dma_wait3A_352, %dma_wait3A_353] : memref<64x8x64xf32, #tpu.memory_space<hbm>> -> memref<25x8x64xf32, #tpu.memory_space<hbm>>
      tpu.wait_dma2 semaphore(%run_scoped3A : memref<!tpu.dma_semaphore, #tpu.memory_space<semaphore_mem>>) src(%dma_wait3A_354 : memref<25x8x64xf32, #tpu.memory_space<hbm>>) dst(%arg7 : memref<25x8x64xf32, #tpu.memory_space<vmem>>)
      tpu.yield
    }) : () -> ()
    %scan3A = arith.constant 0 : i32
    %scan3A_3 = arith.constant 0 : i32
    %scan3A_4 = arith.constant 12 : i32
    %scan3A_5 = arith.addi %scan3A_3, %scan3A_4 : i32
    %scan3A_6 = arith.constant 1 : i32
    scf.for %scan3A_340 = %scan3A_3 to %scan3A_5 step %scan3A_6  : i32 {
      %mul3A_341 = arith.constant 16 : i32
      %mul3A_342 = arith.muli %scan3A_340, %mul3A_341 : i32
      %add3A_343 = arith.constant 0 : i32
      %add3A_344 = arith.addi %add3A_343, %mul3A_342 : i32
      %get3A_345 = arith.index_cast %add3A_344 : i32 to index
      %get3A_346 = tpu.vector_load %arg6[%get3A_345] {strides = array<i32>} : memref<6400xi32, #tpu.memory_space<vmem>>, vector<16xi32>,
      %get3A_347 = vector.shape_cast %get3A_346 : vector<16xi32> to vector<16xi32>
      %mul3A_348 = arith.constant 2 : i32
      %mul3A_349 = arith.muli %scan3A_340, %mul3A_348 : i32
      %slice3A_350 = vector.extract_strided_slice %get3A_347 {offsets = [0], sizes = [1], strides = [1]} : vector<16xi32> to vector<1xi32>
      %squeeze3A_351 = vector.extract %slice3A_350[0] : i32 from vector<1xi32>
      %shift_right_logical3A_352 = arith.constant 3 : i32
      %shift_right_logical3A_353 = arith.shrui %squeeze3A_351, %shift_right_logical3A_352 : i32
      %and3A_354 = arith.constant 7 : i32
      %and3A_355 = arith.andi %squeeze3A_351, %and3A_354 : i32
      %add3A_356 = arith.constant 0 : i32
      %add3A_357 = arith.addi %mul3A_349, %add3A_356 : i32
      %dma_start3A_358 = arith.constant 0 : i32
      %dma_start3A_359 = arith.constant 0 : i32
      %dma_start3A_360 = tpu.memref_slice %arg8[%add3A_357, %dma_start3A_358, %dma_start3A_359] : memref<25x8x64xf32, #tpu.memory_space<vmem>> -> memref<1x1x64xf32, #tpu.memory_space<vmem>>
      %dma_start3A_361 = tpu.memref_squeeze %dma_start3A_360 : memref<1x1x64xf32, #tpu.memory_space<vmem>> -> memref<64xf32, #tpu.memory_space<vmem>>
      %dma_start3A_362 = arith.constant 0 : i32
      %dma_start3A_363 = tpu.memref_slice %arg3[%shift_right_logical3A_353, %and3A_355, %dma_start3A_362] : memref<125000x8x64xf32, #tpu.memory_space<hbm>> -> memref<1x1x64xf32, #tpu.memory_space<hbm>>
      %dma_start3A_364 = tpu.memref_squeeze %dma_start3A_363 : memref<1x1x64xf32, #tpu.memory_space<hbm>> -> memref<64xf32, #tpu.memory_space<hbm>>
      %dma_start3A_365 = arith.constant 0 : i32
      %dma_start3A_366 = tpu.memref_slice %arg8[%add3A_357, %dma_start3A_358, %dma_start3A_365] : memref<25x8x64xf32, #tpu.memory_space<vmem>> -> memref<1x1x64xf32, #tpu.memory_space<vmem>>
      %dma_start3A_367 = tpu.memref_squeeze %dma_start3A_366 : memref<1x1x64xf32, #tpu.memory_space<vmem>> -> memref<64xf32, #tpu.memory_space<vmem>>
      %dma_start3A_368 = arith.constant 0 : i32
      %dma_start3A_369 = tpu.memref_slice %arg3[%shift_right_logical3A_353, %and3A_355, %dma_start3A_368] : memref<125000x8x64xf32, #tpu.memory_space<hbm>> -> memref<1x1x64xf32, #tpu.memory_space<hbm>>
      %dma_start3A_370 = tpu.memref_squeeze %dma_start3A_369 : memref<1x1x64xf32, #tpu.memory_space<hbm>> -> memref<64xf32, #tpu.memory_space<hbm>>
      tpu.enqueue_dma source(%dma_start3A_370 : memref<64xf32, #tpu.memory_space<hbm>>) target(%dma_start3A_367 : memref<64xf32, #tpu.memory_space<vmem>>) target_semaphore(%arg10 : memref<!tpu.dma_semaphore, #tpu.memory_space<semaphore_mem>>)
      %slice3A_371 = vector.extract_strided_slice %get3A_347 {offsets = [1], sizes = [1], strides = [1]} : vector<16xi32> to vector<1xi32>
      %squeeze3A_372 = vector.extract %slice3A_371[0] : i32 from vector<1xi32>
      %shift_right_logical3A_373 = arith.constant 3 : i32
      %shift_right_logical3A_374 = arith.shrui %squeeze3A_372, %shift_right_logical3A_373 : i32
      %and3A_375 = arith.constant 7 : i32
      %and3A_376 = arith.andi %squeeze3A_372, %and3A_375 : i32
      %add3A_377 = arith.constant 0 : i32
      %add3A_378 = arith.addi %mul3A_349, %add3A_377 : i32
      %dma_start3A_379 = arith.constant 1 : i32
      %dma_start3A_380 = arith.constant 0 : i32
      %dma_start3A_381 = tpu.memref_slice %arg8[%add3A_378, %dma_start3A_379, %dma_start3A_380] : memref<25x8x64xf32, #tpu.memory_space<vmem>> -> memref<1x1x64xf32, #tpu.memory_space<vmem>>
      %dma_start3A_382 = tpu.memref_squeeze %dma_start3A_381 : memref<1x1x64xf32, #tpu.memory_space<vmem>> -> memref<64xf32, #tpu.memory_space<vmem>>
      %dma_start3A_383 = arith.constant 0 : i32
      %dma_start3A_384 = tpu.memref_slice %arg3[%shift_right_logical3A_374, %and3A_376, %dma_start3A_383] : memref<125000x8x64xf32, #tpu.memory_space<hbm>> -> memref<1x1x64xf32, #tpu.memory_space<hbm>>
      %dma_start3A_385 = tpu.memref_squeeze %dma_start3A_384 : memref<1x1x64xf32, #tpu.memory_space<hbm>> -> memref<64xf32, #tpu.memory_space<hbm>>
      %dma_start3A_386 = arith.constant 0 : i32
      %dma_start3A_387 = tpu.memref_slice %arg8[%add3A_378, %dma_start3A_379, %dma_start3A_386] : memref<25x8x64xf32, #tpu.memory_space<vmem>> -> memref<1x1x64xf32, #tpu.memory_space<vmem>>
      %dma_start3A_388 = tpu.memref_squeeze %dma_start3A_387 : memref<1x1x64xf32, #tpu.memory_space<vmem>> -> memref<64xf32, #tpu.memory_space<vmem>>
      %dma_start3A_389 = arith.constant 0 : i32
      %dma_start3A_390 = tpu.memref_slice %arg3[%shift_right_logical3A_374, %and3A_376, %dma_start3A_389] : memref<125000x8x64xf32, #tpu.memory_space<hbm>> -> memref<1x1x64xf32, #tpu.memory_space<hbm>>
      %dma_start3A_391 = tpu.memref_squeeze %dma_start3A_390 : memref<1x1x64xf32, #tpu.memory_space<hbm>> -> memref<64xf32, #tpu.memory_space<hbm>>
      tpu.enqueue_dma source(%dma_start3A_391 : memref<64xf32, #tpu.memory_space<hbm>>) target(%dma_start3A_388 : memref<64xf32, #tpu.memory_space<vmem>>) target_semaphore(%arg10 : memref<!tpu.dma_semaphore, #tpu.memory_space<semaphore_mem>>)
      %slice3A_392 = vector.extract_strided_slice %get3A_347 {offsets = [2], sizes = [1], strides = [1]} : vector<16xi32> to vector<1xi32>
      %squeeze3A_393 = vector.extract %slice3A_392[0] : i32 from vector<1xi32>
      %shift_right_logical3A_394 = arith.constant 3 : i32
      %shift_right_logical3A_395 = arith.shrui %squeeze3A_393, %shift_right_logical3A_394 : i32
      %and3A_396 = arith.constant 7 : i32
      %and3A_397 = arith.andi %squeeze3A_393, %and3A_396 : i32
      %add3A_398 = arith.constant 0 : i32
      %add3A_399 = arith.addi %mul3A_349, %add3A_398 : i32
      %dma_start3A_400 = arith.constant 2 : i32
      %dma_start3A_401 = arith.constant 0 : i32
      %dma_start3A_402 = tpu.memref_slice %arg8[%add3A_399, %dma_start3A_400, %dma_start3A_401] : memref<25x8x64xf32, #tpu.memory_space<vmem>> -> memref<1x1x64xf32, #tpu.memory_space<vmem>>
      %dma_start3A_403 = tpu.memref_squeeze %dma_start3A_402 : memref<1x1x64xf32, #tpu.memory_space<vmem>> -> memref<64xf32, #tpu.memory_space<vmem>>
      %dma_start3A_404 = arith.constant 0 : i32
      %dma_start3A_405 = tpu.memref_slice %arg3[%shift_right_logical3A_395, %and3A_397, %dma_start3A_404] : memref<125000x8x64xf32, #tpu.memory_space<hbm>> -> memref<1x1x64xf32, #tpu.memory_space<hbm>>
      %dma_start3A_406 = tpu.memref_squeeze %dma_start3A_405 : memref<1x1x64xf32, #tpu.memory_space<hbm>> -> memref<64xf32, #tpu.memory_space<hbm>>
      %dma_start3A_407 = arith.constant 0 : i32
      %dma_start3A_408 = tpu.memref_slice %arg8[%add3A_399, %dma_start3A_400, %dma_start3A_407] : memref<25x8x64xf32, #tpu.memory_space<vmem>> -> memref<1x1x64xf32, #tpu.memory_space<vmem>>
      %dma_start3A_409 = tpu.memref_squeeze %dma_start3A_408 : memref<1x1x64xf32, #tpu.memory_space<vmem>> -> memref<64xf32, #tpu.memory_space<vmem>>
      %dma_start3A_410 = arith.constant 0 : i32
      %dma_start3A_411 = tpu.memref_slice %arg3[%shift_right_logical3A_395, %and3A_397, %dma_start3A_410] : memref<125000x8x64xf32, #tpu.memory_space<hbm>> -> memref<1x1x64xf32, #tpu.memory_space<hbm>>
      %dma_start3A_412 = tpu.memref_squeeze %dma_start3A_411 : memref<1x1x64xf32, #tpu.memory_space<hbm>> -> memref<64xf32, #tpu.memory_space<hbm>>
      tpu.enqueue_dma source(%dma_start3A_412 : memref<64xf32, #tpu.memory_space<hbm>>) target(%dma_start3A_409 : memref<64xf32, #tpu.memory_space<vmem>>) target_semaphore(%arg10 : memref<!tpu.dma_semaphore, #tpu.memory_space<semaphore_mem>>)
      %slice3A_413 = vector.extract_strided_slice %get3A_347 {offsets = [3], sizes = [1], strides = [1]} : vector<16xi32> to vector<1xi32>
      %squeeze3A_414 = vector.extract %slice3A_413[0] : i32 from vector<1xi32>
      %shift_right_logical3A_415 = arith.constant 3 : i32
      %shift_right_logical3A_416 = arith.shrui %squeeze3A_414, %shift_right_logical3A_415 : i32
      %and3A_417 = arith.constant 7 : i32
      %and3A_418 = arith.andi %squeeze3A_414, %and3A_417 : i32
      %add3A_419 = arith.constant 0 : i32
      %add3A_420 = arith.addi %mul3A_349, %add3A_419 : i32
      %dma_start3A_421 = arith.constant 3 : i32
      %dma_start3A_422 = arith.constant 0 : i32
      %dma_start3A_423 = tpu.memref_slice %arg8[%add3A_420, %dma_start3A_421, %dma_start3A_422] : memref<25x8x64xf32, #tpu.memory_space<vmem>> -> memref<1x1x64xf32, #tpu.memory_space<vmem>>
      %dma_start3A_424 = tpu.memref_squeeze %dma_start3A_423 : memref<1x1x64xf32, #tpu.memory_space<vmem>> -> memref<64xf32, #tpu.memory_space<vmem>>
      %dma_start3A_425 = arith.constant 0 : i32
      %dma_start3A_426 = tpu.memref_slice %arg3[%shift_right_logical3A_416, %and3A_418, %dma_start3A_425] : memref<125000x8x64xf32, #tpu.memory_space<hbm>> -> memref<1x1x64xf32, #tpu.memory_space<hbm>>
      %dma_start3A_427 = tpu.memref_squeeze %dma_start3A_426 : memref<1x1x64xf32, #tpu.memory_space<hbm>> -> memref<64xf32, #tpu.memory_space<hbm>>
      %dma_start3A_428 = arith.constant 0 : i32
      %dma_start3A_429 = tpu.memref_slice %arg8[%add3A_420, %dma_start3A_421, %dma_start3A_428] : memref<25x8x64xf32, #tpu.memory_space<vmem>> -> memref<1x1x64xf32, #tpu.memory_space<vmem>>
      %dma_start3A_430 = tpu.memref_squeeze %dma_start3A_429 : memref<1x1x64xf32, #tpu.memory_space<vmem>> -> memref<64xf32, #tpu.memory_space<vmem>>
      %dma_start3A_431 = arith.constant 0 : i32
      %dma_start3A_432 = tpu.memref_slice %arg3[%shift_right_logical3A_416, %and3A_418, %dma_start3A_431] : memref<125000x8x64xf32, #tpu.memory_space<hbm>> -> memref<1x1x64xf32, #tpu.memory_space<hbm>>
      %dma_start3A_433 = tpu.memref_squeeze %dma_start3A_432 : memref<1x1x64xf32, #tpu.memory_space<hbm>> -> memref<64xf32, #tpu.memory_space<hbm>>
      tpu.enqueue_dma source(%dma_start3A_433 : memref<64xf32, #tpu.memory_space<hbm>>) target(%dma_start3A_430 : memref<64xf32, #tpu.memory_space<vmem>>) target_semaphore(%arg10 : memref<!tpu.dma_semaphore, #tpu.memory_space<semaphore_mem>>)
      %slice3A_434 = vector.extract_strided_slice %get3A_347 {offsets = [4], sizes = [1], strides = [1]} : vector<16xi32> to vector<1xi32>
      %squeeze3A_435 = vector.extract %slice3A_434[0] : i32 from vector<1xi32>
      %shift_right_logical3A_436 = arith.constant 3 : i32
      %shift_right_logical3A_437 = arith.shrui %squeeze3A_435, %shift_right_logical3A_436 : i32
      %and3A_438 = arith.constant 7 : i32
      %and3A_439 = arith.andi %squeeze3A_435, %and3A_438 : i32
      %add3A_440 = arith.constant 0 : i32
      %add3A_441 = arith.addi %mul3A_349, %add3A_440 : i32
      %dma_start3A_442 = arith.constant 4 : i32
      %dma_start3A_443 = arith.constant 0 : i32
      %dma_start3A_444 = tpu.memref_slice %arg8[%add3A_441, %dma_start3A_442, %dma_start3A_443] : memref<25x8x64xf32, #tpu.memory_space<vmem>> -> memref<1x1x64xf32, #tpu.memory_space<vmem>>
      %dma_start3A_445 = tpu.memref_squeeze %dma_start3A_444 : memref<1x1x64xf32, #tpu.memory_space<vmem>> -> memref<64xf32, #tpu.memory_space<vmem>>
      %dma_start3A_446 = arith.constant 0 : i32
      %dma_start3A_447 = tpu.memref_slice %arg3[%shift_right_logical3A_437, %and3A_439, %dma_start3A_446] : memref<125000x8x64xf32, #tpu.memory_space<hbm>> -> memref<1x1x64xf32, #tpu.memory_space<hbm>>
      %dma_start3A_448 = tpu.memref_squeeze %dma_start3A_447 : memref<1x1x64xf32, #tpu.memory_space<hbm>> -> memref<64xf32, #tpu.memory_space<hbm>>
      %dma_start3A_449 = arith.constant 0 : i32
      %dma_start3A_450 = tpu.memref_slice %arg8[%add3A_441, %dma_start3A_442, %dma_start3A_449] : memref<25x8x64xf32, #tpu.memory_space<vmem>> -> memref<1x1x64xf32, #tpu.memory_space<vmem>>
      %dma_start3A_451 = tpu.memref_squeeze %dma_start3A_450 : memref<1x1x64xf32, #tpu.memory_space<vmem>> -> memref<64xf32, #tpu.memory_space<vmem>>
      %dma_start3A_452 = arith.constant 0 : i32
      %dma_start3A_453 = tpu.memref_slice %arg3[%shift_right_logical3A_437, %and3A_439, %dma_start3A_452] : memref<125000x8x64xf32, #tpu.memory_space<hbm>> -> memref<1x1x64xf32, #tpu.memory_space<hbm>>
      %dma_start3A_454 = tpu.memref_squeeze %dma_start3A_453 : memref<1x1x64xf32, #tpu.memory_space<hbm>> -> memref<64xf32, #tpu.memory_space<hbm>>
      tpu.enqueue_dma source(%dma_start3A_454 : memref<64xf32, #tpu.memory_space<hbm>>) target(%dma_start3A_451 : memref<64xf32, #tpu.memory_space<vmem>>) target_semaphore(%arg10 : memref<!tpu.dma_semaphore, #tpu.memory_space<semaphore_mem>>)
      %slice3A_455 = vector.extract_strided_slice %get3A_347 {offsets = [5], sizes = [1], strides = [1]} : vector<16xi32> to vector<1xi32>
      %squeeze3A_456 = vector.extract %slice3A_455[0] : i32 from vector<1xi32>
      %shift_right_logical3A_457 = arith.constant 3 : i32
      %shift_right_logical3A_458 = arith.shrui %squeeze3A_456, %shift_right_logical3A_457 : i32
      %and3A_459 = arith.constant 7 : i32
      %and3A_460 = arith.andi %squeeze3A_456, %and3A_459 : i32
      %add3A_461 = arith.constant 0 : i32
      %add3A_462 = arith.addi %mul3A_349, %add3A_461 : i32
      %dma_start3A_463 = arith.constant 5 : i32
      %dma_start3A_464 = arith.constant 0 : i32
      %dma_start3A_465 = tpu.memref_slice %arg8[%add3A_462, %dma_start3A_463, %dma_start3A_464] : memref<25x8x64xf32, #tpu.memory_space<vmem>> -> memref<1x1x64xf32, #tpu.memory_space<vmem>>
      %dma_start3A_466 = tpu.memref_squeeze %dma_start3A_465 : memref<1x1x64xf32, #tpu.memory_space<vmem>> -> memref<64xf32, #tpu.memory_space<vmem>>
      %dma_start3A_467 = arith.constant 0 : i32
      %dma_start3A_468 = tpu.memref_slice %arg3[%shift_right_logical3A_458, %and3A_460, %dma_start3A_467] : memref<125000x8x64xf32, #tpu.memory_space<hbm>> -> memref<1x1x64xf32, #tpu.memory_space<hbm>>
      %dma_start3A_469 = tpu.memref_squeeze %dma_start3A_468 : memref<1x1x64xf32, #tpu.memory_space<hbm>> -> memref<64xf32, #tpu.memory_space<hbm>>
      %dma_start3A_470 = arith.constant 0 : i32
      %dma_start3A_471 = tpu.memref_slice %arg8[%add3A_462, %dma_start3A_463, %dma_start3A_470] : memref<25x8x64xf32, #tpu.memory_space<vmem>> -> memref<1x1x64xf32, #tpu.memory_space<vmem>>
      %dma_start3A_472 = tpu.memref_squeeze %dma_start3A_471 : memref<1x1x64xf32, #tpu.memory_space<vmem>> -> memref<64xf32, #tpu.memory_space<vmem>>
      %dma_start3A_473 = arith.constant 0 : i32
      %dma_start3A_474 = tpu.memref_slice %arg3[%shift_right_logical3A_458, %and3A_460, %dma_start3A_473] : memref<125000x8x64xf32, #tpu.memory_space<hbm>> -> memref<1x1x64xf32, #tpu.memory_space<hbm>>
      %dma_start3A_475 = tpu.memref_squeeze %dma_start3A_474 : memref<1x1x64xf32, #tpu.memory_space<hbm>> -> memref<64xf32, #tpu.memory_space<hbm>>
      tpu.enqueue_dma source(%dma_start3A_475 : memref<64xf32, #tpu.memory_space<hbm>>) target(%dma_start3A_472 : memref<64xf32, #tpu.memory_space<vmem>>) target_semaphore(%arg10 : memref<!tpu.dma_semaphore, #tpu.memory_space<semaphore_mem>>)
      %slice3A_476 = vector.extract_strided_slice %get3A_347 {offsets = [6], sizes = [1], strides = [1]} : vector<16xi32> to vector<1xi32>
      %squeeze3A_477 = vector.extract %slice3A_476[0] : i32 from vector<1xi32>
      %shift_right_logical3A_478 = arith.constant 3 : i32
      %shift_right_logical3A_479 = arith.shrui %squeeze3A_477, %shift_right_logical3A_478 : i32
      %and3A_480 = arith.constant 7 : i32
      %and3A_481 = arith.andi %squeeze3A_477, %and3A_480 : i32
      %add3A_482 = arith.constant 0 : i32
      %add3A_483 = arith.addi %mul3A_349, %add3A_482 : i32
      %dma_start3A_484 = arith.constant 6 : i32
      %dma_start3A_485 = arith.constant 0 : i32
      %dma_start3A_486 = tpu.memref_slice %arg8[%add3A_483, %dma_start3A_484, %dma_start3A_485] : memref<25x8x64xf32, #tpu.memory_space<vmem>> -> memref<1x1x64xf32, #tpu.memory_space<vmem>>
      %dma_start3A_487 = tpu.memref_squeeze %dma_start3A_486 : memref<1x1x64xf32, #tpu.memory_space<vmem>> -> memref<64xf32, #tpu.memory_space<vmem>>
      %dma_start3A_488 = arith.constant 0 : i32
      %dma_start3A_489 = tpu.memref_slice %arg3[%shift_right_logical3A_479, %and3A_481, %dma_start3A_488] : memref<125000x8x64xf32, #tpu.memory_space<hbm>> -> memref<1x1x64xf32, #tpu.memory_space<hbm>>
      %dma_start3A_490 = tpu.memref_squeeze %dma_start3A_489 : memref<1x1x64xf32, #tpu.memory_space<hbm>> -> memref<64xf32, #tpu.memory_space<hbm>>
      %dma_start3A_491 = arith.constant 0 : i32
      %dma_start3A_492 = tpu.memref_slice %arg8[%add3A_483, %dma_start3A_484, %dma_start3A_491] : memref<25x8x64xf32, #tpu.memory_space<vmem>> -> memref<1x1x64xf32, #tpu.memory_space<vmem>>
      %dma_start3A_493 = tpu.memref_squeeze %dma_start3A_492 : memref<1x1x64xf32, #tpu.memory_space<vmem>> -> memref<64xf32, #tpu.memory_space<vmem>>
      %dma_start3A_494 = arith.constant 0 : i32
      %dma_start3A_495 = tpu.memref_slice %arg3[%shift_right_logical3A_479, %and3A_481, %dma_start3A_494] : memref<125000x8x64xf32, #tpu.memory_space<hbm>> -> memref<1x1x64xf32, #tpu.memory_space<hbm>>
      %dma_start3A_496 = tpu.memref_squeeze %dma_start3A_495 : memref<1x1x64xf32, #tpu.memory_space<hbm>> -> memref<64xf32, #tpu.memory_space<hbm>>
      tpu.enqueue_dma source(%dma_start3A_496 : memref<64xf32, #tpu.memory_space<hbm>>) target(%dma_start3A_493 : memref<64xf32, #tpu.memory_space<vmem>>) target_semaphore(%arg10 : memref<!tpu.dma_semaphore, #tpu.memory_space<semaphore_mem>>)
      %slice3A_497 = vector.extract_strided_slice %get3A_347 {offsets = [7], sizes = [1], strides = [1]} : vector<16xi32> to vector<1xi32>
      %squeeze3A_498 = vector.extract %slice3A_497[0] : i32 from vector<1xi32>
      %shift_right_logical3A_499 = arith.constant 3 : i32
      %shift_right_logical3A_500 = arith.shrui %squeeze3A_498, %shift_right_logical3A_499 : i32
      %and3A_501 = arith.constant 7 : i32
      %and3A_502 = arith.andi %squeeze3A_498, %and3A_501 : i32
      %add3A_503 = arith.constant 0 : i32
      %add3A_504 = arith.addi %mul3A_349, %add3A_503 : i32
      %dma_start3A_505 = arith.constant 7 : i32
      %dma_start3A_506 = arith.constant 0 : i32
      %dma_start3A_507 = tpu.memref_slice %arg8[%add3A_504, %dma_start3A_505, %dma_start3A_506] : memref<25x8x64xf32, #tpu.memory_space<vmem>> -> memref<1x1x64xf32, #tpu.memory_space<vmem>>
      %dma_start3A_508 = tpu.memref_squeeze %dma_start3A_507 : memref<1x1x64xf32, #tpu.memory_space<vmem>> -> memref<64xf32, #tpu.memory_space<vmem>>
      %dma_start3A_509 = arith.constant 0 : i32
      %dma_start3A_510 = tpu.memref_slice %arg3[%shift_right_logical3A_500, %and3A_502, %dma_start3A_509] : memref<125000x8x64xf32, #tpu.memory_space<hbm>> -> memref<1x1x64xf32, #tpu.memory_space<hbm>>
      %dma_start3A_511 = tpu.memref_squeeze %dma_start3A_510 : memref<1x1x64xf32, #tpu.memory_space<hbm>> -> memref<64xf32, #tpu.memory_space<hbm>>
      %dma_start3A_512 = arith.constant 0 : i32
      %dma_start3A_513 = tpu.memref_slice %arg8[%add3A_504, %dma_start3A_505, %dma_start3A_512] : memref<25x8x64xf32, #tpu.memory_space<vmem>> -> memref<1x1x64xf32, #tpu.memory_space<vmem>>
      %dma_start3A_514 = tpu.memref_squeeze %dma_start3A_513 : memref<1x1x64xf32, #tpu.memory_space<vmem>> -> memref<64xf32, #tpu.memory_space<vmem>>
      %dma_start3A_515 = arith.constant 0 : i32
      %dma_start3A_516 = tpu.memref_slice %arg3[%shift_right_logical3A_500, %and3A_502, %dma_start3A_515] : memref<125000x8x64xf32, #tpu.memory_space<hbm>> -> memref<1x1x64xf32, #tpu.memory_space<hbm>>
      %dma_start3A_517 = tpu.memref_squeeze %dma_start3A_516 : memref<1x1x64xf32, #tpu.memory_space<hbm>> -> memref<64xf32, #tpu.memory_space<hbm>>
      tpu.enqueue_dma source(%dma_start3A_517 : memref<64xf32, #tpu.memory_space<hbm>>) target(%dma_start3A_514 : memref<64xf32, #tpu.memory_space<vmem>>) target_semaphore(%arg10 : memref<!tpu.dma_semaphore, #tpu.memory_space<semaphore_mem>>)
      %slice3A_518 = vector.extract_strided_slice %get3A_347 {offsets = [8], sizes = [1], strides = [1]} : vector<16xi32> to vector<1xi32>
      %squeeze3A_519 = vector.extract %slice3A_518[0] : i32 from vector<1xi32>
      %shift_right_logical3A_520 = arith.constant 3 : i32
      %shift_right_logical3A_521 = arith.shrui %squeeze3A_519, %shift_right_logical3A_520 : i32
      %and3A_522 = arith.constant 7 : i32
      %and3A_523 = arith.andi %squeeze3A_519, %and3A_522 : i32
      %add3A_524 = arith.constant 1 : i32
      %add3A_525 = arith.addi %mul3A_349, %add3A_524 : i32
      %dma_start3A_526 = arith.constant 0 : i32
      %dma_start3A_527 = arith.constant 0 : i32
      %dma_start3A_528 = tpu.memref_slice %arg8[%add3A_525, %dma_start3A_526, %dma_start3A_527] : memref<25x8x64xf32, #tpu.memory_space<vmem>> -> memref<1x1x64xf32, #tpu.memory_space<vmem>>
      %dma_start3A_529 = tpu.memref_squeeze %dma_start3A_528 : memref<1x1x64xf32, #tpu.memory_space<vmem>> -> memref<64xf32, #tpu.memory_space<vmem>>
      %dma_start3A_530 = arith.constant 0 : i32
      %dma_start3A_531 = tpu.memref_slice %arg3[%shift_right_logical3A_521, %and3A_523, %dma_start3A_530] : memref<125000x8x64xf32, #tpu.memory_space<hbm>> -> memref<1x1x64xf32, #tpu.memory_space<hbm>>
      %dma_start3A_532 = tpu.memref_squeeze %dma_start3A_531 : memref<1x1x64xf32, #tpu.memory_space<hbm>> -> memref<64xf32, #tpu.memory_space<hbm>>
      %dma_start3A_533 = arith.constant 0 : i32
      %dma_start3A_534 = tpu.memref_slice %arg8[%add3A_525, %dma_start3A_526, %dma_start3A_533] : memref<25x8x64xf32, #tpu.memory_space<vmem>> -> memref<1x1x64xf32, #tpu.memory_space<vmem>>
      %dma_start3A_535 = tpu.memref_squeeze %dma_start3A_534 : memref<1x1x64xf32, #tpu.memory_space<vmem>> -> memref<64xf32, #tpu.memory_space<vmem>>
      %dma_start3A_536 = arith.constant 0 : i32
      %dma_start3A_537 = tpu.memref_slice %arg3[%shift_right_logical3A_521, %and3A_523, %dma_start3A_536] : memref<125000x8x64xf32, #tpu.memory_space<hbm>> -> memref<1x1x64xf32, #tpu.memory_space<hbm>>
      %dma_start3A_538 = tpu.memref_squeeze %dma_start3A_537 : memref<1x1x64xf32, #tpu.memory_space<hbm>> -> memref<64xf32, #tpu.memory_space<hbm>>
      tpu.enqueue_dma source(%dma_start3A_538 : memref<64xf32, #tpu.memory_space<hbm>>) target(%dma_start3A_535 : memref<64xf32, #tpu.memory_space<vmem>>) target_semaphore(%arg10 : memref<!tpu.dma_semaphore, #tpu.memory_space<semaphore_mem>>)
      %slice3A_539 = vector.extract_strided_slice %get3A_347 {offsets = [9], sizes = [1], strides = [1]} : vector<16xi32> to vector<1xi32>
      %squeeze3A_540 = vector.extract %slice3A_539[0] : i32 from vector<1xi32>
      %shift_right_logical3A_541 = arith.constant 3 : i32
      %shift_right_logical3A_542 = arith.shrui %squeeze3A_540, %shift_right_logical3A_541 : i32
      %and3A_543 = arith.constant 7 : i32
      %and3A_544 = arith.andi %squeeze3A_540, %and3A_543 : i32
      %add3A_545 = arith.constant 1 : i32
      %add3A_546 = arith.addi %mul3A_349, %add3A_545 : i32
      %dma_start3A_547 = arith.constant 1 : i32
      %dma_start3A_548 = arith.constant 0 : i32
      %dma_start3A_549 = tpu.memref_slice %arg8[%add3A_546, %dma_start3A_547, %dma_start3A_548] : memref<25x8x64xf32, #tpu.memory_space<vmem>> -> memref<1x1x64xf32, #tpu.memory_space<vmem>>
      %dma_start3A_550 = tpu.memref_squeeze %dma_start3A_549 : memref<1x1x64xf32, #tpu.memory_space<vmem>> -> memref<64xf32, #tpu.memory_space<vmem>>
      %dma_start3A_551 = arith.constant 0 : i32
      %dma_start3A_552 = tpu.memref_slice %arg3[%shift_right_logical3A_542, %and3A_544, %dma_start3A_551] : memref<125000x8x64xf32, #tpu.memory_space<hbm>> -> memref<1x1x64xf32, #tpu.memory_space<hbm>>
      %dma_start3A_553 = tpu.memref_squeeze %dma_start3A_552 : memref<1x1x64xf32, #tpu.memory_space<hbm>> -> memref<64xf32, #tpu.memory_space<hbm>>
      %dma_start3A_554 = arith.constant 0 : i32
      %dma_start3A_555 = tpu.memref_slice %arg8[%add3A_546, %dma_start3A_547, %dma_start3A_554] : memref<25x8x64xf32, #tpu.memory_space<vmem>> -> memref<1x1x64xf32, #tpu.memory_space<vmem>>
      %dma_start3A_556 = tpu.memref_squeeze %dma_start3A_555 : memref<1x1x64xf32, #tpu.memory_space<vmem>> -> memref<64xf32, #tpu.memory_space<vmem>>
      %dma_start3A_557 = arith.constant 0 : i32
      %dma_start3A_558 = tpu.memref_slice %arg3[%shift_right_logical3A_542, %and3A_544, %dma_start3A_557] : memref<125000x8x64xf32, #tpu.memory_space<hbm>> -> memref<1x1x64xf32, #tpu.memory_space<hbm>>
      %dma_start3A_559 = tpu.memref_squeeze %dma_start3A_558 : memref<1x1x64xf32, #tpu.memory_space<hbm>> -> memref<64xf32, #tpu.memory_space<hbm>>
      tpu.enqueue_dma source(%dma_start3A_559 : memref<64xf32, #tpu.memory_space<hbm>>) target(%dma_start3A_556 : memref<64xf32, #tpu.memory_space<vmem>>) target_semaphore(%arg10 : memref<!tpu.dma_semaphore, #tpu.memory_space<semaphore_mem>>)
      %slice3A_560 = vector.extract_strided_slice %get3A_347 {offsets = [10], sizes = [1], strides = [1]} : vector<16xi32> to vector<1xi32>
      %squeeze3A_561 = vector.extract %slice3A_560[0] : i32 from vector<1xi32>
      %shift_right_logical3A_562 = arith.constant 3 : i32
      %shift_right_logical3A_563 = arith.shrui %squeeze3A_561, %shift_right_logical3A_562 : i32
      %and3A_564 = arith.constant 7 : i32
      %and3A_565 = arith.andi %squeeze3A_561, %and3A_564 : i32
      %add3A_566 = arith.constant 1 : i32
      %add3A_567 = arith.addi %mul3A_349, %add3A_566 : i32
      %dma_start3A_568 = arith.constant 2 : i32
      %dma_start3A_569 = arith.constant 0 : i32
      %dma_start3A_570 = tpu.memref_slice %arg8[%add3A_567, %dma_start3A_568, %dma_start3A_569] : memref<25x8x64xf32, #tpu.memory_space<vmem>> -> memref<1x1x64xf32, #tpu.memory_space<vmem>>
      %dma_start3A_571 = tpu.memref_squeeze %dma_start3A_570 : memref<1x1x64xf32, #tpu.memory_space<vmem>> -> memref<64xf32, #tpu.memory_space<vmem>>
      %dma_start3A_572 = arith.constant 0 : i32
      %dma_start3A_573 = tpu.memref_slice %arg3[%shift_right_logical3A_563, %and3A_565, %dma_start3A_572] : memref<125000x8x64xf32, #tpu.memory_space<hbm>> -> memref<1x1x64xf32, #tpu.memory_space<hbm>>
      %dma_start3A_574 = tpu.memref_squeeze %dma_start3A_573 : memref<1x1x64xf32, #tpu.memory_space<hbm>> -> memref<64xf32, #tpu.memory_space<hbm>>
      %dma_start3A_575 = arith.constant 0 : i32
      %dma_start3A_576 = tpu.memref_slice %arg8[%add3A_567, %dma_start3A_568, %dma_start3A_575] : memref<25x8x64xf32, #tpu.memory_space<vmem>> -> memref<1x1x64xf32, #tpu.memory_space<vmem>>
      %dma_start3A_577 = tpu.memref_squeeze %dma_start3A_576 : memref<1x1x64xf32, #tpu.memory_space<vmem>> -> memref<64xf32, #tpu.memory_space<vmem>>
      %dma_start3A_578 = arith.constant 0 : i32
      %dma_start3A_579 = tpu.memref_slice %arg3[%shift_right_logical3A_563, %and3A_565, %dma_start3A_578] : memref<125000x8x64xf32, #tpu.memory_space<hbm>> -> memref<1x1x64xf32, #tpu.memory_space<hbm>>
      %dma_start3A_580 = tpu.memref_squeeze %dma_start3A_579 : memref<1x1x64xf32, #tpu.memory_space<hbm>> -> memref<64xf32, #tpu.memory_space<hbm>>
      tpu.enqueue_dma source(%dma_start3A_580 : memref<64xf32, #tpu.memory_space<hbm>>) target(%dma_start3A_577 : memref<64xf32, #tpu.memory_space<vmem>>) target_semaphore(%arg10 : memref<!tpu.dma_semaphore, #tpu.memory_space<semaphore_mem>>)
      %slice3A_581 = vector.extract_strided_slice %get3A_347 {offsets = [11], sizes = [1], strides = [1]} : vector<16xi32> to vector<1xi32>
      %squeeze3A_582 = vector.extract %slice3A_581[0] : i32 from vector<1xi32>
      %shift_right_logical3A_583 = arith.constant 3 : i32
      %shift_right_logical3A_584 = arith.shrui %squeeze3A_582, %shift_right_logical3A_583 : i32
      %and3A_585 = arith.constant 7 : i32
      %and3A_586 = arith.andi %squeeze3A_582, %and3A_585 : i32
      %add3A_587 = arith.constant 1 : i32
      %add3A_588 = arith.addi %mul3A_349, %add3A_587 : i32
      %dma_start3A_589 = arith.constant 3 : i32
      %dma_start3A_590 = arith.constant 0 : i32
      %dma_start3A_591 = tpu.memref_slice %arg8[%add3A_588, %dma_start3A_589, %dma_start3A_590] : memref<25x8x64xf32, #tpu.memory_space<vmem>> -> memref<1x1x64xf32, #tpu.memory_space<vmem>>
      %dma_start3A_592 = tpu.memref_squeeze %dma_start3A_591 : memref<1x1x64xf32, #tpu.memory_space<vmem>> -> memref<64xf32, #tpu.memory_space<vmem>>
      %dma_start3A_593 = arith.constant 0 : i32
      %dma_start3A_594 = tpu.memref_slice %arg3[%shift_right_logical3A_584, %and3A_586, %dma_start3A_593] : memref<125000x8x64xf32, #tpu.memory_space<hbm>> -> memref<1x1x64xf32, #tpu.memory_space<hbm>>
      %dma_start3A_595 = tpu.memref_squeeze %dma_start3A_594 : memref<1x1x64xf32, #tpu.memory_space<hbm>> -> memref<64xf32, #tpu.memory_space<hbm>>
      %dma_start3A_596 = arith.constant 0 : i32
      %dma_start3A_597 = tpu.memref_slice %arg8[%add3A_588, %dma_start3A_589, %dma_start3A_596] : memref<25x8x64xf32, #tpu.memory_space<vmem>> -> memref<1x1x64xf32, #tpu.memory_space<vmem>>
      %dma_start3A_598 = tpu.memref_squeeze %dma_start3A_597 : memref<1x1x64xf32, #tpu.memory_space<vmem>> -> memref<64xf32, #tpu.memory_space<vmem>>
      %dma_start3A_599 = arith.constant 0 : i32
      %dma_start3A_600 = tpu.memref_slice %arg3[%shift_right_logical3A_584, %and3A_586, %dma_start3A_599] : memref<125000x8x64xf32, #tpu.memory_space<hbm>> -> memref<1x1x64xf32, #tpu.memory_space<hbm>>
      %dma_start3A_601 = tpu.memref_squeeze %dma_start3A_600 : memref<1x1x64xf32, #tpu.memory_space<hbm>> -> memref<64xf32, #tpu.memory_space<hbm>>
      tpu.enqueue_dma source(%dma_start3A_601 : memref<64xf32, #tpu.memory_space<hbm>>) target(%dma_start3A_598 : memref<64xf32, #tpu.memory_space<vmem>>) target_semaphore(%arg10 : memref<!tpu.dma_semaphore, #tpu.memory_space<semaphore_mem>>)
      %slice3A_602 = vector.extract_strided_slice %get3A_347 {offsets = [12], sizes = [1], strides = [1]} : vector<16xi32> to vector<1xi32>
      %squeeze3A_603 = vector.extract %slice3A_602[0] : i32 from vector<1xi32>
      %shift_right_logical3A_604 = arith.constant 3 : i32
      %shift_right_logical3A_605 = arith.shrui %squeeze3A_603, %shift_right_logical3A_604 : i32
      %and3A_606 = arith.constant 7 : i32
      %and3A_607 = arith.andi %squeeze3A_603, %and3A_606 : i32
      %add3A_608 = arith.constant 1 : i32
      %add3A_609 = arith.addi %mul3A_349, %add3A_608 : i32
      %dma_start3A_610 = arith.constant 4 : i32
      %dma_start3A_611 = arith.constant 0 : i32
      %dma_start3A_612 = tpu.memref_slice %arg8[%add3A_609, %dma_start3A_610, %dma_start3A_611] : memref<25x8x64xf32, #tpu.memory_space<vmem>> -> memref<1x1x64xf32, #tpu.memory_space<vmem>>
      %dma_start3A_613 = tpu.memref_squeeze %dma_start3A_612 : memref<1x1x64xf32, #tpu.memory_space<vmem>> -> memref<64xf32, #tpu.memory_space<vmem>>
      %dma_start3A_614 = arith.constant 0 : i32
      %dma_start3A_615 = tpu.memref_slice %arg3[%shift_right_logical3A_605, %and3A_607, %dma_start3A_614] : memref<125000x8x64xf32, #tpu.memory_space<hbm>> -> memref<1x1x64xf32, #tpu.memory_space<hbm>>
      %dma_start3A_616 = tpu.memref_squeeze %dma_start3A_615 : memref<1x1x64xf32, #tpu.memory_space<hbm>> -> memref<64xf32, #tpu.memory_space<hbm>>
      %dma_start3A_617 = arith.constant 0 : i32
      %dma_start3A_618 = tpu.memref_slice %arg8[%add3A_609, %dma_start3A_610, %dma_start3A_617] : memref<25x8x64xf32, #tpu.memory_space<vmem>> -> memref<1x1x64xf32, #tpu.memory_space<vmem>>
      %dma_start3A_619 = tpu.memref_squeeze %dma_start3A_618 : memref<1x1x64xf32, #tpu.memory_space<vmem>> -> memref<64xf32, #tpu.memory_space<vmem>>
      %dma_start3A_620 = arith.constant 0 : i32
      %dma_start3A_621 = tpu.memref_slice %arg3[%shift_right_logical3A_605, %and3A_607, %dma_start3A_620] : memref<125000x8x64xf32, #tpu.memory_space<hbm>> -> memref<1x1x64xf32, #tpu.memory_space<hbm>>
      %dma_start3A_622 = tpu.memref_squeeze %dma_start3A_621 : memref<1x1x64xf32, #tpu.memory_space<hbm>> -> memref<64xf32, #tpu.memory_space<hbm>>
      tpu.enqueue_dma source(%dma_start3A_622 : memref<64xf32, #tpu.memory_space<hbm>>) target(%dma_start3A_619 : memref<64xf32, #tpu.memory_space<vmem>>) target_semaphore(%arg10 : memref<!tpu.dma_semaphore, #tpu.memory_space<semaphore_mem>>)
      %slice3A_623 = vector.extract_strided_slice %get3A_347 {offsets = [13], sizes = [1], strides = [1]} : vector<16xi32> to vector<1xi32>
      %squeeze3A_624 = vector.extract %slice3A_623[0] : i32 from vector<1xi32>
      %shift_right_logical3A_625 = arith.constant 3 : i32
      %shift_right_logical3A_626 = arith.shrui %squeeze3A_624, %shift_right_logical3A_625 : i32
      %and3A_627 = arith.constant 7 : i32
      %and3A_628 = arith.andi %squeeze3A_624, %and3A_627 : i32
      %add3A_629 = arith.constant 1 : i32
      %add3A_630 = arith.addi %mul3A_349, %add3A_629 : i32
      %dma_start3A_631 = arith.constant 5 : i32
      %dma_start3A_632 = arith.constant 0 : i32
      %dma_start3A_633 = tpu.memref_slice %arg8[%add3A_630, %dma_start3A_631, %dma_start3A_632] : memref<25x8x64xf32, #tpu.memory_space<vmem>> -> memref<1x1x64xf32, #tpu.memory_space<vmem>>
      %dma_start3A_634 = tpu.memref_squeeze %dma_start3A_633 : memref<1x1x64xf32, #tpu.memory_space<vmem>> -> memref<64xf32, #tpu.memory_space<vmem>>
      %dma_start3A_635 = arith.constant 0 : i32
      %dma_start3A_636 = tpu.memref_slice %arg3[%shift_right_logical3A_626, %and3A_628, %dma_start3A_635] : memref<125000x8x64xf32, #tpu.memory_space<hbm>> -> memref<1x1x64xf32, #tpu.memory_space<hbm>>
      %dma_start3A_637 = tpu.memref_squeeze %dma_start3A_636 : memref<1x1x64xf32, #tpu.memory_space<hbm>> -> memref<64xf32, #tpu.memory_space<hbm>>
      %dma_start3A_638 = arith.constant 0 : i32
      %dma_start3A_639 = tpu.memref_slice %arg8[%add3A_630, %dma_start3A_631, %dma_start3A_638] : memref<25x8x64xf32, #tpu.memory_space<vmem>> -> memref<1x1x64xf32, #tpu.memory_space<vmem>>
      %dma_start3A_640 = tpu.memref_squeeze %dma_start3A_639 : memref<1x1x64xf32, #tpu.memory_space<vmem>> -> memref<64xf32, #tpu.memory_space<vmem>>
      %dma_start3A_641 = arith.constant 0 : i32
      %dma_start3A_642 = tpu.memref_slice %arg3[%shift_right_logical3A_626, %and3A_628, %dma_start3A_641] : memref<125000x8x64xf32, #tpu.memory_space<hbm>> -> memref<1x1x64xf32, #tpu.memory_space<hbm>>
      %dma_start3A_643 = tpu.memref_squeeze %dma_start3A_642 : memref<1x1x64xf32, #tpu.memory_space<hbm>> -> memref<64xf32, #tpu.memory_space<hbm>>
      tpu.enqueue_dma source(%dma_start3A_643 : memref<64xf32, #tpu.memory_space<hbm>>) target(%dma_start3A_640 : memref<64xf32, #tpu.memory_space<vmem>>) target_semaphore(%arg10 : memref<!tpu.dma_semaphore, #tpu.memory_space<semaphore_mem>>)
      %slice3A_644 = vector.extract_strided_slice %get3A_347 {offsets = [14], sizes = [1], strides = [1]} : vector<16xi32> to vector<1xi32>
      %squeeze3A_645 = vector.extract %slice3A_644[0] : i32 from vector<1xi32>
      %shift_right_logical3A_646 = arith.constant 3 : i32
      %shift_right_logical3A_647 = arith.shrui %squeeze3A_645, %shift_right_logical3A_646 : i32
      %and3A_648 = arith.constant 7 : i32
      %and3A_649 = arith.andi %squeeze3A_645, %and3A_648 : i32
      %add3A_650 = arith.constant 1 : i32
      %add3A_651 = arith.addi %mul3A_349, %add3A_650 : i32
      %dma_start3A_652 = arith.constant 6 : i32
      %dma_start3A_653 = arith.constant 0 : i32
      %dma_start3A_654 = tpu.memref_slice %arg8[%add3A_651, %dma_start3A_652, %dma_start3A_653] : memref<25x8x64xf32, #tpu.memory_space<vmem>> -> memref<1x1x64xf32, #tpu.memory_space<vmem>>
      %dma_start3A_655 = tpu.memref_squeeze %dma_start3A_654 : memref<1x1x64xf32, #tpu.memory_space<vmem>> -> memref<64xf32, #tpu.memory_space<vmem>>
      %dma_start3A_656 = arith.constant 0 : i32
      %dma_start3A_657 = tpu.memref_slice %arg3[%shift_right_logical3A_647, %and3A_649, %dma_start3A_656] : memref<125000x8x64xf32, #tpu.memory_space<hbm>> -> memref<1x1x64xf32, #tpu.memory_space<hbm>>
      %dma_start3A_658 = tpu.memref_squeeze %dma_start3A_657 : memref<1x1x64xf32, #tpu.memory_space<hbm>> -> memref<64xf32, #tpu.memory_space<hbm>>
      %dma_start3A_659 = arith.constant 0 : i32
      %dma_start3A_660 = tpu.memref_slice %arg8[%add3A_651, %dma_start3A_652, %dma_start3A_659] : memref<25x8x64xf32, #tpu.memory_space<vmem>> -> memref<1x1x64xf32, #tpu.memory_space<vmem>>
      %dma_start3A_661 = tpu.memref_squeeze %dma_start3A_660 : memref<1x1x64xf32, #tpu.memory_space<vmem>> -> memref<64xf32, #tpu.memory_space<vmem>>
      %dma_start3A_662 = arith.constant 0 : i32
      %dma_start3A_663 = tpu.memref_slice %arg3[%shift_right_logical3A_647, %and3A_649, %dma_start3A_662] : memref<125000x8x64xf32, #tpu.memory_space<hbm>> -> memref<1x1x64xf32, #tpu.memory_space<hbm>>
      %dma_start3A_664 = tpu.memref_squeeze %dma_start3A_663 : memref<1x1x64xf32, #tpu.memory_space<hbm>> -> memref<64xf32, #tpu.memory_space<hbm>>
      tpu.enqueue_dma source(%dma_start3A_664 : memref<64xf32, #tpu.memory_space<hbm>>) target(%dma_start3A_661 : memref<64xf32, #tpu.memory_space<vmem>>) target_semaphore(%arg10 : memref<!tpu.dma_semaphore, #tpu.memory_space<semaphore_mem>>)
      %slice3A_665 = vector.extract_strided_slice %get3A_347 {offsets = [15], sizes = [1], strides = [1]} : vector<16xi32> to vector<1xi32>
      %squeeze3A_666 = vector.extract %slice3A_665[0] : i32 from vector<1xi32>
      %shift_right_logical3A_667 = arith.constant 3 : i32
      %shift_right_logical3A_668 = arith.shrui %squeeze3A_666, %shift_right_logical3A_667 : i32
      %and3A_669 = arith.constant 7 : i32
      %and3A_670 = arith.andi %squeeze3A_666, %and3A_669 : i32
      %add3A_671 = arith.constant 1 : i32
      %add3A_672 = arith.addi %mul3A_349, %add3A_671 : i32
      %dma_start3A_673 = arith.constant 7 : i32
      %dma_start3A_674 = arith.constant 0 : i32
      %dma_start3A_675 = tpu.memref_slice %arg8[%add3A_672, %dma_start3A_673, %dma_start3A_674] : memref<25x8x64xf32, #tpu.memory_space<vmem>> -> memref<1x1x64xf32, #tpu.memory_space<vmem>>
      %dma_start3A_676 = tpu.memref_squeeze %dma_start3A_675 : memref<1x1x64xf32, #tpu.memory_space<vmem>> -> memref<64xf32, #tpu.memory_space<vmem>>
      %dma_start3A_677 = arith.constant 0 : i32
      %dma_start3A_678 = tpu.memref_slice %arg3[%shift_right_logical3A_668, %and3A_670, %dma_start3A_677] : memref<125000x8x64xf32, #tpu.memory_space<hbm>> -> memref<1x1x64xf32, #tpu.memory_space<hbm>>
      %dma_start3A_679 = tpu.memref_squeeze %dma_start3A_678 : memref<1x1x64xf32, #tpu.memory_space<hbm>> -> memref<64xf32, #tpu.memory_space<hbm>>
      %dma_start3A_680 = arith.constant 0 : i32
      %dma_start3A_681 = tpu.memref_slice %arg8[%add3A_672, %dma_start3A_673, %dma_start3A_680] : memref<25x8x64xf32, #tpu.memory_space<vmem>> -> memref<1x1x64xf32, #tpu.memory_space<vmem>>
      %dma_start3A_682 = tpu.memref_squeeze %dma_start3A_681 : memref<1x1x64xf32, #tpu.memory_space<vmem>> -> memref<64xf32, #tpu.memory_space<vmem>>
      %dma_start3A_683 = arith.constant 0 : i32
      %dma_start3A_684 = tpu.memref_slice %arg3[%shift_right_logical3A_668, %and3A_670, %dma_start3A_683] : memref<125000x8x64xf32, #tpu.memory_space<hbm>> -> memref<1x1x64xf32, #tpu.memory_space<hbm>>
      %dma_start3A_685 = tpu.memref_squeeze %dma_start3A_684 : memref<1x1x64xf32, #tpu.memory_space<hbm>> -> memref<64xf32, #tpu.memory_space<hbm>>
      tpu.enqueue_dma source(%dma_start3A_685 : memref<64xf32, #tpu.memory_space<hbm>>) target(%dma_start3A_682 : memref<64xf32, #tpu.memory_space<vmem>>) target_semaphore(%arg10 : memref<!tpu.dma_semaphore, #tpu.memory_space<semaphore_mem>>)
    }
    %scan3A_7 = arith.constant 12 : i32
    %get3A = arith.constant 192 : index
    %get3A_8 = tpu.vector_load %arg6[%get3A] {strides = array<i32>} : memref<6400xi32, #tpu.memory_space<vmem>>, vector<16xi32>,
    %get3A_9 = vector.shape_cast %get3A_8 : vector<16xi32> to vector<16xi32>
    %slice3A = vector.extract_strided_slice %get3A_9 {offsets = [0], sizes = [1], strides = [1]} : vector<16xi32> to vector<1xi32>
    %squeeze3A = vector.extract %slice3A[0] : i32 from vector<1xi32>
    %shift_right_logical3A = arith.constant 3 : i32
    %shift_right_logical3A_10 = arith.shrui %squeeze3A, %shift_right_logical3A : i32
    %and3A = arith.constant 7 : i32
    %and3A_11 = arith.andi %squeeze3A, %and3A : i32
    %dma_start3A = arith.constant 24 : i32
    %dma_start3A_12 = arith.constant 0 : i32
    %dma_start3A_13 = arith.constant 0 : i32
    %dma_start3A_14 = tpu.memref_slice %arg8[%dma_start3A, %dma_start3A_12, %dma_start3A_13] : memref<25x8x64xf32, #tpu.memory_space<vmem>> -> memref<1x1x64xf32, #tpu.memory_space<vmem>>
    %dma_start3A_15 = tpu.memref_squeeze %dma_start3A_14 : memref<1x1x64xf32, #tpu.memory_space<vmem>> -> memref<64xf32, #tpu.memory_space<vmem>>
    %dma_start3A_16 = arith.constant 0 : i32
    %dma_start3A_17 = tpu.memref_slice %arg3[%shift_right_logical3A_10, %and3A_11, %dma_start3A_16] : memref<125000x8x64xf32, #tpu.memory_space<hbm>> -> memref<1x1x64xf32, #tpu.memory_space<hbm>>
    %dma_start3A_18 = tpu.memref_squeeze %dma_start3A_17 : memref<1x1x64xf32, #tpu.memory_space<hbm>> -> memref<64xf32, #tpu.memory_space<hbm>>
    %dma_start3A_19 = arith.constant 0 : i32
    %dma_start3A_20 = tpu.memref_slice %arg8[%dma_start3A, %dma_start3A_12, %dma_start3A_19] : memref<25x8x64xf32, #tpu.memory_space<vmem>> -> memref<1x1x64xf32, #tpu.memory_space<vmem>>
    %dma_start3A_21 = tpu.memref_squeeze %dma_start3A_20 : memref<1x1x64xf32, #tpu.memory_space<vmem>> -> memref<64xf32, #tpu.memory_space<vmem>>
    %dma_start3A_22 = arith.constant 0 : i32
    %dma_start3A_23 = tpu.memref_slice %arg3[%shift_right_logical3A_10, %and3A_11, %dma_start3A_22] : memref<125000x8x64xf32, #tpu.memory_space<hbm>> -> memref<1x1x64xf32, #tpu.memory_space<hbm>>
    %dma_start3A_24 = tpu.memref_squeeze %dma_start3A_23 : memref<1x1x64xf32, #tpu.memory_space<hbm>> -> memref<64xf32, #tpu.memory_space<hbm>>
    tpu.enqueue_dma source(%dma_start3A_24 : memref<64xf32, #tpu.memory_space<hbm>>) target(%dma_start3A_21 : memref<64xf32, #tpu.memory_space<vmem>>) target_semaphore(%arg10 : memref<!tpu.dma_semaphore, #tpu.memory_space<semaphore_mem>>)
    %slice3A_25 = vector.extract_strided_slice %get3A_9 {offsets = [1], sizes = [1], strides = [1]} : vector<16xi32> to vector<1xi32>
    %squeeze3A_26 = vector.extract %slice3A_25[0] : i32 from vector<1xi32>
    %shift_right_logical3A_27 = arith.constant 3 : i32
    %shift_right_logical3A_28 = arith.shrui %squeeze3A_26, %shift_right_logical3A_27 : i32
    %and3A_29 = arith.constant 7 : i32
    %and3A_30 = arith.andi %squeeze3A_26, %and3A_29 : i32
    %dma_start3A_31 = arith.constant 24 : i32
    %dma_start3A_32 = arith.constant 1 : i32
    %dma_start3A_33 = arith.constant 0 : i32
    %dma_start3A_34 = tpu.memref_slice %arg8[%dma_start3A_31, %dma_start3A_32, %dma_start3A_33] : memref<25x8x64xf32, #tpu.memory_space<vmem>> -> memref<1x1x64xf32, #tpu.memory_space<vmem>>
    %dma_start3A_35 = tpu.memref_squeeze %dma_start3A_34 : memref<1x1x64xf32, #tpu.memory_space<vmem>> -> memref<64xf32, #tpu.memory_space<vmem>>
    %dma_start3A_36 = arith.constant 0 : i32
    %dma_start3A_37 = tpu.memref_slice %arg3[%shift_right_logical3A_28, %and3A_30, %dma_start3A_36] : memref<125000x8x64xf32, #tpu.memory_space<hbm>> -> memref<1x1x64xf32, #tpu.memory_space<hbm>>
    %dma_start3A_38 = tpu.memref_squeeze %dma_start3A_37 : memref<1x1x64xf32, #tpu.memory_space<hbm>> -> memref<64xf32, #tpu.memory_space<hbm>>
    %dma_start3A_39 = arith.constant 0 : i32
    %dma_start3A_40 = tpu.memref_slice %arg8[%dma_start3A_31, %dma_start3A_32, %dma_start3A_39] : memref<25x8x64xf32, #tpu.memory_space<vmem>> -> memref<1x1x64xf32, #tpu.memory_space<vmem>>
    %dma_start3A_41 = tpu.memref_squeeze %dma_start3A_40 : memref<1x1x64xf32, #tpu.memory_space<vmem>> -> memref<64xf32, #tpu.memory_space<vmem>>
    %dma_start3A_42 = arith.constant 0 : i32
    %dma_start3A_43 = tpu.memref_slice %arg3[%shift_right_logical3A_28, %and3A_30, %dma_start3A_42] : memref<125000x8x64xf32, #tpu.memory_space<hbm>> -> memref<1x1x64xf32, #tpu.memory_space<hbm>>
    %dma_start3A_44 = tpu.memref_squeeze %dma_start3A_43 : memref<1x1x64xf32, #tpu.memory_space<hbm>> -> memref<64xf32, #tpu.memory_space<hbm>>
    tpu.enqueue_dma source(%dma_start3A_44 : memref<64xf32, #tpu.memory_space<hbm>>) target(%dma_start3A_41 : memref<64xf32, #tpu.memory_space<vmem>>) target_semaphore(%arg10 : memref<!tpu.dma_semaphore, #tpu.memory_space<semaphore_mem>>)
    %slice3A_45 = vector.extract_strided_slice %get3A_9 {offsets = [2], sizes = [1], strides = [1]} : vector<16xi32> to vector<1xi32>
    %squeeze3A_46 = vector.extract %slice3A_45[0] : i32 from vector<1xi32>
    %shift_right_logical3A_47 = arith.constant 3 : i32
    %shift_right_logical3A_48 = arith.shrui %squeeze3A_46, %shift_right_logical3A_47 : i32
    %and3A_49 = arith.constant 7 : i32
    %and3A_50 = arith.andi %squeeze3A_46, %and3A_49 : i32
    %dma_start3A_51 = arith.constant 24 : i32
    %dma_start3A_52 = arith.constant 2 : i32
    %dma_start3A_53 = arith.constant 0 : i32
    %dma_start3A_54 = tpu.memref_slice %arg8[%dma_start3A_51, %dma_start3A_52, %dma_start3A_53] : memref<25x8x64xf32, #tpu.memory_space<vmem>> -> memref<1x1x64xf32, #tpu.memory_space<vmem>>
    %dma_start3A_55 = tpu.memref_squeeze %dma_start3A_54 : memref<1x1x64xf32, #tpu.memory_space<vmem>> -> memref<64xf32, #tpu.memory_space<vmem>>
    %dma_start3A_56 = arith.constant 0 : i32
    %dma_start3A_57 = tpu.memref_slice %arg3[%shift_right_logical3A_48, %and3A_50, %dma_start3A_56] : memref<125000x8x64xf32, #tpu.memory_space<hbm>> -> memref<1x1x64xf32, #tpu.memory_space<hbm>>
    %dma_start3A_58 = tpu.memref_squeeze %dma_start3A_57 : memref<1x1x64xf32, #tpu.memory_space<hbm>> -> memref<64xf32, #tpu.memory_space<hbm>>
    %dma_start3A_59 = arith.constant 0 : i32
    %dma_start3A_60 = tpu.memref_slice %arg8[%dma_start3A_51, %dma_start3A_52, %dma_start3A_59] : memref<25x8x64xf32, #tpu.memory_space<vmem>> -> memref<1x1x64xf32, #tpu.memory_space<vmem>>
    %dma_start3A_61 = tpu.memref_squeeze %dma_start3A_60 : memref<1x1x64xf32, #tpu.memory_space<vmem>> -> memref<64xf32, #tpu.memory_space<vmem>>
    %dma_start3A_62 = arith.constant 0 : i32
    %dma_start3A_63 = tpu.memref_slice %arg3[%shift_right_logical3A_48, %and3A_50, %dma_start3A_62] : memref<125000x8x64xf32, #tpu.memory_space<hbm>> -> memref<1x1x64xf32, #tpu.memory_space<hbm>>
    %dma_start3A_64 = tpu.memref_squeeze %dma_start3A_63 : memref<1x1x64xf32, #tpu.memory_space<hbm>> -> memref<64xf32, #tpu.memory_space<hbm>>
    tpu.enqueue_dma source(%dma_start3A_64 : memref<64xf32, #tpu.memory_space<hbm>>) target(%dma_start3A_61 : memref<64xf32, #tpu.memory_space<vmem>>) target_semaphore(%arg10 : memref<!tpu.dma_semaphore, #tpu.memory_space<semaphore_mem>>)
    %slice3A_65 = vector.extract_strided_slice %get3A_9 {offsets = [3], sizes = [1], strides = [1]} : vector<16xi32> to vector<1xi32>
    %squeeze3A_66 = vector.extract %slice3A_65[0] : i32 from vector<1xi32>
    %shift_right_logical3A_67 = arith.constant 3 : i32
    %shift_right_logical3A_68 = arith.shrui %squeeze3A_66, %shift_right_logical3A_67 : i32
    %and3A_69 = arith.constant 7 : i32
    %and3A_70 = arith.andi %squeeze3A_66, %and3A_69 : i32
    %dma_start3A_71 = arith.constant 24 : i32
    %dma_start3A_72 = arith.constant 3 : i32
    %dma_start3A_73 = arith.constant 0 : i32
    %dma_start3A_74 = tpu.memref_slice %arg8[%dma_start3A_71, %dma_start3A_72, %dma_start3A_73] : memref<25x8x64xf32, #tpu.memory_space<vmem>> -> memref<1x1x64xf32, #tpu.memory_space<vmem>>
    %dma_start3A_75 = tpu.memref_squeeze %dma_start3A_74 : memref<1x1x64xf32, #tpu.memory_space<vmem>> -> memref<64xf32, #tpu.memory_space<vmem>>
    %dma_start3A_76 = arith.constant 0 : i32
    %dma_start3A_77 = tpu.memref_slice %arg3[%shift_right_logical3A_68, %and3A_70, %dma_start3A_76] : memref<125000x8x64xf32, #tpu.memory_space<hbm>> -> memref<1x1x64xf32, #tpu.memory_space<hbm>>
    %dma_start3A_78 = tpu.memref_squeeze %dma_start3A_77 : memref<1x1x64xf32, #tpu.memory_space<hbm>> -> memref<64xf32, #tpu.memory_space<hbm>>
    %dma_start3A_79 = arith.constant 0 : i32
    %dma_start3A_80 = tpu.memref_slice %arg8[%dma_start3A_71, %dma_start3A_72, %dma_start3A_79] : memref<25x8x64xf32, #tpu.memory_space<vmem>> -> memref<1x1x64xf32, #tpu.memory_space<vmem>>
    %dma_start3A_81 = tpu.memref_squeeze %dma_start3A_80 : memref<1x1x64xf32, #tpu.memory_space<vmem>> -> memref<64xf32, #tpu.memory_space<vmem>>
    %dma_start3A_82 = arith.constant 0 : i32
    %dma_start3A_83 = tpu.memref_slice %arg3[%shift_right_logical3A_68, %and3A_70, %dma_start3A_82] : memref<125000x8x64xf32, #tpu.memory_space<hbm>> -> memref<1x1x64xf32, #tpu.memory_space<hbm>>
    %dma_start3A_84 = tpu.memref_squeeze %dma_start3A_83 : memref<1x1x64xf32, #tpu.memory_space<hbm>> -> memref<64xf32, #tpu.memory_space<hbm>>
    tpu.enqueue_dma source(%dma_start3A_84 : memref<64xf32, #tpu.memory_space<hbm>>) target(%dma_start3A_81 : memref<64xf32, #tpu.memory_space<vmem>>) target_semaphore(%arg10 : memref<!tpu.dma_semaphore, #tpu.memory_space<semaphore_mem>>)
    %slice3A_85 = vector.extract_strided_slice %get3A_9 {offsets = [4], sizes = [1], strides = [1]} : vector<16xi32> to vector<1xi32>
    %squeeze3A_86 = vector.extract %slice3A_85[0] : i32 from vector<1xi32>
    %shift_right_logical3A_87 = arith.constant 3 : i32
    %shift_right_logical3A_88 = arith.shrui %squeeze3A_86, %shift_right_logical3A_87 : i32
    %and3A_89 = arith.constant 7 : i32
    %and3A_90 = arith.andi %squeeze3A_86, %and3A_89 : i32
    %dma_start3A_91 = arith.constant 24 : i32
    %dma_start3A_92 = arith.constant 4 : i32
    %dma_start3A_93 = arith.constant 0 : i32
    %dma_start3A_94 = tpu.memref_slice %arg8[%dma_start3A_91, %dma_start3A_92, %dma_start3A_93] : memref<25x8x64xf32, #tpu.memory_space<vmem>> -> memref<1x1x64xf32, #tpu.memory_space<vmem>>
    %dma_start3A_95 = tpu.memref_squeeze %dma_start3A_94 : memref<1x1x64xf32, #tpu.memory_space<vmem>> -> memref<64xf32, #tpu.memory_space<vmem>>
    %dma_start3A_96 = arith.constant 0 : i32
    %dma_start3A_97 = tpu.memref_slice %arg3[%shift_right_logical3A_88, %and3A_90, %dma_start3A_96] : memref<125000x8x64xf32, #tpu.memory_space<hbm>> -> memref<1x1x64xf32, #tpu.memory_space<hbm>>
    %dma_start3A_98 = tpu.memref_squeeze %dma_start3A_97 : memref<1x1x64xf32, #tpu.memory_space<hbm>> -> memref<64xf32, #tpu.memory_space<hbm>>
    %dma_start3A_99 = arith.constant 0 : i32
    %dma_start3A_100 = tpu.memref_slice %arg8[%dma_start3A_91, %dma_start3A_92, %dma_start3A_99] : memref<25x8x64xf32, #tpu.memory_space<vmem>> -> memref<1x1x64xf32, #tpu.memory_space<vmem>>
    %dma_start3A_101 = tpu.memref_squeeze %dma_start3A_100 : memref<1x1x64xf32, #tpu.memory_space<vmem>> -> memref<64xf32, #tpu.memory_space<vmem>>
    %dma_start3A_102 = arith.constant 0 : i32
    %dma_start3A_103 = tpu.memref_slice %arg3[%shift_right_logical3A_88, %and3A_90, %dma_start3A_102] : memref<125000x8x64xf32, #tpu.memory_space<hbm>> -> memref<1x1x64xf32, #tpu.memory_space<hbm>>
    %dma_start3A_104 = tpu.memref_squeeze %dma_start3A_103 : memref<1x1x64xf32, #tpu.memory_space<hbm>> -> memref<64xf32, #tpu.memory_space<hbm>>
    tpu.enqueue_dma source(%dma_start3A_104 : memref<64xf32, #tpu.memory_space<hbm>>) target(%dma_start3A_101 : memref<64xf32, #tpu.memory_space<vmem>>) target_semaphore(%arg10 : memref<!tpu.dma_semaphore, #tpu.memory_space<semaphore_mem>>)
    %slice3A_105 = vector.extract_strided_slice %get3A_9 {offsets = [5], sizes = [1], strides = [1]} : vector<16xi32> to vector<1xi32>
    %squeeze3A_106 = vector.extract %slice3A_105[0] : i32 from vector<1xi32>
    %shift_right_logical3A_107 = arith.constant 3 : i32
    %shift_right_logical3A_108 = arith.shrui %squeeze3A_106, %shift_right_logical3A_107 : i32
    %and3A_109 = arith.constant 7 : i32
    %and3A_110 = arith.andi %squeeze3A_106, %and3A_109 : i32
    %dma_start3A_111 = arith.constant 24 : i32
    %dma_start3A_112 = arith.constant 5 : i32
    %dma_start3A_113 = arith.constant 0 : i32
    %dma_start3A_114 = tpu.memref_slice %arg8[%dma_start3A_111, %dma_start3A_112, %dma_start3A_113] : memref<25x8x64xf32, #tpu.memory_space<vmem>> -> memref<1x1x64xf32, #tpu.memory_space<vmem>>
    %dma_start3A_115 = tpu.memref_squeeze %dma_start3A_114 : memref<1x1x64xf32, #tpu.memory_space<vmem>> -> memref<64xf32, #tpu.memory_space<vmem>>
    %dma_start3A_116 = arith.constant 0 : i32
    %dma_start3A_117 = tpu.memref_slice %arg3[%shift_right_logical3A_108, %and3A_110, %dma_start3A_116] : memref<125000x8x64xf32, #tpu.memory_space<hbm>> -> memref<1x1x64xf32, #tpu.memory_space<hbm>>
    %dma_start3A_118 = tpu.memref_squeeze %dma_start3A_117 : memref<1x1x64xf32, #tpu.memory_space<hbm>> -> memref<64xf32, #tpu.memory_space<hbm>>
    %dma_start3A_119 = arith.constant 0 : i32
    %dma_start3A_120 = tpu.memref_slice %arg8[%dma_start3A_111, %dma_start3A_112, %dma_start3A_119] : memref<25x8x64xf32, #tpu.memory_space<vmem>> -> memref<1x1x64xf32, #tpu.memory_space<vmem>>
    %dma_start3A_121 = tpu.memref_squeeze %dma_start3A_120 : memref<1x1x64xf32, #tpu.memory_space<vmem>> -> memref<64xf32, #tpu.memory_space<vmem>>
    %dma_start3A_122 = arith.constant 0 : i32
    %dma_start3A_123 = tpu.memref_slice %arg3[%shift_right_logical3A_108, %and3A_110, %dma_start3A_122] : memref<125000x8x64xf32, #tpu.memory_space<hbm>> -> memref<1x1x64xf32, #tpu.memory_space<hbm>>
    %dma_start3A_124 = tpu.memref_squeeze %dma_start3A_123 : memref<1x1x64xf32, #tpu.memory_space<hbm>> -> memref<64xf32, #tpu.memory_space<hbm>>
    tpu.enqueue_dma source(%dma_start3A_124 : memref<64xf32, #tpu.memory_space<hbm>>) target(%dma_start3A_121 : memref<64xf32, #tpu.memory_space<vmem>>) target_semaphore(%arg10 : memref<!tpu.dma_semaphore, #tpu.memory_space<semaphore_mem>>)
    %slice3A_125 = vector.extract_strided_slice %get3A_9 {offsets = [6], sizes = [1], strides = [1]} : vector<16xi32> to vector<1xi32>
    %squeeze3A_126 = vector.extract %slice3A_125[0] : i32 from vector<1xi32>
    %shift_right_logical3A_127 = arith.constant 3 : i32
    %shift_right_logical3A_128 = arith.shrui %squeeze3A_126, %shift_right_logical3A_127 : i32
    %and3A_129 = arith.constant 7 : i32
    %and3A_130 = arith.andi %squeeze3A_126, %and3A_129 : i32
    %dma_start3A_131 = arith.constant 24 : i32
    %dma_start3A_132 = arith.constant 6 : i32
    %dma_start3A_133 = arith.constant 0 : i32
    %dma_start3A_134 = tpu.memref_slice %arg8[%dma_start3A_131, %dma_start3A_132, %dma_start3A_133] : memref<25x8x64xf32, #tpu.memory_space<vmem>> -> memref<1x1x64xf32, #tpu.memory_space<vmem>>
    %dma_start3A_135 = tpu.memref_squeeze %dma_start3A_134 : memref<1x1x64xf32, #tpu.memory_space<vmem>> -> memref<64xf32, #tpu.memory_space<vmem>>
    %dma_start3A_136 = arith.constant 0 : i32
    %dma_start3A_137 = tpu.memref_slice %arg3[%shift_right_logical3A_128, %and3A_130, %dma_start3A_136] : memref<125000x8x64xf32, #tpu.memory_space<hbm>> -> memref<1x1x64xf32, #tpu.memory_space<hbm>>
    %dma_start3A_138 = tpu.memref_squeeze %dma_start3A_137 : memref<1x1x64xf32, #tpu.memory_space<hbm>> -> memref<64xf32, #tpu.memory_space<hbm>>
    %dma_start3A_139 = arith.constant 0 : i32
    %dma_start3A_140 = tpu.memref_slice %arg8[%dma_start3A_131, %dma_start3A_132, %dma_start3A_139] : memref<25x8x64xf32, #tpu.memory_space<vmem>> -> memref<1x1x64xf32, #tpu.memory_space<vmem>>
    %dma_start3A_141 = tpu.memref_squeeze %dma_start3A_140 : memref<1x1x64xf32, #tpu.memory_space<vmem>> -> memref<64xf32, #tpu.memory_space<vmem>>
    %dma_start3A_142 = arith.constant 0 : i32
    %dma_start3A_143 = tpu.memref_slice %arg3[%shift_right_logical3A_128, %and3A_130, %dma_start3A_142] : memref<125000x8x64xf32, #tpu.memory_space<hbm>> -> memref<1x1x64xf32, #tpu.memory_space<hbm>>
    %dma_start3A_144 = tpu.memref_squeeze %dma_start3A_143 : memref<1x1x64xf32, #tpu.memory_space<hbm>> -> memref<64xf32, #tpu.memory_space<hbm>>
    tpu.enqueue_dma source(%dma_start3A_144 : memref<64xf32, #tpu.memory_space<hbm>>) target(%dma_start3A_141 : memref<64xf32, #tpu.memory_space<vmem>>) target_semaphore(%arg10 : memref<!tpu.dma_semaphore, #tpu.memory_space<semaphore_mem>>)
    %slice3A_145 = vector.extract_strided_slice %get3A_9 {offsets = [7], sizes = [1], strides = [1]} : vector<16xi32> to vector<1xi32>
    %squeeze3A_146 = vector.extract %slice3A_145[0] : i32 from vector<1xi32>
    %shift_right_logical3A_147 = arith.constant 3 : i32
    %shift_right_logical3A_148 = arith.shrui %squeeze3A_146, %shift_right_logical3A_147 : i32
    %and3A_149 = arith.constant 7 : i32
    %and3A_150 = arith.andi %squeeze3A_146, %and3A_149 : i32
    %dma_start3A_151 = arith.constant 24 : i32
    %dma_start3A_152 = arith.constant 7 : i32
    %dma_start3A_153 = arith.constant 0 : i32
    %dma_start3A_154 = tpu.memref_slice %arg8[%dma_start3A_151, %dma_start3A_152, %dma_start3A_153] : memref<25x8x64xf32, #tpu.memory_space<vmem>> -> memref<1x1x64xf32, #tpu.memory_space<vmem>>
    %dma_start3A_155 = tpu.memref_squeeze %dma_start3A_154 : memref<1x1x64xf32, #tpu.memory_space<vmem>> -> memref<64xf32, #tpu.memory_space<vmem>>
    %dma_start3A_156 = arith.constant 0 : i32
    %dma_start3A_157 = tpu.memref_slice %arg3[%shift_right_logical3A_148, %and3A_150, %dma_start3A_156] : memref<125000x8x64xf32, #tpu.memory_space<hbm>> -> memref<1x1x64xf32, #tpu.memory_space<hbm>>
    %dma_start3A_158 = tpu.memref_squeeze %dma_start3A_157 : memref<1x1x64xf32, #tpu.memory_space<hbm>> -> memref<64xf32, #tpu.memory_space<hbm>>
    %dma_start3A_159 = arith.constant 0 : i32
    %dma_start3A_160 = tpu.memref_slice %arg8[%dma_start3A_151, %dma_start3A_152, %dma_start3A_159] : memref<25x8x64xf32, #tpu.memory_space<vmem>> -> memref<1x1x64xf32, #tpu.memory_space<vmem>>
    %dma_start3A_161 = tpu.memref_squeeze %dma_start3A_160 : memref<1x1x64xf32, #tpu.memory_space<vmem>> -> memref<64xf32, #tpu.memory_space<vmem>>
    %dma_start3A_162 = arith.constant 0 : i32
    %dma_start3A_163 = tpu.memref_slice %arg3[%shift_right_logical3A_148, %and3A_150, %dma_start3A_162] : memref<125000x8x64xf32, #tpu.memory_space<hbm>> -> memref<1x1x64xf32, #tpu.memory_space<hbm>>
    %dma_start3A_164 = tpu.memref_squeeze %dma_start3A_163 : memref<1x1x64xf32, #tpu.memory_space<hbm>> -> memref<64xf32, #tpu.memory_space<hbm>>
    tpu.enqueue_dma source(%dma_start3A_164 : memref<64xf32, #tpu.memory_space<hbm>>) target(%dma_start3A_161 : memref<64xf32, #tpu.memory_space<vmem>>) target_semaphore(%arg10 : memref<!tpu.dma_semaphore, #tpu.memory_space<semaphore_mem>>)
    %scan3A_165 = arith.constant 0 : i32
    %scan3A_166 = arith.constant 0 : i32
    %scan3A_167 = arith.constant 12 : i32
    %scan3A_168 = arith.addi %scan3A_166, %scan3A_167 : i32
    %scan3A_169 = arith.constant 1 : i32
    scf.for %scan3A_340 = %scan3A_166 to %scan3A_168 step %scan3A_169  : i32 {
      %mul3A_341 = arith.constant 16 : i32
      %mul3A_342 = arith.muli %scan3A_340, %mul3A_341 : i32
      %add3A_343 = arith.constant 200 : i32
      %add3A_344 = arith.addi %add3A_343, %mul3A_342 : i32
      %get3A_345 = arith.index_cast %add3A_344 : i32 to index
      %get3A_346 = tpu.vector_load %arg6[%get3A_345] {strides = array<i32>} : memref<6400xi32, #tpu.memory_space<vmem>>, vector<16xi32>,
      %get3A_347 = vector.shape_cast %get3A_346 : vector<16xi32> to vector<16xi32>
      %mul3A_348 = arith.constant 2 : i32
      %mul3A_349 = arith.muli %scan3A_340, %mul3A_348 : i32
      %slice3A_350 = vector.extract_strided_slice %get3A_347 {offsets = [0], sizes = [1], strides = [1]} : vector<16xi32> to vector<1xi32>
      %squeeze3A_351 = vector.extract %slice3A_350[0] : i32 from vector<1xi32>
      %shift_right_logical3A_352 = arith.constant 3 : i32
      %shift_right_logical3A_353 = arith.shrui %squeeze3A_351, %shift_right_logical3A_352 : i32
      %and3A_354 = arith.constant 7 : i32
      %and3A_355 = arith.andi %squeeze3A_351, %and3A_354 : i32
      %add3A_356 = arith.constant 0 : i32
      %add3A_357 = arith.addi %mul3A_349, %add3A_356 : i32
      %dma_start3A_358 = arith.constant 0 : i32
      %dma_start3A_359 = arith.constant 0 : i32
      %dma_start3A_360 = tpu.memref_slice %arg9[%add3A_357, %dma_start3A_358, %dma_start3A_359] : memref<25x8x64xf32, #tpu.memory_space<vmem>> -> memref<1x1x64xf32, #tpu.memory_space<vmem>>
      %dma_start3A_361 = tpu.memref_squeeze %dma_start3A_360 : memref<1x1x64xf32, #tpu.memory_space<vmem>> -> memref<64xf32, #tpu.memory_space<vmem>>
      %dma_start3A_362 = arith.constant 0 : i32
      %dma_start3A_363 = tpu.memref_slice %arg3[%shift_right_logical3A_353, %and3A_355, %dma_start3A_362] : memref<125000x8x64xf32, #tpu.memory_space<hbm>> -> memref<1x1x64xf32, #tpu.memory_space<hbm>>
      %dma_start3A_364 = tpu.memref_squeeze %dma_start3A_363 : memref<1x1x64xf32, #tpu.memory_space<hbm>> -> memref<64xf32, #tpu.memory_space<hbm>>
      %dma_start3A_365 = arith.constant 0 : i32
      %dma_start3A_366 = tpu.memref_slice %arg9[%add3A_357, %dma_start3A_358, %dma_start3A_365] : memref<25x8x64xf32, #tpu.memory_space<vmem>> -> memref<1x1x64xf32, #tpu.memory_space<vmem>>
      %dma_start3A_367 = tpu.memref_squeeze %dma_start3A_366 : memref<1x1x64xf32, #tpu.memory_space<vmem>> -> memref<64xf32, #tpu.memory_space<vmem>>
      %dma_start3A_368 = arith.constant 0 : i32
      %dma_start3A_369 = tpu.memref_slice %arg3[%shift_right_logical3A_353, %and3A_355, %dma_start3A_368] : memref<125000x8x64xf32, #tpu.memory_space<hbm>> -> memref<1x1x64xf32, #tpu.memory_space<hbm>>
      %dma_start3A_370 = tpu.memref_squeeze %dma_start3A_369 : memref<1x1x64xf32, #tpu.memory_space<hbm>> -> memref<64xf32, #tpu.memory_space<hbm>>
      tpu.enqueue_dma source(%dma_start3A_370 : memref<64xf32, #tpu.memory_space<hbm>>) target(%dma_start3A_367 : memref<64xf32, #tpu.memory_space<vmem>>) target_semaphore(%arg11 : memref<!tpu.dma_semaphore, #tpu.memory_space<semaphore_mem>>)
      %slice3A_371 = vector.extract_strided_slice %get3A_347 {offsets = [1], sizes = [1], strides = [1]} : vector<16xi32> to vector<1xi32>
      %squeeze3A_372 = vector.extract %slice3A_371[0] : i32 from vector<1xi32>
      %shift_right_logical3A_373 = arith.constant 3 : i32
      %shift_right_logical3A_374 = arith.shrui %squeeze3A_372, %shift_right_logical3A_373 : i32
      %and3A_375 = arith.constant 7 : i32
      %and3A_376 = arith.andi %squeeze3A_372, %and3A_375 : i32
      %add3A_377 = arith.constant 0 : i32
      %add3A_378 = arith.addi %mul3A_349, %add3A_377 : i32
      %dma_start3A_379 = arith.constant 1 : i32
      %dma_start3A_380 = arith.constant 0 : i32
      %dma_start3A_381 = tpu.memref_slice %arg9[%add3A_378, %dma_start3A_379, %dma_start3A_380] : memref<25x8x64xf32, #tpu.memory_space<vmem>> -> memref<1x1x64xf32, #tpu.memory_space<vmem>>
      %dma_start3A_382 = tpu.memref_squeeze %dma_start3A_381 : memref<1x1x64xf32, #tpu.memory_space<vmem>> -> memref<64xf32, #tpu.memory_space<vmem>>
      %dma_start3A_383 = arith.constant 0 : i32
      %dma_start3A_384 = tpu.memref_slice %arg3[%shift_right_logical3A_374, %and3A_376, %dma_start3A_383] : memref<125000x8x64xf32, #tpu.memory_space<hbm>> -> memref<1x1x64xf32, #tpu.memory_space<hbm>>
      %dma_start3A_385 = tpu.memref_squeeze %dma_start3A_384 : memref<1x1x64xf32, #tpu.memory_space<hbm>> -> memref<64xf32, #tpu.memory_space<hbm>>
      %dma_start3A_386 = arith.constant 0 : i32
      %dma_start3A_387 = tpu.memref_slice %arg9[%add3A_378, %dma_start3A_379, %dma_start3A_386] : memref<25x8x64xf32, #tpu.memory_space<vmem>> -> memref<1x1x64xf32, #tpu.memory_space<vmem>>
      %dma_start3A_388 = tpu.memref_squeeze %dma_start3A_387 : memref<1x1x64xf32, #tpu.memory_space<vmem>> -> memref<64xf32, #tpu.memory_space<vmem>>
      %dma_start3A_389 = arith.constant 0 : i32
      %dma_start3A_390 = tpu.memref_slice %arg3[%shift_right_logical3A_374, %and3A_376, %dma_start3A_389] : memref<125000x8x64xf32, #tpu.memory_space<hbm>> -> memref<1x1x64xf32, #tpu.memory_space<hbm>>
      %dma_start3A_391 = tpu.memref_squeeze %dma_start3A_390 : memref<1x1x64xf32, #tpu.memory_space<hbm>> -> memref<64xf32, #tpu.memory_space<hbm>>
      tpu.enqueue_dma source(%dma_start3A_391 : memref<64xf32, #tpu.memory_space<hbm>>) target(%dma_start3A_388 : memref<64xf32, #tpu.memory_space<vmem>>) target_semaphore(%arg11 : memref<!tpu.dma_semaphore, #tpu.memory_space<semaphore_mem>>)
      %slice3A_392 = vector.extract_strided_slice %get3A_347 {offsets = [2], sizes = [1], strides = [1]} : vector<16xi32> to vector<1xi32>
      %squeeze3A_393 = vector.extract %slice3A_392[0] : i32 from vector<1xi32>
      %shift_right_logical3A_394 = arith.constant 3 : i32
      %shift_right_logical3A_395 = arith.shrui %squeeze3A_393, %shift_right_logical3A_394 : i32
      %and3A_396 = arith.constant 7 : i32
      %and3A_397 = arith.andi %squeeze3A_393, %and3A_396 : i32
      %add3A_398 = arith.constant 0 : i32
      %add3A_399 = arith.addi %mul3A_349, %add3A_398 : i32
      %dma_start3A_400 = arith.constant 2 : i32
      %dma_start3A_401 = arith.constant 0 : i32
      %dma_start3A_402 = tpu.memref_slice %arg9[%add3A_399, %dma_start3A_400, %dma_start3A_401] : memref<25x8x64xf32, #tpu.memory_space<vmem>> -> memref<1x1x64xf32, #tpu.memory_space<vmem>>
      %dma_start3A_403 = tpu.memref_squeeze %dma_start3A_402 : memref<1x1x64xf32, #tpu.memory_space<vmem>> -> memref<64xf32, #tpu.memory_space<vmem>>
      %dma_start3A_404 = arith.constant 0 : i32
      %dma_start3A_405 = tpu.memref_slice %arg3[%shift_right_logical3A_395, %and3A_397, %dma_start3A_404] : memref<125000x8x64xf32, #tpu.memory_space<hbm>> -> memref<1x1x64xf32, #tpu.memory_space<hbm>>
      %dma_start3A_406 = tpu.memref_squeeze %dma_start3A_405 : memref<1x1x64xf32, #tpu.memory_space<hbm>> -> memref<64xf32, #tpu.memory_space<hbm>>
      %dma_start3A_407 = arith.constant 0 : i32
      %dma_start3A_408 = tpu.memref_slice %arg9[%add3A_399, %dma_start3A_400, %dma_start3A_407] : memref<25x8x64xf32, #tpu.memory_space<vmem>> -> memref<1x1x64xf32, #tpu.memory_space<vmem>>
      %dma_start3A_409 = tpu.memref_squeeze %dma_start3A_408 : memref<1x1x64xf32, #tpu.memory_space<vmem>> -> memref<64xf32, #tpu.memory_space<vmem>>
      %dma_start3A_410 = arith.constant 0 : i32
      %dma_start3A_411 = tpu.memref_slice %arg3[%shift_right_logical3A_395, %and3A_397, %dma_start3A_410] : memref<125000x8x64xf32, #tpu.memory_space<hbm>> -> memref<1x1x64xf32, #tpu.memory_space<hbm>>
      %dma_start3A_412 = tpu.memref_squeeze %dma_start3A_411 : memref<1x1x64xf32, #tpu.memory_space<hbm>> -> memref<64xf32, #tpu.memory_space<hbm>>
      tpu.enqueue_dma source(%dma_start3A_412 : memref<64xf32, #tpu.memory_space<hbm>>) target(%dma_start3A_409 : memref<64xf32, #tpu.memory_space<vmem>>) target_semaphore(%arg11 : memref<!tpu.dma_semaphore, #tpu.memory_space<semaphore_mem>>)
      %slice3A_413 = vector.extract_strided_slice %get3A_347 {offsets = [3], sizes = [1], strides = [1]} : vector<16xi32> to vector<1xi32>
      %squeeze3A_414 = vector.extract %slice3A_413[0] : i32 from vector<1xi32>
      %shift_right_logical3A_415 = arith.constant 3 : i32
      %shift_right_logical3A_416 = arith.shrui %squeeze3A_414, %shift_right_logical3A_415 : i32
      %and3A_417 = arith.constant 7 : i32
      %and3A_418 = arith.andi %squeeze3A_414, %and3A_417 : i32
      %add3A_419 = arith.constant 0 : i32
      %add3A_420 = arith.addi %mul3A_349, %add3A_419 : i32
      %dma_start3A_421 = arith.constant 3 : i32
      %dma_start3A_422 = arith.constant 0 : i32
      %dma_start3A_423 = tpu.memref_slice %arg9[%add3A_420, %dma_start3A_421, %dma_start3A_422] : memref<25x8x64xf32, #tpu.memory_space<vmem>> -> memref<1x1x64xf32, #tpu.memory_space<vmem>>
      %dma_start3A_424 = tpu.memref_squeeze %dma_start3A_423 : memref<1x1x64xf32, #tpu.memory_space<vmem>> -> memref<64xf32, #tpu.memory_space<vmem>>
      %dma_start3A_425 = arith.constant 0 : i32
      %dma_start3A_426 = tpu.memref_slice %arg3[%shift_right_logical3A_416, %and3A_418, %dma_start3A_425] : memref<125000x8x64xf32, #tpu.memory_space<hbm>> -> memref<1x1x64xf32, #tpu.memory_space<hbm>>
      %dma_start3A_427 = tpu.memref_squeeze %dma_start3A_426 : memref<1x1x64xf32, #tpu.memory_space<hbm>> -> memref<64xf32, #tpu.memory_space<hbm>>
      %dma_start3A_428 = arith.constant 0 : i32
      %dma_start3A_429 = tpu.memref_slice %arg9[%add3A_420, %dma_start3A_421, %dma_start3A_428] : memref<25x8x64xf32, #tpu.memory_space<vmem>> -> memref<1x1x64xf32, #tpu.memory_space<vmem>>
      %dma_start3A_430 = tpu.memref_squeeze %dma_start3A_429 : memref<1x1x64xf32, #tpu.memory_space<vmem>> -> memref<64xf32, #tpu.memory_space<vmem>>
      %dma_start3A_431 = arith.constant 0 : i32
      %dma_start3A_432 = tpu.memref_slice %arg3[%shift_right_logical3A_416, %and3A_418, %dma_start3A_431] : memref<125000x8x64xf32, #tpu.memory_space<hbm>> -> memref<1x1x64xf32, #tpu.memory_space<hbm>>
      %dma_start3A_433 = tpu.memref_squeeze %dma_start3A_432 : memref<1x1x64xf32, #tpu.memory_space<hbm>> -> memref<64xf32, #tpu.memory_space<hbm>>
      tpu.enqueue_dma source(%dma_start3A_433 : memref<64xf32, #tpu.memory_space<hbm>>) target(%dma_start3A_430 : memref<64xf32, #tpu.memory_space<vmem>>) target_semaphore(%arg11 : memref<!tpu.dma_semaphore, #tpu.memory_space<semaphore_mem>>)
      %slice3A_434 = vector.extract_strided_slice %get3A_347 {offsets = [4], sizes = [1], strides = [1]} : vector<16xi32> to vector<1xi32>
      %squeeze3A_435 = vector.extract %slice3A_434[0] : i32 from vector<1xi32>
      %shift_right_logical3A_436 = arith.constant 3 : i32
      %shift_right_logical3A_437 = arith.shrui %squeeze3A_435, %shift_right_logical3A_436 : i32
      %and3A_438 = arith.constant 7 : i32
      %and3A_439 = arith.andi %squeeze3A_435, %and3A_438 : i32
      %add3A_440 = arith.constant 0 : i32
      %add3A_441 = arith.addi %mul3A_349, %add3A_440 : i32
      %dma_start3A_442 = arith.constant 4 : i32
      %dma_start3A_443 = arith.constant 0 : i32
      %dma_start3A_444 = tpu.memref_slice %arg9[%add3A_441, %dma_start3A_442, %dma_start3A_443] : memref<25x8x64xf32, #tpu.memory_space<vmem>> -> memref<1x1x64xf32, #tpu.memory_space<vmem>>
      %dma_start3A_445 = tpu.memref_squeeze %dma_start3A_444 : memref<1x1x64xf32, #tpu.memory_space<vmem>> -> memref<64xf32, #tpu.memory_space<vmem>>
      %dma_start3A_446 = arith.constant 0 : i32
      %dma_start3A_447 = tpu.memref_slice %arg3[%shift_right_logical3A_437, %and3A_439, %dma_start3A_446] : memref<125000x8x64xf32, #tpu.memory_space<hbm>> -> memref<1x1x64xf32, #tpu.memory_space<hbm>>
      %dma_start3A_448 = tpu.memref_squeeze %dma_start3A_447 : memref<1x1x64xf32, #tpu.memory_space<hbm>> -> memref<64xf32, #tpu.memory_space<hbm>>
      %dma_start3A_449 = arith.constant 0 : i32
      %dma_start3A_450 = tpu.memref_slice %arg9[%add3A_441, %dma_start3A_442, %dma_start3A_449] : memref<25x8x64xf32, #tpu.memory_space<vmem>> -> memref<1x1x64xf32, #tpu.memory_space<vmem>>
      %dma_start3A_451 = tpu.memref_squeeze %dma_start3A_450 : memref<1x1x64xf32, #tpu.memory_space<vmem>> -> memref<64xf32, #tpu.memory_space<vmem>>
      %dma_start3A_452 = arith.constant 0 : i32
      %dma_start3A_453 = tpu.memref_slice %arg3[%shift_right_logical3A_437, %and3A_439, %dma_start3A_452] : memref<125000x8x64xf32, #tpu.memory_space<hbm>> -> memref<1x1x64xf32, #tpu.memory_space<hbm>>
      %dma_start3A_454 = tpu.memref_squeeze %dma_start3A_453 : memref<1x1x64xf32, #tpu.memory_space<hbm>> -> memref<64xf32, #tpu.memory_space<hbm>>
      tpu.enqueue_dma source(%dma_start3A_454 : memref<64xf32, #tpu.memory_space<hbm>>) target(%dma_start3A_451 : memref<64xf32, #tpu.memory_space<vmem>>) target_semaphore(%arg11 : memref<!tpu.dma_semaphore, #tpu.memory_space<semaphore_mem>>)
      %slice3A_455 = vector.extract_strided_slice %get3A_347 {offsets = [5], sizes = [1], strides = [1]} : vector<16xi32> to vector<1xi32>
      %squeeze3A_456 = vector.extract %slice3A_455[0] : i32 from vector<1xi32>
      %shift_right_logical3A_457 = arith.constant 3 : i32
      %shift_right_logical3A_458 = arith.shrui %squeeze3A_456, %shift_right_logical3A_457 : i32
      %and3A_459 = arith.constant 7 : i32
      %and3A_460 = arith.andi %squeeze3A_456, %and3A_459 : i32
      %add3A_461 = arith.constant 0 : i32
      %add3A_462 = arith.addi %mul3A_349, %add3A_461 : i32
      %dma_start3A_463 = arith.constant 5 : i32
      %dma_start3A_464 = arith.constant 0 : i32
      %dma_start3A_465 = tpu.memref_slice %arg9[%add3A_462, %dma_start3A_463, %dma_start3A_464] : memref<25x8x64xf32, #tpu.memory_space<vmem>> -> memref<1x1x64xf32, #tpu.memory_space<vmem>>
      %dma_start3A_466 = tpu.memref_squeeze %dma_start3A_465 : memref<1x1x64xf32, #tpu.memory_space<vmem>> -> memref<64xf32, #tpu.memory_space<vmem>>
      %dma_start3A_467 = arith.constant 0 : i32
      %dma_start3A_468 = tpu.memref_slice %arg3[%shift_right_logical3A_458, %and3A_460, %dma_start3A_467] : memref<125000x8x64xf32, #tpu.memory_space<hbm>> -> memref<1x1x64xf32, #tpu.memory_space<hbm>>
      %dma_start3A_469 = tpu.memref_squeeze %dma_start3A_468 : memref<1x1x64xf32, #tpu.memory_space<hbm>> -> memref<64xf32, #tpu.memory_space<hbm>>
      %dma_start3A_470 = arith.constant 0 : i32
      %dma_start3A_471 = tpu.memref_slice %arg9[%add3A_462, %dma_start3A_463, %dma_start3A_470] : memref<25x8x64xf32, #tpu.memory_space<vmem>> -> memref<1x1x64xf32, #tpu.memory_space<vmem>>
      %dma_start3A_472 = tpu.memref_squeeze %dma_start3A_471 : memref<1x1x64xf32, #tpu.memory_space<vmem>> -> memref<64xf32, #tpu.memory_space<vmem>>
      %dma_start3A_473 = arith.constant 0 : i32
      %dma_start3A_474 = tpu.memref_slice %arg3[%shift_right_logical3A_458, %and3A_460, %dma_start3A_473] : memref<125000x8x64xf32, #tpu.memory_space<hbm>> -> memref<1x1x64xf32, #tpu.memory_space<hbm>>
      %dma_start3A_475 = tpu.memref_squeeze %dma_start3A_474 : memref<1x1x64xf32, #tpu.memory_space<hbm>> -> memref<64xf32, #tpu.memory_space<hbm>>
      tpu.enqueue_dma source(%dma_start3A_475 : memref<64xf32, #tpu.memory_space<hbm>>) target(%dma_start3A_472 : memref<64xf32, #tpu.memory_space<vmem>>) target_semaphore(%arg11 : memref<!tpu.dma_semaphore, #tpu.memory_space<semaphore_mem>>)
      %slice3A_476 = vector.extract_strided_slice %get3A_347 {offsets = [6], sizes = [1], strides = [1]} : vector<16xi32> to vector<1xi32>
      %squeeze3A_477 = vector.extract %slice3A_476[0] : i32 from vector<1xi32>
      %shift_right_logical3A_478 = arith.constant 3 : i32
      %shift_right_logical3A_479 = arith.shrui %squeeze3A_477, %shift_right_logical3A_478 : i32
      %and3A_480 = arith.constant 7 : i32
      %and3A_481 = arith.andi %squeeze3A_477, %and3A_480 : i32
      %add3A_482 = arith.constant 0 : i32
      %add3A_483 = arith.addi %mul3A_349, %add3A_482 : i32
      %dma_start3A_484 = arith.constant 6 : i32
      %dma_start3A_485 = arith.constant 0 : i32
      %dma_start3A_486 = tpu.memref_slice %arg9[%add3A_483, %dma_start3A_484, %dma_start3A_485] : memref<25x8x64xf32, #tpu.memory_space<vmem>> -> memref<1x1x64xf32, #tpu.memory_space<vmem>>
      %dma_start3A_487 = tpu.memref_squeeze %dma_start3A_486 : memref<1x1x64xf32, #tpu.memory_space<vmem>> -> memref<64xf32, #tpu.memory_space<vmem>>
      %dma_start3A_488 = arith.constant 0 : i32
      %dma_start3A_489 = tpu.memref_slice %arg3[%shift_right_logical3A_479, %and3A_481, %dma_start3A_488] : memref<125000x8x64xf32, #tpu.memory_space<hbm>> -> memref<1x1x64xf32, #tpu.memory_space<hbm>>
      %dma_start3A_490 = tpu.memref_squeeze %dma_start3A_489 : memref<1x1x64xf32, #tpu.memory_space<hbm>> -> memref<64xf32, #tpu.memory_space<hbm>>
      %dma_start3A_491 = arith.constant 0 : i32
      %dma_start3A_492 = tpu.memref_slice %arg9[%add3A_483, %dma_start3A_484, %dma_start3A_491] : memref<25x8x64xf32, #tpu.memory_space<vmem>> -> memref<1x1x64xf32, #tpu.memory_space<vmem>>
      %dma_start3A_493 = tpu.memref_squeeze %dma_start3A_492 : memref<1x1x64xf32, #tpu.memory_space<vmem>> -> memref<64xf32, #tpu.memory_space<vmem>>
      %dma_start3A_494 = arith.constant 0 : i32
      %dma_start3A_495 = tpu.memref_slice %arg3[%shift_right_logical3A_479, %and3A_481, %dma_start3A_494] : memref<125000x8x64xf32, #tpu.memory_space<hbm>> -> memref<1x1x64xf32, #tpu.memory_space<hbm>>
      %dma_start3A_496 = tpu.memref_squeeze %dma_start3A_495 : memref<1x1x64xf32, #tpu.memory_space<hbm>> -> memref<64xf32, #tpu.memory_space<hbm>>
      tpu.enqueue_dma source(%dma_start3A_496 : memref<64xf32, #tpu.memory_space<hbm>>) target(%dma_start3A_493 : memref<64xf32, #tpu.memory_space<vmem>>) target_semaphore(%arg11 : memref<!tpu.dma_semaphore, #tpu.memory_space<semaphore_mem>>)
      %slice3A_497 = vector.extract_strided_slice %get3A_347 {offsets = [7], sizes = [1], strides = [1]} : vector<16xi32> to vector<1xi32>
      %squeeze3A_498 = vector.extract %slice3A_497[0] : i32 from vector<1xi32>
      %shift_right_logical3A_499 = arith.constant 3 : i32
      %shift_right_logical3A_500 = arith.shrui %squeeze3A_498, %shift_right_logical3A_499 : i32
      %and3A_501 = arith.constant 7 : i32
      %and3A_502 = arith.andi %squeeze3A_498, %and3A_501 : i32
      %add3A_503 = arith.constant 0 : i32
      %add3A_504 = arith.addi %mul3A_349, %add3A_503 : i32
      %dma_start3A_505 = arith.constant 7 : i32
      %dma_start3A_506 = arith.constant 0 : i32
      %dma_start3A_507 = tpu.memref_slice %arg9[%add3A_504, %dma_start3A_505, %dma_start3A_506] : memref<25x8x64xf32, #tpu.memory_space<vmem>> -> memref<1x1x64xf32, #tpu.memory_space<vmem>>
      %dma_start3A_508 = tpu.memref_squeeze %dma_start3A_507 : memref<1x1x64xf32, #tpu.memory_space<vmem>> -> memref<64xf32, #tpu.memory_space<vmem>>
      %dma_start3A_509 = arith.constant 0 : i32
      %dma_start3A_510 = tpu.memref_slice %arg3[%shift_right_logical3A_500, %and3A_502, %dma_start3A_509] : memref<125000x8x64xf32, #tpu.memory_space<hbm>> -> memref<1x1x64xf32, #tpu.memory_space<hbm>>
      %dma_start3A_511 = tpu.memref_squeeze %dma_start3A_510 : memref<1x1x64xf32, #tpu.memory_space<hbm>> -> memref<64xf32, #tpu.memory_space<hbm>>
      %dma_start3A_512 = arith.constant 0 : i32
      %dma_start3A_513 = tpu.memref_slice %arg9[%add3A_504, %dma_start3A_505, %dma_start3A_512] : memref<25x8x64xf32, #tpu.memory_space<vmem>> -> memref<1x1x64xf32, #tpu.memory_space<vmem>>
      %dma_start3A_514 = tpu.memref_squeeze %dma_start3A_513 : memref<1x1x64xf32, #tpu.memory_space<vmem>> -> memref<64xf32, #tpu.memory_space<vmem>>
      %dma_start3A_515 = arith.constant 0 : i32
      %dma_start3A_516 = tpu.memref_slice %arg3[%shift_right_logical3A_500, %and3A_502, %dma_start3A_515] : memref<125000x8x64xf32, #tpu.memory_space<hbm>> -> memref<1x1x64xf32, #tpu.memory_space<hbm>>
      %dma_start3A_517 = tpu.memref_squeeze %dma_start3A_516 : memref<1x1x64xf32, #tpu.memory_space<hbm>> -> memref<64xf32, #tpu.memory_space<hbm>>
      tpu.enqueue_dma source(%dma_start3A_517 : memref<64xf32, #tpu.memory_space<hbm>>) target(%dma_start3A_514 : memref<64xf32, #tpu.memory_space<vmem>>) target_semaphore(%arg11 : memref<!tpu.dma_semaphore, #tpu.memory_space<semaphore_mem>>)
      %slice3A_518 = vector.extract_strided_slice %get3A_347 {offsets = [8], sizes = [1], strides = [1]} : vector<16xi32> to vector<1xi32>
      %squeeze3A_519 = vector.extract %slice3A_518[0] : i32 from vector<1xi32>
      %shift_right_logical3A_520 = arith.constant 3 : i32
      %shift_right_logical3A_521 = arith.shrui %squeeze3A_519, %shift_right_logical3A_520 : i32
      %and3A_522 = arith.constant 7 : i32
      %and3A_523 = arith.andi %squeeze3A_519, %and3A_522 : i32
      %add3A_524 = arith.constant 1 : i32
      %add3A_525 = arith.addi %mul3A_349, %add3A_524 : i32
      %dma_start3A_526 = arith.constant 0 : i32
      %dma_start3A_527 = arith.constant 0 : i32
      %dma_start3A_528 = tpu.memref_slice %arg9[%add3A_525, %dma_start3A_526, %dma_start3A_527] : memref<25x8x64xf32, #tpu.memory_space<vmem>> -> memref<1x1x64xf32, #tpu.memory_space<vmem>>
      %dma_start3A_529 = tpu.memref_squeeze %dma_start3A_528 : memref<1x1x64xf32, #tpu.memory_space<vmem>> -> memref<64xf32, #tpu.memory_space<vmem>>
      %dma_start3A_530 = arith.constant 0 : i32
      %dma_start3A_531 = tpu.memref_slice %arg3[%shift_right_logical3A_521, %and3A_523, %dma_start3A_530] : memref<125000x8x64xf32, #tpu.memory_space<hbm>> -> memref<1x1x64xf32, #tpu.memory_space<hbm>>
      %dma_start3A_532 = tpu.memref_squeeze %dma_start3A_531 : memref<1x1x64xf32, #tpu.memory_space<hbm>> -> memref<64xf32, #tpu.memory_space<hbm>>
      %dma_start3A_533 = arith.constant 0 : i32
      %dma_start3A_534 = tpu.memref_slice %arg9[%add3A_525, %dma_start3A_526, %dma_start3A_533] : memref<25x8x64xf32, #tpu.memory_space<vmem>> -> memref<1x1x64xf32, #tpu.memory_space<vmem>>
      %dma_start3A_535 = tpu.memref_squeeze %dma_start3A_534 : memref<1x1x64xf32, #tpu.memory_space<vmem>> -> memref<64xf32, #tpu.memory_space<vmem>>
      %dma_start3A_536 = arith.constant 0 : i32
      %dma_start3A_537 = tpu.memref_slice %arg3[%shift_right_logical3A_521, %and3A_523, %dma_start3A_536] : memref<125000x8x64xf32, #tpu.memory_space<hbm>> -> memref<1x1x64xf32, #tpu.memory_space<hbm>>
      %dma_start3A_538 = tpu.memref_squeeze %dma_start3A_537 : memref<1x1x64xf32, #tpu.memory_space<hbm>> -> memref<64xf32, #tpu.memory_space<hbm>>
      tpu.enqueue_dma source(%dma_start3A_538 : memref<64xf32, #tpu.memory_space<hbm>>) target(%dma_start3A_535 : memref<64xf32, #tpu.memory_space<vmem>>) target_semaphore(%arg11 : memref<!tpu.dma_semaphore, #tpu.memory_space<semaphore_mem>>)
      %slice3A_539 = vector.extract_strided_slice %get3A_347 {offsets = [9], sizes = [1], strides = [1]} : vector<16xi32> to vector<1xi32>
      %squeeze3A_540 = vector.extract %slice3A_539[0] : i32 from vector<1xi32>
      %shift_right_logical3A_541 = arith.constant 3 : i32
      %shift_right_logical3A_542 = arith.shrui %squeeze3A_540, %shift_right_logical3A_541 : i32
      %and3A_543 = arith.constant 7 : i32
      %and3A_544 = arith.andi %squeeze3A_540, %and3A_543 : i32
      %add3A_545 = arith.constant 1 : i32
      %add3A_546 = arith.addi %mul3A_349, %add3A_545 : i32
      %dma_start3A_547 = arith.constant 1 : i32
      %dma_start3A_548 = arith.constant 0 : i32
      %dma_start3A_549 = tpu.memref_slice %arg9[%add3A_546, %dma_start3A_547, %dma_start3A_548] : memref<25x8x64xf32, #tpu.memory_space<vmem>> -> memref<1x1x64xf32, #tpu.memory_space<vmem>>
      %dma_start3A_550 = tpu.memref_squeeze %dma_start3A_549 : memref<1x1x64xf32, #tpu.memory_space<vmem>> -> memref<64xf32, #tpu.memory_space<vmem>>
      %dma_start3A_551 = arith.constant 0 : i32
      %dma_start3A_552 = tpu.memref_slice %arg3[%shift_right_logical3A_542, %and3A_544, %dma_start3A_551] : memref<125000x8x64xf32, #tpu.memory_space<hbm>> -> memref<1x1x64xf32, #tpu.memory_space<hbm>>
      %dma_start3A_553 = tpu.memref_squeeze %dma_start3A_552 : memref<1x1x64xf32, #tpu.memory_space<hbm>> -> memref<64xf32, #tpu.memory_space<hbm>>
      %dma_start3A_554 = arith.constant 0 : i32
      %dma_start3A_555 = tpu.memref_slice %arg9[%add3A_546, %dma_start3A_547, %dma_start3A_554] : memref<25x8x64xf32, #tpu.memory_space<vmem>> -> memref<1x1x64xf32, #tpu.memory_space<vmem>>
      %dma_start3A_556 = tpu.memref_squeeze %dma_start3A_555 : memref<1x1x64xf32, #tpu.memory_space<vmem>> -> memref<64xf32, #tpu.memory_space<vmem>>
      %dma_start3A_557 = arith.constant 0 : i32
      %dma_start3A_558 = tpu.memref_slice %arg3[%shift_right_logical3A_542, %and3A_544, %dma_start3A_557] : memref<125000x8x64xf32, #tpu.memory_space<hbm>> -> memref<1x1x64xf32, #tpu.memory_space<hbm>>
      %dma_start3A_559 = tpu.memref_squeeze %dma_start3A_558 : memref<1x1x64xf32, #tpu.memory_space<hbm>> -> memref<64xf32, #tpu.memory_space<hbm>>
      tpu.enqueue_dma source(%dma_start3A_559 : memref<64xf32, #tpu.memory_space<hbm>>) target(%dma_start3A_556 : memref<64xf32, #tpu.memory_space<vmem>>) target_semaphore(%arg11 : memref<!tpu.dma_semaphore, #tpu.memory_space<semaphore_mem>>)
      %slice3A_560 = vector.extract_strided_slice %get3A_347 {offsets = [10], sizes = [1], strides = [1]} : vector<16xi32> to vector<1xi32>
      %squeeze3A_561 = vector.extract %slice3A_560[0] : i32 from vector<1xi32>
      %shift_right_logical3A_562 = arith.constant 3 : i32
      %shift_right_logical3A_563 = arith.shrui %squeeze3A_561, %shift_right_logical3A_562 : i32
      %and3A_564 = arith.constant 7 : i32
      %and3A_565 = arith.andi %squeeze3A_561, %and3A_564 : i32
      %add3A_566 = arith.constant 1 : i32
      %add3A_567 = arith.addi %mul3A_349, %add3A_566 : i32
      %dma_start3A_568 = arith.constant 2 : i32
      %dma_start3A_569 = arith.constant 0 : i32
      %dma_start3A_570 = tpu.memref_slice %arg9[%add3A_567, %dma_start3A_568, %dma_start3A_569] : memref<25x8x64xf32, #tpu.memory_space<vmem>> -> memref<1x1x64xf32, #tpu.memory_space<vmem>>
      %dma_start3A_571 = tpu.memref_squeeze %dma_start3A_570 : memref<1x1x64xf32, #tpu.memory_space<vmem>> -> memref<64xf32, #tpu.memory_space<vmem>>
      %dma_start3A_572 = arith.constant 0 : i32
      %dma_start3A_573 = tpu.memref_slice %arg3[%shift_right_logical3A_563, %and3A_565, %dma_start3A_572] : memref<125000x8x64xf32, #tpu.memory_space<hbm>> -> memref<1x1x64xf32, #tpu.memory_space<hbm>>
      %dma_start3A_574 = tpu.memref_squeeze %dma_start3A_573 : memref<1x1x64xf32, #tpu.memory_space<hbm>> -> memref<64xf32, #tpu.memory_space<hbm>>
      %dma_start3A_575 = arith.constant 0 : i32
      %dma_start3A_576 = tpu.memref_slice %arg9[%add3A_567, %dma_start3A_568, %dma_start3A_575] : memref<25x8x64xf32, #tpu.memory_space<vmem>> -> memref<1x1x64xf32, #tpu.memory_space<vmem>>
      %dma_start3A_577 = tpu.memref_squeeze %dma_start3A_576 : memref<1x1x64xf32, #tpu.memory_space<vmem>> -> memref<64xf32, #tpu.memory_space<vmem>>
      %dma_start3A_578 = arith.constant 0 : i32
      %dma_start3A_579 = tpu.memref_slice %arg3[%shift_right_logical3A_563, %and3A_565, %dma_start3A_578] : memref<125000x8x64xf32, #tpu.memory_space<hbm>> -> memref<1x1x64xf32, #tpu.memory_space<hbm>>
      %dma_start3A_580 = tpu.memref_squeeze %dma_start3A_579 : memref<1x1x64xf32, #tpu.memory_space<hbm>> -> memref<64xf32, #tpu.memory_space<hbm>>
      tpu.enqueue_dma source(%dma_start3A_580 : memref<64xf32, #tpu.memory_space<hbm>>) target(%dma_start3A_577 : memref<64xf32, #tpu.memory_space<vmem>>) target_semaphore(%arg11 : memref<!tpu.dma_semaphore, #tpu.memory_space<semaphore_mem>>)
      %slice3A_581 = vector.extract_strided_slice %get3A_347 {offsets = [11], sizes = [1], strides = [1]} : vector<16xi32> to vector<1xi32>
      %squeeze3A_582 = vector.extract %slice3A_581[0] : i32 from vector<1xi32>
      %shift_right_logical3A_583 = arith.constant 3 : i32
      %shift_right_logical3A_584 = arith.shrui %squeeze3A_582, %shift_right_logical3A_583 : i32
      %and3A_585 = arith.constant 7 : i32
      %and3A_586 = arith.andi %squeeze3A_582, %and3A_585 : i32
      %add3A_587 = arith.constant 1 : i32
      %add3A_588 = arith.addi %mul3A_349, %add3A_587 : i32
      %dma_start3A_589 = arith.constant 3 : i32
      %dma_start3A_590 = arith.constant 0 : i32
      %dma_start3A_591 = tpu.memref_slice %arg9[%add3A_588, %dma_start3A_589, %dma_start3A_590] : memref<25x8x64xf32, #tpu.memory_space<vmem>> -> memref<1x1x64xf32, #tpu.memory_space<vmem>>
      %dma_start3A_592 = tpu.memref_squeeze %dma_start3A_591 : memref<1x1x64xf32, #tpu.memory_space<vmem>> -> memref<64xf32, #tpu.memory_space<vmem>>
      %dma_start3A_593 = arith.constant 0 : i32
      %dma_start3A_594 = tpu.memref_slice %arg3[%shift_right_logical3A_584, %and3A_586, %dma_start3A_593] : memref<125000x8x64xf32, #tpu.memory_space<hbm>> -> memref<1x1x64xf32, #tpu.memory_space<hbm>>
      %dma_start3A_595 = tpu.memref_squeeze %dma_start3A_594 : memref<1x1x64xf32, #tpu.memory_space<hbm>> -> memref<64xf32, #tpu.memory_space<hbm>>
      %dma_start3A_596 = arith.constant 0 : i32
      %dma_start3A_597 = tpu.memref_slice %arg9[%add3A_588, %dma_start3A_589, %dma_start3A_596] : memref<25x8x64xf32, #tpu.memory_space<vmem>> -> memref<1x1x64xf32, #tpu.memory_space<vmem>>
      %dma_start3A_598 = tpu.memref_squeeze %dma_start3A_597 : memref<1x1x64xf32, #tpu.memory_space<vmem>> -> memref<64xf32, #tpu.memory_space<vmem>>
      %dma_start3A_599 = arith.constant 0 : i32
      %dma_start3A_600 = tpu.memref_slice %arg3[%shift_right_logical3A_584, %and3A_586, %dma_start3A_599] : memref<125000x8x64xf32, #tpu.memory_space<hbm>> -> memref<1x1x64xf32, #tpu.memory_space<hbm>>
      %dma_start3A_601 = tpu.memref_squeeze %dma_start3A_600 : memref<1x1x64xf32, #tpu.memory_space<hbm>> -> memref<64xf32, #tpu.memory_space<hbm>>
      tpu.enqueue_dma source(%dma_start3A_601 : memref<64xf32, #tpu.memory_space<hbm>>) target(%dma_start3A_598 : memref<64xf32, #tpu.memory_space<vmem>>) target_semaphore(%arg11 : memref<!tpu.dma_semaphore, #tpu.memory_space<semaphore_mem>>)
      %slice3A_602 = vector.extract_strided_slice %get3A_347 {offsets = [12], sizes = [1], strides = [1]} : vector<16xi32> to vector<1xi32>
      %squeeze3A_603 = vector.extract %slice3A_602[0] : i32 from vector<1xi32>
      %shift_right_logical3A_604 = arith.constant 3 : i32
      %shift_right_logical3A_605 = arith.shrui %squeeze3A_603, %shift_right_logical3A_604 : i32
      %and3A_606 = arith.constant 7 : i32
      %and3A_607 = arith.andi %squeeze3A_603, %and3A_606 : i32
      %add3A_608 = arith.constant 1 : i32
      %add3A_609 = arith.addi %mul3A_349, %add3A_608 : i32
      %dma_start3A_610 = arith.constant 4 : i32
      %dma_start3A_611 = arith.constant 0 : i32
      %dma_start3A_612 = tpu.memref_slice %arg9[%add3A_609, %dma_start3A_610, %dma_start3A_611] : memref<25x8x64xf32, #tpu.memory_space<vmem>> -> memref<1x1x64xf32, #tpu.memory_space<vmem>>
      %dma_start3A_613 = tpu.memref_squeeze %dma_start3A_612 : memref<1x1x64xf32, #tpu.memory_space<vmem>> -> memref<64xf32, #tpu.memory_space<vmem>>
      %dma_start3A_614 = arith.constant 0 : i32
      %dma_start3A_615 = tpu.memref_slice %arg3[%shift_right_logical3A_605, %and3A_607, %dma_start3A_614] : memref<125000x8x64xf32, #tpu.memory_space<hbm>> -> memref<1x1x64xf32, #tpu.memory_space<hbm>>
      %dma_start3A_616 = tpu.memref_squeeze %dma_start3A_615 : memref<1x1x64xf32, #tpu.memory_space<hbm>> -> memref<64xf32, #tpu.memory_space<hbm>>
      %dma_start3A_617 = arith.constant 0 : i32
      %dma_start3A_618 = tpu.memref_slice %arg9[%add3A_609, %dma_start3A_610, %dma_start3A_617] : memref<25x8x64xf32, #tpu.memory_space<vmem>> -> memref<1x1x64xf32, #tpu.memory_space<vmem>>
      %dma_start3A_619 = tpu.memref_squeeze %dma_start3A_618 : memref<1x1x64xf32, #tpu.memory_space<vmem>> -> memref<64xf32, #tpu.memory_space<vmem>>
      %dma_start3A_620 = arith.constant 0 : i32
      %dma_start3A_621 = tpu.memref_slice %arg3[%shift_right_logical3A_605, %and3A_607, %dma_start3A_620] : memref<125000x8x64xf32, #tpu.memory_space<hbm>> -> memref<1x1x64xf32, #tpu.memory_space<hbm>>
      %dma_start3A_622 = tpu.memref_squeeze %dma_start3A_621 : memref<1x1x64xf32, #tpu.memory_space<hbm>> -> memref<64xf32, #tpu.memory_space<hbm>>
      tpu.enqueue_dma source(%dma_start3A_622 : memref<64xf32, #tpu.memory_space<hbm>>) target(%dma_start3A_619 : memref<64xf32, #tpu.memory_space<vmem>>) target_semaphore(%arg11 : memref<!tpu.dma_semaphore, #tpu.memory_space<semaphore_mem>>)
      %slice3A_623 = vector.extract_strided_slice %get3A_347 {offsets = [13], sizes = [1], strides = [1]} : vector<16xi32> to vector<1xi32>
      %squeeze3A_624 = vector.extract %slice3A_623[0] : i32 from vector<1xi32>
      %shift_right_logical3A_625 = arith.constant 3 : i32
      %shift_right_logical3A_626 = arith.shrui %squeeze3A_624, %shift_right_logical3A_625 : i32
      %and3A_627 = arith.constant 7 : i32
      %and3A_628 = arith.andi %squeeze3A_624, %and3A_627 : i32
      %add3A_629 = arith.constant 1 : i32
      %add3A_630 = arith.addi %mul3A_349, %add3A_629 : i32
      %dma_start3A_631 = arith.constant 5 : i32
      %dma_start3A_632 = arith.constant 0 : i32
      %dma_start3A_633 = tpu.memref_slice %arg9[%add3A_630, %dma_start3A_631, %dma_start3A_632] : memref<25x8x64xf32, #tpu.memory_space<vmem>> -> memref<1x1x64xf32, #tpu.memory_space<vmem>>
      %dma_start3A_634 = tpu.memref_squeeze %dma_start3A_633 : memref<1x1x64xf32, #tpu.memory_space<vmem>> -> memref<64xf32, #tpu.memory_space<vmem>>
      %dma_start3A_635 = arith.constant 0 : i32
      %dma_start3A_636 = tpu.memref_slice %arg3[%shift_right_logical3A_626, %and3A_628, %dma_start3A_635] : memref<125000x8x64xf32, #tpu.memory_space<hbm>> -> memref<1x1x64xf32, #tpu.memory_space<hbm>>
      %dma_start3A_637 = tpu.memref_squeeze %dma_start3A_636 : memref<1x1x64xf32, #tpu.memory_space<hbm>> -> memref<64xf32, #tpu.memory_space<hbm>>
      %dma_start3A_638 = arith.constant 0 : i32
      %dma_start3A_639 = tpu.memref_slice %arg9[%add3A_630, %dma_start3A_631, %dma_start3A_638] : memref<25x8x64xf32, #tpu.memory_space<vmem>> -> memref<1x1x64xf32, #tpu.memory_space<vmem>>
      %dma_start3A_640 = tpu.memref_squeeze %dma_start3A_639 : memref<1x1x64xf32, #tpu.memory_space<vmem>> -> memref<64xf32, #tpu.memory_space<vmem>>
      %dma_start3A_641 = arith.constant 0 : i32
      %dma_start3A_642 = tpu.memref_slice %arg3[%shift_right_logical3A_626, %and3A_628, %dma_start3A_641] : memref<125000x8x64xf32, #tpu.memory_space<hbm>> -> memref<1x1x64xf32, #tpu.memory_space<hbm>>
      %dma_start3A_643 = tpu.memref_squeeze %dma_start3A_642 : memref<1x1x64xf32, #tpu.memory_space<hbm>> -> memref<64xf32, #tpu.memory_space<hbm>>
      tpu.enqueue_dma source(%dma_start3A_643 : memref<64xf32, #tpu.memory_space<hbm>>) target(%dma_start3A_640 : memref<64xf32, #tpu.memory_space<vmem>>) target_semaphore(%arg11 : memref<!tpu.dma_semaphore, #tpu.memory_space<semaphore_mem>>)
      %slice3A_644 = vector.extract_strided_slice %get3A_347 {offsets = [14], sizes = [1], strides = [1]} : vector<16xi32> to vector<1xi32>
      %squeeze3A_645 = vector.extract %slice3A_644[0] : i32 from vector<1xi32>
      %shift_right_logical3A_646 = arith.constant 3 : i32
      %shift_right_logical3A_647 = arith.shrui %squeeze3A_645, %shift_right_logical3A_646 : i32
      %and3A_648 = arith.constant 7 : i32
      %and3A_649 = arith.andi %squeeze3A_645, %and3A_648 : i32
      %add3A_650 = arith.constant 1 : i32
      %add3A_651 = arith.addi %mul3A_349, %add3A_650 : i32
      %dma_start3A_652 = arith.constant 6 : i32
      %dma_start3A_653 = arith.constant 0 : i32
      %dma_start3A_654 = tpu.memref_slice %arg9[%add3A_651, %dma_start3A_652, %dma_start3A_653] : memref<25x8x64xf32, #tpu.memory_space<vmem>> -> memref<1x1x64xf32, #tpu.memory_space<vmem>>
      %dma_start3A_655 = tpu.memref_squeeze %dma_start3A_654 : memref<1x1x64xf32, #tpu.memory_space<vmem>> -> memref<64xf32, #tpu.memory_space<vmem>>
      %dma_start3A_656 = arith.constant 0 : i32
      %dma_start3A_657 = tpu.memref_slice %arg3[%shift_right_logical3A_647, %and3A_649, %dma_start3A_656] : memref<125000x8x64xf32, #tpu.memory_space<hbm>> -> memref<1x1x64xf32, #tpu.memory_space<hbm>>
      %dma_start3A_658 = tpu.memref_squeeze %dma_start3A_657 : memref<1x1x64xf32, #tpu.memory_space<hbm>> -> memref<64xf32, #tpu.memory_space<hbm>>
      %dma_start3A_659 = arith.constant 0 : i32
      %dma_start3A_660 = tpu.memref_slice %arg9[%add3A_651, %dma_start3A_652, %dma_start3A_659] : memref<25x8x64xf32, #tpu.memory_space<vmem>> -> memref<1x1x64xf32, #tpu.memory_space<vmem>>
      %dma_start3A_661 = tpu.memref_squeeze %dma_start3A_660 : memref<1x1x64xf32, #tpu.memory_space<vmem>> -> memref<64xf32, #tpu.memory_space<vmem>>
      %dma_start3A_662 = arith.constant 0 : i32
      %dma_start3A_663 = tpu.memref_slice %arg3[%shift_right_logical3A_647, %and3A_649, %dma_start3A_662] : memref<125000x8x64xf32, #tpu.memory_space<hbm>> -> memref<1x1x64xf32, #tpu.memory_space<hbm>>
      %dma_start3A_664 = tpu.memref_squeeze %dma_start3A_663 : memref<1x1x64xf32, #tpu.memory_space<hbm>> -> memref<64xf32, #tpu.memory_space<hbm>>
      tpu.enqueue_dma source(%dma_start3A_664 : memref<64xf32, #tpu.memory_space<hbm>>) target(%dma_start3A_661 : memref<64xf32, #tpu.memory_space<vmem>>) target_semaphore(%arg11 : memref<!tpu.dma_semaphore, #tpu.memory_space<semaphore_mem>>)
      %slice3A_665 = vector.extract_strided_slice %get3A_347 {offsets = [15], sizes = [1], strides = [1]} : vector<16xi32> to vector<1xi32>
      %squeeze3A_666 = vector.extract %slice3A_665[0] : i32 from vector<1xi32>
      %shift_right_logical3A_667 = arith.constant 3 : i32
      %shift_right_logical3A_668 = arith.shrui %squeeze3A_666, %shift_right_logical3A_667 : i32
      %and3A_669 = arith.constant 7 : i32
      %and3A_670 = arith.andi %squeeze3A_666, %and3A_669 : i32
      %add3A_671 = arith.constant 1 : i32
      %add3A_672 = arith.addi %mul3A_349, %add3A_671 : i32
      %dma_start3A_673 = arith.constant 7 : i32
      %dma_start3A_674 = arith.constant 0 : i32
      %dma_start3A_675 = tpu.memref_slice %arg9[%add3A_672, %dma_start3A_673, %dma_start3A_674] : memref<25x8x64xf32, #tpu.memory_space<vmem>> -> memref<1x1x64xf32, #tpu.memory_space<vmem>>
      %dma_start3A_676 = tpu.memref_squeeze %dma_start3A_675 : memref<1x1x64xf32, #tpu.memory_space<vmem>> -> memref<64xf32, #tpu.memory_space<vmem>>
      %dma_start3A_677 = arith.constant 0 : i32
      %dma_start3A_678 = tpu.memref_slice %arg3[%shift_right_logical3A_668, %and3A_670, %dma_start3A_677] : memref<125000x8x64xf32, #tpu.memory_space<hbm>> -> memref<1x1x64xf32, #tpu.memory_space<hbm>>
      %dma_start3A_679 = tpu.memref_squeeze %dma_start3A_678 : memref<1x1x64xf32, #tpu.memory_space<hbm>> -> memref<64xf32, #tpu.memory_space<hbm>>
      %dma_start3A_680 = arith.constant 0 : i32
      %dma_start3A_681 = tpu.memref_slice %arg9[%add3A_672, %dma_start3A_673, %dma_start3A_680] : memref<25x8x64xf32, #tpu.memory_space<vmem>> -> memref<1x1x64xf32, #tpu.memory_space<vmem>>
      %dma_start3A_682 = tpu.memref_squeeze %dma_start3A_681 : memref<1x1x64xf32, #tpu.memory_space<vmem>> -> memref<64xf32, #tpu.memory_space<vmem>>
      %dma_start3A_683 = arith.constant 0 : i32
      %dma_start3A_684 = tpu.memref_slice %arg3[%shift_right_logical3A_668, %and3A_670, %dma_start3A_683] : memref<125000x8x64xf32, #tpu.memory_space<hbm>> -> memref<1x1x64xf32, #tpu.memory_space<hbm>>
      %dma_start3A_685 = tpu.memref_squeeze %dma_start3A_684 : memref<1x1x64xf32, #tpu.memory_space<hbm>> -> memref<64xf32, #tpu.memory_space<hbm>>
      tpu.enqueue_dma source(%dma_start3A_685 : memref<64xf32, #tpu.memory_space<hbm>>) target(%dma_start3A_682 : memref<64xf32, #tpu.memory_space<vmem>>) target_semaphore(%arg11 : memref<!tpu.dma_semaphore, #tpu.memory_space<semaphore_mem>>)
    }
    %scan3A_170 = arith.constant 12 : i32
    %get3A_171 = arith.constant 392 : index
    %get3A_172 = tpu.vector_load %arg6[%get3A_171] {strides = array<i32>} : memref<6400xi32, #tpu.memory_space<vmem>>, vector<16xi32>,
    %get3A_173 = vector.shape_cast %get3A_172 : vector<16xi32> to vector<16xi32>
    %slice3A_174 = vector.extract_strided_slice %get3A_173 {offsets = [0], sizes = [1], strides = [1]} : vector<16xi32> to vector<1xi32>
    %squeeze3A_175 = vector.extract %slice3A_174[0] : i32 from vector<1xi32>
    %shift_right_logical3A_176 = arith.constant 3 : i32
    %shift_right_logical3A_177 = arith.shrui %squeeze3A_175, %shift_right_logical3A_176 : i32
    %and3A_178 = arith.constant 7 : i32
    %and3A_179 = arith.andi %squeeze3A_175, %and3A_178 : i32
    %dma_start3A_180 = arith.constant 24 : i32
    %dma_start3A_181 = arith.constant 0 : i32
    %dma_start3A_182 = arith.constant 0 : i32
    %dma_start3A_183 = tpu.memref_slice %arg9[%dma_start3A_180, %dma_start3A_181, %dma_start3A_182] : memref<25x8x64xf32, #tpu.memory_space<vmem>> -> memref<1x1x64xf32, #tpu.memory_space<vmem>>
    %dma_start3A_184 = tpu.memref_squeeze %dma_start3A_183 : memref<1x1x64xf32, #tpu.memory_space<vmem>> -> memref<64xf32, #tpu.memory_space<vmem>>
    %dma_start3A_185 = arith.constant 0 : i32
    %dma_start3A_186 = tpu.memref_slice %arg3[%shift_right_logical3A_177, %and3A_179, %dma_start3A_185] : memref<125000x8x64xf32, #tpu.memory_space<hbm>> -> memref<1x1x64xf32, #tpu.memory_space<hbm>>
    %dma_start3A_187 = tpu.memref_squeeze %dma_start3A_186 : memref<1x1x64xf32, #tpu.memory_space<hbm>> -> memref<64xf32, #tpu.memory_space<hbm>>
    %dma_start3A_188 = arith.constant 0 : i32
    %dma_start3A_189 = tpu.memref_slice %arg9[%dma_start3A_180, %dma_start3A_181, %dma_start3A_188] : memref<25x8x64xf32, #tpu.memory_space<vmem>> -> memref<1x1x64xf32, #tpu.memory_space<vmem>>
    %dma_start3A_190 = tpu.memref_squeeze %dma_start3A_189 : memref<1x1x64xf32, #tpu.memory_space<vmem>> -> memref<64xf32, #tpu.memory_space<vmem>>
    %dma_start3A_191 = arith.constant 0 : i32
    %dma_start3A_192 = tpu.memref_slice %arg3[%shift_right_logical3A_177, %and3A_179, %dma_start3A_191] : memref<125000x8x64xf32, #tpu.memory_space<hbm>> -> memref<1x1x64xf32, #tpu.memory_space<hbm>>
    %dma_start3A_193 = tpu.memref_squeeze %dma_start3A_192 : memref<1x1x64xf32, #tpu.memory_space<hbm>> -> memref<64xf32, #tpu.memory_space<hbm>>
    tpu.enqueue_dma source(%dma_start3A_193 : memref<64xf32, #tpu.memory_space<hbm>>) target(%dma_start3A_190 : memref<64xf32, #tpu.memory_space<vmem>>) target_semaphore(%arg11 : memref<!tpu.dma_semaphore, #tpu.memory_space<semaphore_mem>>)
    %slice3A_194 = vector.extract_strided_slice %get3A_173 {offsets = [1], sizes = [1], strides = [1]} : vector<16xi32> to vector<1xi32>
    %squeeze3A_195 = vector.extract %slice3A_194[0] : i32 from vector<1xi32>
    %shift_right_logical3A_196 = arith.constant 3 : i32
    %shift_right_logical3A_197 = arith.shrui %squeeze3A_195, %shift_right_logical3A_196 : i32
    %and3A_198 = arith.constant 7 : i32
    %and3A_199 = arith.andi %squeeze3A_195, %and3A_198 : i32
    %dma_start3A_200 = arith.constant 24 : i32
    %dma_start3A_201 = arith.constant 1 : i32
    %dma_start3A_202 = arith.constant 0 : i32
    %dma_start3A_203 = tpu.memref_slice %arg9[%dma_start3A_200, %dma_start3A_201, %dma_start3A_202] : memref<25x8x64xf32, #tpu.memory_space<vmem>> -> memref<1x1x64xf32, #tpu.memory_space<vmem>>
    %dma_start3A_204 = tpu.memref_squeeze %dma_start3A_203 : memref<1x1x64xf32, #tpu.memory_space<vmem>> -> memref<64xf32, #tpu.memory_space<vmem>>
    %dma_start3A_205 = arith.constant 0 : i32
    %dma_start3A_206 = tpu.memref_slice %arg3[%shift_right_logical3A_197, %and3A_199, %dma_start3A_205] : memref<125000x8x64xf32, #tpu.memory_space<hbm>> -> memref<1x1x64xf32, #tpu.memory_space<hbm>>
    %dma_start3A_207 = tpu.memref_squeeze %dma_start3A_206 : memref<1x1x64xf32, #tpu.memory_space<hbm>> -> memref<64xf32, #tpu.memory_space<hbm>>
    %dma_start3A_208 = arith.constant 0 : i32
    %dma_start3A_209 = tpu.memref_slice %arg9[%dma_start3A_200, %dma_start3A_201, %dma_start3A_208] : memref<25x8x64xf32, #tpu.memory_space<vmem>> -> memref<1x1x64xf32, #tpu.memory_space<vmem>>
    %dma_start3A_210 = tpu.memref_squeeze %dma_start3A_209 : memref<1x1x64xf32, #tpu.memory_space<vmem>> -> memref<64xf32, #tpu.memory_space<vmem>>
    %dma_start3A_211 = arith.constant 0 : i32
    %dma_start3A_212 = tpu.memref_slice %arg3[%shift_right_logical3A_197, %and3A_199, %dma_start3A_211] : memref<125000x8x64xf32, #tpu.memory_space<hbm>> -> memref<1x1x64xf32, #tpu.memory_space<hbm>>
    %dma_start3A_213 = tpu.memref_squeeze %dma_start3A_212 : memref<1x1x64xf32, #tpu.memory_space<hbm>> -> memref<64xf32, #tpu.memory_space<hbm>>
    tpu.enqueue_dma source(%dma_start3A_213 : memref<64xf32, #tpu.memory_space<hbm>>) target(%dma_start3A_210 : memref<64xf32, #tpu.memory_space<vmem>>) target_semaphore(%arg11 : memref<!tpu.dma_semaphore, #tpu.memory_space<semaphore_mem>>)
    %slice3A_214 = vector.extract_strided_slice %get3A_173 {offsets = [2], sizes = [1], strides = [1]} : vector<16xi32> to vector<1xi32>
    %squeeze3A_215 = vector.extract %slice3A_214[0] : i32 from vector<1xi32>
    %shift_right_logical3A_216 = arith.constant 3 : i32
    %shift_right_logical3A_217 = arith.shrui %squeeze3A_215, %shift_right_logical3A_216 : i32
    %and3A_218 = arith.constant 7 : i32
    %and3A_219 = arith.andi %squeeze3A_215, %and3A_218 : i32
    %dma_start3A_220 = arith.constant 24 : i32
    %dma_start3A_221 = arith.constant 2 : i32
    %dma_start3A_222 = arith.constant 0 : i32
    %dma_start3A_223 = tpu.memref_slice %arg9[%dma_start3A_220, %dma_start3A_221, %dma_start3A_222] : memref<25x8x64xf32, #tpu.memory_space<vmem>> -> memref<1x1x64xf32, #tpu.memory_space<vmem>>
    %dma_start3A_224 = tpu.memref_squeeze %dma_start3A_223 : memref<1x1x64xf32, #tpu.memory_space<vmem>> -> memref<64xf32, #tpu.memory_space<vmem>>
    %dma_start3A_225 = arith.constant 0 : i32
    %dma_start3A_226 = tpu.memref_slice %arg3[%shift_right_logical3A_217, %and3A_219, %dma_start3A_225] : memref<125000x8x64xf32, #tpu.memory_space<hbm>> -> memref<1x1x64xf32, #tpu.memory_space<hbm>>
    %dma_start3A_227 = tpu.memref_squeeze %dma_start3A_226 : memref<1x1x64xf32, #tpu.memory_space<hbm>> -> memref<64xf32, #tpu.memory_space<hbm>>
    %dma_start3A_228 = arith.constant 0 : i32
    %dma_start3A_229 = tpu.memref_slice %arg9[%dma_start3A_220, %dma_start3A_221, %dma_start3A_228] : memref<25x8x64xf32, #tpu.memory_space<vmem>> -> memref<1x1x64xf32, #tpu.memory_space<vmem>>
    %dma_start3A_230 = tpu.memref_squeeze %dma_start3A_229 : memref<1x1x64xf32, #tpu.memory_space<vmem>> -> memref<64xf32, #tpu.memory_space<vmem>>
    %dma_start3A_231 = arith.constant 0 : i32
    %dma_start3A_232 = tpu.memref_slice %arg3[%shift_right_logical3A_217, %and3A_219, %dma_start3A_231] : memref<125000x8x64xf32, #tpu.memory_space<hbm>> -> memref<1x1x64xf32, #tpu.memory_space<hbm>>
    %dma_start3A_233 = tpu.memref_squeeze %dma_start3A_232 : memref<1x1x64xf32, #tpu.memory_space<hbm>> -> memref<64xf32, #tpu.memory_space<hbm>>
    tpu.enqueue_dma source(%dma_start3A_233 : memref<64xf32, #tpu.memory_space<hbm>>) target(%dma_start3A_230 : memref<64xf32, #tpu.memory_space<vmem>>) target_semaphore(%arg11 : memref<!tpu.dma_semaphore, #tpu.memory_space<semaphore_mem>>)
    %slice3A_234 = vector.extract_strided_slice %get3A_173 {offsets = [3], sizes = [1], strides = [1]} : vector<16xi32> to vector<1xi32>
    %squeeze3A_235 = vector.extract %slice3A_234[0] : i32 from vector<1xi32>
    %shift_right_logical3A_236 = arith.constant 3 : i32
    %shift_right_logical3A_237 = arith.shrui %squeeze3A_235, %shift_right_logical3A_236 : i32
    %and3A_238 = arith.constant 7 : i32
    %and3A_239 = arith.andi %squeeze3A_235, %and3A_238 : i32
    %dma_start3A_240 = arith.constant 24 : i32
    %dma_start3A_241 = arith.constant 3 : i32
    %dma_start3A_242 = arith.constant 0 : i32
    %dma_start3A_243 = tpu.memref_slice %arg9[%dma_start3A_240, %dma_start3A_241, %dma_start3A_242] : memref<25x8x64xf32, #tpu.memory_space<vmem>> -> memref<1x1x64xf32, #tpu.memory_space<vmem>>
    %dma_start3A_244 = tpu.memref_squeeze %dma_start3A_243 : memref<1x1x64xf32, #tpu.memory_space<vmem>> -> memref<64xf32, #tpu.memory_space<vmem>>
    %dma_start3A_245 = arith.constant 0 : i32
    %dma_start3A_246 = tpu.memref_slice %arg3[%shift_right_logical3A_237, %and3A_239, %dma_start3A_245] : memref<125000x8x64xf32, #tpu.memory_space<hbm>> -> memref<1x1x64xf32, #tpu.memory_space<hbm>>
    %dma_start3A_247 = tpu.memref_squeeze %dma_start3A_246 : memref<1x1x64xf32, #tpu.memory_space<hbm>> -> memref<64xf32, #tpu.memory_space<hbm>>
    %dma_start3A_248 = arith.constant 0 : i32
    %dma_start3A_249 = tpu.memref_slice %arg9[%dma_start3A_240, %dma_start3A_241, %dma_start3A_248] : memref<25x8x64xf32, #tpu.memory_space<vmem>> -> memref<1x1x64xf32, #tpu.memory_space<vmem>>
    %dma_start3A_250 = tpu.memref_squeeze %dma_start3A_249 : memref<1x1x64xf32, #tpu.memory_space<vmem>> -> memref<64xf32, #tpu.memory_space<vmem>>
    %dma_start3A_251 = arith.constant 0 : i32
    %dma_start3A_252 = tpu.memref_slice %arg3[%shift_right_logical3A_237, %and3A_239, %dma_start3A_251] : memref<125000x8x64xf32, #tpu.memory_space<hbm>> -> memref<1x1x64xf32, #tpu.memory_space<hbm>>
    %dma_start3A_253 = tpu.memref_squeeze %dma_start3A_252 : memref<1x1x64xf32, #tpu.memory_space<hbm>> -> memref<64xf32, #tpu.memory_space<hbm>>
    tpu.enqueue_dma source(%dma_start3A_253 : memref<64xf32, #tpu.memory_space<hbm>>) target(%dma_start3A_250 : memref<64xf32, #tpu.memory_space<vmem>>) target_semaphore(%arg11 : memref<!tpu.dma_semaphore, #tpu.memory_space<semaphore_mem>>)
    %slice3A_254 = vector.extract_strided_slice %get3A_173 {offsets = [4], sizes = [1], strides = [1]} : vector<16xi32> to vector<1xi32>
    %squeeze3A_255 = vector.extract %slice3A_254[0] : i32 from vector<1xi32>
    %shift_right_logical3A_256 = arith.constant 3 : i32
    %shift_right_logical3A_257 = arith.shrui %squeeze3A_255, %shift_right_logical3A_256 : i32
    %and3A_258 = arith.constant 7 : i32
    %and3A_259 = arith.andi %squeeze3A_255, %and3A_258 : i32
    %dma_start3A_260 = arith.constant 24 : i32
    %dma_start3A_261 = arith.constant 4 : i32
    %dma_start3A_262 = arith.constant 0 : i32
    %dma_start3A_263 = tpu.memref_slice %arg9[%dma_start3A_260, %dma_start3A_261, %dma_start3A_262] : memref<25x8x64xf32, #tpu.memory_space<vmem>> -> memref<1x1x64xf32, #tpu.memory_space<vmem>>
    %dma_start3A_264 = tpu.memref_squeeze %dma_start3A_263 : memref<1x1x64xf32, #tpu.memory_space<vmem>> -> memref<64xf32, #tpu.memory_space<vmem>>
    %dma_start3A_265 = arith.constant 0 : i32
    %dma_start3A_266 = tpu.memref_slice %arg3[%shift_right_logical3A_257, %and3A_259, %dma_start3A_265] : memref<125000x8x64xf32, #tpu.memory_space<hbm>> -> memref<1x1x64xf32, #tpu.memory_space<hbm>>
    %dma_start3A_267 = tpu.memref_squeeze %dma_start3A_266 : memref<1x1x64xf32, #tpu.memory_space<hbm>> -> memref<64xf32, #tpu.memory_space<hbm>>
    %dma_start3A_268 = arith.constant 0 : i32
    %dma_start3A_269 = tpu.memref_slice %arg9[%dma_start3A_260, %dma_start3A_261, %dma_start3A_268] : memref<25x8x64xf32, #tpu.memory_space<vmem>> -> memref<1x1x64xf32, #tpu.memory_space<vmem>>
    %dma_start3A_270 = tpu.memref_squeeze %dma_start3A_269 : memref<1x1x64xf32, #tpu.memory_space<vmem>> -> memref<64xf32, #tpu.memory_space<vmem>>
    %dma_start3A_271 = arith.constant 0 : i32
    %dma_start3A_272 = tpu.memref_slice %arg3[%shift_right_logical3A_257, %and3A_259, %dma_start3A_271] : memref<125000x8x64xf32, #tpu.memory_space<hbm>> -> memref<1x1x64xf32, #tpu.memory_space<hbm>>
    %dma_start3A_273 = tpu.memref_squeeze %dma_start3A_272 : memref<1x1x64xf32, #tpu.memory_space<hbm>> -> memref<64xf32, #tpu.memory_space<hbm>>
    tpu.enqueue_dma source(%dma_start3A_273 : memref<64xf32, #tpu.memory_space<hbm>>) target(%dma_start3A_270 : memref<64xf32, #tpu.memory_space<vmem>>) target_semaphore(%arg11 : memref<!tpu.dma_semaphore, #tpu.memory_space<semaphore_mem>>)
    %slice3A_274 = vector.extract_strided_slice %get3A_173 {offsets = [5], sizes = [1], strides = [1]} : vector<16xi32> to vector<1xi32>
    %squeeze3A_275 = vector.extract %slice3A_274[0] : i32 from vector<1xi32>
    %shift_right_logical3A_276 = arith.constant 3 : i32
    %shift_right_logical3A_277 = arith.shrui %squeeze3A_275, %shift_right_logical3A_276 : i32
    %and3A_278 = arith.constant 7 : i32
    %and3A_279 = arith.andi %squeeze3A_275, %and3A_278 : i32
    %dma_start3A_280 = arith.constant 24 : i32
    %dma_start3A_281 = arith.constant 5 : i32
    %dma_start3A_282 = arith.constant 0 : i32
    %dma_start3A_283 = tpu.memref_slice %arg9[%dma_start3A_280, %dma_start3A_281, %dma_start3A_282] : memref<25x8x64xf32, #tpu.memory_space<vmem>> -> memref<1x1x64xf32, #tpu.memory_space<vmem>>
    %dma_start3A_284 = tpu.memref_squeeze %dma_start3A_283 : memref<1x1x64xf32, #tpu.memory_space<vmem>> -> memref<64xf32, #tpu.memory_space<vmem>>
    %dma_start3A_285 = arith.constant 0 : i32
    %dma_start3A_286 = tpu.memref_slice %arg3[%shift_right_logical3A_277, %and3A_279, %dma_start3A_285] : memref<125000x8x64xf32, #tpu.memory_space<hbm>> -> memref<1x1x64xf32, #tpu.memory_space<hbm>>
    %dma_start3A_287 = tpu.memref_squeeze %dma_start3A_286 : memref<1x1x64xf32, #tpu.memory_space<hbm>> -> memref<64xf32, #tpu.memory_space<hbm>>
    %dma_start3A_288 = arith.constant 0 : i32
    %dma_start3A_289 = tpu.memref_slice %arg9[%dma_start3A_280, %dma_start3A_281, %dma_start3A_288] : memref<25x8x64xf32, #tpu.memory_space<vmem>> -> memref<1x1x64xf32, #tpu.memory_space<vmem>>
    %dma_start3A_290 = tpu.memref_squeeze %dma_start3A_289 : memref<1x1x64xf32, #tpu.memory_space<vmem>> -> memref<64xf32, #tpu.memory_space<vmem>>
    %dma_start3A_291 = arith.constant 0 : i32
    %dma_start3A_292 = tpu.memref_slice %arg3[%shift_right_logical3A_277, %and3A_279, %dma_start3A_291] : memref<125000x8x64xf32, #tpu.memory_space<hbm>> -> memref<1x1x64xf32, #tpu.memory_space<hbm>>
    %dma_start3A_293 = tpu.memref_squeeze %dma_start3A_292 : memref<1x1x64xf32, #tpu.memory_space<hbm>> -> memref<64xf32, #tpu.memory_space<hbm>>
    tpu.enqueue_dma source(%dma_start3A_293 : memref<64xf32, #tpu.memory_space<hbm>>) target(%dma_start3A_290 : memref<64xf32, #tpu.memory_space<vmem>>) target_semaphore(%arg11 : memref<!tpu.dma_semaphore, #tpu.memory_space<semaphore_mem>>)
    %slice3A_294 = vector.extract_strided_slice %get3A_173 {offsets = [6], sizes = [1], strides = [1]} : vector<16xi32> to vector<1xi32>
    %squeeze3A_295 = vector.extract %slice3A_294[0] : i32 from vector<1xi32>
    %shift_right_logical3A_296 = arith.constant 3 : i32
    %shift_right_logical3A_297 = arith.shrui %squeeze3A_295, %shift_right_logical3A_296 : i32
    %and3A_298 = arith.constant 7 : i32
    %and3A_299 = arith.andi %squeeze3A_295, %and3A_298 : i32
    %dma_start3A_300 = arith.constant 24 : i32
    %dma_start3A_301 = arith.constant 6 : i32
    %dma_start3A_302 = arith.constant 0 : i32
    %dma_start3A_303 = tpu.memref_slice %arg9[%dma_start3A_300, %dma_start3A_301, %dma_start3A_302] : memref<25x8x64xf32, #tpu.memory_space<vmem>> -> memref<1x1x64xf32, #tpu.memory_space<vmem>>
    %dma_start3A_304 = tpu.memref_squeeze %dma_start3A_303 : memref<1x1x64xf32, #tpu.memory_space<vmem>> -> memref<64xf32, #tpu.memory_space<vmem>>
    %dma_start3A_305 = arith.constant 0 : i32
    %dma_start3A_306 = tpu.memref_slice %arg3[%shift_right_logical3A_297, %and3A_299, %dma_start3A_305] : memref<125000x8x64xf32, #tpu.memory_space<hbm>> -> memref<1x1x64xf32, #tpu.memory_space<hbm>>
    %dma_start3A_307 = tpu.memref_squeeze %dma_start3A_306 : memref<1x1x64xf32, #tpu.memory_space<hbm>> -> memref<64xf32, #tpu.memory_space<hbm>>
    %dma_start3A_308 = arith.constant 0 : i32
    %dma_start3A_309 = tpu.memref_slice %arg9[%dma_start3A_300, %dma_start3A_301, %dma_start3A_308] : memref<25x8x64xf32, #tpu.memory_space<vmem>> -> memref<1x1x64xf32, #tpu.memory_space<vmem>>
    %dma_start3A_310 = tpu.memref_squeeze %dma_start3A_309 : memref<1x1x64xf32, #tpu.memory_space<vmem>> -> memref<64xf32, #tpu.memory_space<vmem>>
    %dma_start3A_311 = arith.constant 0 : i32
    %dma_start3A_312 = tpu.memref_slice %arg3[%shift_right_logical3A_297, %and3A_299, %dma_start3A_311] : memref<125000x8x64xf32, #tpu.memory_space<hbm>> -> memref<1x1x64xf32, #tpu.memory_space<hbm>>
    %dma_start3A_313 = tpu.memref_squeeze %dma_start3A_312 : memref<1x1x64xf32, #tpu.memory_space<hbm>> -> memref<64xf32, #tpu.memory_space<hbm>>
    tpu.enqueue_dma source(%dma_start3A_313 : memref<64xf32, #tpu.memory_space<hbm>>) target(%dma_start3A_310 : memref<64xf32, #tpu.memory_space<vmem>>) target_semaphore(%arg11 : memref<!tpu.dma_semaphore, #tpu.memory_space<semaphore_mem>>)
    %slice3A_314 = vector.extract_strided_slice %get3A_173 {offsets = [7], sizes = [1], strides = [1]} : vector<16xi32> to vector<1xi32>
    %squeeze3A_315 = vector.extract %slice3A_314[0] : i32 from vector<1xi32>
    %shift_right_logical3A_316 = arith.constant 3 : i32
    %shift_right_logical3A_317 = arith.shrui %squeeze3A_315, %shift_right_logical3A_316 : i32
    %and3A_318 = arith.constant 7 : i32
    %and3A_319 = arith.andi %squeeze3A_315, %and3A_318 : i32
    %dma_start3A_320 = arith.constant 24 : i32
    %dma_start3A_321 = arith.constant 7 : i32
    %dma_start3A_322 = arith.constant 0 : i32
    %dma_start3A_323 = tpu.memref_slice %arg9[%dma_start3A_320, %dma_start3A_321, %dma_start3A_322] : memref<25x8x64xf32, #tpu.memory_space<vmem>> -> memref<1x1x64xf32, #tpu.memory_space<vmem>>
    %dma_start3A_324 = tpu.memref_squeeze %dma_start3A_323 : memref<1x1x64xf32, #tpu.memory_space<vmem>> -> memref<64xf32, #tpu.memory_space<vmem>>
    %dma_start3A_325 = arith.constant 0 : i32
    %dma_start3A_326 = tpu.memref_slice %arg3[%shift_right_logical3A_317, %and3A_319, %dma_start3A_325] : memref<125000x8x64xf32, #tpu.memory_space<hbm>> -> memref<1x1x64xf32, #tpu.memory_space<hbm>>
    %dma_start3A_327 = tpu.memref_squeeze %dma_start3A_326 : memref<1x1x64xf32, #tpu.memory_space<hbm>> -> memref<64xf32, #tpu.memory_space<hbm>>
    %dma_start3A_328 = arith.constant 0 : i32
    %dma_start3A_329 = tpu.memref_slice %arg9[%dma_start3A_320, %dma_start3A_321, %dma_start3A_328] : memref<25x8x64xf32, #tpu.memory_space<vmem>> -> memref<1x1x64xf32, #tpu.memory_space<vmem>>
    %dma_start3A_330 = tpu.memref_squeeze %dma_start3A_329 : memref<1x1x64xf32, #tpu.memory_space<vmem>> -> memref<64xf32, #tpu.memory_space<vmem>>
    %dma_start3A_331 = arith.constant 0 : i32
    %dma_start3A_332 = tpu.memref_slice %arg3[%shift_right_logical3A_317, %and3A_319, %dma_start3A_331] : memref<125000x8x64xf32, #tpu.memory_space<hbm>> -> memref<1x1x64xf32, #tpu.memory_space<hbm>>
    %dma_start3A_333 = tpu.memref_squeeze %dma_start3A_332 : memref<1x1x64xf32, #tpu.memory_space<hbm>> -> memref<64xf32, #tpu.memory_space<hbm>>
    tpu.enqueue_dma source(%dma_start3A_333 : memref<64xf32, #tpu.memory_space<hbm>>) target(%dma_start3A_330 : memref<64xf32, #tpu.memory_space<vmem>>) target_semaphore(%arg11 : memref<!tpu.dma_semaphore, #tpu.memory_space<semaphore_mem>>)
    %scan3A_334 = arith.constant 0 : i32
    %scan3A_335 = arith.constant 0 : i32
    %scan3A_336 = arith.constant 16 : i32
    %scan3A_337 = arith.addi %scan3A_335, %scan3A_336 : i32
    %scan3A_338 = arith.constant 1 : i32
    scf.for %scan3A_340 = %scan3A_335 to %scan3A_337 step %scan3A_338  : i32 {
      %mul3A_341 = arith.constant 2 : i32
      %mul3A_342 = arith.muli %scan3A_340, %mul3A_341 : i32
      %dma_wait3A = arith.constant 0 : i32
      %dma_wait3A_343 = arith.constant 0 : i32
      %dma_wait3A_344 = arith.constant 0 : i32
      %dma_wait3A_345 = tpu.memref_slice %arg3[%dma_wait3A, %dma_wait3A_343, %dma_wait3A_344] : memref<125000x8x64xf32, #tpu.memory_space<hbm>> -> memref<25x8x64xf32, #tpu.memory_space<hbm>>
      %dma_wait3A_346 = arith.constant 0 : i32
      %dma_wait3A_347 = arith.constant 0 : i32
      %dma_wait3A_348 = arith.constant 0 : i32
      %dma_wait3A_349 = tpu.memref_slice %arg3[%dma_wait3A_346, %dma_wait3A_347, %dma_wait3A_348] : memref<125000x8x64xf32, #tpu.memory_space<hbm>> -> memref<25x8x64xf32, #tpu.memory_space<hbm>>
      tpu.wait_dma2 semaphore(%arg10 : memref<!tpu.dma_semaphore, #tpu.memory_space<semaphore_mem>>) src(%dma_wait3A_349 : memref<25x8x64xf32, #tpu.memory_space<hbm>>) dst(%arg8 : memref<25x8x64xf32, #tpu.memory_space<vmem>>)
      %scan3A_350 = arith.constant 0 : i32
      %scan3A_351 = arith.constant 0 : i32
      %scan3A_352 = arith.constant 25 : i32
      %scan3A_353 = arith.addi %scan3A_351, %scan3A_352 : i32
      %scan3A_354 = arith.constant 1 : i32
      scf.for %scan3A_425 = %scan3A_351 to %scan3A_353 step %scan3A_354  : i32 {
        %get3A_426 = arith.constant 0 : i32
        %get3A_427 = arith.index_cast %scan3A_425 : i32 to index
        %get3A_428 = arith.index_cast %get3A_426 : i32 to index
        %get3A_429 = arith.constant 0 : index
        %get3A_430 = tpu.vector_load %arg8[%get3A_427, %get3A_428, %get3A_429] {strides = array<i32>} : memref<25x8x64xf32, #tpu.memory_space<vmem>>, vector<1x1x16xf32>,
        %get3A_431 = vector.shape_cast %get3A_430 : vector<1x1x16xf32> to vector<16xf32>
        %get3A_432 = arith.constant 0 : i32
        %get3A_433 = arith.index_cast %scan3A_425 : i32 to index
        %get3A_434 = arith.index_cast %get3A_432 : i32 to index
        %get3A_435 = arith.constant 0 : index
        %get3A_436 = tpu.vector_load %arg7[%get3A_433, %get3A_434, %get3A_435] {strides = array<i32>} : memref<25x8x64xf32, #tpu.memory_space<vmem>>, vector<1x1x16xf32>,
        %get3A_437 = vector.shape_cast %get3A_436 : vector<1x1x16xf32> to vector<16xf32>
        %add3A_438 = arith.addf %get3A_431, %get3A_437 : vector<16xf32>
        %swap3A = arith.constant 0 : i32
        %swap3A_439 = arith.index_cast %scan3A_425 : i32 to index
        %swap3A_440 = arith.index_cast %swap3A : i32 to index
        %swap3A_441 = arith.constant 0 : index
        %swap3A_442 = tpu.vector_load %arg8[%swap3A_439, %swap3A_440, %swap3A_441] {strides = array<i32>} : memref<25x8x64xf32, #tpu.memory_space<vmem>>, vector<1x1x16xf32>,
        %swap3A_443 = vector.shape_cast %swap3A_442 : vector<1x1x16xf32> to vector<16xf32>
        %swap3A_444 = vector.shape_cast %add3A_438 : vector<16xf32> to vector<1x1x16xf32>
        tpu.vector_store %arg8[%swap3A_439, %swap3A_440, %swap3A_441], %swap3A_444 {strides = array<i32>} : memref<25x8x64xf32, #tpu.memory_space<vmem>>, vector<1x1x16xf32>,
        %get3A_445 = arith.constant 0 : i32
        %get3A_446 = arith.index_cast %scan3A_425 : i32 to index
        %get3A_447 = arith.index_cast %get3A_445 : i32 to index
        %get3A_448 = arith.constant 16 : index
        %get3A_449 = tpu.vector_load %arg8[%get3A_446, %get3A_447, %get3A_448] {strides = array<i32>} : memref<25x8x64xf32, #tpu.memory_space<vmem>>, vector<1x1x16xf32>,
        %get3A_450 = vector.shape_cast %get3A_449 : vector<1x1x16xf32> to vector<16xf32>
        %get3A_451 = arith.constant 0 : i32
        %get3A_452 = arith.index_cast %scan3A_425 : i32 to index
        %get3A_453 = arith.index_cast %get3A_451 : i32 to index
        %get3A_454 = arith.constant 16 : index
        %get3A_455 = tpu.vector_load %arg7[%get3A_452, %get3A_453, %get3A_454] {strides = array<i32>} : memref<25x8x64xf32, #tpu.memory_space<vmem>>, vector<1x1x16xf32>,
        %get3A_456 = vector.shape_cast %get3A_455 : vector<1x1x16xf32> to vector<16xf32>
        %add3A_457 = arith.addf %get3A_450, %get3A_456 : vector<16xf32>
        %swap3A_458 = arith.constant 0 : i32
        %swap3A_459 = arith.index_cast %scan3A_425 : i32 to index
        %swap3A_460 = arith.index_cast %swap3A_458 : i32 to index
        %swap3A_461 = arith.constant 16 : index
        %swap3A_462 = tpu.vector_load %arg8[%swap3A_459, %swap3A_460, %swap3A_461] {strides = array<i32>} : memref<25x8x64xf32, #tpu.memory_space<vmem>>, vector<1x1x16xf32>,
        %swap3A_463 = vector.shape_cast %swap3A_462 : vector<1x1x16xf32> to vector<16xf32>
        %swap3A_464 = vector.shape_cast %add3A_457 : vector<16xf32> to vector<1x1x16xf32>
        tpu.vector_store %arg8[%swap3A_459, %swap3A_460, %swap3A_461], %swap3A_464 {strides = array<i32>} : memref<25x8x64xf32, #tpu.memory_space<vmem>>, vector<1x1x16xf32>,
        %get3A_465 = arith.constant 0 : i32
        %get3A_466 = arith.index_cast %scan3A_425 : i32 to index
        %get3A_467 = arith.index_cast %get3A_465 : i32 to index
        %get3A_468 = arith.constant 32 : index
        %get3A_469 = tpu.vector_load %arg8[%get3A_466, %get3A_467, %get3A_468] {strides = array<i32>} : memref<25x8x64xf32, #tpu.memory_space<vmem>>, vector<1x1x16xf32>,
        %get3A_470 = vector.shape_cast %get3A_469 : vector<1x1x16xf32> to vector<16xf32>
        %get3A_471 = arith.constant 0 : i32
        %get3A_472 = arith.index_cast %scan3A_425 : i32 to index
        %get3A_473 = arith.index_cast %get3A_471 : i32 to index
        %get3A_474 = arith.constant 32 : index
        %get3A_475 = tpu.vector_load %arg7[%get3A_472, %get3A_473, %get3A_474] {strides = array<i32>} : memref<25x8x64xf32, #tpu.memory_space<vmem>>, vector<1x1x16xf32>,
        %get3A_476 = vector.shape_cast %get3A_475 : vector<1x1x16xf32> to vector<16xf32>
        %add3A_477 = arith.addf %get3A_470, %get3A_476 : vector<16xf32>
        %swap3A_478 = arith.constant 0 : i32
        %swap3A_479 = arith.index_cast %scan3A_425 : i32 to index
        %swap3A_480 = arith.index_cast %swap3A_478 : i32 to index
        %swap3A_481 = arith.constant 32 : index
        %swap3A_482 = tpu.vector_load %arg8[%swap3A_479, %swap3A_480, %swap3A_481] {strides = array<i32>} : memref<25x8x64xf32, #tpu.memory_space<vmem>>, vector<1x1x16xf32>,
        %swap3A_483 = vector.shape_cast %swap3A_482 : vector<1x1x16xf32> to vector<16xf32>
        %swap3A_484 = vector.shape_cast %add3A_477 : vector<16xf32> to vector<1x1x16xf32>
        tpu.vector_store %arg8[%swap3A_479, %swap3A_480, %swap3A_481], %swap3A_484 {strides = array<i32>} : memref<25x8x64xf32, #tpu.memory_space<vmem>>, vector<1x1x16xf32>,
        %get3A_485 = arith.constant 0 : i32
        %get3A_486 = arith.index_cast %scan3A_425 : i32 to index
        %get3A_487 = arith.index_cast %get3A_485 : i32 to index
        %get3A_488 = arith.constant 48 : index
        %get3A_489 = tpu.vector_load %arg8[%get3A_486, %get3A_487, %get3A_488] {strides = array<i32>} : memref<25x8x64xf32, #tpu.memory_space<vmem>>, vector<1x1x16xf32>,
        %get3A_490 = vector.shape_cast %get3A_489 : vector<1x1x16xf32> to vector<16xf32>
        %get3A_491 = arith.constant 0 : i32
        %get3A_492 = arith.index_cast %scan3A_425 : i32 to index
        %get3A_493 = arith.index_cast %get3A_491 : i32 to index
        %get3A_494 = arith.constant 48 : index
        %get3A_495 = tpu.vector_load %arg7[%get3A_492, %get3A_493, %get3A_494] {strides = array<i32>} : memref<25x8x64xf32, #tpu.memory_space<vmem>>, vector<1x1x16xf32>,
        %get3A_496 = vector.shape_cast %get3A_495 : vector<1x1x16xf32> to vector<16xf32>
        %add3A_497 = arith.addf %get3A_490, %get3A_496 : vector<16xf32>
        %swap3A_498 = arith.constant 0 : i32
        %swap3A_499 = arith.index_cast %scan3A_425 : i32 to index
        %swap3A_500 = arith.index_cast %swap3A_498 : i32 to index
        %swap3A_501 = arith.constant 48 : index
        %swap3A_502 = tpu.vector_load %arg8[%swap3A_499, %swap3A_500, %swap3A_501] {strides = array<i32>} : memref<25x8x64xf32, #tpu.memory_space<vmem>>, vector<1x1x16xf32>,
        %swap3A_503 = vector.shape_cast %swap3A_502 : vector<1x1x16xf32> to vector<16xf32>
        %swap3A_504 = vector.shape_cast %add3A_497 : vector<16xf32> to vector<1x1x16xf32>
        tpu.vector_store %arg8[%swap3A_499, %swap3A_500, %swap3A_501], %swap3A_504 {strides = array<i32>} : memref<25x8x64xf32, #tpu.memory_space<vmem>>, vector<1x1x16xf32>,
        %get3A_505 = arith.constant 1 : i32
        %get3A_506 = arith.index_cast %scan3A_425 : i32 to index
        %get3A_507 = arith.index_cast %get3A_505 : i32 to index
        %get3A_508 = arith.constant 0 : index
        %get3A_509 = tpu.vector_load %arg8[%get3A_506, %get3A_507, %get3A_508] {strides = array<i32>} : memref<25x8x64xf32, #tpu.memory_space<vmem>>, vector<1x1x16xf32>,
        %get3A_510 = vector.shape_cast %get3A_509 : vector<1x1x16xf32> to vector<16xf32>
        %get3A_511 = arith.constant 1 : i32
        %get3A_512 = arith.index_cast %scan3A_425 : i32 to index
        %get3A_513 = arith.index_cast %get3A_511 : i32 to index
        %get3A_514 = arith.constant 0 : index
        %get3A_515 = tpu.vector_load %arg7[%get3A_512, %get3A_513, %get3A_514] {strides = array<i32>} : memref<25x8x64xf32, #tpu.memory_space<vmem>>, vector<1x1x16xf32>,
        %get3A_516 = vector.shape_cast %get3A_515 : vector<1x1x16xf32> to vector<16xf32>
        %add3A_517 = arith.addf %get3A_510, %get3A_516 : vector<16xf32>
        %swap3A_518 = arith.constant 1 : i32
        %swap3A_519 = arith.index_cast %scan3A_425 : i32 to index
        %swap3A_520 = arith.index_cast %swap3A_518 : i32 to index
        %swap3A_521 = arith.constant 0 : index
        %swap3A_522 = tpu.vector_load %arg8[%swap3A_519, %swap3A_520, %swap3A_521] {strides = array<i32>} : memref<25x8x64xf32, #tpu.memory_space<vmem>>, vector<1x1x16xf32>,
        %swap3A_523 = vector.shape_cast %swap3A_522 : vector<1x1x16xf32> to vector<16xf32>
        %swap3A_524 = vector.shape_cast %add3A_517 : vector<16xf32> to vector<1x1x16xf32>
        tpu.vector_store %arg8[%swap3A_519, %swap3A_520, %swap3A_521], %swap3A_524 {strides = array<i32>} : memref<25x8x64xf32, #tpu.memory_space<vmem>>, vector<1x1x16xf32>,
        %get3A_525 = arith.constant 1 : i32
        %get3A_526 = arith.index_cast %scan3A_425 : i32 to index
        %get3A_527 = arith.index_cast %get3A_525 : i32 to index
        %get3A_528 = arith.constant 16 : index
        %get3A_529 = tpu.vector_load %arg8[%get3A_526, %get3A_527, %get3A_528] {strides = array<i32>} : memref<25x8x64xf32, #tpu.memory_space<vmem>>, vector<1x1x16xf32>,
        %get3A_530 = vector.shape_cast %get3A_529 : vector<1x1x16xf32> to vector<16xf32>
        %get3A_531 = arith.constant 1 : i32
        %get3A_532 = arith.index_cast %scan3A_425 : i32 to index
        %get3A_533 = arith.index_cast %get3A_531 : i32 to index
        %get3A_534 = arith.constant 16 : index
        %get3A_535 = tpu.vector_load %arg7[%get3A_532, %get3A_533, %get3A_534] {strides = array<i32>} : memref<25x8x64xf32, #tpu.memory_space<vmem>>, vector<1x1x16xf32>,
        %get3A_536 = vector.shape_cast %get3A_535 : vector<1x1x16xf32> to vector<16xf32>
        %add3A_537 = arith.addf %get3A_530, %get3A_536 : vector<16xf32>
        %swap3A_538 = arith.constant 1 : i32
        %swap3A_539 = arith.index_cast %scan3A_425 : i32 to index
        %swap3A_540 = arith.index_cast %swap3A_538 : i32 to index
        %swap3A_541 = arith.constant 16 : index
        %swap3A_542 = tpu.vector_load %arg8[%swap3A_539, %swap3A_540, %swap3A_541] {strides = array<i32>} : memref<25x8x64xf32, #tpu.memory_space<vmem>>, vector<1x1x16xf32>,
        %swap3A_543 = vector.shape_cast %swap3A_542 : vector<1x1x16xf32> to vector<16xf32>
        %swap3A_544 = vector.shape_cast %add3A_537 : vector<16xf32> to vector<1x1x16xf32>
        tpu.vector_store %arg8[%swap3A_539, %swap3A_540, %swap3A_541], %swap3A_544 {strides = array<i32>} : memref<25x8x64xf32, #tpu.memory_space<vmem>>, vector<1x1x16xf32>,
        %get3A_545 = arith.constant 1 : i32
        %get3A_546 = arith.index_cast %scan3A_425 : i32 to index
        %get3A_547 = arith.index_cast %get3A_545 : i32 to index
        %get3A_548 = arith.constant 32 : index
        %get3A_549 = tpu.vector_load %arg8[%get3A_546, %get3A_547, %get3A_548] {strides = array<i32>} : memref<25x8x64xf32, #tpu.memory_space<vmem>>, vector<1x1x16xf32>,
        %get3A_550 = vector.shape_cast %get3A_549 : vector<1x1x16xf32> to vector<16xf32>
        %get3A_551 = arith.constant 1 : i32
        %get3A_552 = arith.index_cast %scan3A_425 : i32 to index
        %get3A_553 = arith.index_cast %get3A_551 : i32 to index
        %get3A_554 = arith.constant 32 : index
        %get3A_555 = tpu.vector_load %arg7[%get3A_552, %get3A_553, %get3A_554] {strides = array<i32>} : memref<25x8x64xf32, #tpu.memory_space<vmem>>, vector<1x1x16xf32>,
        %get3A_556 = vector.shape_cast %get3A_555 : vector<1x1x16xf32> to vector<16xf32>
        %add3A_557 = arith.addf %get3A_550, %get3A_556 : vector<16xf32>
        %swap3A_558 = arith.constant 1 : i32
        %swap3A_559 = arith.index_cast %scan3A_425 : i32 to index
        %swap3A_560 = arith.index_cast %swap3A_558 : i32 to index
        %swap3A_561 = arith.constant 32 : index
        %swap3A_562 = tpu.vector_load %arg8[%swap3A_559, %swap3A_560, %swap3A_561] {strides = array<i32>} : memref<25x8x64xf32, #tpu.memory_space<vmem>>, vector<1x1x16xf32>,
        %swap3A_563 = vector.shape_cast %swap3A_562 : vector<1x1x16xf32> to vector<16xf32>
        %swap3A_564 = vector.shape_cast %add3A_557 : vector<16xf32> to vector<1x1x16xf32>
        tpu.vector_store %arg8[%swap3A_559, %swap3A_560, %swap3A_561], %swap3A_564 {strides = array<i32>} : memref<25x8x64xf32, #tpu.memory_space<vmem>>, vector<1x1x16xf32>,
        %get3A_565 = arith.constant 1 : i32
        %get3A_566 = arith.index_cast %scan3A_425 : i32 to index
        %get3A_567 = arith.index_cast %get3A_565 : i32 to index
        %get3A_568 = arith.constant 48 : index
        %get3A_569 = tpu.vector_load %arg8[%get3A_566, %get3A_567, %get3A_568] {strides = array<i32>} : memref<25x8x64xf32, #tpu.memory_space<vmem>>, vector<1x1x16xf32>,
        %get3A_570 = vector.shape_cast %get3A_569 : vector<1x1x16xf32> to vector<16xf32>
        %get3A_571 = arith.constant 1 : i32
        %get3A_572 = arith.index_cast %scan3A_425 : i32 to index
        %get3A_573 = arith.index_cast %get3A_571 : i32 to index
        %get3A_574 = arith.constant 48 : index
        %get3A_575 = tpu.vector_load %arg7[%get3A_572, %get3A_573, %get3A_574] {strides = array<i32>} : memref<25x8x64xf32, #tpu.memory_space<vmem>>, vector<1x1x16xf32>,
        %get3A_576 = vector.shape_cast %get3A_575 : vector<1x1x16xf32> to vector<16xf32>
        %add3A_577 = arith.addf %get3A_570, %get3A_576 : vector<16xf32>
        %swap3A_578 = arith.constant 1 : i32
        %swap3A_579 = arith.index_cast %scan3A_425 : i32 to index
        %swap3A_580 = arith.index_cast %swap3A_578 : i32 to index
        %swap3A_581 = arith.constant 48 : index
        %swap3A_582 = tpu.vector_load %arg8[%swap3A_579, %swap3A_580, %swap3A_581] {strides = array<i32>} : memref<25x8x64xf32, #tpu.memory_space<vmem>>, vector<1x1x16xf32>,
        %swap3A_583 = vector.shape_cast %swap3A_582 : vector<1x1x16xf32> to vector<16xf32>
        %swap3A_584 = vector.shape_cast %add3A_577 : vector<16xf32> to vector<1x1x16xf32>
        tpu.vector_store %arg8[%swap3A_579, %swap3A_580, %swap3A_581], %swap3A_584 {strides = array<i32>} : memref<25x8x64xf32, #tpu.memory_space<vmem>>, vector<1x1x16xf32>,
        %get3A_585 = arith.constant 2 : i32
        %get3A_586 = arith.index_cast %scan3A_425 : i32 to index
        %get3A_587 = arith.index_cast %get3A_585 : i32 to index
        %get3A_588 = arith.constant 0 : index
        %get3A_589 = tpu.vector_load %arg8[%get3A_586, %get3A_587, %get3A_588] {strides = array<i32>} : memref<25x8x64xf32, #tpu.memory_space<vmem>>, vector<1x1x16xf32>,
        %get3A_590 = vector.shape_cast %get3A_589 : vector<1x1x16xf32> to vector<16xf32>
        %get3A_591 = arith.constant 2 : i32
        %get3A_592 = arith.index_cast %scan3A_425 : i32 to index
        %get3A_593 = arith.index_cast %get3A_591 : i32 to index
        %get3A_594 = arith.constant 0 : index
        %get3A_595 = tpu.vector_load %arg7[%get3A_592, %get3A_593, %get3A_594] {strides = array<i32>} : memref<25x8x64xf32, #tpu.memory_space<vmem>>, vector<1x1x16xf32>,
        %get3A_596 = vector.shape_cast %get3A_595 : vector<1x1x16xf32> to vector<16xf32>
        %add3A_597 = arith.addf %get3A_590, %get3A_596 : vector<16xf32>
        %swap3A_598 = arith.constant 2 : i32
        %swap3A_599 = arith.index_cast %scan3A_425 : i32 to index
        %swap3A_600 = arith.index_cast %swap3A_598 : i32 to index
        %swap3A_601 = arith.constant 0 : index
        %swap3A_602 = tpu.vector_load %arg8[%swap3A_599, %swap3A_600, %swap3A_601] {strides = array<i32>} : memref<25x8x64xf32, #tpu.memory_space<vmem>>, vector<1x1x16xf32>,
        %swap3A_603 = vector.shape_cast %swap3A_602 : vector<1x1x16xf32> to vector<16xf32>
        %swap3A_604 = vector.shape_cast %add3A_597 : vector<16xf32> to vector<1x1x16xf32>
        tpu.vector_store %arg8[%swap3A_599, %swap3A_600, %swap3A_601], %swap3A_604 {strides = array<i32>} : memref<25x8x64xf32, #tpu.memory_space<vmem>>, vector<1x1x16xf32>,
        %get3A_605 = arith.constant 2 : i32
        %get3A_606 = arith.index_cast %scan3A_425 : i32 to index
        %get3A_607 = arith.index_cast %get3A_605 : i32 to index
        %get3A_608 = arith.constant 16 : index
        %get3A_609 = tpu.vector_load %arg8[%get3A_606, %get3A_607, %get3A_608] {strides = array<i32>} : memref<25x8x64xf32, #tpu.memory_space<vmem>>, vector<1x1x16xf32>,
        %get3A_610 = vector.shape_cast %get3A_609 : vector<1x1x16xf32> to vector<16xf32>
        %get3A_611 = arith.constant 2 : i32
        %get3A_612 = arith.index_cast %scan3A_425 : i32 to index
        %get3A_613 = arith.index_cast %get3A_611 : i32 to index
        %get3A_614 = arith.constant 16 : index
        %get3A_615 = tpu.vector_load %arg7[%get3A_612, %get3A_613, %get3A_614] {strides = array<i32>} : memref<25x8x64xf32, #tpu.memory_space<vmem>>, vector<1x1x16xf32>,
        %get3A_616 = vector.shape_cast %get3A_615 : vector<1x1x16xf32> to vector<16xf32>
        %add3A_617 = arith.addf %get3A_610, %get3A_616 : vector<16xf32>
        %swap3A_618 = arith.constant 2 : i32
        %swap3A_619 = arith.index_cast %scan3A_425 : i32 to index
        %swap3A_620 = arith.index_cast %swap3A_618 : i32 to index
        %swap3A_621 = arith.constant 16 : index
        %swap3A_622 = tpu.vector_load %arg8[%swap3A_619, %swap3A_620, %swap3A_621] {strides = array<i32>} : memref<25x8x64xf32, #tpu.memory_space<vmem>>, vector<1x1x16xf32>,
        %swap3A_623 = vector.shape_cast %swap3A_622 : vector<1x1x16xf32> to vector<16xf32>
        %swap3A_624 = vector.shape_cast %add3A_617 : vector<16xf32> to vector<1x1x16xf32>
        tpu.vector_store %arg8[%swap3A_619, %swap3A_620, %swap3A_621], %swap3A_624 {strides = array<i32>} : memref<25x8x64xf32, #tpu.memory_space<vmem>>, vector<1x1x16xf32>,
        %get3A_625 = arith.constant 2 : i32
        %get3A_626 = arith.index_cast %scan3A_425 : i32 to index
        %get3A_627 = arith.index_cast %get3A_625 : i32 to index
        %get3A_628 = arith.constant 32 : index
        %get3A_629 = tpu.vector_load %arg8[%get3A_626, %get3A_627, %get3A_628] {strides = array<i32>} : memref<25x8x64xf32, #tpu.memory_space<vmem>>, vector<1x1x16xf32>,
        %get3A_630 = vector.shape_cast %get3A_629 : vector<1x1x16xf32> to vector<16xf32>
        %get3A_631 = arith.constant 2 : i32
        %get3A_632 = arith.index_cast %scan3A_425 : i32 to index
        %get3A_633 = arith.index_cast %get3A_631 : i32 to index
        %get3A_634 = arith.constant 32 : index
        %get3A_635 = tpu.vector_load %arg7[%get3A_632, %get3A_633, %get3A_634] {strides = array<i32>} : memref<25x8x64xf32, #tpu.memory_space<vmem>>, vector<1x1x16xf32>,
        %get3A_636 = vector.shape_cast %get3A_635 : vector<1x1x16xf32> to vector<16xf32>
        %add3A_637 = arith.addf %get3A_630, %get3A_636 : vector<16xf32>
        %swap3A_638 = arith.constant 2 : i32
        %swap3A_639 = arith.index_cast %scan3A_425 : i32 to index
        %swap3A_640 = arith.index_cast %swap3A_638 : i32 to index
        %swap3A_641 = arith.constant 32 : index
        %swap3A_642 = tpu.vector_load %arg8[%swap3A_639, %swap3A_640, %swap3A_641] {strides = array<i32>} : memref<25x8x64xf32, #tpu.memory_space<vmem>>, vector<1x1x16xf32>,
        %swap3A_643 = vector.shape_cast %swap3A_642 : vector<1x1x16xf32> to vector<16xf32>
        %swap3A_644 = vector.shape_cast %add3A_637 : vector<16xf32> to vector<1x1x16xf32>
        tpu.vector_store %arg8[%swap3A_639, %swap3A_640, %swap3A_641], %swap3A_644 {strides = array<i32>} : memref<25x8x64xf32, #tpu.memory_space<vmem>>, vector<1x1x16xf32>,
        %get3A_645 = arith.constant 2 : i32
        %get3A_646 = arith.index_cast %scan3A_425 : i32 to index
        %get3A_647 = arith.index_cast %get3A_645 : i32 to index
        %get3A_648 = arith.constant 48 : index
        %get3A_649 = tpu.vector_load %arg8[%get3A_646, %get3A_647, %get3A_648] {strides = array<i32>} : memref<25x8x64xf32, #tpu.memory_space<vmem>>, vector<1x1x16xf32>,
        %get3A_650 = vector.shape_cast %get3A_649 : vector<1x1x16xf32> to vector<16xf32>
        %get3A_651 = arith.constant 2 : i32
        %get3A_652 = arith.index_cast %scan3A_425 : i32 to index
        %get3A_653 = arith.index_cast %get3A_651 : i32 to index
        %get3A_654 = arith.constant 48 : index
        %get3A_655 = tpu.vector_load %arg7[%get3A_652, %get3A_653, %get3A_654] {strides = array<i32>} : memref<25x8x64xf32, #tpu.memory_space<vmem>>, vector<1x1x16xf32>,
        %get3A_656 = vector.shape_cast %get3A_655 : vector<1x1x16xf32> to vector<16xf32>
        %add3A_657 = arith.addf %get3A_650, %get3A_656 : vector<16xf32>
        %swap3A_658 = arith.constant 2 : i32
        %swap3A_659 = arith.index_cast %scan3A_425 : i32 to index
        %swap3A_660 = arith.index_cast %swap3A_658 : i32 to index
        %swap3A_661 = arith.constant 48 : index
        %swap3A_662 = tpu.vector_load %arg8[%swap3A_659, %swap3A_660, %swap3A_661] {strides = array<i32>} : memref<25x8x64xf32, #tpu.memory_space<vmem>>, vector<1x1x16xf32>,
        %swap3A_663 = vector.shape_cast %swap3A_662 : vector<1x1x16xf32> to vector<16xf32>
        %swap3A_664 = vector.shape_cast %add3A_657 : vector<16xf32> to vector<1x1x16xf32>
        tpu.vector_store %arg8[%swap3A_659, %swap3A_660, %swap3A_661], %swap3A_664 {strides = array<i32>} : memref<25x8x64xf32, #tpu.memory_space<vmem>>, vector<1x1x16xf32>,
        %get3A_665 = arith.constant 3 : i32
        %get3A_666 = arith.index_cast %scan3A_425 : i32 to index
        %get3A_667 = arith.index_cast %get3A_665 : i32 to index
        %get3A_668 = arith.constant 0 : index
        %get3A_669 = tpu.vector_load %arg8[%get3A_666, %get3A_667, %get3A_668] {strides = array<i32>} : memref<25x8x64xf32, #tpu.memory_space<vmem>>, vector<1x1x16xf32>,
        %get3A_670 = vector.shape_cast %get3A_669 : vector<1x1x16xf32> to vector<16xf32>
        %get3A_671 = arith.constant 3 : i32
        %get3A_672 = arith.index_cast %scan3A_425 : i32 to index
        %get3A_673 = arith.index_cast %get3A_671 : i32 to index
        %get3A_674 = arith.constant 0 : index
        %get3A_675 = tpu.vector_load %arg7[%get3A_672, %get3A_673, %get3A_674] {strides = array<i32>} : memref<25x8x64xf32, #tpu.memory_space<vmem>>, vector<1x1x16xf32>,
        %get3A_676 = vector.shape_cast %get3A_675 : vector<1x1x16xf32> to vector<16xf32>
        %add3A_677 = arith.addf %get3A_670, %get3A_676 : vector<16xf32>
        %swap3A_678 = arith.constant 3 : i32
        %swap3A_679 = arith.index_cast %scan3A_425 : i32 to index
        %swap3A_680 = arith.index_cast %swap3A_678 : i32 to index
        %swap3A_681 = arith.constant 0 : index
        %swap3A_682 = tpu.vector_load %arg8[%swap3A_679, %swap3A_680, %swap3A_681] {strides = array<i32>} : memref<25x8x64xf32, #tpu.memory_space<vmem>>, vector<1x1x16xf32>,
        %swap3A_683 = vector.shape_cast %swap3A_682 : vector<1x1x16xf32> to vector<16xf32>
        %swap3A_684 = vector.shape_cast %add3A_677 : vector<16xf32> to vector<1x1x16xf32>
        tpu.vector_store %arg8[%swap3A_679, %swap3A_680, %swap3A_681], %swap3A_684 {strides = array<i32>} : memref<25x8x64xf32, #tpu.memory_space<vmem>>, vector<1x1x16xf32>,
        %get3A_685 = arith.constant 3 : i32
        %get3A_686 = arith.index_cast %scan3A_425 : i32 to index
        %get3A_687 = arith.index_cast %get3A_685 : i32 to index
        %get3A_688 = arith.constant 16 : index
        %get3A_689 = tpu.vector_load %arg8[%get3A_686, %get3A_687, %get3A_688] {strides = array<i32>} : memref<25x8x64xf32, #tpu.memory_space<vmem>>, vector<1x1x16xf32>,
        %get3A_690 = vector.shape_cast %get3A_689 : vector<1x1x16xf32> to vector<16xf32>
        %get3A_691 = arith.constant 3 : i32
        %get3A_692 = arith.index_cast %scan3A_425 : i32 to index
        %get3A_693 = arith.index_cast %get3A_691 : i32 to index
        %get3A_694 = arith.constant 16 : index
        %get3A_695 = tpu.vector_load %arg7[%get3A_692, %get3A_693, %get3A_694] {strides = array<i32>} : memref<25x8x64xf32, #tpu.memory_space<vmem>>, vector<1x1x16xf32>,
        %get3A_696 = vector.shape_cast %get3A_695 : vector<1x1x16xf32> to vector<16xf32>
        %add3A_697 = arith.addf %get3A_690, %get3A_696 : vector<16xf32>
        %swap3A_698 = arith.constant 3 : i32
        %swap3A_699 = arith.index_cast %scan3A_425 : i32 to index
        %swap3A_700 = arith.index_cast %swap3A_698 : i32 to index
        %swap3A_701 = arith.constant 16 : index
        %swap3A_702 = tpu.vector_load %arg8[%swap3A_699, %swap3A_700, %swap3A_701] {strides = array<i32>} : memref<25x8x64xf32, #tpu.memory_space<vmem>>, vector<1x1x16xf32>,
        %swap3A_703 = vector.shape_cast %swap3A_702 : vector<1x1x16xf32> to vector<16xf32>
        %swap3A_704 = vector.shape_cast %add3A_697 : vector<16xf32> to vector<1x1x16xf32>
        tpu.vector_store %arg8[%swap3A_699, %swap3A_700, %swap3A_701], %swap3A_704 {strides = array<i32>} : memref<25x8x64xf32, #tpu.memory_space<vmem>>, vector<1x1x16xf32>,
        %get3A_705 = arith.constant 3 : i32
        %get3A_706 = arith.index_cast %scan3A_425 : i32 to index
        %get3A_707 = arith.index_cast %get3A_705 : i32 to index
        %get3A_708 = arith.constant 32 : index
        %get3A_709 = tpu.vector_load %arg8[%get3A_706, %get3A_707, %get3A_708] {strides = array<i32>} : memref<25x8x64xf32, #tpu.memory_space<vmem>>, vector<1x1x16xf32>,
        %get3A_710 = vector.shape_cast %get3A_709 : vector<1x1x16xf32> to vector<16xf32>
        %get3A_711 = arith.constant 3 : i32
        %get3A_712 = arith.index_cast %scan3A_425 : i32 to index
        %get3A_713 = arith.index_cast %get3A_711 : i32 to index
        %get3A_714 = arith.constant 32 : index
        %get3A_715 = tpu.vector_load %arg7[%get3A_712, %get3A_713, %get3A_714] {strides = array<i32>} : memref<25x8x64xf32, #tpu.memory_space<vmem>>, vector<1x1x16xf32>,
        %get3A_716 = vector.shape_cast %get3A_715 : vector<1x1x16xf32> to vector<16xf32>
        %add3A_717 = arith.addf %get3A_710, %get3A_716 : vector<16xf32>
        %swap3A_718 = arith.constant 3 : i32
        %swap3A_719 = arith.index_cast %scan3A_425 : i32 to index
        %swap3A_720 = arith.index_cast %swap3A_718 : i32 to index
        %swap3A_721 = arith.constant 32 : index
        %swap3A_722 = tpu.vector_load %arg8[%swap3A_719, %swap3A_720, %swap3A_721] {strides = array<i32>} : memref<25x8x64xf32, #tpu.memory_space<vmem>>, vector<1x1x16xf32>,
        %swap3A_723 = vector.shape_cast %swap3A_722 : vector<1x1x16xf32> to vector<16xf32>
        %swap3A_724 = vector.shape_cast %add3A_717 : vector<16xf32> to vector<1x1x16xf32>
        tpu.vector_store %arg8[%swap3A_719, %swap3A_720, %swap3A_721], %swap3A_724 {strides = array<i32>} : memref<25x8x64xf32, #tpu.memory_space<vmem>>, vector<1x1x16xf32>,
        %get3A_725 = arith.constant 3 : i32
        %get3A_726 = arith.index_cast %scan3A_425 : i32 to index
        %get3A_727 = arith.index_cast %get3A_725 : i32 to index
        %get3A_728 = arith.constant 48 : index
        %get3A_729 = tpu.vector_load %arg8[%get3A_726, %get3A_727, %get3A_728] {strides = array<i32>} : memref<25x8x64xf32, #tpu.memory_space<vmem>>, vector<1x1x16xf32>,
        %get3A_730 = vector.shape_cast %get3A_729 : vector<1x1x16xf32> to vector<16xf32>
        %get3A_731 = arith.constant 3 : i32
        %get3A_732 = arith.index_cast %scan3A_425 : i32 to index
        %get3A_733 = arith.index_cast %get3A_731 : i32 to index
        %get3A_734 = arith.constant 48 : index
        %get3A_735 = tpu.vector_load %arg7[%get3A_732, %get3A_733, %get3A_734] {strides = array<i32>} : memref<25x8x64xf32, #tpu.memory_space<vmem>>, vector<1x1x16xf32>,
        %get3A_736 = vector.shape_cast %get3A_735 : vector<1x1x16xf32> to vector<16xf32>
        %add3A_737 = arith.addf %get3A_730, %get3A_736 : vector<16xf32>
        %swap3A_738 = arith.constant 3 : i32
        %swap3A_739 = arith.index_cast %scan3A_425 : i32 to index
        %swap3A_740 = arith.index_cast %swap3A_738 : i32 to index
        %swap3A_741 = arith.constant 48 : index
        %swap3A_742 = tpu.vector_load %arg8[%swap3A_739, %swap3A_740, %swap3A_741] {strides = array<i32>} : memref<25x8x64xf32, #tpu.memory_space<vmem>>, vector<1x1x16xf32>,
        %swap3A_743 = vector.shape_cast %swap3A_742 : vector<1x1x16xf32> to vector<16xf32>
        %swap3A_744 = vector.shape_cast %add3A_737 : vector<16xf32> to vector<1x1x16xf32>
        tpu.vector_store %arg8[%swap3A_739, %swap3A_740, %swap3A_741], %swap3A_744 {strides = array<i32>} : memref<25x8x64xf32, #tpu.memory_space<vmem>>, vector<1x1x16xf32>,
        %get3A_745 = arith.constant 4 : i32
        %get3A_746 = arith.index_cast %scan3A_425 : i32 to index
        %get3A_747 = arith.index_cast %get3A_745 : i32 to index
        %get3A_748 = arith.constant 0 : index
        %get3A_749 = tpu.vector_load %arg8[%get3A_746, %get3A_747, %get3A_748] {strides = array<i32>} : memref<25x8x64xf32, #tpu.memory_space<vmem>>, vector<1x1x16xf32>,
        %get3A_750 = vector.shape_cast %get3A_749 : vector<1x1x16xf32> to vector<16xf32>
        %get3A_751 = arith.constant 4 : i32
        %get3A_752 = arith.index_cast %scan3A_425 : i32 to index
        %get3A_753 = arith.index_cast %get3A_751 : i32 to index
        %get3A_754 = arith.constant 0 : index
        %get3A_755 = tpu.vector_load %arg7[%get3A_752, %get3A_753, %get3A_754] {strides = array<i32>} : memref<25x8x64xf32, #tpu.memory_space<vmem>>, vector<1x1x16xf32>,
        %get3A_756 = vector.shape_cast %get3A_755 : vector<1x1x16xf32> to vector<16xf32>
        %add3A_757 = arith.addf %get3A_750, %get3A_756 : vector<16xf32>
        %swap3A_758 = arith.constant 4 : i32
        %swap3A_759 = arith.index_cast %scan3A_425 : i32 to index
        %swap3A_760 = arith.index_cast %swap3A_758 : i32 to index
        %swap3A_761 = arith.constant 0 : index
        %swap3A_762 = tpu.vector_load %arg8[%swap3A_759, %swap3A_760, %swap3A_761] {strides = array<i32>} : memref<25x8x64xf32, #tpu.memory_space<vmem>>, vector<1x1x16xf32>,
        %swap3A_763 = vector.shape_cast %swap3A_762 : vector<1x1x16xf32> to vector<16xf32>
        %swap3A_764 = vector.shape_cast %add3A_757 : vector<16xf32> to vector<1x1x16xf32>
        tpu.vector_store %arg8[%swap3A_759, %swap3A_760, %swap3A_761], %swap3A_764 {strides = array<i32>} : memref<25x8x64xf32, #tpu.memory_space<vmem>>, vector<1x1x16xf32>,
        %get3A_765 = arith.constant 4 : i32
        %get3A_766 = arith.index_cast %scan3A_425 : i32 to index
        %get3A_767 = arith.index_cast %get3A_765 : i32 to index
        %get3A_768 = arith.constant 16 : index
        %get3A_769 = tpu.vector_load %arg8[%get3A_766, %get3A_767, %get3A_768] {strides = array<i32>} : memref<25x8x64xf32, #tpu.memory_space<vmem>>, vector<1x1x16xf32>,
        %get3A_770 = vector.shape_cast %get3A_769 : vector<1x1x16xf32> to vector<16xf32>
        %get3A_771 = arith.constant 4 : i32
        %get3A_772 = arith.index_cast %scan3A_425 : i32 to index
        %get3A_773 = arith.index_cast %get3A_771 : i32 to index
        %get3A_774 = arith.constant 16 : index
        %get3A_775 = tpu.vector_load %arg7[%get3A_772, %get3A_773, %get3A_774] {strides = array<i32>} : memref<25x8x64xf32, #tpu.memory_space<vmem>>, vector<1x1x16xf32>,
        %get3A_776 = vector.shape_cast %get3A_775 : vector<1x1x16xf32> to vector<16xf32>
        %add3A_777 = arith.addf %get3A_770, %get3A_776 : vector<16xf32>
        %swap3A_778 = arith.constant 4 : i32
        %swap3A_779 = arith.index_cast %scan3A_425 : i32 to index
        %swap3A_780 = arith.index_cast %swap3A_778 : i32 to index
        %swap3A_781 = arith.constant 16 : index
        %swap3A_782 = tpu.vector_load %arg8[%swap3A_779, %swap3A_780, %swap3A_781] {strides = array<i32>} : memref<25x8x64xf32, #tpu.memory_space<vmem>>, vector<1x1x16xf32>,
        %swap3A_783 = vector.shape_cast %swap3A_782 : vector<1x1x16xf32> to vector<16xf32>
        %swap3A_784 = vector.shape_cast %add3A_777 : vector<16xf32> to vector<1x1x16xf32>
        tpu.vector_store %arg8[%swap3A_779, %swap3A_780, %swap3A_781], %swap3A_784 {strides = array<i32>} : memref<25x8x64xf32, #tpu.memory_space<vmem>>, vector<1x1x16xf32>,
        %get3A_785 = arith.constant 4 : i32
        %get3A_786 = arith.index_cast %scan3A_425 : i32 to index
        %get3A_787 = arith.index_cast %get3A_785 : i32 to index
        %get3A_788 = arith.constant 32 : index
        %get3A_789 = tpu.vector_load %arg8[%get3A_786, %get3A_787, %get3A_788] {strides = array<i32>} : memref<25x8x64xf32, #tpu.memory_space<vmem>>, vector<1x1x16xf32>,
        %get3A_790 = vector.shape_cast %get3A_789 : vector<1x1x16xf32> to vector<16xf32>
        %get3A_791 = arith.constant 4 : i32
        %get3A_792 = arith.index_cast %scan3A_425 : i32 to index
        %get3A_793 = arith.index_cast %get3A_791 : i32 to index
        %get3A_794 = arith.constant 32 : index
        %get3A_795 = tpu.vector_load %arg7[%get3A_792, %get3A_793, %get3A_794] {strides = array<i32>} : memref<25x8x64xf32, #tpu.memory_space<vmem>>, vector<1x1x16xf32>,
        %get3A_796 = vector.shape_cast %get3A_795 : vector<1x1x16xf32> to vector<16xf32>
        %add3A_797 = arith.addf %get3A_790, %get3A_796 : vector<16xf32>
        %swap3A_798 = arith.constant 4 : i32
        %swap3A_799 = arith.index_cast %scan3A_425 : i32 to index
        %swap3A_800 = arith.index_cast %swap3A_798 : i32 to index
        %swap3A_801 = arith.constant 32 : index
        %swap3A_802 = tpu.vector_load %arg8[%swap3A_799, %swap3A_800, %swap3A_801] {strides = array<i32>} : memref<25x8x64xf32, #tpu.memory_space<vmem>>, vector<1x1x16xf32>,
        %swap3A_803 = vector.shape_cast %swap3A_802 : vector<1x1x16xf32> to vector<16xf32>
        %swap3A_804 = vector.shape_cast %add3A_797 : vector<16xf32> to vector<1x1x16xf32>
        tpu.vector_store %arg8[%swap3A_799, %swap3A_800, %swap3A_801], %swap3A_804 {strides = array<i32>} : memref<25x8x64xf32, #tpu.memory_space<vmem>>, vector<1x1x16xf32>,
        %get3A_805 = arith.constant 4 : i32
        %get3A_806 = arith.index_cast %scan3A_425 : i32 to index
        %get3A_807 = arith.index_cast %get3A_805 : i32 to index
        %get3A_808 = arith.constant 48 : index
        %get3A_809 = tpu.vector_load %arg8[%get3A_806, %get3A_807, %get3A_808] {strides = array<i32>} : memref<25x8x64xf32, #tpu.memory_space<vmem>>, vector<1x1x16xf32>,
        %get3A_810 = vector.shape_cast %get3A_809 : vector<1x1x16xf32> to vector<16xf32>
        %get3A_811 = arith.constant 4 : i32
        %get3A_812 = arith.index_cast %scan3A_425 : i32 to index
        %get3A_813 = arith.index_cast %get3A_811 : i32 to index
        %get3A_814 = arith.constant 48 : index
        %get3A_815 = tpu.vector_load %arg7[%get3A_812, %get3A_813, %get3A_814] {strides = array<i32>} : memref<25x8x64xf32, #tpu.memory_space<vmem>>, vector<1x1x16xf32>,
        %get3A_816 = vector.shape_cast %get3A_815 : vector<1x1x16xf32> to vector<16xf32>
        %add3A_817 = arith.addf %get3A_810, %get3A_816 : vector<16xf32>
        %swap3A_818 = arith.constant 4 : i32
        %swap3A_819 = arith.index_cast %scan3A_425 : i32 to index
        %swap3A_820 = arith.index_cast %swap3A_818 : i32 to index
        %swap3A_821 = arith.constant 48 : index
        %swap3A_822 = tpu.vector_load %arg8[%swap3A_819, %swap3A_820, %swap3A_821] {strides = array<i32>} : memref<25x8x64xf32, #tpu.memory_space<vmem>>, vector<1x1x16xf32>,
        %swap3A_823 = vector.shape_cast %swap3A_822 : vector<1x1x16xf32> to vector<16xf32>
        %swap3A_824 = vector.shape_cast %add3A_817 : vector<16xf32> to vector<1x1x16xf32>
        tpu.vector_store %arg8[%swap3A_819, %swap3A_820, %swap3A_821], %swap3A_824 {strides = array<i32>} : memref<25x8x64xf32, #tpu.memory_space<vmem>>, vector<1x1x16xf32>,
        %get3A_825 = arith.constant 5 : i32
        %get3A_826 = arith.index_cast %scan3A_425 : i32 to index
        %get3A_827 = arith.index_cast %get3A_825 : i32 to index
        %get3A_828 = arith.constant 0 : index
        %get3A_829 = tpu.vector_load %arg8[%get3A_826, %get3A_827, %get3A_828] {strides = array<i32>} : memref<25x8x64xf32, #tpu.memory_space<vmem>>, vector<1x1x16xf32>,
        %get3A_830 = vector.shape_cast %get3A_829 : vector<1x1x16xf32> to vector<16xf32>
        %get3A_831 = arith.constant 5 : i32
        %get3A_832 = arith.index_cast %scan3A_425 : i32 to index
        %get3A_833 = arith.index_cast %get3A_831 : i32 to index
        %get3A_834 = arith.constant 0 : index
        %get3A_835 = tpu.vector_load %arg7[%get3A_832, %get3A_833, %get3A_834] {strides = array<i32>} : memref<25x8x64xf32, #tpu.memory_space<vmem>>, vector<1x1x16xf32>,
        %get3A_836 = vector.shape_cast %get3A_835 : vector<1x1x16xf32> to vector<16xf32>
        %add3A_837 = arith.addf %get3A_830, %get3A_836 : vector<16xf32>
        %swap3A_838 = arith.constant 5 : i32
        %swap3A_839 = arith.index_cast %scan3A_425 : i32 to index
        %swap3A_840 = arith.index_cast %swap3A_838 : i32 to index
        %swap3A_841 = arith.constant 0 : index
        %swap3A_842 = tpu.vector_load %arg8[%swap3A_839, %swap3A_840, %swap3A_841] {strides = array<i32>} : memref<25x8x64xf32, #tpu.memory_space<vmem>>, vector<1x1x16xf32>,
        %swap3A_843 = vector.shape_cast %swap3A_842 : vector<1x1x16xf32> to vector<16xf32>
        %swap3A_844 = vector.shape_cast %add3A_837 : vector<16xf32> to vector<1x1x16xf32>
        tpu.vector_store %arg8[%swap3A_839, %swap3A_840, %swap3A_841], %swap3A_844 {strides = array<i32>} : memref<25x8x64xf32, #tpu.memory_space<vmem>>, vector<1x1x16xf32>,
        %get3A_845 = arith.constant 5 : i32
        %get3A_846 = arith.index_cast %scan3A_425 : i32 to index
        %get3A_847 = arith.index_cast %get3A_845 : i32 to index
        %get3A_848 = arith.constant 16 : index
        %get3A_849 = tpu.vector_load %arg8[%get3A_846, %get3A_847, %get3A_848] {strides = array<i32>} : memref<25x8x64xf32, #tpu.memory_space<vmem>>, vector<1x1x16xf32>,
        %get3A_850 = vector.shape_cast %get3A_849 : vector<1x1x16xf32> to vector<16xf32>
        %get3A_851 = arith.constant 5 : i32
        %get3A_852 = arith.index_cast %scan3A_425 : i32 to index
        %get3A_853 = arith.index_cast %get3A_851 : i32 to index
        %get3A_854 = arith.constant 16 : index
        %get3A_855 = tpu.vector_load %arg7[%get3A_852, %get3A_853, %get3A_854] {strides = array<i32>} : memref<25x8x64xf32, #tpu.memory_space<vmem>>, vector<1x1x16xf32>,
        %get3A_856 = vector.shape_cast %get3A_855 : vector<1x1x16xf32> to vector<16xf32>
        %add3A_857 = arith.addf %get3A_850, %get3A_856 : vector<16xf32>
        %swap3A_858 = arith.constant 5 : i32
        %swap3A_859 = arith.index_cast %scan3A_425 : i32 to index
        %swap3A_860 = arith.index_cast %swap3A_858 : i32 to index
        %swap3A_861 = arith.constant 16 : index
        %swap3A_862 = tpu.vector_load %arg8[%swap3A_859, %swap3A_860, %swap3A_861] {strides = array<i32>} : memref<25x8x64xf32, #tpu.memory_space<vmem>>, vector<1x1x16xf32>,
        %swap3A_863 = vector.shape_cast %swap3A_862 : vector<1x1x16xf32> to vector<16xf32>
        %swap3A_864 = vector.shape_cast %add3A_857 : vector<16xf32> to vector<1x1x16xf32>
        tpu.vector_store %arg8[%swap3A_859, %swap3A_860, %swap3A_861], %swap3A_864 {strides = array<i32>} : memref<25x8x64xf32, #tpu.memory_space<vmem>>, vector<1x1x16xf32>,
        %get3A_865 = arith.constant 5 : i32
        %get3A_866 = arith.index_cast %scan3A_425 : i32 to index
        %get3A_867 = arith.index_cast %get3A_865 : i32 to index
        %get3A_868 = arith.constant 32 : index
        %get3A_869 = tpu.vector_load %arg8[%get3A_866, %get3A_867, %get3A_868] {strides = array<i32>} : memref<25x8x64xf32, #tpu.memory_space<vmem>>, vector<1x1x16xf32>,
        %get3A_870 = vector.shape_cast %get3A_869 : vector<1x1x16xf32> to vector<16xf32>
        %get3A_871 = arith.constant 5 : i32
        %get3A_872 = arith.index_cast %scan3A_425 : i32 to index
        %get3A_873 = arith.index_cast %get3A_871 : i32 to index
        %get3A_874 = arith.constant 32 : index
        %get3A_875 = tpu.vector_load %arg7[%get3A_872, %get3A_873, %get3A_874] {strides = array<i32>} : memref<25x8x64xf32, #tpu.memory_space<vmem>>, vector<1x1x16xf32>,
        %get3A_876 = vector.shape_cast %get3A_875 : vector<1x1x16xf32> to vector<16xf32>
        %add3A_877 = arith.addf %get3A_870, %get3A_876 : vector<16xf32>
        %swap3A_878 = arith.constant 5 : i32
        %swap3A_879 = arith.index_cast %scan3A_425 : i32 to index
        %swap3A_880 = arith.index_cast %swap3A_878 : i32 to index
        %swap3A_881 = arith.constant 32 : index
        %swap3A_882 = tpu.vector_load %arg8[%swap3A_879, %swap3A_880, %swap3A_881] {strides = array<i32>} : memref<25x8x64xf32, #tpu.memory_space<vmem>>, vector<1x1x16xf32>,
        %swap3A_883 = vector.shape_cast %swap3A_882 : vector<1x1x16xf32> to vector<16xf32>
        %swap3A_884 = vector.shape_cast %add3A_877 : vector<16xf32> to vector<1x1x16xf32>
        tpu.vector_store %arg8[%swap3A_879, %swap3A_880, %swap3A_881], %swap3A_884 {strides = array<i32>} : memref<25x8x64xf32, #tpu.memory_space<vmem>>, vector<1x1x16xf32>,
        %get3A_885 = arith.constant 5 : i32
        %get3A_886 = arith.index_cast %scan3A_425 : i32 to index
        %get3A_887 = arith.index_cast %get3A_885 : i32 to index
        %get3A_888 = arith.constant 48 : index
        %get3A_889 = tpu.vector_load %arg8[%get3A_886, %get3A_887, %get3A_888] {strides = array<i32>} : memref<25x8x64xf32, #tpu.memory_space<vmem>>, vector<1x1x16xf32>,
        %get3A_890 = vector.shape_cast %get3A_889 : vector<1x1x16xf32> to vector<16xf32>
        %get3A_891 = arith.constant 5 : i32
        %get3A_892 = arith.index_cast %scan3A_425 : i32 to index
        %get3A_893 = arith.index_cast %get3A_891 : i32 to index
        %get3A_894 = arith.constant 48 : index
        %get3A_895 = tpu.vector_load %arg7[%get3A_892, %get3A_893, %get3A_894] {strides = array<i32>} : memref<25x8x64xf32, #tpu.memory_space<vmem>>, vector<1x1x16xf32>,
        %get3A_896 = vector.shape_cast %get3A_895 : vector<1x1x16xf32> to vector<16xf32>
        %add3A_897 = arith.addf %get3A_890, %get3A_896 : vector<16xf32>
        %swap3A_898 = arith.constant 5 : i32
        %swap3A_899 = arith.index_cast %scan3A_425 : i32 to index
        %swap3A_900 = arith.index_cast %swap3A_898 : i32 to index
        %swap3A_901 = arith.constant 48 : index
        %swap3A_902 = tpu.vector_load %arg8[%swap3A_899, %swap3A_900, %swap3A_901] {strides = array<i32>} : memref<25x8x64xf32, #tpu.memory_space<vmem>>, vector<1x1x16xf32>,
        %swap3A_903 = vector.shape_cast %swap3A_902 : vector<1x1x16xf32> to vector<16xf32>
        %swap3A_904 = vector.shape_cast %add3A_897 : vector<16xf32> to vector<1x1x16xf32>
        tpu.vector_store %arg8[%swap3A_899, %swap3A_900, %swap3A_901], %swap3A_904 {strides = array<i32>} : memref<25x8x64xf32, #tpu.memory_space<vmem>>, vector<1x1x16xf32>,
        %get3A_905 = arith.constant 6 : i32
        %get3A_906 = arith.index_cast %scan3A_425 : i32 to index
        %get3A_907 = arith.index_cast %get3A_905 : i32 to index
        %get3A_908 = arith.constant 0 : index
        %get3A_909 = tpu.vector_load %arg8[%get3A_906, %get3A_907, %get3A_908] {strides = array<i32>} : memref<25x8x64xf32, #tpu.memory_space<vmem>>, vector<1x1x16xf32>,
        %get3A_910 = vector.shape_cast %get3A_909 : vector<1x1x16xf32> to vector<16xf32>
        %get3A_911 = arith.constant 6 : i32
        %get3A_912 = arith.index_cast %scan3A_425 : i32 to index
        %get3A_913 = arith.index_cast %get3A_911 : i32 to index
        %get3A_914 = arith.constant 0 : index
        %get3A_915 = tpu.vector_load %arg7[%get3A_912, %get3A_913, %get3A_914] {strides = array<i32>} : memref<25x8x64xf32, #tpu.memory_space<vmem>>, vector<1x1x16xf32>,
        %get3A_916 = vector.shape_cast %get3A_915 : vector<1x1x16xf32> to vector<16xf32>
        %add3A_917 = arith.addf %get3A_910, %get3A_916 : vector<16xf32>
        %swap3A_918 = arith.constant 6 : i32
        %swap3A_919 = arith.index_cast %scan3A_425 : i32 to index
        %swap3A_920 = arith.index_cast %swap3A_918 : i32 to index
        %swap3A_921 = arith.constant 0 : index
        %swap3A_922 = tpu.vector_load %arg8[%swap3A_919, %swap3A_920, %swap3A_921] {strides = array<i32>} : memref<25x8x64xf32, #tpu.memory_space<vmem>>, vector<1x1x16xf32>,
        %swap3A_923 = vector.shape_cast %swap3A_922 : vector<1x1x16xf32> to vector<16xf32>
        %swap3A_924 = vector.shape_cast %add3A_917 : vector<16xf32> to vector<1x1x16xf32>
        tpu.vector_store %arg8[%swap3A_919, %swap3A_920, %swap3A_921], %swap3A_924 {strides = array<i32>} : memref<25x8x64xf32, #tpu.memory_space<vmem>>, vector<1x1x16xf32>,
        %get3A_925 = arith.constant 6 : i32
        %get3A_926 = arith.index_cast %scan3A_425 : i32 to index
        %get3A_927 = arith.index_cast %get3A_925 : i32 to index
        %get3A_928 = arith.constant 16 : index
        %get3A_929 = tpu.vector_load %arg8[%get3A_926, %get3A_927, %get3A_928] {strides = array<i32>} : memref<25x8x64xf32, #tpu.memory_space<vmem>>, vector<1x1x16xf32>,
        %get3A_930 = vector.shape_cast %get3A_929 : vector<1x1x16xf32> to vector<16xf32>
        %get3A_931 = arith.constant 6 : i32
        %get3A_932 = arith.index_cast %scan3A_425 : i32 to index
        %get3A_933 = arith.index_cast %get3A_931 : i32 to index
        %get3A_934 = arith.constant 16 : index
        %get3A_935 = tpu.vector_load %arg7[%get3A_932, %get3A_933, %get3A_934] {strides = array<i32>} : memref<25x8x64xf32, #tpu.memory_space<vmem>>, vector<1x1x16xf32>,
        %get3A_936 = vector.shape_cast %get3A_935 : vector<1x1x16xf32> to vector<16xf32>
        %add3A_937 = arith.addf %get3A_930, %get3A_936 : vector<16xf32>
        %swap3A_938 = arith.constant 6 : i32
        %swap3A_939 = arith.index_cast %scan3A_425 : i32 to index
        %swap3A_940 = arith.index_cast %swap3A_938 : i32 to index
        %swap3A_941 = arith.constant 16 : index
        %swap3A_942 = tpu.vector_load %arg8[%swap3A_939, %swap3A_940, %swap3A_941] {strides = array<i32>} : memref<25x8x64xf32, #tpu.memory_space<vmem>>, vector<1x1x16xf32>,
        %swap3A_943 = vector.shape_cast %swap3A_942 : vector<1x1x16xf32> to vector<16xf32>
        %swap3A_944 = vector.shape_cast %add3A_937 : vector<16xf32> to vector<1x1x16xf32>
        tpu.vector_store %arg8[%swap3A_939, %swap3A_940, %swap3A_941], %swap3A_944 {strides = array<i32>} : memref<25x8x64xf32, #tpu.memory_space<vmem>>, vector<1x1x16xf32>,
        %get3A_945 = arith.constant 6 : i32
        %get3A_946 = arith.index_cast %scan3A_425 : i32 to index
        %get3A_947 = arith.index_cast %get3A_945 : i32 to index
        %get3A_948 = arith.constant 32 : index
        %get3A_949 = tpu.vector_load %arg8[%get3A_946, %get3A_947, %get3A_948] {strides = array<i32>} : memref<25x8x64xf32, #tpu.memory_space<vmem>>, vector<1x1x16xf32>,
        %get3A_950 = vector.shape_cast %get3A_949 : vector<1x1x16xf32> to vector<16xf32>
        %get3A_951 = arith.constant 6 : i32
        %get3A_952 = arith.index_cast %scan3A_425 : i32 to index
        %get3A_953 = arith.index_cast %get3A_951 : i32 to index
        %get3A_954 = arith.constant 32 : index
        %get3A_955 = tpu.vector_load %arg7[%get3A_952, %get3A_953, %get3A_954] {strides = array<i32>} : memref<25x8x64xf32, #tpu.memory_space<vmem>>, vector<1x1x16xf32>,
        %get3A_956 = vector.shape_cast %get3A_955 : vector<1x1x16xf32> to vector<16xf32>
        %add3A_957 = arith.addf %get3A_950, %get3A_956 : vector<16xf32>
        %swap3A_958 = arith.constant 6 : i32
        %swap3A_959 = arith.index_cast %scan3A_425 : i32 to index
        %swap3A_960 = arith.index_cast %swap3A_958 : i32 to index
        %swap3A_961 = arith.constant 32 : index
        %swap3A_962 = tpu.vector_load %arg8[%swap3A_959, %swap3A_960, %swap3A_961] {strides = array<i32>} : memref<25x8x64xf32, #tpu.memory_space<vmem>>, vector<1x1x16xf32>,
        %swap3A_963 = vector.shape_cast %swap3A_962 : vector<1x1x16xf32> to vector<16xf32>
        %swap3A_964 = vector.shape_cast %add3A_957 : vector<16xf32> to vector<1x1x16xf32>
        tpu.vector_store %arg8[%swap3A_959, %swap3A_960, %swap3A_961], %swap3A_964 {strides = array<i32>} : memref<25x8x64xf32, #tpu.memory_space<vmem>>, vector<1x1x16xf32>,
        %get3A_965 = arith.constant 6 : i32
        %get3A_966 = arith.index_cast %scan3A_425 : i32 to index
        %get3A_967 = arith.index_cast %get3A_965 : i32 to index
        %get3A_968 = arith.constant 48 : index
        %get3A_969 = tpu.vector_load %arg8[%get3A_966, %get3A_967, %get3A_968] {strides = array<i32>} : memref<25x8x64xf32, #tpu.memory_space<vmem>>, vector<1x1x16xf32>,
        %get3A_970 = vector.shape_cast %get3A_969 : vector<1x1x16xf32> to vector<16xf32>
        %get3A_971 = arith.constant 6 : i32
        %get3A_972 = arith.index_cast %scan3A_425 : i32 to index
        %get3A_973 = arith.index_cast %get3A_971 : i32 to index
        %get3A_974 = arith.constant 48 : index
        %get3A_975 = tpu.vector_load %arg7[%get3A_972, %get3A_973, %get3A_974] {strides = array<i32>} : memref<25x8x64xf32, #tpu.memory_space<vmem>>, vector<1x1x16xf32>,
        %get3A_976 = vector.shape_cast %get3A_975 : vector<1x1x16xf32> to vector<16xf32>
        %add3A_977 = arith.addf %get3A_970, %get3A_976 : vector<16xf32>
        %swap3A_978 = arith.constant 6 : i32
        %swap3A_979 = arith.index_cast %scan3A_425 : i32 to index
        %swap3A_980 = arith.index_cast %swap3A_978 : i32 to index
        %swap3A_981 = arith.constant 48 : index
        %swap3A_982 = tpu.vector_load %arg8[%swap3A_979, %swap3A_980, %swap3A_981] {strides = array<i32>} : memref<25x8x64xf32, #tpu.memory_space<vmem>>, vector<1x1x16xf32>,
        %swap3A_983 = vector.shape_cast %swap3A_982 : vector<1x1x16xf32> to vector<16xf32>
        %swap3A_984 = vector.shape_cast %add3A_977 : vector<16xf32> to vector<1x1x16xf32>
        tpu.vector_store %arg8[%swap3A_979, %swap3A_980, %swap3A_981], %swap3A_984 {strides = array<i32>} : memref<25x8x64xf32, #tpu.memory_space<vmem>>, vector<1x1x16xf32>,
        %get3A_985 = arith.constant 7 : i32
        %get3A_986 = arith.index_cast %scan3A_425 : i32 to index
        %get3A_987 = arith.index_cast %get3A_985 : i32 to index
        %get3A_988 = arith.constant 0 : index
        %get3A_989 = tpu.vector_load %arg8[%get3A_986, %get3A_987, %get3A_988] {strides = array<i32>} : memref<25x8x64xf32, #tpu.memory_space<vmem>>, vector<1x1x16xf32>,
        %get3A_990 = vector.shape_cast %get3A_989 : vector<1x1x16xf32> to vector<16xf32>
        %get3A_991 = arith.constant 7 : i32
        %get3A_992 = arith.index_cast %scan3A_425 : i32 to index
        %get3A_993 = arith.index_cast %get3A_991 : i32 to index
        %get3A_994 = arith.constant 0 : index
        %get3A_995 = tpu.vector_load %arg7[%get3A_992, %get3A_993, %get3A_994] {strides = array<i32>} : memref<25x8x64xf32, #tpu.memory_space<vmem>>, vector<1x1x16xf32>,
        %get3A_996 = vector.shape_cast %get3A_995 : vector<1x1x16xf32> to vector<16xf32>
        %add3A_997 = arith.addf %get3A_990, %get3A_996 : vector<16xf32>
        %swap3A_998 = arith.constant 7 : i32
        %swap3A_999 = arith.index_cast %scan3A_425 : i32 to index
        %swap3A_1000 = arith.index_cast %swap3A_998 : i32 to index
        %swap3A_1001 = arith.constant 0 : index
        %swap3A_1002 = tpu.vector_load %arg8[%swap3A_999, %swap3A_1000, %swap3A_1001] {strides = array<i32>} : memref<25x8x64xf32, #tpu.memory_space<vmem>>, vector<1x1x16xf32>,
        %swap3A_1003 = vector.shape_cast %swap3A_1002 : vector<1x1x16xf32> to vector<16xf32>
        %swap3A_1004 = vector.shape_cast %add3A_997 : vector<16xf32> to vector<1x1x16xf32>
        tpu.vector_store %arg8[%swap3A_999, %swap3A_1000, %swap3A_1001], %swap3A_1004 {strides = array<i32>} : memref<25x8x64xf32, #tpu.memory_space<vmem>>, vector<1x1x16xf32>,
        %get3A_1005 = arith.constant 7 : i32
        %get3A_1006 = arith.index_cast %scan3A_425 : i32 to index
        %get3A_1007 = arith.index_cast %get3A_1005 : i32 to index
        %get3A_1008 = arith.constant 16 : index
        %get3A_1009 = tpu.vector_load %arg8[%get3A_1006, %get3A_1007, %get3A_1008] {strides = array<i32>} : memref<25x8x64xf32, #tpu.memory_space<vmem>>, vector<1x1x16xf32>,
        %get3A_1010 = vector.shape_cast %get3A_1009 : vector<1x1x16xf32> to vector<16xf32>
        %get3A_1011 = arith.constant 7 : i32
        %get3A_1012 = arith.index_cast %scan3A_425 : i32 to index
        %get3A_1013 = arith.index_cast %get3A_1011 : i32 to index
        %get3A_1014 = arith.constant 16 : index
        %get3A_1015 = tpu.vector_load %arg7[%get3A_1012, %get3A_1013, %get3A_1014] {strides = array<i32>} : memref<25x8x64xf32, #tpu.memory_space<vmem>>, vector<1x1x16xf32>,
        %get3A_1016 = vector.shape_cast %get3A_1015 : vector<1x1x16xf32> to vector<16xf32>
        %add3A_1017 = arith.addf %get3A_1010, %get3A_1016 : vector<16xf32>
        %swap3A_1018 = arith.constant 7 : i32
        %swap3A_1019 = arith.index_cast %scan3A_425 : i32 to index
        %swap3A_1020 = arith.index_cast %swap3A_1018 : i32 to index
        %swap3A_1021 = arith.constant 16 : index
        %swap3A_1022 = tpu.vector_load %arg8[%swap3A_1019, %swap3A_1020, %swap3A_1021] {strides = array<i32>} : memref<25x8x64xf32, #tpu.memory_space<vmem>>, vector<1x1x16xf32>,
        %swap3A_1023 = vector.shape_cast %swap3A_1022 : vector<1x1x16xf32> to vector<16xf32>
        %swap3A_1024 = vector.shape_cast %add3A_1017 : vector<16xf32> to vector<1x1x16xf32>
        tpu.vector_store %arg8[%swap3A_1019, %swap3A_1020, %swap3A_1021], %swap3A_1024 {strides = array<i32>} : memref<25x8x64xf32, #tpu.memory_space<vmem>>, vector<1x1x16xf32>,
        %get3A_1025 = arith.constant 7 : i32
        %get3A_1026 = arith.index_cast %scan3A_425 : i32 to index
        %get3A_1027 = arith.index_cast %get3A_1025 : i32 to index
        %get3A_1028 = arith.constant 32 : index
        %get3A_1029 = tpu.vector_load %arg8[%get3A_1026, %get3A_1027, %get3A_1028] {strides = array<i32>} : memref<25x8x64xf32, #tpu.memory_space<vmem>>, vector<1x1x16xf32>,
        %get3A_1030 = vector.shape_cast %get3A_1029 : vector<1x1x16xf32> to vector<16xf32>
        %get3A_1031 = arith.constant 7 : i32
        %get3A_1032 = arith.index_cast %scan3A_425 : i32 to index
        %get3A_1033 = arith.index_cast %get3A_1031 : i32 to index
        %get3A_1034 = arith.constant 32 : index
        %get3A_1035 = tpu.vector_load %arg7[%get3A_1032, %get3A_1033, %get3A_1034] {strides = array<i32>} : memref<25x8x64xf32, #tpu.memory_space<vmem>>, vector<1x1x16xf32>,
        %get3A_1036 = vector.shape_cast %get3A_1035 : vector<1x1x16xf32> to vector<16xf32>
        %add3A_1037 = arith.addf %get3A_1030, %get3A_1036 : vector<16xf32>
        %swap3A_1038 = arith.constant 7 : i32
        %swap3A_1039 = arith.index_cast %scan3A_425 : i32 to index
        %swap3A_1040 = arith.index_cast %swap3A_1038 : i32 to index
        %swap3A_1041 = arith.constant 32 : index
        %swap3A_1042 = tpu.vector_load %arg8[%swap3A_1039, %swap3A_1040, %swap3A_1041] {strides = array<i32>} : memref<25x8x64xf32, #tpu.memory_space<vmem>>, vector<1x1x16xf32>,
        %swap3A_1043 = vector.shape_cast %swap3A_1042 : vector<1x1x16xf32> to vector<16xf32>
        %swap3A_1044 = vector.shape_cast %add3A_1037 : vector<16xf32> to vector<1x1x16xf32>
        tpu.vector_store %arg8[%swap3A_1039, %swap3A_1040, %swap3A_1041], %swap3A_1044 {strides = array<i32>} : memref<25x8x64xf32, #tpu.memory_space<vmem>>, vector<1x1x16xf32>,
        %get3A_1045 = arith.constant 7 : i32
        %get3A_1046 = arith.index_cast %scan3A_425 : i32 to index
        %get3A_1047 = arith.index_cast %get3A_1045 : i32 to index
        %get3A_1048 = arith.constant 48 : index
        %get3A_1049 = tpu.vector_load %arg8[%get3A_1046, %get3A_1047, %get3A_1048] {strides = array<i32>} : memref<25x8x64xf32, #tpu.memory_space<vmem>>, vector<1x1x16xf32>,
        %get3A_1050 = vector.shape_cast %get3A_1049 : vector<1x1x16xf32> to vector<16xf32>
        %get3A_1051 = arith.constant 7 : i32
        %get3A_1052 = arith.index_cast %scan3A_425 : i32 to index
        %get3A_1053 = arith.index_cast %get3A_1051 : i32 to index
        %get3A_1054 = arith.constant 48 : index
        %get3A_1055 = tpu.vector_load %arg7[%get3A_1052, %get3A_1053, %get3A_1054] {strides = array<i32>} : memref<25x8x64xf32, #tpu.memory_space<vmem>>, vector<1x1x16xf32>,
        %get3A_1056 = vector.shape_cast %get3A_1055 : vector<1x1x16xf32> to vector<16xf32>
        %add3A_1057 = arith.addf %get3A_1050, %get3A_1056 : vector<16xf32>
        %swap3A_1058 = arith.constant 7 : i32
        %swap3A_1059 = arith.index_cast %scan3A_425 : i32 to index
        %swap3A_1060 = arith.index_cast %swap3A_1058 : i32 to index
        %swap3A_1061 = arith.constant 48 : index
        %swap3A_1062 = tpu.vector_load %arg8[%swap3A_1059, %swap3A_1060, %swap3A_1061] {strides = array<i32>} : memref<25x8x64xf32, #tpu.memory_space<vmem>>, vector<1x1x16xf32>,
        %swap3A_1063 = vector.shape_cast %swap3A_1062 : vector<1x1x16xf32> to vector<16xf32>
        %swap3A_1064 = vector.shape_cast %add3A_1057 : vector<16xf32> to vector<1x1x16xf32>
        tpu.vector_store %arg8[%swap3A_1059, %swap3A_1060, %swap3A_1061], %swap3A_1064 {strides = array<i32>} : memref<25x8x64xf32, #tpu.memory_space<vmem>>, vector<1x1x16xf32>,
      }
      %scan3A_355 = arith.constant 25 : i32
      %mul3A_356 = arith.constant 800 : i32
      %mul3A_357 = arith.muli %add3A, %mul3A_356 : i32
      %mul3A_358 = arith.constant 25 : i32
      %mul3A_359 = arith.muli %mul3A_342, %mul3A_358 : i32
      %add3A_360 = arith.addi %mul3A_357, %mul3A_359 : i32
      %dma_start3A_361 = arith.constant 0 : i32
      %dma_start3A_362 = arith.constant 0 : i32
      %dma_start3A_363 = tpu.memref_slice %arg5[%add3A_360, %dma_start3A_361, %dma_start3A_362] : memref<25600x8x64xf32, #tpu.memory_space<hbm>> -> memref<25x8x64xf32, #tpu.memory_space<hbm>>
      %dma_start3A_364 = arith.constant 0 : i32
      %dma_start3A_365 = arith.constant 0 : i32
      %dma_start3A_366 = tpu.memref_slice %arg5[%add3A_360, %dma_start3A_364, %dma_start3A_365] : memref<25600x8x64xf32, #tpu.memory_space<hbm>> -> memref<25x8x64xf32, #tpu.memory_space<hbm>>
      tpu.enqueue_dma source(%arg8 : memref<25x8x64xf32, #tpu.memory_space<vmem>>) target(%dma_start3A_366 : memref<25x8x64xf32, #tpu.memory_space<hbm>>) target_semaphore(%arg12 : memref<!tpu.dma_semaphore, #tpu.memory_space<semaphore_mem>>)
      %dma_wait3A_367 = arith.constant 0 : i32
      %dma_wait3A_368 = arith.constant 0 : i32
      %dma_wait3A_369 = arith.constant 0 : i32
      %dma_wait3A_370 = tpu.memref_slice %arg3[%dma_wait3A_367, %dma_wait3A_368, %dma_wait3A_369] : memref<125000x8x64xf32, #tpu.memory_space<hbm>> -> memref<25x8x64xf32, #tpu.memory_space<hbm>>
      %dma_wait3A_371 = arith.constant 0 : i32
      %dma_wait3A_372 = arith.constant 0 : i32
      %dma_wait3A_373 = arith.constant 0 : i32
      %dma_wait3A_374 = tpu.memref_slice %arg3[%dma_wait3A_371, %dma_wait3A_372, %dma_wait3A_373] : memref<125000x8x64xf32, #tpu.memory_space<hbm>> -> memref<25x8x64xf32, #tpu.memory_space<hbm>>
      tpu.wait_dma2 semaphore(%arg11 : memref<!tpu.dma_semaphore, #tpu.memory_space<semaphore_mem>>) src(%dma_wait3A_374 : memref<25x8x64xf32, #tpu.memory_space<hbm>>) dst(%arg9 : memref<25x8x64xf32, #tpu.memory_space<vmem>>)
      %scan3A_375 = arith.constant 0 : i32
      %scan3A_376 = arith.constant 0 : i32
      %scan3A_377 = arith.constant 25 : i32
      %scan3A_378 = arith.addi %scan3A_376, %scan3A_377 : i32
      %scan3A_379 = arith.constant 1 : i32
      scf.for %scan3A_425 = %scan3A_376 to %scan3A_378 step %scan3A_379  : i32 {
        %get3A_426 = arith.constant 0 : i32
        %get3A_427 = arith.index_cast %scan3A_425 : i32 to index
        %get3A_428 = arith.index_cast %get3A_426 : i32 to index
        %get3A_429 = arith.constant 0 : index
        %get3A_430 = tpu.vector_load %arg9[%get3A_427, %get3A_428, %get3A_429] {strides = array<i32>} : memref<25x8x64xf32, #tpu.memory_space<vmem>>, vector<1x1x16xf32>,
        %get3A_431 = vector.shape_cast %get3A_430 : vector<1x1x16xf32> to vector<16xf32>
        %get3A_432 = arith.constant 0 : i32
        %get3A_433 = arith.index_cast %scan3A_425 : i32 to index
        %get3A_434 = arith.index_cast %get3A_432 : i32 to index
        %get3A_435 = arith.constant 0 : index
        %get3A_436 = tpu.vector_load %arg7[%get3A_433, %get3A_434, %get3A_435] {strides = array<i32>} : memref<25x8x64xf32, #tpu.memory_space<vmem>>, vector<1x1x16xf32>,
        %get3A_437 = vector.shape_cast %get3A_436 : vector<1x1x16xf32> to vector<16xf32>
        %add3A_438 = arith.addf %get3A_431, %get3A_437 : vector<16xf32>
        %swap3A = arith.constant 0 : i32
        %swap3A_439 = arith.index_cast %scan3A_425 : i32 to index
        %swap3A_440 = arith.index_cast %swap3A : i32 to index
        %swap3A_441 = arith.constant 0 : index
        %swap3A_442 = tpu.vector_load %arg9[%swap3A_439, %swap3A_440, %swap3A_441] {strides = array<i32>} : memref<25x8x64xf32, #tpu.memory_space<vmem>>, vector<1x1x16xf32>,
        %swap3A_443 = vector.shape_cast %swap3A_442 : vector<1x1x16xf32> to vector<16xf32>
        %swap3A_444 = vector.shape_cast %add3A_438 : vector<16xf32> to vector<1x1x16xf32>
        tpu.vector_store %arg9[%swap3A_439, %swap3A_440, %swap3A_441], %swap3A_444 {strides = array<i32>} : memref<25x8x64xf32, #tpu.memory_space<vmem>>, vector<1x1x16xf32>,
        %get3A_445 = arith.constant 0 : i32
        %get3A_446 = arith.index_cast %scan3A_425 : i32 to index
        %get3A_447 = arith.index_cast %get3A_445 : i32 to index
        %get3A_448 = arith.constant 16 : index
        %get3A_449 = tpu.vector_load %arg9[%get3A_446, %get3A_447, %get3A_448] {strides = array<i32>} : memref<25x8x64xf32, #tpu.memory_space<vmem>>, vector<1x1x16xf32>,
        %get3A_450 = vector.shape_cast %get3A_449 : vector<1x1x16xf32> to vector<16xf32>
        %get3A_451 = arith.constant 0 : i32
        %get3A_452 = arith.index_cast %scan3A_425 : i32 to index
        %get3A_453 = arith.index_cast %get3A_451 : i32 to index
        %get3A_454 = arith.constant 16 : index
        %get3A_455 = tpu.vector_load %arg7[%get3A_452, %get3A_453, %get3A_454] {strides = array<i32>} : memref<25x8x64xf32, #tpu.memory_space<vmem>>, vector<1x1x16xf32>,
        %get3A_456 = vector.shape_cast %get3A_455 : vector<1x1x16xf32> to vector<16xf32>
        %add3A_457 = arith.addf %get3A_450, %get3A_456 : vector<16xf32>
        %swap3A_458 = arith.constant 0 : i32
        %swap3A_459 = arith.index_cast %scan3A_425 : i32 to index
        %swap3A_460 = arith.index_cast %swap3A_458 : i32 to index
        %swap3A_461 = arith.constant 16 : index
        %swap3A_462 = tpu.vector_load %arg9[%swap3A_459, %swap3A_460, %swap3A_461] {strides = array<i32>} : memref<25x8x64xf32, #tpu.memory_space<vmem>>, vector<1x1x16xf32>,
        %swap3A_463 = vector.shape_cast %swap3A_462 : vector<1x1x16xf32> to vector<16xf32>
        %swap3A_464 = vector.shape_cast %add3A_457 : vector<16xf32> to vector<1x1x16xf32>
        tpu.vector_store %arg9[%swap3A_459, %swap3A_460, %swap3A_461], %swap3A_464 {strides = array<i32>} : memref<25x8x64xf32, #tpu.memory_space<vmem>>, vector<1x1x16xf32>,
        %get3A_465 = arith.constant 0 : i32
        %get3A_466 = arith.index_cast %scan3A_425 : i32 to index
        %get3A_467 = arith.index_cast %get3A_465 : i32 to index
        %get3A_468 = arith.constant 32 : index
        %get3A_469 = tpu.vector_load %arg9[%get3A_466, %get3A_467, %get3A_468] {strides = array<i32>} : memref<25x8x64xf32, #tpu.memory_space<vmem>>, vector<1x1x16xf32>,
        %get3A_470 = vector.shape_cast %get3A_469 : vector<1x1x16xf32> to vector<16xf32>
        %get3A_471 = arith.constant 0 : i32
        %get3A_472 = arith.index_cast %scan3A_425 : i32 to index
        %get3A_473 = arith.index_cast %get3A_471 : i32 to index
        %get3A_474 = arith.constant 32 : index
        %get3A_475 = tpu.vector_load %arg7[%get3A_472, %get3A_473, %get3A_474] {strides = array<i32>} : memref<25x8x64xf32, #tpu.memory_space<vmem>>, vector<1x1x16xf32>,
        %get3A_476 = vector.shape_cast %get3A_475 : vector<1x1x16xf32> to vector<16xf32>
        %add3A_477 = arith.addf %get3A_470, %get3A_476 : vector<16xf32>
        %swap3A_478 = arith.constant 0 : i32
        %swap3A_479 = arith.index_cast %scan3A_425 : i32 to index
        %swap3A_480 = arith.index_cast %swap3A_478 : i32 to index
        %swap3A_481 = arith.constant 32 : index
        %swap3A_482 = tpu.vector_load %arg9[%swap3A_479, %swap3A_480, %swap3A_481] {strides = array<i32>} : memref<25x8x64xf32, #tpu.memory_space<vmem>>, vector<1x1x16xf32>,
        %swap3A_483 = vector.shape_cast %swap3A_482 : vector<1x1x16xf32> to vector<16xf32>
        %swap3A_484 = vector.shape_cast %add3A_477 : vector<16xf32> to vector<1x1x16xf32>
        tpu.vector_store %arg9[%swap3A_479, %swap3A_480, %swap3A_481], %swap3A_484 {strides = array<i32>} : memref<25x8x64xf32, #tpu.memory_space<vmem>>, vector<1x1x16xf32>,
        %get3A_485 = arith.constant 0 : i32
        %get3A_486 = arith.index_cast %scan3A_425 : i32 to index
        %get3A_487 = arith.index_cast %get3A_485 : i32 to index
        %get3A_488 = arith.constant 48 : index
        %get3A_489 = tpu.vector_load %arg9[%get3A_486, %get3A_487, %get3A_488] {strides = array<i32>} : memref<25x8x64xf32, #tpu.memory_space<vmem>>, vector<1x1x16xf32>,
        %get3A_490 = vector.shape_cast %get3A_489 : vector<1x1x16xf32> to vector<16xf32>
        %get3A_491 = arith.constant 0 : i32
        %get3A_492 = arith.index_cast %scan3A_425 : i32 to index
        %get3A_493 = arith.index_cast %get3A_491 : i32 to index
        %get3A_494 = arith.constant 48 : index
        %get3A_495 = tpu.vector_load %arg7[%get3A_492, %get3A_493, %get3A_494] {strides = array<i32>} : memref<25x8x64xf32, #tpu.memory_space<vmem>>, vector<1x1x16xf32>,
        %get3A_496 = vector.shape_cast %get3A_495 : vector<1x1x16xf32> to vector<16xf32>
        %add3A_497 = arith.addf %get3A_490, %get3A_496 : vector<16xf32>
        %swap3A_498 = arith.constant 0 : i32
        %swap3A_499 = arith.index_cast %scan3A_425 : i32 to index
        %swap3A_500 = arith.index_cast %swap3A_498 : i32 to index
        %swap3A_501 = arith.constant 48 : index
        %swap3A_502 = tpu.vector_load %arg9[%swap3A_499, %swap3A_500, %swap3A_501] {strides = array<i32>} : memref<25x8x64xf32, #tpu.memory_space<vmem>>, vector<1x1x16xf32>,
        %swap3A_503 = vector.shape_cast %swap3A_502 : vector<1x1x16xf32> to vector<16xf32>
        %swap3A_504 = vector.shape_cast %add3A_497 : vector<16xf32> to vector<1x1x16xf32>
        tpu.vector_store %arg9[%swap3A_499, %swap3A_500, %swap3A_501], %swap3A_504 {strides = array<i32>} : memref<25x8x64xf32, #tpu.memory_space<vmem>>, vector<1x1x16xf32>,
        %get3A_505 = arith.constant 1 : i32
        %get3A_506 = arith.index_cast %scan3A_425 : i32 to index
        %get3A_507 = arith.index_cast %get3A_505 : i32 to index
        %get3A_508 = arith.constant 0 : index
        %get3A_509 = tpu.vector_load %arg9[%get3A_506, %get3A_507, %get3A_508] {strides = array<i32>} : memref<25x8x64xf32, #tpu.memory_space<vmem>>, vector<1x1x16xf32>,
        %get3A_510 = vector.shape_cast %get3A_509 : vector<1x1x16xf32> to vector<16xf32>
        %get3A_511 = arith.constant 1 : i32
        %get3A_512 = arith.index_cast %scan3A_425 : i32 to index
        %get3A_513 = arith.index_cast %get3A_511 : i32 to index
        %get3A_514 = arith.constant 0 : index
        %get3A_515 = tpu.vector_load %arg7[%get3A_512, %get3A_513, %get3A_514] {strides = array<i32>} : memref<25x8x64xf32, #tpu.memory_space<vmem>>, vector<1x1x16xf32>,
        %get3A_516 = vector.shape_cast %get3A_515 : vector<1x1x16xf32> to vector<16xf32>
        %add3A_517 = arith.addf %get3A_510, %get3A_516 : vector<16xf32>
        %swap3A_518 = arith.constant 1 : i32
        %swap3A_519 = arith.index_cast %scan3A_425 : i32 to index
        %swap3A_520 = arith.index_cast %swap3A_518 : i32 to index
        %swap3A_521 = arith.constant 0 : index
        %swap3A_522 = tpu.vector_load %arg9[%swap3A_519, %swap3A_520, %swap3A_521] {strides = array<i32>} : memref<25x8x64xf32, #tpu.memory_space<vmem>>, vector<1x1x16xf32>,
        %swap3A_523 = vector.shape_cast %swap3A_522 : vector<1x1x16xf32> to vector<16xf32>
        %swap3A_524 = vector.shape_cast %add3A_517 : vector<16xf32> to vector<1x1x16xf32>
        tpu.vector_store %arg9[%swap3A_519, %swap3A_520, %swap3A_521], %swap3A_524 {strides = array<i32>} : memref<25x8x64xf32, #tpu.memory_space<vmem>>, vector<1x1x16xf32>,
        %get3A_525 = arith.constant 1 : i32
        %get3A_526 = arith.index_cast %scan3A_425 : i32 to index
        %get3A_527 = arith.index_cast %get3A_525 : i32 to index
        %get3A_528 = arith.constant 16 : index
        %get3A_529 = tpu.vector_load %arg9[%get3A_526, %get3A_527, %get3A_528] {strides = array<i32>} : memref<25x8x64xf32, #tpu.memory_space<vmem>>, vector<1x1x16xf32>,
        %get3A_530 = vector.shape_cast %get3A_529 : vector<1x1x16xf32> to vector<16xf32>
        %get3A_531 = arith.constant 1 : i32
        %get3A_532 = arith.index_cast %scan3A_425 : i32 to index
        %get3A_533 = arith.index_cast %get3A_531 : i32 to index
        %get3A_534 = arith.constant 16 : index
        %get3A_535 = tpu.vector_load %arg7[%get3A_532, %get3A_533, %get3A_534] {strides = array<i32>} : memref<25x8x64xf32, #tpu.memory_space<vmem>>, vector<1x1x16xf32>,
        %get3A_536 = vector.shape_cast %get3A_535 : vector<1x1x16xf32> to vector<16xf32>
        %add3A_537 = arith.addf %get3A_530, %get3A_536 : vector<16xf32>
        %swap3A_538 = arith.constant 1 : i32
        %swap3A_539 = arith.index_cast %scan3A_425 : i32 to index
        %swap3A_540 = arith.index_cast %swap3A_538 : i32 to index
        %swap3A_541 = arith.constant 16 : index
        %swap3A_542 = tpu.vector_load %arg9[%swap3A_539, %swap3A_540, %swap3A_541] {strides = array<i32>} : memref<25x8x64xf32, #tpu.memory_space<vmem>>, vector<1x1x16xf32>,
        %swap3A_543 = vector.shape_cast %swap3A_542 : vector<1x1x16xf32> to vector<16xf32>
        %swap3A_544 = vector.shape_cast %add3A_537 : vector<16xf32> to vector<1x1x16xf32>
        tpu.vector_store %arg9[%swap3A_539, %swap3A_540, %swap3A_541], %swap3A_544 {strides = array<i32>} : memref<25x8x64xf32, #tpu.memory_space<vmem>>, vector<1x1x16xf32>,
        %get3A_545 = arith.constant 1 : i32
        %get3A_546 = arith.index_cast %scan3A_425 : i32 to index
        %get3A_547 = arith.index_cast %get3A_545 : i32 to index
        %get3A_548 = arith.constant 32 : index
        %get3A_549 = tpu.vector_load %arg9[%get3A_546, %get3A_547, %get3A_548] {strides = array<i32>} : memref<25x8x64xf32, #tpu.memory_space<vmem>>, vector<1x1x16xf32>,
        %get3A_550 = vector.shape_cast %get3A_549 : vector<1x1x16xf32> to vector<16xf32>
        %get3A_551 = arith.constant 1 : i32
        %get3A_552 = arith.index_cast %scan3A_425 : i32 to index
        %get3A_553 = arith.index_cast %get3A_551 : i32 to index
        %get3A_554 = arith.constant 32 : index
        %get3A_555 = tpu.vector_load %arg7[%get3A_552, %get3A_553, %get3A_554] {strides = array<i32>} : memref<25x8x64xf32, #tpu.memory_space<vmem>>, vector<1x1x16xf32>,
        %get3A_556 = vector.shape_cast %get3A_555 : vector<1x1x16xf32> to vector<16xf32>
        %add3A_557 = arith.addf %get3A_550, %get3A_556 : vector<16xf32>
        %swap3A_558 = arith.constant 1 : i32
        %swap3A_559 = arith.index_cast %scan3A_425 : i32 to index
        %swap3A_560 = arith.index_cast %swap3A_558 : i32 to index
        %swap3A_561 = arith.constant 32 : index
        %swap3A_562 = tpu.vector_load %arg9[%swap3A_559, %swap3A_560, %swap3A_561] {strides = array<i32>} : memref<25x8x64xf32, #tpu.memory_space<vmem>>, vector<1x1x16xf32>,
        %swap3A_563 = vector.shape_cast %swap3A_562 : vector<1x1x16xf32> to vector<16xf32>
        %swap3A_564 = vector.shape_cast %add3A_557 : vector<16xf32> to vector<1x1x16xf32>
        tpu.vector_store %arg9[%swap3A_559, %swap3A_560, %swap3A_561], %swap3A_564 {strides = array<i32>} : memref<25x8x64xf32, #tpu.memory_space<vmem>>, vector<1x1x16xf32>,
        %get3A_565 = arith.constant 1 : i32
        %get3A_566 = arith.index_cast %scan3A_425 : i32 to index
        %get3A_567 = arith.index_cast %get3A_565 : i32 to index
        %get3A_568 = arith.constant 48 : index
        %get3A_569 = tpu.vector_load %arg9[%get3A_566, %get3A_567, %get3A_568] {strides = array<i32>} : memref<25x8x64xf32, #tpu.memory_space<vmem>>, vector<1x1x16xf32>,
        %get3A_570 = vector.shape_cast %get3A_569 : vector<1x1x16xf32> to vector<16xf32>
        %get3A_571 = arith.constant 1 : i32
        %get3A_572 = arith.index_cast %scan3A_425 : i32 to index
        %get3A_573 = arith.index_cast %get3A_571 : i32 to index
        %get3A_574 = arith.constant 48 : index
        %get3A_575 = tpu.vector_load %arg7[%get3A_572, %get3A_573, %get3A_574] {strides = array<i32>} : memref<25x8x64xf32, #tpu.memory_space<vmem>>, vector<1x1x16xf32>,
        %get3A_576 = vector.shape_cast %get3A_575 : vector<1x1x16xf32> to vector<16xf32>
        %add3A_577 = arith.addf %get3A_570, %get3A_576 : vector<16xf32>
        %swap3A_578 = arith.constant 1 : i32
        %swap3A_579 = arith.index_cast %scan3A_425 : i32 to index
        %swap3A_580 = arith.index_cast %swap3A_578 : i32 to index
        %swap3A_581 = arith.constant 48 : index
        %swap3A_582 = tpu.vector_load %arg9[%swap3A_579, %swap3A_580, %swap3A_581] {strides = array<i32>} : memref<25x8x64xf32, #tpu.memory_space<vmem>>, vector<1x1x16xf32>,
        %swap3A_583 = vector.shape_cast %swap3A_582 : vector<1x1x16xf32> to vector<16xf32>
        %swap3A_584 = vector.shape_cast %add3A_577 : vector<16xf32> to vector<1x1x16xf32>
        tpu.vector_store %arg9[%swap3A_579, %swap3A_580, %swap3A_581], %swap3A_584 {strides = array<i32>} : memref<25x8x64xf32, #tpu.memory_space<vmem>>, vector<1x1x16xf32>,
        %get3A_585 = arith.constant 2 : i32
        %get3A_586 = arith.index_cast %scan3A_425 : i32 to index
        %get3A_587 = arith.index_cast %get3A_585 : i32 to index
        %get3A_588 = arith.constant 0 : index
        %get3A_589 = tpu.vector_load %arg9[%get3A_586, %get3A_587, %get3A_588] {strides = array<i32>} : memref<25x8x64xf32, #tpu.memory_space<vmem>>, vector<1x1x16xf32>,
        %get3A_590 = vector.shape_cast %get3A_589 : vector<1x1x16xf32> to vector<16xf32>
        %get3A_591 = arith.constant 2 : i32
        %get3A_592 = arith.index_cast %scan3A_425 : i32 to index
        %get3A_593 = arith.index_cast %get3A_591 : i32 to index
        %get3A_594 = arith.constant 0 : index
        %get3A_595 = tpu.vector_load %arg7[%get3A_592, %get3A_593, %get3A_594] {strides = array<i32>} : memref<25x8x64xf32, #tpu.memory_space<vmem>>, vector<1x1x16xf32>,
        %get3A_596 = vector.shape_cast %get3A_595 : vector<1x1x16xf32> to vector<16xf32>
        %add3A_597 = arith.addf %get3A_590, %get3A_596 : vector<16xf32>
        %swap3A_598 = arith.constant 2 : i32
        %swap3A_599 = arith.index_cast %scan3A_425 : i32 to index
        %swap3A_600 = arith.index_cast %swap3A_598 : i32 to index
        %swap3A_601 = arith.constant 0 : index
        %swap3A_602 = tpu.vector_load %arg9[%swap3A_599, %swap3A_600, %swap3A_601] {strides = array<i32>} : memref<25x8x64xf32, #tpu.memory_space<vmem>>, vector<1x1x16xf32>,
        %swap3A_603 = vector.shape_cast %swap3A_602 : vector<1x1x16xf32> to vector<16xf32>
        %swap3A_604 = vector.shape_cast %add3A_597 : vector<16xf32> to vector<1x1x16xf32>
        tpu.vector_store %arg9[%swap3A_599, %swap3A_600, %swap3A_601], %swap3A_604 {strides = array<i32>} : memref<25x8x64xf32, #tpu.memory_space<vmem>>, vector<1x1x16xf32>,
        %get3A_605 = arith.constant 2 : i32
        %get3A_606 = arith.index_cast %scan3A_425 : i32 to index
        %get3A_607 = arith.index_cast %get3A_605 : i32 to index
        %get3A_608 = arith.constant 16 : index
        %get3A_609 = tpu.vector_load %arg9[%get3A_606, %get3A_607, %get3A_608] {strides = array<i32>} : memref<25x8x64xf32, #tpu.memory_space<vmem>>, vector<1x1x16xf32>,
        %get3A_610 = vector.shape_cast %get3A_609 : vector<1x1x16xf32> to vector<16xf32>
        %get3A_611 = arith.constant 2 : i32
        %get3A_612 = arith.index_cast %scan3A_425 : i32 to index
        %get3A_613 = arith.index_cast %get3A_611 : i32 to index
        %get3A_614 = arith.constant 16 : index
        %get3A_615 = tpu.vector_load %arg7[%get3A_612, %get3A_613, %get3A_614] {strides = array<i32>} : memref<25x8x64xf32, #tpu.memory_space<vmem>>, vector<1x1x16xf32>,
        %get3A_616 = vector.shape_cast %get3A_615 : vector<1x1x16xf32> to vector<16xf32>
        %add3A_617 = arith.addf %get3A_610, %get3A_616 : vector<16xf32>
        %swap3A_618 = arith.constant 2 : i32
        %swap3A_619 = arith.index_cast %scan3A_425 : i32 to index
        %swap3A_620 = arith.index_cast %swap3A_618 : i32 to index
        %swap3A_621 = arith.constant 16 : index
        %swap3A_622 = tpu.vector_load %arg9[%swap3A_619, %swap3A_620, %swap3A_621] {strides = array<i32>} : memref<25x8x64xf32, #tpu.memory_space<vmem>>, vector<1x1x16xf32>,
        %swap3A_623 = vector.shape_cast %swap3A_622 : vector<1x1x16xf32> to vector<16xf32>
        %swap3A_624 = vector.shape_cast %add3A_617 : vector<16xf32> to vector<1x1x16xf32>
        tpu.vector_store %arg9[%swap3A_619, %swap3A_620, %swap3A_621], %swap3A_624 {strides = array<i32>} : memref<25x8x64xf32, #tpu.memory_space<vmem>>, vector<1x1x16xf32>,
        %get3A_625 = arith.constant 2 : i32
        %get3A_626 = arith.index_cast %scan3A_425 : i32 to index
        %get3A_627 = arith.index_cast %get3A_625 : i32 to index
        %get3A_628 = arith.constant 32 : index
        %get3A_629 = tpu.vector_load %arg9[%get3A_626, %get3A_627, %get3A_628] {strides = array<i32>} : memref<25x8x64xf32, #tpu.memory_space<vmem>>, vector<1x1x16xf32>,
        %get3A_630 = vector.shape_cast %get3A_629 : vector<1x1x16xf32> to vector<16xf32>
        %get3A_631 = arith.constant 2 : i32
        %get3A_632 = arith.index_cast %scan3A_425 : i32 to index
        %get3A_633 = arith.index_cast %get3A_631 : i32 to index
        %get3A_634 = arith.constant 32 : index
        %get3A_635 = tpu.vector_load %arg7[%get3A_632, %get3A_633, %get3A_634] {strides = array<i32>} : memref<25x8x64xf32, #tpu.memory_space<vmem>>, vector<1x1x16xf32>,
        %get3A_636 = vector.shape_cast %get3A_635 : vector<1x1x16xf32> to vector<16xf32>
        %add3A_637 = arith.addf %get3A_630, %get3A_636 : vector<16xf32>
        %swap3A_638 = arith.constant 2 : i32
        %swap3A_639 = arith.index_cast %scan3A_425 : i32 to index
        %swap3A_640 = arith.index_cast %swap3A_638 : i32 to index
        %swap3A_641 = arith.constant 32 : index
        %swap3A_642 = tpu.vector_load %arg9[%swap3A_639, %swap3A_640, %swap3A_641] {strides = array<i32>} : memref<25x8x64xf32, #tpu.memory_space<vmem>>, vector<1x1x16xf32>,
        %swap3A_643 = vector.shape_cast %swap3A_642 : vector<1x1x16xf32> to vector<16xf32>
        %swap3A_644 = vector.shape_cast %add3A_637 : vector<16xf32> to vector<1x1x16xf32>
        tpu.vector_store %arg9[%swap3A_639, %swap3A_640, %swap3A_641], %swap3A_644 {strides = array<i32>} : memref<25x8x64xf32, #tpu.memory_space<vmem>>, vector<1x1x16xf32>,
        %get3A_645 = arith.constant 2 : i32
        %get3A_646 = arith.index_cast %scan3A_425 : i32 to index
        %get3A_647 = arith.index_cast %get3A_645 : i32 to index
        %get3A_648 = arith.constant 48 : index
        %get3A_649 = tpu.vector_load %arg9[%get3A_646, %get3A_647, %get3A_648] {strides = array<i32>} : memref<25x8x64xf32, #tpu.memory_space<vmem>>, vector<1x1x16xf32>,
        %get3A_650 = vector.shape_cast %get3A_649 : vector<1x1x16xf32> to vector<16xf32>
        %get3A_651 = arith.constant 2 : i32
        %get3A_652 = arith.index_cast %scan3A_425 : i32 to index
        %get3A_653 = arith.index_cast %get3A_651 : i32 to index
        %get3A_654 = arith.constant 48 : index
        %get3A_655 = tpu.vector_load %arg7[%get3A_652, %get3A_653, %get3A_654] {strides = array<i32>} : memref<25x8x64xf32, #tpu.memory_space<vmem>>, vector<1x1x16xf32>,
        %get3A_656 = vector.shape_cast %get3A_655 : vector<1x1x16xf32> to vector<16xf32>
        %add3A_657 = arith.addf %get3A_650, %get3A_656 : vector<16xf32>
        %swap3A_658 = arith.constant 2 : i32
        %swap3A_659 = arith.index_cast %scan3A_425 : i32 to index
        %swap3A_660 = arith.index_cast %swap3A_658 : i32 to index
        %swap3A_661 = arith.constant 48 : index
        %swap3A_662 = tpu.vector_load %arg9[%swap3A_659, %swap3A_660, %swap3A_661] {strides = array<i32>} : memref<25x8x64xf32, #tpu.memory_space<vmem>>, vector<1x1x16xf32>,
        %swap3A_663 = vector.shape_cast %swap3A_662 : vector<1x1x16xf32> to vector<16xf32>
        %swap3A_664 = vector.shape_cast %add3A_657 : vector<16xf32> to vector<1x1x16xf32>
        tpu.vector_store %arg9[%swap3A_659, %swap3A_660, %swap3A_661], %swap3A_664 {strides = array<i32>} : memref<25x8x64xf32, #tpu.memory_space<vmem>>, vector<1x1x16xf32>,
        %get3A_665 = arith.constant 3 : i32
        %get3A_666 = arith.index_cast %scan3A_425 : i32 to index
        %get3A_667 = arith.index_cast %get3A_665 : i32 to index
        %get3A_668 = arith.constant 0 : index
        %get3A_669 = tpu.vector_load %arg9[%get3A_666, %get3A_667, %get3A_668] {strides = array<i32>} : memref<25x8x64xf32, #tpu.memory_space<vmem>>, vector<1x1x16xf32>,
        %get3A_670 = vector.shape_cast %get3A_669 : vector<1x1x16xf32> to vector<16xf32>
        %get3A_671 = arith.constant 3 : i32
        %get3A_672 = arith.index_cast %scan3A_425 : i32 to index
        %get3A_673 = arith.index_cast %get3A_671 : i32 to index
        %get3A_674 = arith.constant 0 : index
        %get3A_675 = tpu.vector_load %arg7[%get3A_672, %get3A_673, %get3A_674] {strides = array<i32>} : memref<25x8x64xf32, #tpu.memory_space<vmem>>, vector<1x1x16xf32>,
        %get3A_676 = vector.shape_cast %get3A_675 : vector<1x1x16xf32> to vector<16xf32>
        %add3A_677 = arith.addf %get3A_670, %get3A_676 : vector<16xf32>
        %swap3A_678 = arith.constant 3 : i32
        %swap3A_679 = arith.index_cast %scan3A_425 : i32 to index
        %swap3A_680 = arith.index_cast %swap3A_678 : i32 to index
        %swap3A_681 = arith.constant 0 : index
        %swap3A_682 = tpu.vector_load %arg9[%swap3A_679, %swap3A_680, %swap3A_681] {strides = array<i32>} : memref<25x8x64xf32, #tpu.memory_space<vmem>>, vector<1x1x16xf32>,
        %swap3A_683 = vector.shape_cast %swap3A_682 : vector<1x1x16xf32> to vector<16xf32>
        %swap3A_684 = vector.shape_cast %add3A_677 : vector<16xf32> to vector<1x1x16xf32>
        tpu.vector_store %arg9[%swap3A_679, %swap3A_680, %swap3A_681], %swap3A_684 {strides = array<i32>} : memref<25x8x64xf32, #tpu.memory_space<vmem>>, vector<1x1x16xf32>,
        %get3A_685 = arith.constant 3 : i32
        %get3A_686 = arith.index_cast %scan3A_425 : i32 to index
        %get3A_687 = arith.index_cast %get3A_685 : i32 to index
        %get3A_688 = arith.constant 16 : index
        %get3A_689 = tpu.vector_load %arg9[%get3A_686, %get3A_687, %get3A_688] {strides = array<i32>} : memref<25x8x64xf32, #tpu.memory_space<vmem>>, vector<1x1x16xf32>,
        %get3A_690 = vector.shape_cast %get3A_689 : vector<1x1x16xf32> to vector<16xf32>
        %get3A_691 = arith.constant 3 : i32
        %get3A_692 = arith.index_cast %scan3A_425 : i32 to index
        %get3A_693 = arith.index_cast %get3A_691 : i32 to index
        %get3A_694 = arith.constant 16 : index
        %get3A_695 = tpu.vector_load %arg7[%get3A_692, %get3A_693, %get3A_694] {strides = array<i32>} : memref<25x8x64xf32, #tpu.memory_space<vmem>>, vector<1x1x16xf32>,
        %get3A_696 = vector.shape_cast %get3A_695 : vector<1x1x16xf32> to vector<16xf32>
        %add3A_697 = arith.addf %get3A_690, %get3A_696 : vector<16xf32>
        %swap3A_698 = arith.constant 3 : i32
        %swap3A_699 = arith.index_cast %scan3A_425 : i32 to index
        %swap3A_700 = arith.index_cast %swap3A_698 : i32 to index
        %swap3A_701 = arith.constant 16 : index
        %swap3A_702 = tpu.vector_load %arg9[%swap3A_699, %swap3A_700, %swap3A_701] {strides = array<i32>} : memref<25x8x64xf32, #tpu.memory_space<vmem>>, vector<1x1x16xf32>,
        %swap3A_703 = vector.shape_cast %swap3A_702 : vector<1x1x16xf32> to vector<16xf32>
        %swap3A_704 = vector.shape_cast %add3A_697 : vector<16xf32> to vector<1x1x16xf32>
        tpu.vector_store %arg9[%swap3A_699, %swap3A_700, %swap3A_701], %swap3A_704 {strides = array<i32>} : memref<25x8x64xf32, #tpu.memory_space<vmem>>, vector<1x1x16xf32>,
        %get3A_705 = arith.constant 3 : i32
        %get3A_706 = arith.index_cast %scan3A_425 : i32 to index
        %get3A_707 = arith.index_cast %get3A_705 : i32 to index
        %get3A_708 = arith.constant 32 : index
        %get3A_709 = tpu.vector_load %arg9[%get3A_706, %get3A_707, %get3A_708] {strides = array<i32>} : memref<25x8x64xf32, #tpu.memory_space<vmem>>, vector<1x1x16xf32>,
        %get3A_710 = vector.shape_cast %get3A_709 : vector<1x1x16xf32> to vector<16xf32>
        %get3A_711 = arith.constant 3 : i32
        %get3A_712 = arith.index_cast %scan3A_425 : i32 to index
        %get3A_713 = arith.index_cast %get3A_711 : i32 to index
        %get3A_714 = arith.constant 32 : index
        %get3A_715 = tpu.vector_load %arg7[%get3A_712, %get3A_713, %get3A_714] {strides = array<i32>} : memref<25x8x64xf32, #tpu.memory_space<vmem>>, vector<1x1x16xf32>,
        %get3A_716 = vector.shape_cast %get3A_715 : vector<1x1x16xf32> to vector<16xf32>
        %add3A_717 = arith.addf %get3A_710, %get3A_716 : vector<16xf32>
        %swap3A_718 = arith.constant 3 : i32
        %swap3A_719 = arith.index_cast %scan3A_425 : i32 to index
        %swap3A_720 = arith.index_cast %swap3A_718 : i32 to index
        %swap3A_721 = arith.constant 32 : index
        %swap3A_722 = tpu.vector_load %arg9[%swap3A_719, %swap3A_720, %swap3A_721] {strides = array<i32>} : memref<25x8x64xf32, #tpu.memory_space<vmem>>, vector<1x1x16xf32>,
        %swap3A_723 = vector.shape_cast %swap3A_722 : vector<1x1x16xf32> to vector<16xf32>
        %swap3A_724 = vector.shape_cast %add3A_717 : vector<16xf32> to vector<1x1x16xf32>
        tpu.vector_store %arg9[%swap3A_719, %swap3A_720, %swap3A_721], %swap3A_724 {strides = array<i32>} : memref<25x8x64xf32, #tpu.memory_space<vmem>>, vector<1x1x16xf32>,
        %get3A_725 = arith.constant 3 : i32
        %get3A_726 = arith.index_cast %scan3A_425 : i32 to index
        %get3A_727 = arith.index_cast %get3A_725 : i32 to index
        %get3A_728 = arith.constant 48 : index
        %get3A_729 = tpu.vector_load %arg9[%get3A_726, %get3A_727, %get3A_728] {strides = array<i32>} : memref<25x8x64xf32, #tpu.memory_space<vmem>>, vector<1x1x16xf32>,
        %get3A_730 = vector.shape_cast %get3A_729 : vector<1x1x16xf32> to vector<16xf32>
        %get3A_731 = arith.constant 3 : i32
        %get3A_732 = arith.index_cast %scan3A_425 : i32 to index
        %get3A_733 = arith.index_cast %get3A_731 : i32 to index
        %get3A_734 = arith.constant 48 : index
        %get3A_735 = tpu.vector_load %arg7[%get3A_732, %get3A_733, %get3A_734] {strides = array<i32>} : memref<25x8x64xf32, #tpu.memory_space<vmem>>, vector<1x1x16xf32>,
        %get3A_736 = vector.shape_cast %get3A_735 : vector<1x1x16xf32> to vector<16xf32>
        %add3A_737 = arith.addf %get3A_730, %get3A_736 : vector<16xf32>
        %swap3A_738 = arith.constant 3 : i32
        %swap3A_739 = arith.index_cast %scan3A_425 : i32 to index
        %swap3A_740 = arith.index_cast %swap3A_738 : i32 to index
        %swap3A_741 = arith.constant 48 : index
        %swap3A_742 = tpu.vector_load %arg9[%swap3A_739, %swap3A_740, %swap3A_741] {strides = array<i32>} : memref<25x8x64xf32, #tpu.memory_space<vmem>>, vector<1x1x16xf32>,
        %swap3A_743 = vector.shape_cast %swap3A_742 : vector<1x1x16xf32> to vector<16xf32>
        %swap3A_744 = vector.shape_cast %add3A_737 : vector<16xf32> to vector<1x1x16xf32>
        tpu.vector_store %arg9[%swap3A_739, %swap3A_740, %swap3A_741], %swap3A_744 {strides = array<i32>} : memref<25x8x64xf32, #tpu.memory_space<vmem>>, vector<1x1x16xf32>,
        %get3A_745 = arith.constant 4 : i32
        %get3A_746 = arith.index_cast %scan3A_425 : i32 to index
        %get3A_747 = arith.index_cast %get3A_745 : i32 to index
        %get3A_748 = arith.constant 0 : index
        %get3A_749 = tpu.vector_load %arg9[%get3A_746, %get3A_747, %get3A_748] {strides = array<i32>} : memref<25x8x64xf32, #tpu.memory_space<vmem>>, vector<1x1x16xf32>,
        %get3A_750 = vector.shape_cast %get3A_749 : vector<1x1x16xf32> to vector<16xf32>
        %get3A_751 = arith.constant 4 : i32
        %get3A_752 = arith.index_cast %scan3A_425 : i32 to index
        %get3A_753 = arith.index_cast %get3A_751 : i32 to index
        %get3A_754 = arith.constant 0 : index
        %get3A_755 = tpu.vector_load %arg7[%get3A_752, %get3A_753, %get3A_754] {strides = array<i32>} : memref<25x8x64xf32, #tpu.memory_space<vmem>>, vector<1x1x16xf32>,
        %get3A_756 = vector.shape_cast %get3A_755 : vector<1x1x16xf32> to vector<16xf32>
        %add3A_757 = arith.addf %get3A_750, %get3A_756 : vector<16xf32>
        %swap3A_758 = arith.constant 4 : i32
        %swap3A_759 = arith.index_cast %scan3A_425 : i32 to index
        %swap3A_760 = arith.index_cast %swap3A_758 : i32 to index
        %swap3A_761 = arith.constant 0 : index
        %swap3A_762 = tpu.vector_load %arg9[%swap3A_759, %swap3A_760, %swap3A_761] {strides = array<i32>} : memref<25x8x64xf32, #tpu.memory_space<vmem>>, vector<1x1x16xf32>,
        %swap3A_763 = vector.shape_cast %swap3A_762 : vector<1x1x16xf32> to vector<16xf32>
        %swap3A_764 = vector.shape_cast %add3A_757 : vector<16xf32> to vector<1x1x16xf32>
        tpu.vector_store %arg9[%swap3A_759, %swap3A_760, %swap3A_761], %swap3A_764 {strides = array<i32>} : memref<25x8x64xf32, #tpu.memory_space<vmem>>, vector<1x1x16xf32>,
        %get3A_765 = arith.constant 4 : i32
        %get3A_766 = arith.index_cast %scan3A_425 : i32 to index
        %get3A_767 = arith.index_cast %get3A_765 : i32 to index
        %get3A_768 = arith.constant 16 : index
        %get3A_769 = tpu.vector_load %arg9[%get3A_766, %get3A_767, %get3A_768] {strides = array<i32>} : memref<25x8x64xf32, #tpu.memory_space<vmem>>, vector<1x1x16xf32>,
        %get3A_770 = vector.shape_cast %get3A_769 : vector<1x1x16xf32> to vector<16xf32>
        %get3A_771 = arith.constant 4 : i32
        %get3A_772 = arith.index_cast %scan3A_425 : i32 to index
        %get3A_773 = arith.index_cast %get3A_771 : i32 to index
        %get3A_774 = arith.constant 16 : index
        %get3A_775 = tpu.vector_load %arg7[%get3A_772, %get3A_773, %get3A_774] {strides = array<i32>} : memref<25x8x64xf32, #tpu.memory_space<vmem>>, vector<1x1x16xf32>,
        %get3A_776 = vector.shape_cast %get3A_775 : vector<1x1x16xf32> to vector<16xf32>
        %add3A_777 = arith.addf %get3A_770, %get3A_776 : vector<16xf32>
        %swap3A_778 = arith.constant 4 : i32
        %swap3A_779 = arith.index_cast %scan3A_425 : i32 to index
        %swap3A_780 = arith.index_cast %swap3A_778 : i32 to index
        %swap3A_781 = arith.constant 16 : index
        %swap3A_782 = tpu.vector_load %arg9[%swap3A_779, %swap3A_780, %swap3A_781] {strides = array<i32>} : memref<25x8x64xf32, #tpu.memory_space<vmem>>, vector<1x1x16xf32>,
        %swap3A_783 = vector.shape_cast %swap3A_782 : vector<1x1x16xf32> to vector<16xf32>
        %swap3A_784 = vector.shape_cast %add3A_777 : vector<16xf32> to vector<1x1x16xf32>
        tpu.vector_store %arg9[%swap3A_779, %swap3A_780, %swap3A_781], %swap3A_784 {strides = array<i32>} : memref<25x8x64xf32, #tpu.memory_space<vmem>>, vector<1x1x16xf32>,
        %get3A_785 = arith.constant 4 : i32
        %get3A_786 = arith.index_cast %scan3A_425 : i32 to index
        %get3A_787 = arith.index_cast %get3A_785 : i32 to index
        %get3A_788 = arith.constant 32 : index
        %get3A_789 = tpu.vector_load %arg9[%get3A_786, %get3A_787, %get3A_788] {strides = array<i32>} : memref<25x8x64xf32, #tpu.memory_space<vmem>>, vector<1x1x16xf32>,
        %get3A_790 = vector.shape_cast %get3A_789 : vector<1x1x16xf32> to vector<16xf32>
        %get3A_791 = arith.constant 4 : i32
        %get3A_792 = arith.index_cast %scan3A_425 : i32 to index
        %get3A_793 = arith.index_cast %get3A_791 : i32 to index
        %get3A_794 = arith.constant 32 : index
        %get3A_795 = tpu.vector_load %arg7[%get3A_792, %get3A_793, %get3A_794] {strides = array<i32>} : memref<25x8x64xf32, #tpu.memory_space<vmem>>, vector<1x1x16xf32>,
        %get3A_796 = vector.shape_cast %get3A_795 : vector<1x1x16xf32> to vector<16xf32>
        %add3A_797 = arith.addf %get3A_790, %get3A_796 : vector<16xf32>
        %swap3A_798 = arith.constant 4 : i32
        %swap3A_799 = arith.index_cast %scan3A_425 : i32 to index
        %swap3A_800 = arith.index_cast %swap3A_798 : i32 to index
        %swap3A_801 = arith.constant 32 : index
        %swap3A_802 = tpu.vector_load %arg9[%swap3A_799, %swap3A_800, %swap3A_801] {strides = array<i32>} : memref<25x8x64xf32, #tpu.memory_space<vmem>>, vector<1x1x16xf32>,
        %swap3A_803 = vector.shape_cast %swap3A_802 : vector<1x1x16xf32> to vector<16xf32>
        %swap3A_804 = vector.shape_cast %add3A_797 : vector<16xf32> to vector<1x1x16xf32>
        tpu.vector_store %arg9[%swap3A_799, %swap3A_800, %swap3A_801], %swap3A_804 {strides = array<i32>} : memref<25x8x64xf32, #tpu.memory_space<vmem>>, vector<1x1x16xf32>,
        %get3A_805 = arith.constant 4 : i32
        %get3A_806 = arith.index_cast %scan3A_425 : i32 to index
        %get3A_807 = arith.index_cast %get3A_805 : i32 to index
        %get3A_808 = arith.constant 48 : index
        %get3A_809 = tpu.vector_load %arg9[%get3A_806, %get3A_807, %get3A_808] {strides = array<i32>} : memref<25x8x64xf32, #tpu.memory_space<vmem>>, vector<1x1x16xf32>,
        %get3A_810 = vector.shape_cast %get3A_809 : vector<1x1x16xf32> to vector<16xf32>
        %get3A_811 = arith.constant 4 : i32
        %get3A_812 = arith.index_cast %scan3A_425 : i32 to index
        %get3A_813 = arith.index_cast %get3A_811 : i32 to index
        %get3A_814 = arith.constant 48 : index
        %get3A_815 = tpu.vector_load %arg7[%get3A_812, %get3A_813, %get3A_814] {strides = array<i32>} : memref<25x8x64xf32, #tpu.memory_space<vmem>>, vector<1x1x16xf32>,
        %get3A_816 = vector.shape_cast %get3A_815 : vector<1x1x16xf32> to vector<16xf32>
        %add3A_817 = arith.addf %get3A_810, %get3A_816 : vector<16xf32>
        %swap3A_818 = arith.constant 4 : i32
        %swap3A_819 = arith.index_cast %scan3A_425 : i32 to index
        %swap3A_820 = arith.index_cast %swap3A_818 : i32 to index
        %swap3A_821 = arith.constant 48 : index
        %swap3A_822 = tpu.vector_load %arg9[%swap3A_819, %swap3A_820, %swap3A_821] {strides = array<i32>} : memref<25x8x64xf32, #tpu.memory_space<vmem>>, vector<1x1x16xf32>,
        %swap3A_823 = vector.shape_cast %swap3A_822 : vector<1x1x16xf32> to vector<16xf32>
        %swap3A_824 = vector.shape_cast %add3A_817 : vector<16xf32> to vector<1x1x16xf32>
        tpu.vector_store %arg9[%swap3A_819, %swap3A_820, %swap3A_821], %swap3A_824 {strides = array<i32>} : memref<25x8x64xf32, #tpu.memory_space<vmem>>, vector<1x1x16xf32>,
        %get3A_825 = arith.constant 5 : i32
        %get3A_826 = arith.index_cast %scan3A_425 : i32 to index
        %get3A_827 = arith.index_cast %get3A_825 : i32 to index
        %get3A_828 = arith.constant 0 : index
        %get3A_829 = tpu.vector_load %arg9[%get3A_826, %get3A_827, %get3A_828] {strides = array<i32>} : memref<25x8x64xf32, #tpu.memory_space<vmem>>, vector<1x1x16xf32>,
        %get3A_830 = vector.shape_cast %get3A_829 : vector<1x1x16xf32> to vector<16xf32>
        %get3A_831 = arith.constant 5 : i32
        %get3A_832 = arith.index_cast %scan3A_425 : i32 to index
        %get3A_833 = arith.index_cast %get3A_831 : i32 to index
        %get3A_834 = arith.constant 0 : index
        %get3A_835 = tpu.vector_load %arg7[%get3A_832, %get3A_833, %get3A_834] {strides = array<i32>} : memref<25x8x64xf32, #tpu.memory_space<vmem>>, vector<1x1x16xf32>,
        %get3A_836 = vector.shape_cast %get3A_835 : vector<1x1x16xf32> to vector<16xf32>
        %add3A_837 = arith.addf %get3A_830, %get3A_836 : vector<16xf32>
        %swap3A_838 = arith.constant 5 : i32
        %swap3A_839 = arith.index_cast %scan3A_425 : i32 to index
        %swap3A_840 = arith.index_cast %swap3A_838 : i32 to index
        %swap3A_841 = arith.constant 0 : index
        %swap3A_842 = tpu.vector_load %arg9[%swap3A_839, %swap3A_840, %swap3A_841] {strides = array<i32>} : memref<25x8x64xf32, #tpu.memory_space<vmem>>, vector<1x1x16xf32>,
        %swap3A_843 = vector.shape_cast %swap3A_842 : vector<1x1x16xf32> to vector<16xf32>
        %swap3A_844 = vector.shape_cast %add3A_837 : vector<16xf32> to vector<1x1x16xf32>
        tpu.vector_store %arg9[%swap3A_839, %swap3A_840, %swap3A_841], %swap3A_844 {strides = array<i32>} : memref<25x8x64xf32, #tpu.memory_space<vmem>>, vector<1x1x16xf32>,
        %get3A_845 = arith.constant 5 : i32
        %get3A_846 = arith.index_cast %scan3A_425 : i32 to index
        %get3A_847 = arith.index_cast %get3A_845 : i32 to index
        %get3A_848 = arith.constant 16 : index
        %get3A_849 = tpu.vector_load %arg9[%get3A_846, %get3A_847, %get3A_848] {strides = array<i32>} : memref<25x8x64xf32, #tpu.memory_space<vmem>>, vector<1x1x16xf32>,
        %get3A_850 = vector.shape_cast %get3A_849 : vector<1x1x16xf32> to vector<16xf32>
        %get3A_851 = arith.constant 5 : i32
        %get3A_852 = arith.index_cast %scan3A_425 : i32 to index
        %get3A_853 = arith.index_cast %get3A_851 : i32 to index
        %get3A_854 = arith.constant 16 : index
        %get3A_855 = tpu.vector_load %arg7[%get3A_852, %get3A_853, %get3A_854] {strides = array<i32>} : memref<25x8x64xf32, #tpu.memory_space<vmem>>, vector<1x1x16xf32>,
        %get3A_856 = vector.shape_cast %get3A_855 : vector<1x1x16xf32> to vector<16xf32>
        %add3A_857 = arith.addf %get3A_850, %get3A_856 : vector<16xf32>
        %swap3A_858 = arith.constant 5 : i32
        %swap3A_859 = arith.index_cast %scan3A_425 : i32 to index
        %swap3A_860 = arith.index_cast %swap3A_858 : i32 to index
        %swap3A_861 = arith.constant 16 : index
        %swap3A_862 = tpu.vector_load %arg9[%swap3A_859, %swap3A_860, %swap3A_861] {strides = array<i32>} : memref<25x8x64xf32, #tpu.memory_space<vmem>>, vector<1x1x16xf32>,
        %swap3A_863 = vector.shape_cast %swap3A_862 : vector<1x1x16xf32> to vector<16xf32>
        %swap3A_864 = vector.shape_cast %add3A_857 : vector<16xf32> to vector<1x1x16xf32>
        tpu.vector_store %arg9[%swap3A_859, %swap3A_860, %swap3A_861], %swap3A_864 {strides = array<i32>} : memref<25x8x64xf32, #tpu.memory_space<vmem>>, vector<1x1x16xf32>,
        %get3A_865 = arith.constant 5 : i32
        %get3A_866 = arith.index_cast %scan3A_425 : i32 to index
        %get3A_867 = arith.index_cast %get3A_865 : i32 to index
        %get3A_868 = arith.constant 32 : index
        %get3A_869 = tpu.vector_load %arg9[%get3A_866, %get3A_867, %get3A_868] {strides = array<i32>} : memref<25x8x64xf32, #tpu.memory_space<vmem>>, vector<1x1x16xf32>,
        %get3A_870 = vector.shape_cast %get3A_869 : vector<1x1x16xf32> to vector<16xf32>
        %get3A_871 = arith.constant 5 : i32
        %get3A_872 = arith.index_cast %scan3A_425 : i32 to index
        %get3A_873 = arith.index_cast %get3A_871 : i32 to index
        %get3A_874 = arith.constant 32 : index
        %get3A_875 = tpu.vector_load %arg7[%get3A_872, %get3A_873, %get3A_874] {strides = array<i32>} : memref<25x8x64xf32, #tpu.memory_space<vmem>>, vector<1x1x16xf32>,
        %get3A_876 = vector.shape_cast %get3A_875 : vector<1x1x16xf32> to vector<16xf32>
        %add3A_877 = arith.addf %get3A_870, %get3A_876 : vector<16xf32>
        %swap3A_878 = arith.constant 5 : i32
        %swap3A_879 = arith.index_cast %scan3A_425 : i32 to index
        %swap3A_880 = arith.index_cast %swap3A_878 : i32 to index
        %swap3A_881 = arith.constant 32 : index
        %swap3A_882 = tpu.vector_load %arg9[%swap3A_879, %swap3A_880, %swap3A_881] {strides = array<i32>} : memref<25x8x64xf32, #tpu.memory_space<vmem>>, vector<1x1x16xf32>,
        %swap3A_883 = vector.shape_cast %swap3A_882 : vector<1x1x16xf32> to vector<16xf32>
        %swap3A_884 = vector.shape_cast %add3A_877 : vector<16xf32> to vector<1x1x16xf32>
        tpu.vector_store %arg9[%swap3A_879, %swap3A_880, %swap3A_881], %swap3A_884 {strides = array<i32>} : memref<25x8x64xf32, #tpu.memory_space<vmem>>, vector<1x1x16xf32>,
        %get3A_885 = arith.constant 5 : i32
        %get3A_886 = arith.index_cast %scan3A_425 : i32 to index
        %get3A_887 = arith.index_cast %get3A_885 : i32 to index
        %get3A_888 = arith.constant 48 : index
        %get3A_889 = tpu.vector_load %arg9[%get3A_886, %get3A_887, %get3A_888] {strides = array<i32>} : memref<25x8x64xf32, #tpu.memory_space<vmem>>, vector<1x1x16xf32>,
        %get3A_890 = vector.shape_cast %get3A_889 : vector<1x1x16xf32> to vector<16xf32>
        %get3A_891 = arith.constant 5 : i32
        %get3A_892 = arith.index_cast %scan3A_425 : i32 to index
        %get3A_893 = arith.index_cast %get3A_891 : i32 to index
        %get3A_894 = arith.constant 48 : index
        %get3A_895 = tpu.vector_load %arg7[%get3A_892, %get3A_893, %get3A_894] {strides = array<i32>} : memref<25x8x64xf32, #tpu.memory_space<vmem>>, vector<1x1x16xf32>,
        %get3A_896 = vector.shape_cast %get3A_895 : vector<1x1x16xf32> to vector<16xf32>
        %add3A_897 = arith.addf %get3A_890, %get3A_896 : vector<16xf32>
        %swap3A_898 = arith.constant 5 : i32
        %swap3A_899 = arith.index_cast %scan3A_425 : i32 to index
        %swap3A_900 = arith.index_cast %swap3A_898 : i32 to index
        %swap3A_901 = arith.constant 48 : index
        %swap3A_902 = tpu.vector_load %arg9[%swap3A_899, %swap3A_900, %swap3A_901] {strides = array<i32>} : memref<25x8x64xf32, #tpu.memory_space<vmem>>, vector<1x1x16xf32>,
        %swap3A_903 = vector.shape_cast %swap3A_902 : vector<1x1x16xf32> to vector<16xf32>
        %swap3A_904 = vector.shape_cast %add3A_897 : vector<16xf32> to vector<1x1x16xf32>
        tpu.vector_store %arg9[%swap3A_899, %swap3A_900, %swap3A_901], %swap3A_904 {strides = array<i32>} : memref<25x8x64xf32, #tpu.memory_space<vmem>>, vector<1x1x16xf32>,
        %get3A_905 = arith.constant 6 : i32
        %get3A_906 = arith.index_cast %scan3A_425 : i32 to index
        %get3A_907 = arith.index_cast %get3A_905 : i32 to index
        %get3A_908 = arith.constant 0 : index
        %get3A_909 = tpu.vector_load %arg9[%get3A_906, %get3A_907, %get3A_908] {strides = array<i32>} : memref<25x8x64xf32, #tpu.memory_space<vmem>>, vector<1x1x16xf32>,
        %get3A_910 = vector.shape_cast %get3A_909 : vector<1x1x16xf32> to vector<16xf32>
        %get3A_911 = arith.constant 6 : i32
        %get3A_912 = arith.index_cast %scan3A_425 : i32 to index
        %get3A_913 = arith.index_cast %get3A_911 : i32 to index
        %get3A_914 = arith.constant 0 : index
        %get3A_915 = tpu.vector_load %arg7[%get3A_912, %get3A_913, %get3A_914] {strides = array<i32>} : memref<25x8x64xf32, #tpu.memory_space<vmem>>, vector<1x1x16xf32>,
        %get3A_916 = vector.shape_cast %get3A_915 : vector<1x1x16xf32> to vector<16xf32>
        %add3A_917 = arith.addf %get3A_910, %get3A_916 : vector<16xf32>
        %swap3A_918 = arith.constant 6 : i32
        %swap3A_919 = arith.index_cast %scan3A_425 : i32 to index
        %swap3A_920 = arith.index_cast %swap3A_918 : i32 to index
        %swap3A_921 = arith.constant 0 : index
        %swap3A_922 = tpu.vector_load %arg9[%swap3A_919, %swap3A_920, %swap3A_921] {strides = array<i32>} : memref<25x8x64xf32, #tpu.memory_space<vmem>>, vector<1x1x16xf32>,
        %swap3A_923 = vector.shape_cast %swap3A_922 : vector<1x1x16xf32> to vector<16xf32>
        %swap3A_924 = vector.shape_cast %add3A_917 : vector<16xf32> to vector<1x1x16xf32>
        tpu.vector_store %arg9[%swap3A_919, %swap3A_920, %swap3A_921], %swap3A_924 {strides = array<i32>} : memref<25x8x64xf32, #tpu.memory_space<vmem>>, vector<1x1x16xf32>,
        %get3A_925 = arith.constant 6 : i32
        %get3A_926 = arith.index_cast %scan3A_425 : i32 to index
        %get3A_927 = arith.index_cast %get3A_925 : i32 to index
        %get3A_928 = arith.constant 16 : index
        %get3A_929 = tpu.vector_load %arg9[%get3A_926, %get3A_927, %get3A_928] {strides = array<i32>} : memref<25x8x64xf32, #tpu.memory_space<vmem>>, vector<1x1x16xf32>,
        %get3A_930 = vector.shape_cast %get3A_929 : vector<1x1x16xf32> to vector<16xf32>
        %get3A_931 = arith.constant 6 : i32
        %get3A_932 = arith.index_cast %scan3A_425 : i32 to index
        %get3A_933 = arith.index_cast %get3A_931 : i32 to index
        %get3A_934 = arith.constant 16 : index
        %get3A_935 = tpu.vector_load %arg7[%get3A_932, %get3A_933, %get3A_934] {strides = array<i32>} : memref<25x8x64xf32, #tpu.memory_space<vmem>>, vector<1x1x16xf32>,
        %get3A_936 = vector.shape_cast %get3A_935 : vector<1x1x16xf32> to vector<16xf32>
        %add3A_937 = arith.addf %get3A_930, %get3A_936 : vector<16xf32>
        %swap3A_938 = arith.constant 6 : i32
        %swap3A_939 = arith.index_cast %scan3A_425 : i32 to index
        %swap3A_940 = arith.index_cast %swap3A_938 : i32 to index
        %swap3A_941 = arith.constant 16 : index
        %swap3A_942 = tpu.vector_load %arg9[%swap3A_939, %swap3A_940, %swap3A_941] {strides = array<i32>} : memref<25x8x64xf32, #tpu.memory_space<vmem>>, vector<1x1x16xf32>,
        %swap3A_943 = vector.shape_cast %swap3A_942 : vector<1x1x16xf32> to vector<16xf32>
        %swap3A_944 = vector.shape_cast %add3A_937 : vector<16xf32> to vector<1x1x16xf32>
        tpu.vector_store %arg9[%swap3A_939, %swap3A_940, %swap3A_941], %swap3A_944 {strides = array<i32>} : memref<25x8x64xf32, #tpu.memory_space<vmem>>, vector<1x1x16xf32>,
        %get3A_945 = arith.constant 6 : i32
        %get3A_946 = arith.index_cast %scan3A_425 : i32 to index
        %get3A_947 = arith.index_cast %get3A_945 : i32 to index
        %get3A_948 = arith.constant 32 : index
        %get3A_949 = tpu.vector_load %arg9[%get3A_946, %get3A_947, %get3A_948] {strides = array<i32>} : memref<25x8x64xf32, #tpu.memory_space<vmem>>, vector<1x1x16xf32>,
        %get3A_950 = vector.shape_cast %get3A_949 : vector<1x1x16xf32> to vector<16xf32>
        %get3A_951 = arith.constant 6 : i32
        %get3A_952 = arith.index_cast %scan3A_425 : i32 to index
        %get3A_953 = arith.index_cast %get3A_951 : i32 to index
        %get3A_954 = arith.constant 32 : index
        %get3A_955 = tpu.vector_load %arg7[%get3A_952, %get3A_953, %get3A_954] {strides = array<i32>} : memref<25x8x64xf32, #tpu.memory_space<vmem>>, vector<1x1x16xf32>,
        %get3A_956 = vector.shape_cast %get3A_955 : vector<1x1x16xf32> to vector<16xf32>
        %add3A_957 = arith.addf %get3A_950, %get3A_956 : vector<16xf32>
        %swap3A_958 = arith.constant 6 : i32
        %swap3A_959 = arith.index_cast %scan3A_425 : i32 to index
        %swap3A_960 = arith.index_cast %swap3A_958 : i32 to index
        %swap3A_961 = arith.constant 32 : index
        %swap3A_962 = tpu.vector_load %arg9[%swap3A_959, %swap3A_960, %swap3A_961] {strides = array<i32>} : memref<25x8x64xf32, #tpu.memory_space<vmem>>, vector<1x1x16xf32>,
        %swap3A_963 = vector.shape_cast %swap3A_962 : vector<1x1x16xf32> to vector<16xf32>
        %swap3A_964 = vector.shape_cast %add3A_957 : vector<16xf32> to vector<1x1x16xf32>
        tpu.vector_store %arg9[%swap3A_959, %swap3A_960, %swap3A_961], %swap3A_964 {strides = array<i32>} : memref<25x8x64xf32, #tpu.memory_space<vmem>>, vector<1x1x16xf32>,
        %get3A_965 = arith.constant 6 : i32
        %get3A_966 = arith.index_cast %scan3A_425 : i32 to index
        %get3A_967 = arith.index_cast %get3A_965 : i32 to index
        %get3A_968 = arith.constant 48 : index
        %get3A_969 = tpu.vector_load %arg9[%get3A_966, %get3A_967, %get3A_968] {strides = array<i32>} : memref<25x8x64xf32, #tpu.memory_space<vmem>>, vector<1x1x16xf32>,
        %get3A_970 = vector.shape_cast %get3A_969 : vector<1x1x16xf32> to vector<16xf32>
        %get3A_971 = arith.constant 6 : i32
        %get3A_972 = arith.index_cast %scan3A_425 : i32 to index
        %get3A_973 = arith.index_cast %get3A_971 : i32 to index
        %get3A_974 = arith.constant 48 : index
        %get3A_975 = tpu.vector_load %arg7[%get3A_972, %get3A_973, %get3A_974] {strides = array<i32>} : memref<25x8x64xf32, #tpu.memory_space<vmem>>, vector<1x1x16xf32>,
        %get3A_976 = vector.shape_cast %get3A_975 : vector<1x1x16xf32> to vector<16xf32>
        %add3A_977 = arith.addf %get3A_970, %get3A_976 : vector<16xf32>
        %swap3A_978 = arith.constant 6 : i32
        %swap3A_979 = arith.index_cast %scan3A_425 : i32 to index
        %swap3A_980 = arith.index_cast %swap3A_978 : i32 to index
        %swap3A_981 = arith.constant 48 : index
        %swap3A_982 = tpu.vector_load %arg9[%swap3A_979, %swap3A_980, %swap3A_981] {strides = array<i32>} : memref<25x8x64xf32, #tpu.memory_space<vmem>>, vector<1x1x16xf32>,
        %swap3A_983 = vector.shape_cast %swap3A_982 : vector<1x1x16xf32> to vector<16xf32>
        %swap3A_984 = vector.shape_cast %add3A_977 : vector<16xf32> to vector<1x1x16xf32>
        tpu.vector_store %arg9[%swap3A_979, %swap3A_980, %swap3A_981], %swap3A_984 {strides = array<i32>} : memref<25x8x64xf32, #tpu.memory_space<vmem>>, vector<1x1x16xf32>,
        %get3A_985 = arith.constant 7 : i32
        %get3A_986 = arith.index_cast %scan3A_425 : i32 to index
        %get3A_987 = arith.index_cast %get3A_985 : i32 to index
        %get3A_988 = arith.constant 0 : index
        %get3A_989 = tpu.vector_load %arg9[%get3A_986, %get3A_987, %get3A_988] {strides = array<i32>} : memref<25x8x64xf32, #tpu.memory_space<vmem>>, vector<1x1x16xf32>,
        %get3A_990 = vector.shape_cast %get3A_989 : vector<1x1x16xf32> to vector<16xf32>
        %get3A_991 = arith.constant 7 : i32
        %get3A_992 = arith.index_cast %scan3A_425 : i32 to index
        %get3A_993 = arith.index_cast %get3A_991 : i32 to index
        %get3A_994 = arith.constant 0 : index
        %get3A_995 = tpu.vector_load %arg7[%get3A_992, %get3A_993, %get3A_994] {strides = array<i32>} : memref<25x8x64xf32, #tpu.memory_space<vmem>>, vector<1x1x16xf32>,
        %get3A_996 = vector.shape_cast %get3A_995 : vector<1x1x16xf32> to vector<16xf32>
        %add3A_997 = arith.addf %get3A_990, %get3A_996 : vector<16xf32>
        %swap3A_998 = arith.constant 7 : i32
        %swap3A_999 = arith.index_cast %scan3A_425 : i32 to index
        %swap3A_1000 = arith.index_cast %swap3A_998 : i32 to index
        %swap3A_1001 = arith.constant 0 : index
        %swap3A_1002 = tpu.vector_load %arg9[%swap3A_999, %swap3A_1000, %swap3A_1001] {strides = array<i32>} : memref<25x8x64xf32, #tpu.memory_space<vmem>>, vector<1x1x16xf32>,
        %swap3A_1003 = vector.shape_cast %swap3A_1002 : vector<1x1x16xf32> to vector<16xf32>
        %swap3A_1004 = vector.shape_cast %add3A_997 : vector<16xf32> to vector<1x1x16xf32>
        tpu.vector_store %arg9[%swap3A_999, %swap3A_1000, %swap3A_1001], %swap3A_1004 {strides = array<i32>} : memref<25x8x64xf32, #tpu.memory_space<vmem>>, vector<1x1x16xf32>,
        %get3A_1005 = arith.constant 7 : i32
        %get3A_1006 = arith.index_cast %scan3A_425 : i32 to index
        %get3A_1007 = arith.index_cast %get3A_1005 : i32 to index
        %get3A_1008 = arith.constant 16 : index
        %get3A_1009 = tpu.vector_load %arg9[%get3A_1006, %get3A_1007, %get3A_1008] {strides = array<i32>} : memref<25x8x64xf32, #tpu.memory_space<vmem>>, vector<1x1x16xf32>,
        %get3A_1010 = vector.shape_cast %get3A_1009 : vector<1x1x16xf32> to vector<16xf32>
        %get3A_1011 = arith.constant 7 : i32
        %get3A_1012 = arith.index_cast %scan3A_425 : i32 to index
        %get3A_1013 = arith.index_cast %get3A_1011 : i32 to index
        %get3A_1014 = arith.constant 16 : index
        %get3A_1015 = tpu.vector_load %arg7[%get3A_1012, %get3A_1013, %get3A_1014] {strides = array<i32>} : memref<25x8x64xf32, #tpu.memory_space<vmem>>, vector<1x1x16xf32>,
        %get3A_1016 = vector.shape_cast %get3A_1015 : vector<1x1x16xf32> to vector<16xf32>
        %add3A_1017 = arith.addf %get3A_1010, %get3A_1016 : vector<16xf32>
        %swap3A_1018 = arith.constant 7 : i32
        %swap3A_1019 = arith.index_cast %scan3A_425 : i32 to index
        %swap3A_1020 = arith.index_cast %swap3A_1018 : i32 to index
        %swap3A_1021 = arith.constant 16 : index
        %swap3A_1022 = tpu.vector_load %arg9[%swap3A_1019, %swap3A_1020, %swap3A_1021] {strides = array<i32>} : memref<25x8x64xf32, #tpu.memory_space<vmem>>, vector<1x1x16xf32>,
        %swap3A_1023 = vector.shape_cast %swap3A_1022 : vector<1x1x16xf32> to vector<16xf32>
        %swap3A_1024 = vector.shape_cast %add3A_1017 : vector<16xf32> to vector<1x1x16xf32>
        tpu.vector_store %arg9[%swap3A_1019, %swap3A_1020, %swap3A_1021], %swap3A_1024 {strides = array<i32>} : memref<25x8x64xf32, #tpu.memory_space<vmem>>, vector<1x1x16xf32>,
        %get3A_1025 = arith.constant 7 : i32
        %get3A_1026 = arith.index_cast %scan3A_425 : i32 to index
        %get3A_1027 = arith.index_cast %get3A_1025 : i32 to index
        %get3A_1028 = arith.constant 32 : index
        %get3A_1029 = tpu.vector_load %arg9[%get3A_1026, %get3A_1027, %get3A_1028] {strides = array<i32>} : memref<25x8x64xf32, #tpu.memory_space<vmem>>, vector<1x1x16xf32>,
        %get3A_1030 = vector.shape_cast %get3A_1029 : vector<1x1x16xf32> to vector<16xf32>
        %get3A_1031 = arith.constant 7 : i32
        %get3A_1032 = arith.index_cast %scan3A_425 : i32 to index
        %get3A_1033 = arith.index_cast %get3A_1031 : i32 to index
        %get3A_1034 = arith.constant 32 : index
        %get3A_1035 = tpu.vector_load %arg7[%get3A_1032, %get3A_1033, %get3A_1034] {strides = array<i32>} : memref<25x8x64xf32, #tpu.memory_space<vmem>>, vector<1x1x16xf32>,
        %get3A_1036 = vector.shape_cast %get3A_1035 : vector<1x1x16xf32> to vector<16xf32>
        %add3A_1037 = arith.addf %get3A_1030, %get3A_1036 : vector<16xf32>
        %swap3A_1038 = arith.constant 7 : i32
        %swap3A_1039 = arith.index_cast %scan3A_425 : i32 to index
        %swap3A_1040 = arith.index_cast %swap3A_1038 : i32 to index
        %swap3A_1041 = arith.constant 32 : index
        %swap3A_1042 = tpu.vector_load %arg9[%swap3A_1039, %swap3A_1040, %swap3A_1041] {strides = array<i32>} : memref<25x8x64xf32, #tpu.memory_space<vmem>>, vector<1x1x16xf32>,
        %swap3A_1043 = vector.shape_cast %swap3A_1042 : vector<1x1x16xf32> to vector<16xf32>
        %swap3A_1044 = vector.shape_cast %add3A_1037 : vector<16xf32> to vector<1x1x16xf32>
        tpu.vector_store %arg9[%swap3A_1039, %swap3A_1040, %swap3A_1041], %swap3A_1044 {strides = array<i32>} : memref<25x8x64xf32, #tpu.memory_space<vmem>>, vector<1x1x16xf32>,
        %get3A_1045 = arith.constant 7 : i32
        %get3A_1046 = arith.index_cast %scan3A_425 : i32 to index
        %get3A_1047 = arith.index_cast %get3A_1045 : i32 to index
        %get3A_1048 = arith.constant 48 : index
        %get3A_1049 = tpu.vector_load %arg9[%get3A_1046, %get3A_1047, %get3A_1048] {strides = array<i32>} : memref<25x8x64xf32, #tpu.memory_space<vmem>>, vector<1x1x16xf32>,
        %get3A_1050 = vector.shape_cast %get3A_1049 : vector<1x1x16xf32> to vector<16xf32>
        %get3A_1051 = arith.constant 7 : i32
        %get3A_1052 = arith.index_cast %scan3A_425 : i32 to index
        %get3A_1053 = arith.index_cast %get3A_1051 : i32 to index
        %get3A_1054 = arith.constant 48 : index
        %get3A_1055 = tpu.vector_load %arg7[%get3A_1052, %get3A_1053, %get3A_1054] {strides = array<i32>} : memref<25x8x64xf32, #tpu.memory_space<vmem>>, vector<1x1x16xf32>,
        %get3A_1056 = vector.shape_cast %get3A_1055 : vector<1x1x16xf32> to vector<16xf32>
        %add3A_1057 = arith.addf %get3A_1050, %get3A_1056 : vector<16xf32>
        %swap3A_1058 = arith.constant 7 : i32
        %swap3A_1059 = arith.index_cast %scan3A_425 : i32 to index
        %swap3A_1060 = arith.index_cast %swap3A_1058 : i32 to index
        %swap3A_1061 = arith.constant 48 : index
        %swap3A_1062 = tpu.vector_load %arg9[%swap3A_1059, %swap3A_1060, %swap3A_1061] {strides = array<i32>} : memref<25x8x64xf32, #tpu.memory_space<vmem>>, vector<1x1x16xf32>,
        %swap3A_1063 = vector.shape_cast %swap3A_1062 : vector<1x1x16xf32> to vector<16xf32>
        %swap3A_1064 = vector.shape_cast %add3A_1057 : vector<16xf32> to vector<1x1x16xf32>
        tpu.vector_store %arg9[%swap3A_1059, %swap3A_1060, %swap3A_1061], %swap3A_1064 {strides = array<i32>} : memref<25x8x64xf32, #tpu.memory_space<vmem>>, vector<1x1x16xf32>,
      }
      %scan3A_380 = arith.constant 25 : i32
      %add3A_381 = arith.constant 1 : i32
      %add3A_382 = arith.addi %mul3A_342, %add3A_381 : i32
      %mul3A_383 = arith.constant 800 : i32
      %mul3A_384 = arith.muli %add3A, %mul3A_383 : i32
      %mul3A_385 = arith.constant 25 : i32
      %mul3A_386 = arith.muli %add3A_382, %mul3A_385 : i32
      %add3A_387 = arith.addi %mul3A_384, %mul3A_386 : i32
      %dma_start3A_388 = arith.constant 0 : i32
      %dma_start3A_389 = arith.constant 0 : i32
      %dma_start3A_390 = tpu.memref_slice %arg5[%add3A_387, %dma_start3A_388, %dma_start3A_389] : memref<25600x8x64xf32, #tpu.memory_space<hbm>> -> memref<25x8x64xf32, #tpu.memory_space<hbm>>
      %dma_start3A_391 = arith.constant 0 : i32
      %dma_start3A_392 = arith.constant 0 : i32
      %dma_start3A_393 = tpu.memref_slice %arg5[%add3A_387, %dma_start3A_391, %dma_start3A_392] : memref<25600x8x64xf32, #tpu.memory_space<hbm>> -> memref<25x8x64xf32, #tpu.memory_space<hbm>>
      tpu.enqueue_dma source(%arg9 : memref<25x8x64xf32, #tpu.memory_space<vmem>>) target(%dma_start3A_393 : memref<25x8x64xf32, #tpu.memory_space<hbm>>) target_semaphore(%arg13 : memref<!tpu.dma_semaphore, #tpu.memory_space<semaphore_mem>>)
      %mul3A_394 = arith.constant 800 : i32
      %mul3A_395 = arith.muli %add3A, %mul3A_394 : i32
      %mul3A_396 = arith.constant 25 : i32
      %mul3A_397 = arith.muli %mul3A_342, %mul3A_396 : i32
      %add3A_398 = arith.addi %mul3A_395, %mul3A_397 : i32
      %dma_wait3A_399 = arith.constant 0 : i32
      %dma_wait3A_400 = arith.constant 0 : i32
      %dma_wait3A_401 = tpu.memref_slice %arg5[%add3A_398, %dma_wait3A_399, %dma_wait3A_400] : memref<25600x8x64xf32, #tpu.memory_space<hbm>> -> memref<25x8x64xf32, #tpu.memory_space<hbm>>
      %dma_wait3A_402 = arith.constant 0 : i32
      %dma_wait3A_403 = arith.constant 0 : i32
      %dma_wait3A_404 = tpu.memref_slice %arg5[%add3A_398, %dma_wait3A_402, %dma_wait3A_403] : memref<25600x8x64xf32, #tpu.memory_space<hbm>> -> memref<25x8x64xf32, #tpu.memory_space<hbm>>
      tpu.wait_dma2 semaphore(%arg12 : memref<!tpu.dma_semaphore, #tpu.memory_space<semaphore_mem>>) src(%arg8 : memref<25x8x64xf32, #tpu.memory_space<vmem>>) dst(%dma_wait3A_404 : memref<25x8x64xf32, #tpu.memory_space<hbm>>)
      %lt3A = arith.constant 15 : i32
      %lt3A_405 = arith.cmpi slt, %scan3A_340, %lt3A : i32
      %convert_element_type3A = arith.extui %lt3A_405 : i1 to i32
      %cond3A = arith.constant 0 : i32
      %cond3A_406 = arith.cmpi ne, %convert_element_type3A, %cond3A : i32
      scf.if %cond3A_406 {
        %add3A_425 = arith.constant 2 : i32
        %add3A_426 = arith.addi %mul3A_342, %add3A_425 : i32
        %mul3A_427 = arith.constant 200 : i32
        %mul3A_428 = arith.muli %add3A_426, %mul3A_427 : i32
        %scan3A_429 = arith.constant 0 : i32
        %scan3A_430 = arith.constant 0 : i32
        %scan3A_431 = arith.constant 12 : i32
        %scan3A_432 = arith.addi %scan3A_430, %scan3A_431 : i32
        %scan3A_433 = arith.constant 1 : i32
        scf.for %scan3A_600 = %scan3A_430 to %scan3A_432 step %scan3A_433  : i32 {
          %mul3A_601 = arith.constant 16 : i32
          %mul3A_602 = arith.muli %scan3A_600, %mul3A_601 : i32
          %add3A_603 = arith.addi %mul3A_428, %mul3A_602 : i32
          %get3A_604 = arith.index_cast %add3A_603 : i32 to index
          %get3A_605 = tpu.vector_load %arg6[%get3A_604] {strides = array<i32>} : memref<6400xi32, #tpu.memory_space<vmem>>, vector<16xi32>,
          %get3A_606 = vector.shape_cast %get3A_605 : vector<16xi32> to vector<16xi32>
          %mul3A_607 = arith.constant 2 : i32
          %mul3A_608 = arith.muli %scan3A_600, %mul3A_607 : i32
          %slice3A_609 = vector.extract_strided_slice %get3A_606 {offsets = [0], sizes = [1], strides = [1]} : vector<16xi32> to vector<1xi32>
          %squeeze3A_610 = vector.extract %slice3A_609[0] : i32 from vector<1xi32>
          %shift_right_logical3A_611 = arith.constant 3 : i32
          %shift_right_logical3A_612 = arith.shrui %squeeze3A_610, %shift_right_logical3A_611 : i32
          %and3A_613 = arith.constant 7 : i32
          %and3A_614 = arith.andi %squeeze3A_610, %and3A_613 : i32
          %add3A_615 = arith.constant 0 : i32
          %add3A_616 = arith.addi %mul3A_608, %add3A_615 : i32
          %dma_start3A_617 = arith.constant 0 : i32
          %dma_start3A_618 = arith.constant 0 : i32
          %dma_start3A_619 = tpu.memref_slice %arg8[%add3A_616, %dma_start3A_617, %dma_start3A_618] : memref<25x8x64xf32, #tpu.memory_space<vmem>> -> memref<1x1x64xf32, #tpu.memory_space<vmem>>
          %dma_start3A_620 = tpu.memref_squeeze %dma_start3A_619 : memref<1x1x64xf32, #tpu.memory_space<vmem>> -> memref<64xf32, #tpu.memory_space<vmem>>
          %dma_start3A_621 = arith.constant 0 : i32
          %dma_start3A_622 = tpu.memref_slice %arg3[%shift_right_logical3A_612, %and3A_614, %dma_start3A_621] : memref<125000x8x64xf32, #tpu.memory_space<hbm>> -> memref<1x1x64xf32, #tpu.memory_space<hbm>>
          %dma_start3A_623 = tpu.memref_squeeze %dma_start3A_622 : memref<1x1x64xf32, #tpu.memory_space<hbm>> -> memref<64xf32, #tpu.memory_space<hbm>>
          %dma_start3A_624 = arith.constant 0 : i32
          %dma_start3A_625 = tpu.memref_slice %arg8[%add3A_616, %dma_start3A_617, %dma_start3A_624] : memref<25x8x64xf32, #tpu.memory_space<vmem>> -> memref<1x1x64xf32, #tpu.memory_space<vmem>>
          %dma_start3A_626 = tpu.memref_squeeze %dma_start3A_625 : memref<1x1x64xf32, #tpu.memory_space<vmem>> -> memref<64xf32, #tpu.memory_space<vmem>>
          %dma_start3A_627 = arith.constant 0 : i32
          %dma_start3A_628 = tpu.memref_slice %arg3[%shift_right_logical3A_612, %and3A_614, %dma_start3A_627] : memref<125000x8x64xf32, #tpu.memory_space<hbm>> -> memref<1x1x64xf32, #tpu.memory_space<hbm>>
          %dma_start3A_629 = tpu.memref_squeeze %dma_start3A_628 : memref<1x1x64xf32, #tpu.memory_space<hbm>> -> memref<64xf32, #tpu.memory_space<hbm>>
          tpu.enqueue_dma source(%dma_start3A_629 : memref<64xf32, #tpu.memory_space<hbm>>) target(%dma_start3A_626 : memref<64xf32, #tpu.memory_space<vmem>>) target_semaphore(%arg10 : memref<!tpu.dma_semaphore, #tpu.memory_space<semaphore_mem>>)
          %slice3A_630 = vector.extract_strided_slice %get3A_606 {offsets = [1], sizes = [1], strides = [1]} : vector<16xi32> to vector<1xi32>
          %squeeze3A_631 = vector.extract %slice3A_630[0] : i32 from vector<1xi32>
          %shift_right_logical3A_632 = arith.constant 3 : i32
          %shift_right_logical3A_633 = arith.shrui %squeeze3A_631, %shift_right_logical3A_632 : i32
          %and3A_634 = arith.constant 7 : i32
          %and3A_635 = arith.andi %squeeze3A_631, %and3A_634 : i32
          %add3A_636 = arith.constant 0 : i32
          %add3A_637 = arith.addi %mul3A_608, %add3A_636 : i32
          %dma_start3A_638 = arith.constant 1 : i32
          %dma_start3A_639 = arith.constant 0 : i32
          %dma_start3A_640 = tpu.memref_slice %arg8[%add3A_637, %dma_start3A_638, %dma_start3A_639] : memref<25x8x64xf32, #tpu.memory_space<vmem>> -> memref<1x1x64xf32, #tpu.memory_space<vmem>>
          %dma_start3A_641 = tpu.memref_squeeze %dma_start3A_640 : memref<1x1x64xf32, #tpu.memory_space<vmem>> -> memref<64xf32, #tpu.memory_space<vmem>>
          %dma_start3A_642 = arith.constant 0 : i32
          %dma_start3A_643 = tpu.memref_slice %arg3[%shift_right_logical3A_633, %and3A_635, %dma_start3A_642] : memref<125000x8x64xf32, #tpu.memory_space<hbm>> -> memref<1x1x64xf32, #tpu.memory_space<hbm>>
          %dma_start3A_644 = tpu.memref_squeeze %dma_start3A_643 : memref<1x1x64xf32, #tpu.memory_space<hbm>> -> memref<64xf32, #tpu.memory_space<hbm>>
          %dma_start3A_645 = arith.constant 0 : i32
          %dma_start3A_646 = tpu.memref_slice %arg8[%add3A_637, %dma_start3A_638, %dma_start3A_645] : memref<25x8x64xf32, #tpu.memory_space<vmem>> -> memref<1x1x64xf32, #tpu.memory_space<vmem>>
          %dma_start3A_647 = tpu.memref_squeeze %dma_start3A_646 : memref<1x1x64xf32, #tpu.memory_space<vmem>> -> memref<64xf32, #tpu.memory_space<vmem>>
          %dma_start3A_648 = arith.constant 0 : i32
          %dma_start3A_649 = tpu.memref_slice %arg3[%shift_right_logical3A_633, %and3A_635, %dma_start3A_648] : memref<125000x8x64xf32, #tpu.memory_space<hbm>> -> memref<1x1x64xf32, #tpu.memory_space<hbm>>
          %dma_start3A_650 = tpu.memref_squeeze %dma_start3A_649 : memref<1x1x64xf32, #tpu.memory_space<hbm>> -> memref<64xf32, #tpu.memory_space<hbm>>
          tpu.enqueue_dma source(%dma_start3A_650 : memref<64xf32, #tpu.memory_space<hbm>>) target(%dma_start3A_647 : memref<64xf32, #tpu.memory_space<vmem>>) target_semaphore(%arg10 : memref<!tpu.dma_semaphore, #tpu.memory_space<semaphore_mem>>)
          %slice3A_651 = vector.extract_strided_slice %get3A_606 {offsets = [2], sizes = [1], strides = [1]} : vector<16xi32> to vector<1xi32>
          %squeeze3A_652 = vector.extract %slice3A_651[0] : i32 from vector<1xi32>
          %shift_right_logical3A_653 = arith.constant 3 : i32
          %shift_right_logical3A_654 = arith.shrui %squeeze3A_652, %shift_right_logical3A_653 : i32
          %and3A_655 = arith.constant 7 : i32
          %and3A_656 = arith.andi %squeeze3A_652, %and3A_655 : i32
          %add3A_657 = arith.constant 0 : i32
          %add3A_658 = arith.addi %mul3A_608, %add3A_657 : i32
          %dma_start3A_659 = arith.constant 2 : i32
          %dma_start3A_660 = arith.constant 0 : i32
          %dma_start3A_661 = tpu.memref_slice %arg8[%add3A_658, %dma_start3A_659, %dma_start3A_660] : memref<25x8x64xf32, #tpu.memory_space<vmem>> -> memref<1x1x64xf32, #tpu.memory_space<vmem>>
          %dma_start3A_662 = tpu.memref_squeeze %dma_start3A_661 : memref<1x1x64xf32, #tpu.memory_space<vmem>> -> memref<64xf32, #tpu.memory_space<vmem>>
          %dma_start3A_663 = arith.constant 0 : i32
          %dma_start3A_664 = tpu.memref_slice %arg3[%shift_right_logical3A_654, %and3A_656, %dma_start3A_663] : memref<125000x8x64xf32, #tpu.memory_space<hbm>> -> memref<1x1x64xf32, #tpu.memory_space<hbm>>
          %dma_start3A_665 = tpu.memref_squeeze %dma_start3A_664 : memref<1x1x64xf32, #tpu.memory_space<hbm>> -> memref<64xf32, #tpu.memory_space<hbm>>
          %dma_start3A_666 = arith.constant 0 : i32
          %dma_start3A_667 = tpu.memref_slice %arg8[%add3A_658, %dma_start3A_659, %dma_start3A_666] : memref<25x8x64xf32, #tpu.memory_space<vmem>> -> memref<1x1x64xf32, #tpu.memory_space<vmem>>
          %dma_start3A_668 = tpu.memref_squeeze %dma_start3A_667 : memref<1x1x64xf32, #tpu.memory_space<vmem>> -> memref<64xf32, #tpu.memory_space<vmem>>
          %dma_start3A_669 = arith.constant 0 : i32
          %dma_start3A_670 = tpu.memref_slice %arg3[%shift_right_logical3A_654, %and3A_656, %dma_start3A_669] : memref<125000x8x64xf32, #tpu.memory_space<hbm>> -> memref<1x1x64xf32, #tpu.memory_space<hbm>>
          %dma_start3A_671 = tpu.memref_squeeze %dma_start3A_670 : memref<1x1x64xf32, #tpu.memory_space<hbm>> -> memref<64xf32, #tpu.memory_space<hbm>>
          tpu.enqueue_dma source(%dma_start3A_671 : memref<64xf32, #tpu.memory_space<hbm>>) target(%dma_start3A_668 : memref<64xf32, #tpu.memory_space<vmem>>) target_semaphore(%arg10 : memref<!tpu.dma_semaphore, #tpu.memory_space<semaphore_mem>>)
          %slice3A_672 = vector.extract_strided_slice %get3A_606 {offsets = [3], sizes = [1], strides = [1]} : vector<16xi32> to vector<1xi32>
          %squeeze3A_673 = vector.extract %slice3A_672[0] : i32 from vector<1xi32>
          %shift_right_logical3A_674 = arith.constant 3 : i32
          %shift_right_logical3A_675 = arith.shrui %squeeze3A_673, %shift_right_logical3A_674 : i32
          %and3A_676 = arith.constant 7 : i32
          %and3A_677 = arith.andi %squeeze3A_673, %and3A_676 : i32
          %add3A_678 = arith.constant 0 : i32
          %add3A_679 = arith.addi %mul3A_608, %add3A_678 : i32
          %dma_start3A_680 = arith.constant 3 : i32
          %dma_start3A_681 = arith.constant 0 : i32
          %dma_start3A_682 = tpu.memref_slice %arg8[%add3A_679, %dma_start3A_680, %dma_start3A_681] : memref<25x8x64xf32, #tpu.memory_space<vmem>> -> memref<1x1x64xf32, #tpu.memory_space<vmem>>
          %dma_start3A_683 = tpu.memref_squeeze %dma_start3A_682 : memref<1x1x64xf32, #tpu.memory_space<vmem>> -> memref<64xf32, #tpu.memory_space<vmem>>
          %dma_start3A_684 = arith.constant 0 : i32
          %dma_start3A_685 = tpu.memref_slice %arg3[%shift_right_logical3A_675, %and3A_677, %dma_start3A_684] : memref<125000x8x64xf32, #tpu.memory_space<hbm>> -> memref<1x1x64xf32, #tpu.memory_space<hbm>>
          %dma_start3A_686 = tpu.memref_squeeze %dma_start3A_685 : memref<1x1x64xf32, #tpu.memory_space<hbm>> -> memref<64xf32, #tpu.memory_space<hbm>>
          %dma_start3A_687 = arith.constant 0 : i32
          %dma_start3A_688 = tpu.memref_slice %arg8[%add3A_679, %dma_start3A_680, %dma_start3A_687] : memref<25x8x64xf32, #tpu.memory_space<vmem>> -> memref<1x1x64xf32, #tpu.memory_space<vmem>>
          %dma_start3A_689 = tpu.memref_squeeze %dma_start3A_688 : memref<1x1x64xf32, #tpu.memory_space<vmem>> -> memref<64xf32, #tpu.memory_space<vmem>>
          %dma_start3A_690 = arith.constant 0 : i32
          %dma_start3A_691 = tpu.memref_slice %arg3[%shift_right_logical3A_675, %and3A_677, %dma_start3A_690] : memref<125000x8x64xf32, #tpu.memory_space<hbm>> -> memref<1x1x64xf32, #tpu.memory_space<hbm>>
          %dma_start3A_692 = tpu.memref_squeeze %dma_start3A_691 : memref<1x1x64xf32, #tpu.memory_space<hbm>> -> memref<64xf32, #tpu.memory_space<hbm>>
          tpu.enqueue_dma source(%dma_start3A_692 : memref<64xf32, #tpu.memory_space<hbm>>) target(%dma_start3A_689 : memref<64xf32, #tpu.memory_space<vmem>>) target_semaphore(%arg10 : memref<!tpu.dma_semaphore, #tpu.memory_space<semaphore_mem>>)
          %slice3A_693 = vector.extract_strided_slice %get3A_606 {offsets = [4], sizes = [1], strides = [1]} : vector<16xi32> to vector<1xi32>
          %squeeze3A_694 = vector.extract %slice3A_693[0] : i32 from vector<1xi32>
          %shift_right_logical3A_695 = arith.constant 3 : i32
          %shift_right_logical3A_696 = arith.shrui %squeeze3A_694, %shift_right_logical3A_695 : i32
          %and3A_697 = arith.constant 7 : i32
          %and3A_698 = arith.andi %squeeze3A_694, %and3A_697 : i32
          %add3A_699 = arith.constant 0 : i32
          %add3A_700 = arith.addi %mul3A_608, %add3A_699 : i32
          %dma_start3A_701 = arith.constant 4 : i32
          %dma_start3A_702 = arith.constant 0 : i32
          %dma_start3A_703 = tpu.memref_slice %arg8[%add3A_700, %dma_start3A_701, %dma_start3A_702] : memref<25x8x64xf32, #tpu.memory_space<vmem>> -> memref<1x1x64xf32, #tpu.memory_space<vmem>>
          %dma_start3A_704 = tpu.memref_squeeze %dma_start3A_703 : memref<1x1x64xf32, #tpu.memory_space<vmem>> -> memref<64xf32, #tpu.memory_space<vmem>>
          %dma_start3A_705 = arith.constant 0 : i32
          %dma_start3A_706 = tpu.memref_slice %arg3[%shift_right_logical3A_696, %and3A_698, %dma_start3A_705] : memref<125000x8x64xf32, #tpu.memory_space<hbm>> -> memref<1x1x64xf32, #tpu.memory_space<hbm>>
          %dma_start3A_707 = tpu.memref_squeeze %dma_start3A_706 : memref<1x1x64xf32, #tpu.memory_space<hbm>> -> memref<64xf32, #tpu.memory_space<hbm>>
          %dma_start3A_708 = arith.constant 0 : i32
          %dma_start3A_709 = tpu.memref_slice %arg8[%add3A_700, %dma_start3A_701, %dma_start3A_708] : memref<25x8x64xf32, #tpu.memory_space<vmem>> -> memref<1x1x64xf32, #tpu.memory_space<vmem>>
          %dma_start3A_710 = tpu.memref_squeeze %dma_start3A_709 : memref<1x1x64xf32, #tpu.memory_space<vmem>> -> memref<64xf32, #tpu.memory_space<vmem>>
          %dma_start3A_711 = arith.constant 0 : i32
          %dma_start3A_712 = tpu.memref_slice %arg3[%shift_right_logical3A_696, %and3A_698, %dma_start3A_711] : memref<125000x8x64xf32, #tpu.memory_space<hbm>> -> memref<1x1x64xf32, #tpu.memory_space<hbm>>
          %dma_start3A_713 = tpu.memref_squeeze %dma_start3A_712 : memref<1x1x64xf32, #tpu.memory_space<hbm>> -> memref<64xf32, #tpu.memory_space<hbm>>
          tpu.enqueue_dma source(%dma_start3A_713 : memref<64xf32, #tpu.memory_space<hbm>>) target(%dma_start3A_710 : memref<64xf32, #tpu.memory_space<vmem>>) target_semaphore(%arg10 : memref<!tpu.dma_semaphore, #tpu.memory_space<semaphore_mem>>)
          %slice3A_714 = vector.extract_strided_slice %get3A_606 {offsets = [5], sizes = [1], strides = [1]} : vector<16xi32> to vector<1xi32>
          %squeeze3A_715 = vector.extract %slice3A_714[0] : i32 from vector<1xi32>
          %shift_right_logical3A_716 = arith.constant 3 : i32
          %shift_right_logical3A_717 = arith.shrui %squeeze3A_715, %shift_right_logical3A_716 : i32
          %and3A_718 = arith.constant 7 : i32
          %and3A_719 = arith.andi %squeeze3A_715, %and3A_718 : i32
          %add3A_720 = arith.constant 0 : i32
          %add3A_721 = arith.addi %mul3A_608, %add3A_720 : i32
          %dma_start3A_722 = arith.constant 5 : i32
          %dma_start3A_723 = arith.constant 0 : i32
          %dma_start3A_724 = tpu.memref_slice %arg8[%add3A_721, %dma_start3A_722, %dma_start3A_723] : memref<25x8x64xf32, #tpu.memory_space<vmem>> -> memref<1x1x64xf32, #tpu.memory_space<vmem>>
          %dma_start3A_725 = tpu.memref_squeeze %dma_start3A_724 : memref<1x1x64xf32, #tpu.memory_space<vmem>> -> memref<64xf32, #tpu.memory_space<vmem>>
          %dma_start3A_726 = arith.constant 0 : i32
          %dma_start3A_727 = tpu.memref_slice %arg3[%shift_right_logical3A_717, %and3A_719, %dma_start3A_726] : memref<125000x8x64xf32, #tpu.memory_space<hbm>> -> memref<1x1x64xf32, #tpu.memory_space<hbm>>
          %dma_start3A_728 = tpu.memref_squeeze %dma_start3A_727 : memref<1x1x64xf32, #tpu.memory_space<hbm>> -> memref<64xf32, #tpu.memory_space<hbm>>
          %dma_start3A_729 = arith.constant 0 : i32
          %dma_start3A_730 = tpu.memref_slice %arg8[%add3A_721, %dma_start3A_722, %dma_start3A_729] : memref<25x8x64xf32, #tpu.memory_space<vmem>> -> memref<1x1x64xf32, #tpu.memory_space<vmem>>
          %dma_start3A_731 = tpu.memref_squeeze %dma_start3A_730 : memref<1x1x64xf32, #tpu.memory_space<vmem>> -> memref<64xf32, #tpu.memory_space<vmem>>
          %dma_start3A_732 = arith.constant 0 : i32
          %dma_start3A_733 = tpu.memref_slice %arg3[%shift_right_logical3A_717, %and3A_719, %dma_start3A_732] : memref<125000x8x64xf32, #tpu.memory_space<hbm>> -> memref<1x1x64xf32, #tpu.memory_space<hbm>>
          %dma_start3A_734 = tpu.memref_squeeze %dma_start3A_733 : memref<1x1x64xf32, #tpu.memory_space<hbm>> -> memref<64xf32, #tpu.memory_space<hbm>>
          tpu.enqueue_dma source(%dma_start3A_734 : memref<64xf32, #tpu.memory_space<hbm>>) target(%dma_start3A_731 : memref<64xf32, #tpu.memory_space<vmem>>) target_semaphore(%arg10 : memref<!tpu.dma_semaphore, #tpu.memory_space<semaphore_mem>>)
          %slice3A_735 = vector.extract_strided_slice %get3A_606 {offsets = [6], sizes = [1], strides = [1]} : vector<16xi32> to vector<1xi32>
          %squeeze3A_736 = vector.extract %slice3A_735[0] : i32 from vector<1xi32>
          %shift_right_logical3A_737 = arith.constant 3 : i32
          %shift_right_logical3A_738 = arith.shrui %squeeze3A_736, %shift_right_logical3A_737 : i32
          %and3A_739 = arith.constant 7 : i32
          %and3A_740 = arith.andi %squeeze3A_736, %and3A_739 : i32
          %add3A_741 = arith.constant 0 : i32
          %add3A_742 = arith.addi %mul3A_608, %add3A_741 : i32
          %dma_start3A_743 = arith.constant 6 : i32
          %dma_start3A_744 = arith.constant 0 : i32
          %dma_start3A_745 = tpu.memref_slice %arg8[%add3A_742, %dma_start3A_743, %dma_start3A_744] : memref<25x8x64xf32, #tpu.memory_space<vmem>> -> memref<1x1x64xf32, #tpu.memory_space<vmem>>
          %dma_start3A_746 = tpu.memref_squeeze %dma_start3A_745 : memref<1x1x64xf32, #tpu.memory_space<vmem>> -> memref<64xf32, #tpu.memory_space<vmem>>
          %dma_start3A_747 = arith.constant 0 : i32
          %dma_start3A_748 = tpu.memref_slice %arg3[%shift_right_logical3A_738, %and3A_740, %dma_start3A_747] : memref<125000x8x64xf32, #tpu.memory_space<hbm>> -> memref<1x1x64xf32, #tpu.memory_space<hbm>>
          %dma_start3A_749 = tpu.memref_squeeze %dma_start3A_748 : memref<1x1x64xf32, #tpu.memory_space<hbm>> -> memref<64xf32, #tpu.memory_space<hbm>>
          %dma_start3A_750 = arith.constant 0 : i32
          %dma_start3A_751 = tpu.memref_slice %arg8[%add3A_742, %dma_start3A_743, %dma_start3A_750] : memref<25x8x64xf32, #tpu.memory_space<vmem>> -> memref<1x1x64xf32, #tpu.memory_space<vmem>>
          %dma_start3A_752 = tpu.memref_squeeze %dma_start3A_751 : memref<1x1x64xf32, #tpu.memory_space<vmem>> -> memref<64xf32, #tpu.memory_space<vmem>>
          %dma_start3A_753 = arith.constant 0 : i32
          %dma_start3A_754 = tpu.memref_slice %arg3[%shift_right_logical3A_738, %and3A_740, %dma_start3A_753] : memref<125000x8x64xf32, #tpu.memory_space<hbm>> -> memref<1x1x64xf32, #tpu.memory_space<hbm>>
          %dma_start3A_755 = tpu.memref_squeeze %dma_start3A_754 : memref<1x1x64xf32, #tpu.memory_space<hbm>> -> memref<64xf32, #tpu.memory_space<hbm>>
          tpu.enqueue_dma source(%dma_start3A_755 : memref<64xf32, #tpu.memory_space<hbm>>) target(%dma_start3A_752 : memref<64xf32, #tpu.memory_space<vmem>>) target_semaphore(%arg10 : memref<!tpu.dma_semaphore, #tpu.memory_space<semaphore_mem>>)
          %slice3A_756 = vector.extract_strided_slice %get3A_606 {offsets = [7], sizes = [1], strides = [1]} : vector<16xi32> to vector<1xi32>
          %squeeze3A_757 = vector.extract %slice3A_756[0] : i32 from vector<1xi32>
          %shift_right_logical3A_758 = arith.constant 3 : i32
          %shift_right_logical3A_759 = arith.shrui %squeeze3A_757, %shift_right_logical3A_758 : i32
          %and3A_760 = arith.constant 7 : i32
          %and3A_761 = arith.andi %squeeze3A_757, %and3A_760 : i32
          %add3A_762 = arith.constant 0 : i32
          %add3A_763 = arith.addi %mul3A_608, %add3A_762 : i32
          %dma_start3A_764 = arith.constant 7 : i32
          %dma_start3A_765 = arith.constant 0 : i32
          %dma_start3A_766 = tpu.memref_slice %arg8[%add3A_763, %dma_start3A_764, %dma_start3A_765] : memref<25x8x64xf32, #tpu.memory_space<vmem>> -> memref<1x1x64xf32, #tpu.memory_space<vmem>>
          %dma_start3A_767 = tpu.memref_squeeze %dma_start3A_766 : memref<1x1x64xf32, #tpu.memory_space<vmem>> -> memref<64xf32, #tpu.memory_space<vmem>>
          %dma_start3A_768 = arith.constant 0 : i32
          %dma_start3A_769 = tpu.memref_slice %arg3[%shift_right_logical3A_759, %and3A_761, %dma_start3A_768] : memref<125000x8x64xf32, #tpu.memory_space<hbm>> -> memref<1x1x64xf32, #tpu.memory_space<hbm>>
          %dma_start3A_770 = tpu.memref_squeeze %dma_start3A_769 : memref<1x1x64xf32, #tpu.memory_space<hbm>> -> memref<64xf32, #tpu.memory_space<hbm>>
          %dma_start3A_771 = arith.constant 0 : i32
          %dma_start3A_772 = tpu.memref_slice %arg8[%add3A_763, %dma_start3A_764, %dma_start3A_771] : memref<25x8x64xf32, #tpu.memory_space<vmem>> -> memref<1x1x64xf32, #tpu.memory_space<vmem>>
          %dma_start3A_773 = tpu.memref_squeeze %dma_start3A_772 : memref<1x1x64xf32, #tpu.memory_space<vmem>> -> memref<64xf32, #tpu.memory_space<vmem>>
          %dma_start3A_774 = arith.constant 0 : i32
          %dma_start3A_775 = tpu.memref_slice %arg3[%shift_right_logical3A_759, %and3A_761, %dma_start3A_774] : memref<125000x8x64xf32, #tpu.memory_space<hbm>> -> memref<1x1x64xf32, #tpu.memory_space<hbm>>
          %dma_start3A_776 = tpu.memref_squeeze %dma_start3A_775 : memref<1x1x64xf32, #tpu.memory_space<hbm>> -> memref<64xf32, #tpu.memory_space<hbm>>
          tpu.enqueue_dma source(%dma_start3A_776 : memref<64xf32, #tpu.memory_space<hbm>>) target(%dma_start3A_773 : memref<64xf32, #tpu.memory_space<vmem>>) target_semaphore(%arg10 : memref<!tpu.dma_semaphore, #tpu.memory_space<semaphore_mem>>)
          %slice3A_777 = vector.extract_strided_slice %get3A_606 {offsets = [8], sizes = [1], strides = [1]} : vector<16xi32> to vector<1xi32>
          %squeeze3A_778 = vector.extract %slice3A_777[0] : i32 from vector<1xi32>
          %shift_right_logical3A_779 = arith.constant 3 : i32
          %shift_right_logical3A_780 = arith.shrui %squeeze3A_778, %shift_right_logical3A_779 : i32
          %and3A_781 = arith.constant 7 : i32
          %and3A_782 = arith.andi %squeeze3A_778, %and3A_781 : i32
          %add3A_783 = arith.constant 1 : i32
          %add3A_784 = arith.addi %mul3A_608, %add3A_783 : i32
          %dma_start3A_785 = arith.constant 0 : i32
          %dma_start3A_786 = arith.constant 0 : i32
          %dma_start3A_787 = tpu.memref_slice %arg8[%add3A_784, %dma_start3A_785, %dma_start3A_786] : memref<25x8x64xf32, #tpu.memory_space<vmem>> -> memref<1x1x64xf32, #tpu.memory_space<vmem>>
          %dma_start3A_788 = tpu.memref_squeeze %dma_start3A_787 : memref<1x1x64xf32, #tpu.memory_space<vmem>> -> memref<64xf32, #tpu.memory_space<vmem>>
          %dma_start3A_789 = arith.constant 0 : i32
          %dma_start3A_790 = tpu.memref_slice %arg3[%shift_right_logical3A_780, %and3A_782, %dma_start3A_789] : memref<125000x8x64xf32, #tpu.memory_space<hbm>> -> memref<1x1x64xf32, #tpu.memory_space<hbm>>
          %dma_start3A_791 = tpu.memref_squeeze %dma_start3A_790 : memref<1x1x64xf32, #tpu.memory_space<hbm>> -> memref<64xf32, #tpu.memory_space<hbm>>
          %dma_start3A_792 = arith.constant 0 : i32
          %dma_start3A_793 = tpu.memref_slice %arg8[%add3A_784, %dma_start3A_785, %dma_start3A_792] : memref<25x8x64xf32, #tpu.memory_space<vmem>> -> memref<1x1x64xf32, #tpu.memory_space<vmem>>
          %dma_start3A_794 = tpu.memref_squeeze %dma_start3A_793 : memref<1x1x64xf32, #tpu.memory_space<vmem>> -> memref<64xf32, #tpu.memory_space<vmem>>
          %dma_start3A_795 = arith.constant 0 : i32
          %dma_start3A_796 = tpu.memref_slice %arg3[%shift_right_logical3A_780, %and3A_782, %dma_start3A_795] : memref<125000x8x64xf32, #tpu.memory_space<hbm>> -> memref<1x1x64xf32, #tpu.memory_space<hbm>>
          %dma_start3A_797 = tpu.memref_squeeze %dma_start3A_796 : memref<1x1x64xf32, #tpu.memory_space<hbm>> -> memref<64xf32, #tpu.memory_space<hbm>>
          tpu.enqueue_dma source(%dma_start3A_797 : memref<64xf32, #tpu.memory_space<hbm>>) target(%dma_start3A_794 : memref<64xf32, #tpu.memory_space<vmem>>) target_semaphore(%arg10 : memref<!tpu.dma_semaphore, #tpu.memory_space<semaphore_mem>>)
          %slice3A_798 = vector.extract_strided_slice %get3A_606 {offsets = [9], sizes = [1], strides = [1]} : vector<16xi32> to vector<1xi32>
          %squeeze3A_799 = vector.extract %slice3A_798[0] : i32 from vector<1xi32>
          %shift_right_logical3A_800 = arith.constant 3 : i32
          %shift_right_logical3A_801 = arith.shrui %squeeze3A_799, %shift_right_logical3A_800 : i32
          %and3A_802 = arith.constant 7 : i32
          %and3A_803 = arith.andi %squeeze3A_799, %and3A_802 : i32
          %add3A_804 = arith.constant 1 : i32
          %add3A_805 = arith.addi %mul3A_608, %add3A_804 : i32
          %dma_start3A_806 = arith.constant 1 : i32
          %dma_start3A_807 = arith.constant 0 : i32
          %dma_start3A_808 = tpu.memref_slice %arg8[%add3A_805, %dma_start3A_806, %dma_start3A_807] : memref<25x8x64xf32, #tpu.memory_space<vmem>> -> memref<1x1x64xf32, #tpu.memory_space<vmem>>
          %dma_start3A_809 = tpu.memref_squeeze %dma_start3A_808 : memref<1x1x64xf32, #tpu.memory_space<vmem>> -> memref<64xf32, #tpu.memory_space<vmem>>
          %dma_start3A_810 = arith.constant 0 : i32
          %dma_start3A_811 = tpu.memref_slice %arg3[%shift_right_logical3A_801, %and3A_803, %dma_start3A_810] : memref<125000x8x64xf32, #tpu.memory_space<hbm>> -> memref<1x1x64xf32, #tpu.memory_space<hbm>>
          %dma_start3A_812 = tpu.memref_squeeze %dma_start3A_811 : memref<1x1x64xf32, #tpu.memory_space<hbm>> -> memref<64xf32, #tpu.memory_space<hbm>>
          %dma_start3A_813 = arith.constant 0 : i32
          %dma_start3A_814 = tpu.memref_slice %arg8[%add3A_805, %dma_start3A_806, %dma_start3A_813] : memref<25x8x64xf32, #tpu.memory_space<vmem>> -> memref<1x1x64xf32, #tpu.memory_space<vmem>>
          %dma_start3A_815 = tpu.memref_squeeze %dma_start3A_814 : memref<1x1x64xf32, #tpu.memory_space<vmem>> -> memref<64xf32, #tpu.memory_space<vmem>>
          %dma_start3A_816 = arith.constant 0 : i32
          %dma_start3A_817 = tpu.memref_slice %arg3[%shift_right_logical3A_801, %and3A_803, %dma_start3A_816] : memref<125000x8x64xf32, #tpu.memory_space<hbm>> -> memref<1x1x64xf32, #tpu.memory_space<hbm>>
          %dma_start3A_818 = tpu.memref_squeeze %dma_start3A_817 : memref<1x1x64xf32, #tpu.memory_space<hbm>> -> memref<64xf32, #tpu.memory_space<hbm>>
          tpu.enqueue_dma source(%dma_start3A_818 : memref<64xf32, #tpu.memory_space<hbm>>) target(%dma_start3A_815 : memref<64xf32, #tpu.memory_space<vmem>>) target_semaphore(%arg10 : memref<!tpu.dma_semaphore, #tpu.memory_space<semaphore_mem>>)
          %slice3A_819 = vector.extract_strided_slice %get3A_606 {offsets = [10], sizes = [1], strides = [1]} : vector<16xi32> to vector<1xi32>
          %squeeze3A_820 = vector.extract %slice3A_819[0] : i32 from vector<1xi32>
          %shift_right_logical3A_821 = arith.constant 3 : i32
          %shift_right_logical3A_822 = arith.shrui %squeeze3A_820, %shift_right_logical3A_821 : i32
          %and3A_823 = arith.constant 7 : i32
          %and3A_824 = arith.andi %squeeze3A_820, %and3A_823 : i32
          %add3A_825 = arith.constant 1 : i32
          %add3A_826 = arith.addi %mul3A_608, %add3A_825 : i32
          %dma_start3A_827 = arith.constant 2 : i32
          %dma_start3A_828 = arith.constant 0 : i32
          %dma_start3A_829 = tpu.memref_slice %arg8[%add3A_826, %dma_start3A_827, %dma_start3A_828] : memref<25x8x64xf32, #tpu.memory_space<vmem>> -> memref<1x1x64xf32, #tpu.memory_space<vmem>>
          %dma_start3A_830 = tpu.memref_squeeze %dma_start3A_829 : memref<1x1x64xf32, #tpu.memory_space<vmem>> -> memref<64xf32, #tpu.memory_space<vmem>>
          %dma_start3A_831 = arith.constant 0 : i32
          %dma_start3A_832 = tpu.memref_slice %arg3[%shift_right_logical3A_822, %and3A_824, %dma_start3A_831] : memref<125000x8x64xf32, #tpu.memory_space<hbm>> -> memref<1x1x64xf32, #tpu.memory_space<hbm>>
          %dma_start3A_833 = tpu.memref_squeeze %dma_start3A_832 : memref<1x1x64xf32, #tpu.memory_space<hbm>> -> memref<64xf32, #tpu.memory_space<hbm>>
          %dma_start3A_834 = arith.constant 0 : i32
          %dma_start3A_835 = tpu.memref_slice %arg8[%add3A_826, %dma_start3A_827, %dma_start3A_834] : memref<25x8x64xf32, #tpu.memory_space<vmem>> -> memref<1x1x64xf32, #tpu.memory_space<vmem>>
          %dma_start3A_836 = tpu.memref_squeeze %dma_start3A_835 : memref<1x1x64xf32, #tpu.memory_space<vmem>> -> memref<64xf32, #tpu.memory_space<vmem>>
          %dma_start3A_837 = arith.constant 0 : i32
          %dma_start3A_838 = tpu.memref_slice %arg3[%shift_right_logical3A_822, %and3A_824, %dma_start3A_837] : memref<125000x8x64xf32, #tpu.memory_space<hbm>> -> memref<1x1x64xf32, #tpu.memory_space<hbm>>
          %dma_start3A_839 = tpu.memref_squeeze %dma_start3A_838 : memref<1x1x64xf32, #tpu.memory_space<hbm>> -> memref<64xf32, #tpu.memory_space<hbm>>
          tpu.enqueue_dma source(%dma_start3A_839 : memref<64xf32, #tpu.memory_space<hbm>>) target(%dma_start3A_836 : memref<64xf32, #tpu.memory_space<vmem>>) target_semaphore(%arg10 : memref<!tpu.dma_semaphore, #tpu.memory_space<semaphore_mem>>)
          %slice3A_840 = vector.extract_strided_slice %get3A_606 {offsets = [11], sizes = [1], strides = [1]} : vector<16xi32> to vector<1xi32>
          %squeeze3A_841 = vector.extract %slice3A_840[0] : i32 from vector<1xi32>
          %shift_right_logical3A_842 = arith.constant 3 : i32
          %shift_right_logical3A_843 = arith.shrui %squeeze3A_841, %shift_right_logical3A_842 : i32
          %and3A_844 = arith.constant 7 : i32
          %and3A_845 = arith.andi %squeeze3A_841, %and3A_844 : i32
          %add3A_846 = arith.constant 1 : i32
          %add3A_847 = arith.addi %mul3A_608, %add3A_846 : i32
          %dma_start3A_848 = arith.constant 3 : i32
          %dma_start3A_849 = arith.constant 0 : i32
          %dma_start3A_850 = tpu.memref_slice %arg8[%add3A_847, %dma_start3A_848, %dma_start3A_849] : memref<25x8x64xf32, #tpu.memory_space<vmem>> -> memref<1x1x64xf32, #tpu.memory_space<vmem>>
          %dma_start3A_851 = tpu.memref_squeeze %dma_start3A_850 : memref<1x1x64xf32, #tpu.memory_space<vmem>> -> memref<64xf32, #tpu.memory_space<vmem>>
          %dma_start3A_852 = arith.constant 0 : i32
          %dma_start3A_853 = tpu.memref_slice %arg3[%shift_right_logical3A_843, %and3A_845, %dma_start3A_852] : memref<125000x8x64xf32, #tpu.memory_space<hbm>> -> memref<1x1x64xf32, #tpu.memory_space<hbm>>
          %dma_start3A_854 = tpu.memref_squeeze %dma_start3A_853 : memref<1x1x64xf32, #tpu.memory_space<hbm>> -> memref<64xf32, #tpu.memory_space<hbm>>
          %dma_start3A_855 = arith.constant 0 : i32
          %dma_start3A_856 = tpu.memref_slice %arg8[%add3A_847, %dma_start3A_848, %dma_start3A_855] : memref<25x8x64xf32, #tpu.memory_space<vmem>> -> memref<1x1x64xf32, #tpu.memory_space<vmem>>
          %dma_start3A_857 = tpu.memref_squeeze %dma_start3A_856 : memref<1x1x64xf32, #tpu.memory_space<vmem>> -> memref<64xf32, #tpu.memory_space<vmem>>
          %dma_start3A_858 = arith.constant 0 : i32
          %dma_start3A_859 = tpu.memref_slice %arg3[%shift_right_logical3A_843, %and3A_845, %dma_start3A_858] : memref<125000x8x64xf32, #tpu.memory_space<hbm>> -> memref<1x1x64xf32, #tpu.memory_space<hbm>>
          %dma_start3A_860 = tpu.memref_squeeze %dma_start3A_859 : memref<1x1x64xf32, #tpu.memory_space<hbm>> -> memref<64xf32, #tpu.memory_space<hbm>>
          tpu.enqueue_dma source(%dma_start3A_860 : memref<64xf32, #tpu.memory_space<hbm>>) target(%dma_start3A_857 : memref<64xf32, #tpu.memory_space<vmem>>) target_semaphore(%arg10 : memref<!tpu.dma_semaphore, #tpu.memory_space<semaphore_mem>>)
          %slice3A_861 = vector.extract_strided_slice %get3A_606 {offsets = [12], sizes = [1], strides = [1]} : vector<16xi32> to vector<1xi32>
          %squeeze3A_862 = vector.extract %slice3A_861[0] : i32 from vector<1xi32>
          %shift_right_logical3A_863 = arith.constant 3 : i32
          %shift_right_logical3A_864 = arith.shrui %squeeze3A_862, %shift_right_logical3A_863 : i32
          %and3A_865 = arith.constant 7 : i32
          %and3A_866 = arith.andi %squeeze3A_862, %and3A_865 : i32
          %add3A_867 = arith.constant 1 : i32
          %add3A_868 = arith.addi %mul3A_608, %add3A_867 : i32
          %dma_start3A_869 = arith.constant 4 : i32
          %dma_start3A_870 = arith.constant 0 : i32
          %dma_start3A_871 = tpu.memref_slice %arg8[%add3A_868, %dma_start3A_869, %dma_start3A_870] : memref<25x8x64xf32, #tpu.memory_space<vmem>> -> memref<1x1x64xf32, #tpu.memory_space<vmem>>
          %dma_start3A_872 = tpu.memref_squeeze %dma_start3A_871 : memref<1x1x64xf32, #tpu.memory_space<vmem>> -> memref<64xf32, #tpu.memory_space<vmem>>
          %dma_start3A_873 = arith.constant 0 : i32
          %dma_start3A_874 = tpu.memref_slice %arg3[%shift_right_logical3A_864, %and3A_866, %dma_start3A_873] : memref<125000x8x64xf32, #tpu.memory_space<hbm>> -> memref<1x1x64xf32, #tpu.memory_space<hbm>>
          %dma_start3A_875 = tpu.memref_squeeze %dma_start3A_874 : memref<1x1x64xf32, #tpu.memory_space<hbm>> -> memref<64xf32, #tpu.memory_space<hbm>>
          %dma_start3A_876 = arith.constant 0 : i32
          %dma_start3A_877 = tpu.memref_slice %arg8[%add3A_868, %dma_start3A_869, %dma_start3A_876] : memref<25x8x64xf32, #tpu.memory_space<vmem>> -> memref<1x1x64xf32, #tpu.memory_space<vmem>>
          %dma_start3A_878 = tpu.memref_squeeze %dma_start3A_877 : memref<1x1x64xf32, #tpu.memory_space<vmem>> -> memref<64xf32, #tpu.memory_space<vmem>>
          %dma_start3A_879 = arith.constant 0 : i32
          %dma_start3A_880 = tpu.memref_slice %arg3[%shift_right_logical3A_864, %and3A_866, %dma_start3A_879] : memref<125000x8x64xf32, #tpu.memory_space<hbm>> -> memref<1x1x64xf32, #tpu.memory_space<hbm>>
          %dma_start3A_881 = tpu.memref_squeeze %dma_start3A_880 : memref<1x1x64xf32, #tpu.memory_space<hbm>> -> memref<64xf32, #tpu.memory_space<hbm>>
          tpu.enqueue_dma source(%dma_start3A_881 : memref<64xf32, #tpu.memory_space<hbm>>) target(%dma_start3A_878 : memref<64xf32, #tpu.memory_space<vmem>>) target_semaphore(%arg10 : memref<!tpu.dma_semaphore, #tpu.memory_space<semaphore_mem>>)
          %slice3A_882 = vector.extract_strided_slice %get3A_606 {offsets = [13], sizes = [1], strides = [1]} : vector<16xi32> to vector<1xi32>
          %squeeze3A_883 = vector.extract %slice3A_882[0] : i32 from vector<1xi32>
          %shift_right_logical3A_884 = arith.constant 3 : i32
          %shift_right_logical3A_885 = arith.shrui %squeeze3A_883, %shift_right_logical3A_884 : i32
          %and3A_886 = arith.constant 7 : i32
          %and3A_887 = arith.andi %squeeze3A_883, %and3A_886 : i32
          %add3A_888 = arith.constant 1 : i32
          %add3A_889 = arith.addi %mul3A_608, %add3A_888 : i32
          %dma_start3A_890 = arith.constant 5 : i32
          %dma_start3A_891 = arith.constant 0 : i32
          %dma_start3A_892 = tpu.memref_slice %arg8[%add3A_889, %dma_start3A_890, %dma_start3A_891] : memref<25x8x64xf32, #tpu.memory_space<vmem>> -> memref<1x1x64xf32, #tpu.memory_space<vmem>>
          %dma_start3A_893 = tpu.memref_squeeze %dma_start3A_892 : memref<1x1x64xf32, #tpu.memory_space<vmem>> -> memref<64xf32, #tpu.memory_space<vmem>>
          %dma_start3A_894 = arith.constant 0 : i32
          %dma_start3A_895 = tpu.memref_slice %arg3[%shift_right_logical3A_885, %and3A_887, %dma_start3A_894] : memref<125000x8x64xf32, #tpu.memory_space<hbm>> -> memref<1x1x64xf32, #tpu.memory_space<hbm>>
          %dma_start3A_896 = tpu.memref_squeeze %dma_start3A_895 : memref<1x1x64xf32, #tpu.memory_space<hbm>> -> memref<64xf32, #tpu.memory_space<hbm>>
          %dma_start3A_897 = arith.constant 0 : i32
          %dma_start3A_898 = tpu.memref_slice %arg8[%add3A_889, %dma_start3A_890, %dma_start3A_897] : memref<25x8x64xf32, #tpu.memory_space<vmem>> -> memref<1x1x64xf32, #tpu.memory_space<vmem>>
          %dma_start3A_899 = tpu.memref_squeeze %dma_start3A_898 : memref<1x1x64xf32, #tpu.memory_space<vmem>> -> memref<64xf32, #tpu.memory_space<vmem>>
          %dma_start3A_900 = arith.constant 0 : i32
          %dma_start3A_901 = tpu.memref_slice %arg3[%shift_right_logical3A_885, %and3A_887, %dma_start3A_900] : memref<125000x8x64xf32, #tpu.memory_space<hbm>> -> memref<1x1x64xf32, #tpu.memory_space<hbm>>
          %dma_start3A_902 = tpu.memref_squeeze %dma_start3A_901 : memref<1x1x64xf32, #tpu.memory_space<hbm>> -> memref<64xf32, #tpu.memory_space<hbm>>
          tpu.enqueue_dma source(%dma_start3A_902 : memref<64xf32, #tpu.memory_space<hbm>>) target(%dma_start3A_899 : memref<64xf32, #tpu.memory_space<vmem>>) target_semaphore(%arg10 : memref<!tpu.dma_semaphore, #tpu.memory_space<semaphore_mem>>)
          %slice3A_903 = vector.extract_strided_slice %get3A_606 {offsets = [14], sizes = [1], strides = [1]} : vector<16xi32> to vector<1xi32>
          %squeeze3A_904 = vector.extract %slice3A_903[0] : i32 from vector<1xi32>
          %shift_right_logical3A_905 = arith.constant 3 : i32
          %shift_right_logical3A_906 = arith.shrui %squeeze3A_904, %shift_right_logical3A_905 : i32
          %and3A_907 = arith.constant 7 : i32
          %and3A_908 = arith.andi %squeeze3A_904, %and3A_907 : i32
          %add3A_909 = arith.constant 1 : i32
          %add3A_910 = arith.addi %mul3A_608, %add3A_909 : i32
          %dma_start3A_911 = arith.constant 6 : i32
          %dma_start3A_912 = arith.constant 0 : i32
          %dma_start3A_913 = tpu.memref_slice %arg8[%add3A_910, %dma_start3A_911, %dma_start3A_912] : memref<25x8x64xf32, #tpu.memory_space<vmem>> -> memref<1x1x64xf32, #tpu.memory_space<vmem>>
          %dma_start3A_914 = tpu.memref_squeeze %dma_start3A_913 : memref<1x1x64xf32, #tpu.memory_space<vmem>> -> memref<64xf32, #tpu.memory_space<vmem>>
          %dma_start3A_915 = arith.constant 0 : i32
          %dma_start3A_916 = tpu.memref_slice %arg3[%shift_right_logical3A_906, %and3A_908, %dma_start3A_915] : memref<125000x8x64xf32, #tpu.memory_space<hbm>> -> memref<1x1x64xf32, #tpu.memory_space<hbm>>
          %dma_start3A_917 = tpu.memref_squeeze %dma_start3A_916 : memref<1x1x64xf32, #tpu.memory_space<hbm>> -> memref<64xf32, #tpu.memory_space<hbm>>
          %dma_start3A_918 = arith.constant 0 : i32
          %dma_start3A_919 = tpu.memref_slice %arg8[%add3A_910, %dma_start3A_911, %dma_start3A_918] : memref<25x8x64xf32, #tpu.memory_space<vmem>> -> memref<1x1x64xf32, #tpu.memory_space<vmem>>
          %dma_start3A_920 = tpu.memref_squeeze %dma_start3A_919 : memref<1x1x64xf32, #tpu.memory_space<vmem>> -> memref<64xf32, #tpu.memory_space<vmem>>
          %dma_start3A_921 = arith.constant 0 : i32
          %dma_start3A_922 = tpu.memref_slice %arg3[%shift_right_logical3A_906, %and3A_908, %dma_start3A_921] : memref<125000x8x64xf32, #tpu.memory_space<hbm>> -> memref<1x1x64xf32, #tpu.memory_space<hbm>>
          %dma_start3A_923 = tpu.memref_squeeze %dma_start3A_922 : memref<1x1x64xf32, #tpu.memory_space<hbm>> -> memref<64xf32, #tpu.memory_space<hbm>>
          tpu.enqueue_dma source(%dma_start3A_923 : memref<64xf32, #tpu.memory_space<hbm>>) target(%dma_start3A_920 : memref<64xf32, #tpu.memory_space<vmem>>) target_semaphore(%arg10 : memref<!tpu.dma_semaphore, #tpu.memory_space<semaphore_mem>>)
          %slice3A_924 = vector.extract_strided_slice %get3A_606 {offsets = [15], sizes = [1], strides = [1]} : vector<16xi32> to vector<1xi32>
          %squeeze3A_925 = vector.extract %slice3A_924[0] : i32 from vector<1xi32>
          %shift_right_logical3A_926 = arith.constant 3 : i32
          %shift_right_logical3A_927 = arith.shrui %squeeze3A_925, %shift_right_logical3A_926 : i32
          %and3A_928 = arith.constant 7 : i32
          %and3A_929 = arith.andi %squeeze3A_925, %and3A_928 : i32
          %add3A_930 = arith.constant 1 : i32
          %add3A_931 = arith.addi %mul3A_608, %add3A_930 : i32
          %dma_start3A_932 = arith.constant 7 : i32
          %dma_start3A_933 = arith.constant 0 : i32
          %dma_start3A_934 = tpu.memref_slice %arg8[%add3A_931, %dma_start3A_932, %dma_start3A_933] : memref<25x8x64xf32, #tpu.memory_space<vmem>> -> memref<1x1x64xf32, #tpu.memory_space<vmem>>
          %dma_start3A_935 = tpu.memref_squeeze %dma_start3A_934 : memref<1x1x64xf32, #tpu.memory_space<vmem>> -> memref<64xf32, #tpu.memory_space<vmem>>
          %dma_start3A_936 = arith.constant 0 : i32
          %dma_start3A_937 = tpu.memref_slice %arg3[%shift_right_logical3A_927, %and3A_929, %dma_start3A_936] : memref<125000x8x64xf32, #tpu.memory_space<hbm>> -> memref<1x1x64xf32, #tpu.memory_space<hbm>>
          %dma_start3A_938 = tpu.memref_squeeze %dma_start3A_937 : memref<1x1x64xf32, #tpu.memory_space<hbm>> -> memref<64xf32, #tpu.memory_space<hbm>>
          %dma_start3A_939 = arith.constant 0 : i32
          %dma_start3A_940 = tpu.memref_slice %arg8[%add3A_931, %dma_start3A_932, %dma_start3A_939] : memref<25x8x64xf32, #tpu.memory_space<vmem>> -> memref<1x1x64xf32, #tpu.memory_space<vmem>>
          %dma_start3A_941 = tpu.memref_squeeze %dma_start3A_940 : memref<1x1x64xf32, #tpu.memory_space<vmem>> -> memref<64xf32, #tpu.memory_space<vmem>>
          %dma_start3A_942 = arith.constant 0 : i32
          %dma_start3A_943 = tpu.memref_slice %arg3[%shift_right_logical3A_927, %and3A_929, %dma_start3A_942] : memref<125000x8x64xf32, #tpu.memory_space<hbm>> -> memref<1x1x64xf32, #tpu.memory_space<hbm>>
          %dma_start3A_944 = tpu.memref_squeeze %dma_start3A_943 : memref<1x1x64xf32, #tpu.memory_space<hbm>> -> memref<64xf32, #tpu.memory_space<hbm>>
          tpu.enqueue_dma source(%dma_start3A_944 : memref<64xf32, #tpu.memory_space<hbm>>) target(%dma_start3A_941 : memref<64xf32, #tpu.memory_space<vmem>>) target_semaphore(%arg10 : memref<!tpu.dma_semaphore, #tpu.memory_space<semaphore_mem>>)
        }
        %scan3A_434 = arith.constant 12 : i32
        %add3A_435 = arith.constant 192 : i32
        %add3A_436 = arith.addi %mul3A_428, %add3A_435 : i32
        %get3A_437 = arith.index_cast %add3A_436 : i32 to index
        %get3A_438 = tpu.vector_load %arg6[%get3A_437] {strides = array<i32>} : memref<6400xi32, #tpu.memory_space<vmem>>, vector<16xi32>,
        %get3A_439 = vector.shape_cast %get3A_438 : vector<16xi32> to vector<16xi32>
        %slice3A_440 = vector.extract_strided_slice %get3A_439 {offsets = [0], sizes = [1], strides = [1]} : vector<16xi32> to vector<1xi32>
        %squeeze3A_441 = vector.extract %slice3A_440[0] : i32 from vector<1xi32>
        %shift_right_logical3A_442 = arith.constant 3 : i32
        %shift_right_logical3A_443 = arith.shrui %squeeze3A_441, %shift_right_logical3A_442 : i32
        %and3A_444 = arith.constant 7 : i32
        %and3A_445 = arith.andi %squeeze3A_441, %and3A_444 : i32
        %dma_start3A_446 = arith.constant 24 : i32
        %dma_start3A_447 = arith.constant 0 : i32
        %dma_start3A_448 = arith.constant 0 : i32
        %dma_start3A_449 = tpu.memref_slice %arg8[%dma_start3A_446, %dma_start3A_447, %dma_start3A_448] : memref<25x8x64xf32, #tpu.memory_space<vmem>> -> memref<1x1x64xf32, #tpu.memory_space<vmem>>
        %dma_start3A_450 = tpu.memref_squeeze %dma_start3A_449 : memref<1x1x64xf32, #tpu.memory_space<vmem>> -> memref<64xf32, #tpu.memory_space<vmem>>
        %dma_start3A_451 = arith.constant 0 : i32
        %dma_start3A_452 = tpu.memref_slice %arg3[%shift_right_logical3A_443, %and3A_445, %dma_start3A_451] : memref<125000x8x64xf32, #tpu.memory_space<hbm>> -> memref<1x1x64xf32, #tpu.memory_space<hbm>>
        %dma_start3A_453 = tpu.memref_squeeze %dma_start3A_452 : memref<1x1x64xf32, #tpu.memory_space<hbm>> -> memref<64xf32, #tpu.memory_space<hbm>>
        %dma_start3A_454 = arith.constant 0 : i32
        %dma_start3A_455 = tpu.memref_slice %arg8[%dma_start3A_446, %dma_start3A_447, %dma_start3A_454] : memref<25x8x64xf32, #tpu.memory_space<vmem>> -> memref<1x1x64xf32, #tpu.memory_space<vmem>>
        %dma_start3A_456 = tpu.memref_squeeze %dma_start3A_455 : memref<1x1x64xf32, #tpu.memory_space<vmem>> -> memref<64xf32, #tpu.memory_space<vmem>>
        %dma_start3A_457 = arith.constant 0 : i32
        %dma_start3A_458 = tpu.memref_slice %arg3[%shift_right_logical3A_443, %and3A_445, %dma_start3A_457] : memref<125000x8x64xf32, #tpu.memory_space<hbm>> -> memref<1x1x64xf32, #tpu.memory_space<hbm>>
        %dma_start3A_459 = tpu.memref_squeeze %dma_start3A_458 : memref<1x1x64xf32, #tpu.memory_space<hbm>> -> memref<64xf32, #tpu.memory_space<hbm>>
        tpu.enqueue_dma source(%dma_start3A_459 : memref<64xf32, #tpu.memory_space<hbm>>) target(%dma_start3A_456 : memref<64xf32, #tpu.memory_space<vmem>>) target_semaphore(%arg10 : memref<!tpu.dma_semaphore, #tpu.memory_space<semaphore_mem>>)
        %slice3A_460 = vector.extract_strided_slice %get3A_439 {offsets = [1], sizes = [1], strides = [1]} : vector<16xi32> to vector<1xi32>
        %squeeze3A_461 = vector.extract %slice3A_460[0] : i32 from vector<1xi32>
        %shift_right_logical3A_462 = arith.constant 3 : i32
        %shift_right_logical3A_463 = arith.shrui %squeeze3A_461, %shift_right_logical3A_462 : i32
        %and3A_464 = arith.constant 7 : i32
        %and3A_465 = arith.andi %squeeze3A_461, %and3A_464 : i32
        %dma_start3A_466 = arith.constant 24 : i32
        %dma_start3A_467 = arith.constant 1 : i32
        %dma_start3A_468 = arith.constant 0 : i32
        %dma_start3A_469 = tpu.memref_slice %arg8[%dma_start3A_466, %dma_start3A_467, %dma_start3A_468] : memref<25x8x64xf32, #tpu.memory_space<vmem>> -> memref<1x1x64xf32, #tpu.memory_space<vmem>>
        %dma_start3A_470 = tpu.memref_squeeze %dma_start3A_469 : memref<1x1x64xf32, #tpu.memory_space<vmem>> -> memref<64xf32, #tpu.memory_space<vmem>>
        %dma_start3A_471 = arith.constant 0 : i32
        %dma_start3A_472 = tpu.memref_slice %arg3[%shift_right_logical3A_463, %and3A_465, %dma_start3A_471] : memref<125000x8x64xf32, #tpu.memory_space<hbm>> -> memref<1x1x64xf32, #tpu.memory_space<hbm>>
        %dma_start3A_473 = tpu.memref_squeeze %dma_start3A_472 : memref<1x1x64xf32, #tpu.memory_space<hbm>> -> memref<64xf32, #tpu.memory_space<hbm>>
        %dma_start3A_474 = arith.constant 0 : i32
        %dma_start3A_475 = tpu.memref_slice %arg8[%dma_start3A_466, %dma_start3A_467, %dma_start3A_474] : memref<25x8x64xf32, #tpu.memory_space<vmem>> -> memref<1x1x64xf32, #tpu.memory_space<vmem>>
        %dma_start3A_476 = tpu.memref_squeeze %dma_start3A_475 : memref<1x1x64xf32, #tpu.memory_space<vmem>> -> memref<64xf32, #tpu.memory_space<vmem>>
        %dma_start3A_477 = arith.constant 0 : i32
        %dma_start3A_478 = tpu.memref_slice %arg3[%shift_right_logical3A_463, %and3A_465, %dma_start3A_477] : memref<125000x8x64xf32, #tpu.memory_space<hbm>> -> memref<1x1x64xf32, #tpu.memory_space<hbm>>
        %dma_start3A_479 = tpu.memref_squeeze %dma_start3A_478 : memref<1x1x64xf32, #tpu.memory_space<hbm>> -> memref<64xf32, #tpu.memory_space<hbm>>
        tpu.enqueue_dma source(%dma_start3A_479 : memref<64xf32, #tpu.memory_space<hbm>>) target(%dma_start3A_476 : memref<64xf32, #tpu.memory_space<vmem>>) target_semaphore(%arg10 : memref<!tpu.dma_semaphore, #tpu.memory_space<semaphore_mem>>)
        %slice3A_480 = vector.extract_strided_slice %get3A_439 {offsets = [2], sizes = [1], strides = [1]} : vector<16xi32> to vector<1xi32>
        %squeeze3A_481 = vector.extract %slice3A_480[0] : i32 from vector<1xi32>
        %shift_right_logical3A_482 = arith.constant 3 : i32
        %shift_right_logical3A_483 = arith.shrui %squeeze3A_481, %shift_right_logical3A_482 : i32
        %and3A_484 = arith.constant 7 : i32
        %and3A_485 = arith.andi %squeeze3A_481, %and3A_484 : i32
        %dma_start3A_486 = arith.constant 24 : i32
        %dma_start3A_487 = arith.constant 2 : i32
        %dma_start3A_488 = arith.constant 0 : i32
        %dma_start3A_489 = tpu.memref_slice %arg8[%dma_start3A_486, %dma_start3A_487, %dma_start3A_488] : memref<25x8x64xf32, #tpu.memory_space<vmem>> -> memref<1x1x64xf32, #tpu.memory_space<vmem>>
        %dma_start3A_490 = tpu.memref_squeeze %dma_start3A_489 : memref<1x1x64xf32, #tpu.memory_space<vmem>> -> memref<64xf32, #tpu.memory_space<vmem>>
        %dma_start3A_491 = arith.constant 0 : i32
        %dma_start3A_492 = tpu.memref_slice %arg3[%shift_right_logical3A_483, %and3A_485, %dma_start3A_491] : memref<125000x8x64xf32, #tpu.memory_space<hbm>> -> memref<1x1x64xf32, #tpu.memory_space<hbm>>
        %dma_start3A_493 = tpu.memref_squeeze %dma_start3A_492 : memref<1x1x64xf32, #tpu.memory_space<hbm>> -> memref<64xf32, #tpu.memory_space<hbm>>
        %dma_start3A_494 = arith.constant 0 : i32
        %dma_start3A_495 = tpu.memref_slice %arg8[%dma_start3A_486, %dma_start3A_487, %dma_start3A_494] : memref<25x8x64xf32, #tpu.memory_space<vmem>> -> memref<1x1x64xf32, #tpu.memory_space<vmem>>
        %dma_start3A_496 = tpu.memref_squeeze %dma_start3A_495 : memref<1x1x64xf32, #tpu.memory_space<vmem>> -> memref<64xf32, #tpu.memory_space<vmem>>
        %dma_start3A_497 = arith.constant 0 : i32
        %dma_start3A_498 = tpu.memref_slice %arg3[%shift_right_logical3A_483, %and3A_485, %dma_start3A_497] : memref<125000x8x64xf32, #tpu.memory_space<hbm>> -> memref<1x1x64xf32, #tpu.memory_space<hbm>>
        %dma_start3A_499 = tpu.memref_squeeze %dma_start3A_498 : memref<1x1x64xf32, #tpu.memory_space<hbm>> -> memref<64xf32, #tpu.memory_space<hbm>>
        tpu.enqueue_dma source(%dma_start3A_499 : memref<64xf32, #tpu.memory_space<hbm>>) target(%dma_start3A_496 : memref<64xf32, #tpu.memory_space<vmem>>) target_semaphore(%arg10 : memref<!tpu.dma_semaphore, #tpu.memory_space<semaphore_mem>>)
        %slice3A_500 = vector.extract_strided_slice %get3A_439 {offsets = [3], sizes = [1], strides = [1]} : vector<16xi32> to vector<1xi32>
        %squeeze3A_501 = vector.extract %slice3A_500[0] : i32 from vector<1xi32>
        %shift_right_logical3A_502 = arith.constant 3 : i32
        %shift_right_logical3A_503 = arith.shrui %squeeze3A_501, %shift_right_logical3A_502 : i32
        %and3A_504 = arith.constant 7 : i32
        %and3A_505 = arith.andi %squeeze3A_501, %and3A_504 : i32
        %dma_start3A_506 = arith.constant 24 : i32
        %dma_start3A_507 = arith.constant 3 : i32
        %dma_start3A_508 = arith.constant 0 : i32
        %dma_start3A_509 = tpu.memref_slice %arg8[%dma_start3A_506, %dma_start3A_507, %dma_start3A_508] : memref<25x8x64xf32, #tpu.memory_space<vmem>> -> memref<1x1x64xf32, #tpu.memory_space<vmem>>
        %dma_start3A_510 = tpu.memref_squeeze %dma_start3A_509 : memref<1x1x64xf32, #tpu.memory_space<vmem>> -> memref<64xf32, #tpu.memory_space<vmem>>
        %dma_start3A_511 = arith.constant 0 : i32
        %dma_start3A_512 = tpu.memref_slice %arg3[%shift_right_logical3A_503, %and3A_505, %dma_start3A_511] : memref<125000x8x64xf32, #tpu.memory_space<hbm>> -> memref<1x1x64xf32, #tpu.memory_space<hbm>>
        %dma_start3A_513 = tpu.memref_squeeze %dma_start3A_512 : memref<1x1x64xf32, #tpu.memory_space<hbm>> -> memref<64xf32, #tpu.memory_space<hbm>>
        %dma_start3A_514 = arith.constant 0 : i32
        %dma_start3A_515 = tpu.memref_slice %arg8[%dma_start3A_506, %dma_start3A_507, %dma_start3A_514] : memref<25x8x64xf32, #tpu.memory_space<vmem>> -> memref<1x1x64xf32, #tpu.memory_space<vmem>>
        %dma_start3A_516 = tpu.memref_squeeze %dma_start3A_515 : memref<1x1x64xf32, #tpu.memory_space<vmem>> -> memref<64xf32, #tpu.memory_space<vmem>>
        %dma_start3A_517 = arith.constant 0 : i32
        %dma_start3A_518 = tpu.memref_slice %arg3[%shift_right_logical3A_503, %and3A_505, %dma_start3A_517] : memref<125000x8x64xf32, #tpu.memory_space<hbm>> -> memref<1x1x64xf32, #tpu.memory_space<hbm>>
        %dma_start3A_519 = tpu.memref_squeeze %dma_start3A_518 : memref<1x1x64xf32, #tpu.memory_space<hbm>> -> memref<64xf32, #tpu.memory_space<hbm>>
        tpu.enqueue_dma source(%dma_start3A_519 : memref<64xf32, #tpu.memory_space<hbm>>) target(%dma_start3A_516 : memref<64xf32, #tpu.memory_space<vmem>>) target_semaphore(%arg10 : memref<!tpu.dma_semaphore, #tpu.memory_space<semaphore_mem>>)
        %slice3A_520 = vector.extract_strided_slice %get3A_439 {offsets = [4], sizes = [1], strides = [1]} : vector<16xi32> to vector<1xi32>
        %squeeze3A_521 = vector.extract %slice3A_520[0] : i32 from vector<1xi32>
        %shift_right_logical3A_522 = arith.constant 3 : i32
        %shift_right_logical3A_523 = arith.shrui %squeeze3A_521, %shift_right_logical3A_522 : i32
        %and3A_524 = arith.constant 7 : i32
        %and3A_525 = arith.andi %squeeze3A_521, %and3A_524 : i32
        %dma_start3A_526 = arith.constant 24 : i32
        %dma_start3A_527 = arith.constant 4 : i32
        %dma_start3A_528 = arith.constant 0 : i32
        %dma_start3A_529 = tpu.memref_slice %arg8[%dma_start3A_526, %dma_start3A_527, %dma_start3A_528] : memref<25x8x64xf32, #tpu.memory_space<vmem>> -> memref<1x1x64xf32, #tpu.memory_space<vmem>>
        %dma_start3A_530 = tpu.memref_squeeze %dma_start3A_529 : memref<1x1x64xf32, #tpu.memory_space<vmem>> -> memref<64xf32, #tpu.memory_space<vmem>>
        %dma_start3A_531 = arith.constant 0 : i32
        %dma_start3A_532 = tpu.memref_slice %arg3[%shift_right_logical3A_523, %and3A_525, %dma_start3A_531] : memref<125000x8x64xf32, #tpu.memory_space<hbm>> -> memref<1x1x64xf32, #tpu.memory_space<hbm>>
        %dma_start3A_533 = tpu.memref_squeeze %dma_start3A_532 : memref<1x1x64xf32, #tpu.memory_space<hbm>> -> memref<64xf32, #tpu.memory_space<hbm>>
        %dma_start3A_534 = arith.constant 0 : i32
        %dma_start3A_535 = tpu.memref_slice %arg8[%dma_start3A_526, %dma_start3A_527, %dma_start3A_534] : memref<25x8x64xf32, #tpu.memory_space<vmem>> -> memref<1x1x64xf32, #tpu.memory_space<vmem>>
        %dma_start3A_536 = tpu.memref_squeeze %dma_start3A_535 : memref<1x1x64xf32, #tpu.memory_space<vmem>> -> memref<64xf32, #tpu.memory_space<vmem>>
        %dma_start3A_537 = arith.constant 0 : i32
        %dma_start3A_538 = tpu.memref_slice %arg3[%shift_right_logical3A_523, %and3A_525, %dma_start3A_537] : memref<125000x8x64xf32, #tpu.memory_space<hbm>> -> memref<1x1x64xf32, #tpu.memory_space<hbm>>
        %dma_start3A_539 = tpu.memref_squeeze %dma_start3A_538 : memref<1x1x64xf32, #tpu.memory_space<hbm>> -> memref<64xf32, #tpu.memory_space<hbm>>
        tpu.enqueue_dma source(%dma_start3A_539 : memref<64xf32, #tpu.memory_space<hbm>>) target(%dma_start3A_536 : memref<64xf32, #tpu.memory_space<vmem>>) target_semaphore(%arg10 : memref<!tpu.dma_semaphore, #tpu.memory_space<semaphore_mem>>)
        %slice3A_540 = vector.extract_strided_slice %get3A_439 {offsets = [5], sizes = [1], strides = [1]} : vector<16xi32> to vector<1xi32>
        %squeeze3A_541 = vector.extract %slice3A_540[0] : i32 from vector<1xi32>
        %shift_right_logical3A_542 = arith.constant 3 : i32
        %shift_right_logical3A_543 = arith.shrui %squeeze3A_541, %shift_right_logical3A_542 : i32
        %and3A_544 = arith.constant 7 : i32
        %and3A_545 = arith.andi %squeeze3A_541, %and3A_544 : i32
        %dma_start3A_546 = arith.constant 24 : i32
        %dma_start3A_547 = arith.constant 5 : i32
        %dma_start3A_548 = arith.constant 0 : i32
        %dma_start3A_549 = tpu.memref_slice %arg8[%dma_start3A_546, %dma_start3A_547, %dma_start3A_548] : memref<25x8x64xf32, #tpu.memory_space<vmem>> -> memref<1x1x64xf32, #tpu.memory_space<vmem>>
        %dma_start3A_550 = tpu.memref_squeeze %dma_start3A_549 : memref<1x1x64xf32, #tpu.memory_space<vmem>> -> memref<64xf32, #tpu.memory_space<vmem>>
        %dma_start3A_551 = arith.constant 0 : i32
        %dma_start3A_552 = tpu.memref_slice %arg3[%shift_right_logical3A_543, %and3A_545, %dma_start3A_551] : memref<125000x8x64xf32, #tpu.memory_space<hbm>> -> memref<1x1x64xf32, #tpu.memory_space<hbm>>
        %dma_start3A_553 = tpu.memref_squeeze %dma_start3A_552 : memref<1x1x64xf32, #tpu.memory_space<hbm>> -> memref<64xf32, #tpu.memory_space<hbm>>
        %dma_start3A_554 = arith.constant 0 : i32
        %dma_start3A_555 = tpu.memref_slice %arg8[%dma_start3A_546, %dma_start3A_547, %dma_start3A_554] : memref<25x8x64xf32, #tpu.memory_space<vmem>> -> memref<1x1x64xf32, #tpu.memory_space<vmem>>
        %dma_start3A_556 = tpu.memref_squeeze %dma_start3A_555 : memref<1x1x64xf32, #tpu.memory_space<vmem>> -> memref<64xf32, #tpu.memory_space<vmem>>
        %dma_start3A_557 = arith.constant 0 : i32
        %dma_start3A_558 = tpu.memref_slice %arg3[%shift_right_logical3A_543, %and3A_545, %dma_start3A_557] : memref<125000x8x64xf32, #tpu.memory_space<hbm>> -> memref<1x1x64xf32, #tpu.memory_space<hbm>>
        %dma_start3A_559 = tpu.memref_squeeze %dma_start3A_558 : memref<1x1x64xf32, #tpu.memory_space<hbm>> -> memref<64xf32, #tpu.memory_space<hbm>>
        tpu.enqueue_dma source(%dma_start3A_559 : memref<64xf32, #tpu.memory_space<hbm>>) target(%dma_start3A_556 : memref<64xf32, #tpu.memory_space<vmem>>) target_semaphore(%arg10 : memref<!tpu.dma_semaphore, #tpu.memory_space<semaphore_mem>>)
        %slice3A_560 = vector.extract_strided_slice %get3A_439 {offsets = [6], sizes = [1], strides = [1]} : vector<16xi32> to vector<1xi32>
        %squeeze3A_561 = vector.extract %slice3A_560[0] : i32 from vector<1xi32>
        %shift_right_logical3A_562 = arith.constant 3 : i32
        %shift_right_logical3A_563 = arith.shrui %squeeze3A_561, %shift_right_logical3A_562 : i32
        %and3A_564 = arith.constant 7 : i32
        %and3A_565 = arith.andi %squeeze3A_561, %and3A_564 : i32
        %dma_start3A_566 = arith.constant 24 : i32
        %dma_start3A_567 = arith.constant 6 : i32
        %dma_start3A_568 = arith.constant 0 : i32
        %dma_start3A_569 = tpu.memref_slice %arg8[%dma_start3A_566, %dma_start3A_567, %dma_start3A_568] : memref<25x8x64xf32, #tpu.memory_space<vmem>> -> memref<1x1x64xf32, #tpu.memory_space<vmem>>
        %dma_start3A_570 = tpu.memref_squeeze %dma_start3A_569 : memref<1x1x64xf32, #tpu.memory_space<vmem>> -> memref<64xf32, #tpu.memory_space<vmem>>
        %dma_start3A_571 = arith.constant 0 : i32
        %dma_start3A_572 = tpu.memref_slice %arg3[%shift_right_logical3A_563, %and3A_565, %dma_start3A_571] : memref<125000x8x64xf32, #tpu.memory_space<hbm>> -> memref<1x1x64xf32, #tpu.memory_space<hbm>>
        %dma_start3A_573 = tpu.memref_squeeze %dma_start3A_572 : memref<1x1x64xf32, #tpu.memory_space<hbm>> -> memref<64xf32, #tpu.memory_space<hbm>>
        %dma_start3A_574 = arith.constant 0 : i32
        %dma_start3A_575 = tpu.memref_slice %arg8[%dma_start3A_566, %dma_start3A_567, %dma_start3A_574] : memref<25x8x64xf32, #tpu.memory_space<vmem>> -> memref<1x1x64xf32, #tpu.memory_space<vmem>>
        %dma_start3A_576 = tpu.memref_squeeze %dma_start3A_575 : memref<1x1x64xf32, #tpu.memory_space<vmem>> -> memref<64xf32, #tpu.memory_space<vmem>>
        %dma_start3A_577 = arith.constant 0 : i32
        %dma_start3A_578 = tpu.memref_slice %arg3[%shift_right_logical3A_563, %and3A_565, %dma_start3A_577] : memref<125000x8x64xf32, #tpu.memory_space<hbm>> -> memref<1x1x64xf32, #tpu.memory_space<hbm>>
        %dma_start3A_579 = tpu.memref_squeeze %dma_start3A_578 : memref<1x1x64xf32, #tpu.memory_space<hbm>> -> memref<64xf32, #tpu.memory_space<hbm>>
        tpu.enqueue_dma source(%dma_start3A_579 : memref<64xf32, #tpu.memory_space<hbm>>) target(%dma_start3A_576 : memref<64xf32, #tpu.memory_space<vmem>>) target_semaphore(%arg10 : memref<!tpu.dma_semaphore, #tpu.memory_space<semaphore_mem>>)
        %slice3A_580 = vector.extract_strided_slice %get3A_439 {offsets = [7], sizes = [1], strides = [1]} : vector<16xi32> to vector<1xi32>
        %squeeze3A_581 = vector.extract %slice3A_580[0] : i32 from vector<1xi32>
        %shift_right_logical3A_582 = arith.constant 3 : i32
        %shift_right_logical3A_583 = arith.shrui %squeeze3A_581, %shift_right_logical3A_582 : i32
        %and3A_584 = arith.constant 7 : i32
        %and3A_585 = arith.andi %squeeze3A_581, %and3A_584 : i32
        %dma_start3A_586 = arith.constant 24 : i32
        %dma_start3A_587 = arith.constant 7 : i32
        %dma_start3A_588 = arith.constant 0 : i32
        %dma_start3A_589 = tpu.memref_slice %arg8[%dma_start3A_586, %dma_start3A_587, %dma_start3A_588] : memref<25x8x64xf32, #tpu.memory_space<vmem>> -> memref<1x1x64xf32, #tpu.memory_space<vmem>>
        %dma_start3A_590 = tpu.memref_squeeze %dma_start3A_589 : memref<1x1x64xf32, #tpu.memory_space<vmem>> -> memref<64xf32, #tpu.memory_space<vmem>>
        %dma_start3A_591 = arith.constant 0 : i32
        %dma_start3A_592 = tpu.memref_slice %arg3[%shift_right_logical3A_583, %and3A_585, %dma_start3A_591] : memref<125000x8x64xf32, #tpu.memory_space<hbm>> -> memref<1x1x64xf32, #tpu.memory_space<hbm>>
        %dma_start3A_593 = tpu.memref_squeeze %dma_start3A_592 : memref<1x1x64xf32, #tpu.memory_space<hbm>> -> memref<64xf32, #tpu.memory_space<hbm>>
        %dma_start3A_594 = arith.constant 0 : i32
        %dma_start3A_595 = tpu.memref_slice %arg8[%dma_start3A_586, %dma_start3A_587, %dma_start3A_594] : memref<25x8x64xf32, #tpu.memory_space<vmem>> -> memref<1x1x64xf32, #tpu.memory_space<vmem>>
        %dma_start3A_596 = tpu.memref_squeeze %dma_start3A_595 : memref<1x1x64xf32, #tpu.memory_space<vmem>> -> memref<64xf32, #tpu.memory_space<vmem>>
        %dma_start3A_597 = arith.constant 0 : i32
        %dma_start3A_598 = tpu.memref_slice %arg3[%shift_right_logical3A_583, %and3A_585, %dma_start3A_597] : memref<125000x8x64xf32, #tpu.memory_space<hbm>> -> memref<1x1x64xf32, #tpu.memory_space<hbm>>
        %dma_start3A_599 = tpu.memref_squeeze %dma_start3A_598 : memref<1x1x64xf32, #tpu.memory_space<hbm>> -> memref<64xf32, #tpu.memory_space<hbm>>
        tpu.enqueue_dma source(%dma_start3A_599 : memref<64xf32, #tpu.memory_space<hbm>>) target(%dma_start3A_596 : memref<64xf32, #tpu.memory_space<vmem>>) target_semaphore(%arg10 : memref<!tpu.dma_semaphore, #tpu.memory_space<semaphore_mem>>)
      } else {
      }
      %add3A_407 = arith.constant 1 : i32
      %add3A_408 = arith.addi %mul3A_342, %add3A_407 : i32
      %mul3A_409 = arith.constant 800 : i32
      %mul3A_410 = arith.muli %add3A, %mul3A_409 : i32
      %mul3A_411 = arith.constant 25 : i32
      %mul3A_412 = arith.muli %add3A_408, %mul3A_411 : i32
      %add3A_413 = arith.addi %mul3A_410, %mul3A_412 : i32
      %dma_wait3A_414 = arith.constant 0 : i32
      %dma_wait3A_415 = arith.constant 0 : i32
      %dma_wait3A_416 = tpu.memref_slice %arg5[%add3A_413, %dma_wait3A_414, %dma_wait3A_415] : memref<25600x8x64xf32, #tpu.memory_space<hbm>> -> memref<25x8x64xf32, #tpu.memory_space<hbm>>
      %dma_wait3A_417 = arith.constant 0 : i32
      %dma_wait3A_418 = arith.constant 0 : i32
      %dma_wait3A_419 = tpu.memref_slice %arg5[%add3A_413, %dma_wait3A_417, %dma_wait3A_418] : memref<25600x8x64xf32, #tpu.memory_space<hbm>> -> memref<25x8x64xf32, #tpu.memory_space<hbm>>
      tpu.wait_dma2 semaphore(%arg13 : memref<!tpu.dma_semaphore, #tpu.memory_space<semaphore_mem>>) src(%arg9 : memref<25x8x64xf32, #tpu.memory_space<vmem>>) dst(%dma_wait3A_419 : memref<25x8x64xf32, #tpu.memory_space<hbm>>)
      %lt3A_420 = arith.constant 15 : i32
      %lt3A_421 = arith.cmpi slt, %scan3A_340, %lt3A_420 : i32
      %convert_element_type3A_422 = arith.extui %lt3A_421 : i1 to i32
      %cond3A_423 = arith.constant 0 : i32
      %cond3A_424 = arith.cmpi ne, %convert_element_type3A_422, %cond3A_423 : i32
      scf.if %cond3A_424 {
        %add3A_425 = arith.constant 3 : i32
        %add3A_426 = arith.addi %mul3A_342, %add3A_425 : i32
        %mul3A_427 = arith.constant 200 : i32
        %mul3A_428 = arith.muli %add3A_426, %mul3A_427 : i32
        %scan3A_429 = arith.constant 0 : i32
        %scan3A_430 = arith.constant 0 : i32
        %scan3A_431 = arith.constant 12 : i32
        %scan3A_432 = arith.addi %scan3A_430, %scan3A_431 : i32
        %scan3A_433 = arith.constant 1 : i32
        scf.for %scan3A_600 = %scan3A_430 to %scan3A_432 step %scan3A_433  : i32 {
          %mul3A_601 = arith.constant 16 : i32
          %mul3A_602 = arith.muli %scan3A_600, %mul3A_601 : i32
          %add3A_603 = arith.addi %mul3A_428, %mul3A_602 : i32
          %get3A_604 = arith.index_cast %add3A_603 : i32 to index
          %get3A_605 = tpu.vector_load %arg6[%get3A_604] {strides = array<i32>} : memref<6400xi32, #tpu.memory_space<vmem>>, vector<16xi32>,
          %get3A_606 = vector.shape_cast %get3A_605 : vector<16xi32> to vector<16xi32>
          %mul3A_607 = arith.constant 2 : i32
          %mul3A_608 = arith.muli %scan3A_600, %mul3A_607 : i32
          %slice3A_609 = vector.extract_strided_slice %get3A_606 {offsets = [0], sizes = [1], strides = [1]} : vector<16xi32> to vector<1xi32>
          %squeeze3A_610 = vector.extract %slice3A_609[0] : i32 from vector<1xi32>
          %shift_right_logical3A_611 = arith.constant 3 : i32
          %shift_right_logical3A_612 = arith.shrui %squeeze3A_610, %shift_right_logical3A_611 : i32
          %and3A_613 = arith.constant 7 : i32
          %and3A_614 = arith.andi %squeeze3A_610, %and3A_613 : i32
          %add3A_615 = arith.constant 0 : i32
          %add3A_616 = arith.addi %mul3A_608, %add3A_615 : i32
          %dma_start3A_617 = arith.constant 0 : i32
          %dma_start3A_618 = arith.constant 0 : i32
          %dma_start3A_619 = tpu.memref_slice %arg9[%add3A_616, %dma_start3A_617, %dma_start3A_618] : memref<25x8x64xf32, #tpu.memory_space<vmem>> -> memref<1x1x64xf32, #tpu.memory_space<vmem>>
          %dma_start3A_620 = tpu.memref_squeeze %dma_start3A_619 : memref<1x1x64xf32, #tpu.memory_space<vmem>> -> memref<64xf32, #tpu.memory_space<vmem>>
          %dma_start3A_621 = arith.constant 0 : i32
          %dma_start3A_622 = tpu.memref_slice %arg3[%shift_right_logical3A_612, %and3A_614, %dma_start3A_621] : memref<125000x8x64xf32, #tpu.memory_space<hbm>> -> memref<1x1x64xf32, #tpu.memory_space<hbm>>
          %dma_start3A_623 = tpu.memref_squeeze %dma_start3A_622 : memref<1x1x64xf32, #tpu.memory_space<hbm>> -> memref<64xf32, #tpu.memory_space<hbm>>
          %dma_start3A_624 = arith.constant 0 : i32
          %dma_start3A_625 = tpu.memref_slice %arg9[%add3A_616, %dma_start3A_617, %dma_start3A_624] : memref<25x8x64xf32, #tpu.memory_space<vmem>> -> memref<1x1x64xf32, #tpu.memory_space<vmem>>
          %dma_start3A_626 = tpu.memref_squeeze %dma_start3A_625 : memref<1x1x64xf32, #tpu.memory_space<vmem>> -> memref<64xf32, #tpu.memory_space<vmem>>
          %dma_start3A_627 = arith.constant 0 : i32
          %dma_start3A_628 = tpu.memref_slice %arg3[%shift_right_logical3A_612, %and3A_614, %dma_start3A_627] : memref<125000x8x64xf32, #tpu.memory_space<hbm>> -> memref<1x1x64xf32, #tpu.memory_space<hbm>>
          %dma_start3A_629 = tpu.memref_squeeze %dma_start3A_628 : memref<1x1x64xf32, #tpu.memory_space<hbm>> -> memref<64xf32, #tpu.memory_space<hbm>>
          tpu.enqueue_dma source(%dma_start3A_629 : memref<64xf32, #tpu.memory_space<hbm>>) target(%dma_start3A_626 : memref<64xf32, #tpu.memory_space<vmem>>) target_semaphore(%arg11 : memref<!tpu.dma_semaphore, #tpu.memory_space<semaphore_mem>>)
          %slice3A_630 = vector.extract_strided_slice %get3A_606 {offsets = [1], sizes = [1], strides = [1]} : vector<16xi32> to vector<1xi32>
          %squeeze3A_631 = vector.extract %slice3A_630[0] : i32 from vector<1xi32>
          %shift_right_logical3A_632 = arith.constant 3 : i32
          %shift_right_logical3A_633 = arith.shrui %squeeze3A_631, %shift_right_logical3A_632 : i32
          %and3A_634 = arith.constant 7 : i32
          %and3A_635 = arith.andi %squeeze3A_631, %and3A_634 : i32
          %add3A_636 = arith.constant 0 : i32
          %add3A_637 = arith.addi %mul3A_608, %add3A_636 : i32
          %dma_start3A_638 = arith.constant 1 : i32
          %dma_start3A_639 = arith.constant 0 : i32
          %dma_start3A_640 = tpu.memref_slice %arg9[%add3A_637, %dma_start3A_638, %dma_start3A_639] : memref<25x8x64xf32, #tpu.memory_space<vmem>> -> memref<1x1x64xf32, #tpu.memory_space<vmem>>
          %dma_start3A_641 = tpu.memref_squeeze %dma_start3A_640 : memref<1x1x64xf32, #tpu.memory_space<vmem>> -> memref<64xf32, #tpu.memory_space<vmem>>
          %dma_start3A_642 = arith.constant 0 : i32
          %dma_start3A_643 = tpu.memref_slice %arg3[%shift_right_logical3A_633, %and3A_635, %dma_start3A_642] : memref<125000x8x64xf32, #tpu.memory_space<hbm>> -> memref<1x1x64xf32, #tpu.memory_space<hbm>>
          %dma_start3A_644 = tpu.memref_squeeze %dma_start3A_643 : memref<1x1x64xf32, #tpu.memory_space<hbm>> -> memref<64xf32, #tpu.memory_space<hbm>>
          %dma_start3A_645 = arith.constant 0 : i32
          %dma_start3A_646 = tpu.memref_slice %arg9[%add3A_637, %dma_start3A_638, %dma_start3A_645] : memref<25x8x64xf32, #tpu.memory_space<vmem>> -> memref<1x1x64xf32, #tpu.memory_space<vmem>>
          %dma_start3A_647 = tpu.memref_squeeze %dma_start3A_646 : memref<1x1x64xf32, #tpu.memory_space<vmem>> -> memref<64xf32, #tpu.memory_space<vmem>>
          %dma_start3A_648 = arith.constant 0 : i32
          %dma_start3A_649 = tpu.memref_slice %arg3[%shift_right_logical3A_633, %and3A_635, %dma_start3A_648] : memref<125000x8x64xf32, #tpu.memory_space<hbm>> -> memref<1x1x64xf32, #tpu.memory_space<hbm>>
          %dma_start3A_650 = tpu.memref_squeeze %dma_start3A_649 : memref<1x1x64xf32, #tpu.memory_space<hbm>> -> memref<64xf32, #tpu.memory_space<hbm>>
          tpu.enqueue_dma source(%dma_start3A_650 : memref<64xf32, #tpu.memory_space<hbm>>) target(%dma_start3A_647 : memref<64xf32, #tpu.memory_space<vmem>>) target_semaphore(%arg11 : memref<!tpu.dma_semaphore, #tpu.memory_space<semaphore_mem>>)
          %slice3A_651 = vector.extract_strided_slice %get3A_606 {offsets = [2], sizes = [1], strides = [1]} : vector<16xi32> to vector<1xi32>
          %squeeze3A_652 = vector.extract %slice3A_651[0] : i32 from vector<1xi32>
          %shift_right_logical3A_653 = arith.constant 3 : i32
          %shift_right_logical3A_654 = arith.shrui %squeeze3A_652, %shift_right_logical3A_653 : i32
          %and3A_655 = arith.constant 7 : i32
          %and3A_656 = arith.andi %squeeze3A_652, %and3A_655 : i32
          %add3A_657 = arith.constant 0 : i32
          %add3A_658 = arith.addi %mul3A_608, %add3A_657 : i32
          %dma_start3A_659 = arith.constant 2 : i32
          %dma_start3A_660 = arith.constant 0 : i32
          %dma_start3A_661 = tpu.memref_slice %arg9[%add3A_658, %dma_start3A_659, %dma_start3A_660] : memref<25x8x64xf32, #tpu.memory_space<vmem>> -> memref<1x1x64xf32, #tpu.memory_space<vmem>>
          %dma_start3A_662 = tpu.memref_squeeze %dma_start3A_661 : memref<1x1x64xf32, #tpu.memory_space<vmem>> -> memref<64xf32, #tpu.memory_space<vmem>>
          %dma_start3A_663 = arith.constant 0 : i32
          %dma_start3A_664 = tpu.memref_slice %arg3[%shift_right_logical3A_654, %and3A_656, %dma_start3A_663] : memref<125000x8x64xf32, #tpu.memory_space<hbm>> -> memref<1x1x64xf32, #tpu.memory_space<hbm>>
          %dma_start3A_665 = tpu.memref_squeeze %dma_start3A_664 : memref<1x1x64xf32, #tpu.memory_space<hbm>> -> memref<64xf32, #tpu.memory_space<hbm>>
          %dma_start3A_666 = arith.constant 0 : i32
          %dma_start3A_667 = tpu.memref_slice %arg9[%add3A_658, %dma_start3A_659, %dma_start3A_666] : memref<25x8x64xf32, #tpu.memory_space<vmem>> -> memref<1x1x64xf32, #tpu.memory_space<vmem>>
          %dma_start3A_668 = tpu.memref_squeeze %dma_start3A_667 : memref<1x1x64xf32, #tpu.memory_space<vmem>> -> memref<64xf32, #tpu.memory_space<vmem>>
          %dma_start3A_669 = arith.constant 0 : i32
          %dma_start3A_670 = tpu.memref_slice %arg3[%shift_right_logical3A_654, %and3A_656, %dma_start3A_669] : memref<125000x8x64xf32, #tpu.memory_space<hbm>> -> memref<1x1x64xf32, #tpu.memory_space<hbm>>
          %dma_start3A_671 = tpu.memref_squeeze %dma_start3A_670 : memref<1x1x64xf32, #tpu.memory_space<hbm>> -> memref<64xf32, #tpu.memory_space<hbm>>
          tpu.enqueue_dma source(%dma_start3A_671 : memref<64xf32, #tpu.memory_space<hbm>>) target(%dma_start3A_668 : memref<64xf32, #tpu.memory_space<vmem>>) target_semaphore(%arg11 : memref<!tpu.dma_semaphore, #tpu.memory_space<semaphore_mem>>)
          %slice3A_672 = vector.extract_strided_slice %get3A_606 {offsets = [3], sizes = [1], strides = [1]} : vector<16xi32> to vector<1xi32>
          %squeeze3A_673 = vector.extract %slice3A_672[0] : i32 from vector<1xi32>
          %shift_right_logical3A_674 = arith.constant 3 : i32
          %shift_right_logical3A_675 = arith.shrui %squeeze3A_673, %shift_right_logical3A_674 : i32
          %and3A_676 = arith.constant 7 : i32
          %and3A_677 = arith.andi %squeeze3A_673, %and3A_676 : i32
          %add3A_678 = arith.constant 0 : i32
          %add3A_679 = arith.addi %mul3A_608, %add3A_678 : i32
          %dma_start3A_680 = arith.constant 3 : i32
          %dma_start3A_681 = arith.constant 0 : i32
          %dma_start3A_682 = tpu.memref_slice %arg9[%add3A_679, %dma_start3A_680, %dma_start3A_681] : memref<25x8x64xf32, #tpu.memory_space<vmem>> -> memref<1x1x64xf32, #tpu.memory_space<vmem>>
          %dma_start3A_683 = tpu.memref_squeeze %dma_start3A_682 : memref<1x1x64xf32, #tpu.memory_space<vmem>> -> memref<64xf32, #tpu.memory_space<vmem>>
          %dma_start3A_684 = arith.constant 0 : i32
          %dma_start3A_685 = tpu.memref_slice %arg3[%shift_right_logical3A_675, %and3A_677, %dma_start3A_684] : memref<125000x8x64xf32, #tpu.memory_space<hbm>> -> memref<1x1x64xf32, #tpu.memory_space<hbm>>
          %dma_start3A_686 = tpu.memref_squeeze %dma_start3A_685 : memref<1x1x64xf32, #tpu.memory_space<hbm>> -> memref<64xf32, #tpu.memory_space<hbm>>
          %dma_start3A_687 = arith.constant 0 : i32
          %dma_start3A_688 = tpu.memref_slice %arg9[%add3A_679, %dma_start3A_680, %dma_start3A_687] : memref<25x8x64xf32, #tpu.memory_space<vmem>> -> memref<1x1x64xf32, #tpu.memory_space<vmem>>
          %dma_start3A_689 = tpu.memref_squeeze %dma_start3A_688 : memref<1x1x64xf32, #tpu.memory_space<vmem>> -> memref<64xf32, #tpu.memory_space<vmem>>
          %dma_start3A_690 = arith.constant 0 : i32
          %dma_start3A_691 = tpu.memref_slice %arg3[%shift_right_logical3A_675, %and3A_677, %dma_start3A_690] : memref<125000x8x64xf32, #tpu.memory_space<hbm>> -> memref<1x1x64xf32, #tpu.memory_space<hbm>>
          %dma_start3A_692 = tpu.memref_squeeze %dma_start3A_691 : memref<1x1x64xf32, #tpu.memory_space<hbm>> -> memref<64xf32, #tpu.memory_space<hbm>>
          tpu.enqueue_dma source(%dma_start3A_692 : memref<64xf32, #tpu.memory_space<hbm>>) target(%dma_start3A_689 : memref<64xf32, #tpu.memory_space<vmem>>) target_semaphore(%arg11 : memref<!tpu.dma_semaphore, #tpu.memory_space<semaphore_mem>>)
          %slice3A_693 = vector.extract_strided_slice %get3A_606 {offsets = [4], sizes = [1], strides = [1]} : vector<16xi32> to vector<1xi32>
          %squeeze3A_694 = vector.extract %slice3A_693[0] : i32 from vector<1xi32>
          %shift_right_logical3A_695 = arith.constant 3 : i32
          %shift_right_logical3A_696 = arith.shrui %squeeze3A_694, %shift_right_logical3A_695 : i32
          %and3A_697 = arith.constant 7 : i32
          %and3A_698 = arith.andi %squeeze3A_694, %and3A_697 : i32
          %add3A_699 = arith.constant 0 : i32
          %add3A_700 = arith.addi %mul3A_608, %add3A_699 : i32
          %dma_start3A_701 = arith.constant 4 : i32
          %dma_start3A_702 = arith.constant 0 : i32
          %dma_start3A_703 = tpu.memref_slice %arg9[%add3A_700, %dma_start3A_701, %dma_start3A_702] : memref<25x8x64xf32, #tpu.memory_space<vmem>> -> memref<1x1x64xf32, #tpu.memory_space<vmem>>
          %dma_start3A_704 = tpu.memref_squeeze %dma_start3A_703 : memref<1x1x64xf32, #tpu.memory_space<vmem>> -> memref<64xf32, #tpu.memory_space<vmem>>
          %dma_start3A_705 = arith.constant 0 : i32
          %dma_start3A_706 = tpu.memref_slice %arg3[%shift_right_logical3A_696, %and3A_698, %dma_start3A_705] : memref<125000x8x64xf32, #tpu.memory_space<hbm>> -> memref<1x1x64xf32, #tpu.memory_space<hbm>>
          %dma_start3A_707 = tpu.memref_squeeze %dma_start3A_706 : memref<1x1x64xf32, #tpu.memory_space<hbm>> -> memref<64xf32, #tpu.memory_space<hbm>>
          %dma_start3A_708 = arith.constant 0 : i32
          %dma_start3A_709 = tpu.memref_slice %arg9[%add3A_700, %dma_start3A_701, %dma_start3A_708] : memref<25x8x64xf32, #tpu.memory_space<vmem>> -> memref<1x1x64xf32, #tpu.memory_space<vmem>>
          %dma_start3A_710 = tpu.memref_squeeze %dma_start3A_709 : memref<1x1x64xf32, #tpu.memory_space<vmem>> -> memref<64xf32, #tpu.memory_space<vmem>>
          %dma_start3A_711 = arith.constant 0 : i32
          %dma_start3A_712 = tpu.memref_slice %arg3[%shift_right_logical3A_696, %and3A_698, %dma_start3A_711] : memref<125000x8x64xf32, #tpu.memory_space<hbm>> -> memref<1x1x64xf32, #tpu.memory_space<hbm>>
          %dma_start3A_713 = tpu.memref_squeeze %dma_start3A_712 : memref<1x1x64xf32, #tpu.memory_space<hbm>> -> memref<64xf32, #tpu.memory_space<hbm>>
          tpu.enqueue_dma source(%dma_start3A_713 : memref<64xf32, #tpu.memory_space<hbm>>) target(%dma_start3A_710 : memref<64xf32, #tpu.memory_space<vmem>>) target_semaphore(%arg11 : memref<!tpu.dma_semaphore, #tpu.memory_space<semaphore_mem>>)
          %slice3A_714 = vector.extract_strided_slice %get3A_606 {offsets = [5], sizes = [1], strides = [1]} : vector<16xi32> to vector<1xi32>
          %squeeze3A_715 = vector.extract %slice3A_714[0] : i32 from vector<1xi32>
          %shift_right_logical3A_716 = arith.constant 3 : i32
          %shift_right_logical3A_717 = arith.shrui %squeeze3A_715, %shift_right_logical3A_716 : i32
          %and3A_718 = arith.constant 7 : i32
          %and3A_719 = arith.andi %squeeze3A_715, %and3A_718 : i32
          %add3A_720 = arith.constant 0 : i32
          %add3A_721 = arith.addi %mul3A_608, %add3A_720 : i32
          %dma_start3A_722 = arith.constant 5 : i32
          %dma_start3A_723 = arith.constant 0 : i32
          %dma_start3A_724 = tpu.memref_slice %arg9[%add3A_721, %dma_start3A_722, %dma_start3A_723] : memref<25x8x64xf32, #tpu.memory_space<vmem>> -> memref<1x1x64xf32, #tpu.memory_space<vmem>>
          %dma_start3A_725 = tpu.memref_squeeze %dma_start3A_724 : memref<1x1x64xf32, #tpu.memory_space<vmem>> -> memref<64xf32, #tpu.memory_space<vmem>>
          %dma_start3A_726 = arith.constant 0 : i32
          %dma_start3A_727 = tpu.memref_slice %arg3[%shift_right_logical3A_717, %and3A_719, %dma_start3A_726] : memref<125000x8x64xf32, #tpu.memory_space<hbm>> -> memref<1x1x64xf32, #tpu.memory_space<hbm>>
          %dma_start3A_728 = tpu.memref_squeeze %dma_start3A_727 : memref<1x1x64xf32, #tpu.memory_space<hbm>> -> memref<64xf32, #tpu.memory_space<hbm>>
          %dma_start3A_729 = arith.constant 0 : i32
          %dma_start3A_730 = tpu.memref_slice %arg9[%add3A_721, %dma_start3A_722, %dma_start3A_729] : memref<25x8x64xf32, #tpu.memory_space<vmem>> -> memref<1x1x64xf32, #tpu.memory_space<vmem>>
          %dma_start3A_731 = tpu.memref_squeeze %dma_start3A_730 : memref<1x1x64xf32, #tpu.memory_space<vmem>> -> memref<64xf32, #tpu.memory_space<vmem>>
          %dma_start3A_732 = arith.constant 0 : i32
          %dma_start3A_733 = tpu.memref_slice %arg3[%shift_right_logical3A_717, %and3A_719, %dma_start3A_732] : memref<125000x8x64xf32, #tpu.memory_space<hbm>> -> memref<1x1x64xf32, #tpu.memory_space<hbm>>
          %dma_start3A_734 = tpu.memref_squeeze %dma_start3A_733 : memref<1x1x64xf32, #tpu.memory_space<hbm>> -> memref<64xf32, #tpu.memory_space<hbm>>
          tpu.enqueue_dma source(%dma_start3A_734 : memref<64xf32, #tpu.memory_space<hbm>>) target(%dma_start3A_731 : memref<64xf32, #tpu.memory_space<vmem>>) target_semaphore(%arg11 : memref<!tpu.dma_semaphore, #tpu.memory_space<semaphore_mem>>)
          %slice3A_735 = vector.extract_strided_slice %get3A_606 {offsets = [6], sizes = [1], strides = [1]} : vector<16xi32> to vector<1xi32>
          %squeeze3A_736 = vector.extract %slice3A_735[0] : i32 from vector<1xi32>
          %shift_right_logical3A_737 = arith.constant 3 : i32
          %shift_right_logical3A_738 = arith.shrui %squeeze3A_736, %shift_right_logical3A_737 : i32
          %and3A_739 = arith.constant 7 : i32
          %and3A_740 = arith.andi %squeeze3A_736, %and3A_739 : i32
          %add3A_741 = arith.constant 0 : i32
          %add3A_742 = arith.addi %mul3A_608, %add3A_741 : i32
          %dma_start3A_743 = arith.constant 6 : i32
          %dma_start3A_744 = arith.constant 0 : i32
          %dma_start3A_745 = tpu.memref_slice %arg9[%add3A_742, %dma_start3A_743, %dma_start3A_744] : memref<25x8x64xf32, #tpu.memory_space<vmem>> -> memref<1x1x64xf32, #tpu.memory_space<vmem>>
          %dma_start3A_746 = tpu.memref_squeeze %dma_start3A_745 : memref<1x1x64xf32, #tpu.memory_space<vmem>> -> memref<64xf32, #tpu.memory_space<vmem>>
          %dma_start3A_747 = arith.constant 0 : i32
          %dma_start3A_748 = tpu.memref_slice %arg3[%shift_right_logical3A_738, %and3A_740, %dma_start3A_747] : memref<125000x8x64xf32, #tpu.memory_space<hbm>> -> memref<1x1x64xf32, #tpu.memory_space<hbm>>
          %dma_start3A_749 = tpu.memref_squeeze %dma_start3A_748 : memref<1x1x64xf32, #tpu.memory_space<hbm>> -> memref<64xf32, #tpu.memory_space<hbm>>
          %dma_start3A_750 = arith.constant 0 : i32
          %dma_start3A_751 = tpu.memref_slice %arg9[%add3A_742, %dma_start3A_743, %dma_start3A_750] : memref<25x8x64xf32, #tpu.memory_space<vmem>> -> memref<1x1x64xf32, #tpu.memory_space<vmem>>
          %dma_start3A_752 = tpu.memref_squeeze %dma_start3A_751 : memref<1x1x64xf32, #tpu.memory_space<vmem>> -> memref<64xf32, #tpu.memory_space<vmem>>
          %dma_start3A_753 = arith.constant 0 : i32
          %dma_start3A_754 = tpu.memref_slice %arg3[%shift_right_logical3A_738, %and3A_740, %dma_start3A_753] : memref<125000x8x64xf32, #tpu.memory_space<hbm>> -> memref<1x1x64xf32, #tpu.memory_space<hbm>>
          %dma_start3A_755 = tpu.memref_squeeze %dma_start3A_754 : memref<1x1x64xf32, #tpu.memory_space<hbm>> -> memref<64xf32, #tpu.memory_space<hbm>>
          tpu.enqueue_dma source(%dma_start3A_755 : memref<64xf32, #tpu.memory_space<hbm>>) target(%dma_start3A_752 : memref<64xf32, #tpu.memory_space<vmem>>) target_semaphore(%arg11 : memref<!tpu.dma_semaphore, #tpu.memory_space<semaphore_mem>>)
          %slice3A_756 = vector.extract_strided_slice %get3A_606 {offsets = [7], sizes = [1], strides = [1]} : vector<16xi32> to vector<1xi32>
          %squeeze3A_757 = vector.extract %slice3A_756[0] : i32 from vector<1xi32>
          %shift_right_logical3A_758 = arith.constant 3 : i32
          %shift_right_logical3A_759 = arith.shrui %squeeze3A_757, %shift_right_logical3A_758 : i32
          %and3A_760 = arith.constant 7 : i32
          %and3A_761 = arith.andi %squeeze3A_757, %and3A_760 : i32
          %add3A_762 = arith.constant 0 : i32
          %add3A_763 = arith.addi %mul3A_608, %add3A_762 : i32
          %dma_start3A_764 = arith.constant 7 : i32
          %dma_start3A_765 = arith.constant 0 : i32
          %dma_start3A_766 = tpu.memref_slice %arg9[%add3A_763, %dma_start3A_764, %dma_start3A_765] : memref<25x8x64xf32, #tpu.memory_space<vmem>> -> memref<1x1x64xf32, #tpu.memory_space<vmem>>
          %dma_start3A_767 = tpu.memref_squeeze %dma_start3A_766 : memref<1x1x64xf32, #tpu.memory_space<vmem>> -> memref<64xf32, #tpu.memory_space<vmem>>
          %dma_start3A_768 = arith.constant 0 : i32
          %dma_start3A_769 = tpu.memref_slice %arg3[%shift_right_logical3A_759, %and3A_761, %dma_start3A_768] : memref<125000x8x64xf32, #tpu.memory_space<hbm>> -> memref<1x1x64xf32, #tpu.memory_space<hbm>>
          %dma_start3A_770 = tpu.memref_squeeze %dma_start3A_769 : memref<1x1x64xf32, #tpu.memory_space<hbm>> -> memref<64xf32, #tpu.memory_space<hbm>>
          %dma_start3A_771 = arith.constant 0 : i32
          %dma_start3A_772 = tpu.memref_slice %arg9[%add3A_763, %dma_start3A_764, %dma_start3A_771] : memref<25x8x64xf32, #tpu.memory_space<vmem>> -> memref<1x1x64xf32, #tpu.memory_space<vmem>>
          %dma_start3A_773 = tpu.memref_squeeze %dma_start3A_772 : memref<1x1x64xf32, #tpu.memory_space<vmem>> -> memref<64xf32, #tpu.memory_space<vmem>>
          %dma_start3A_774 = arith.constant 0 : i32
          %dma_start3A_775 = tpu.memref_slice %arg3[%shift_right_logical3A_759, %and3A_761, %dma_start3A_774] : memref<125000x8x64xf32, #tpu.memory_space<hbm>> -> memref<1x1x64xf32, #tpu.memory_space<hbm>>
          %dma_start3A_776 = tpu.memref_squeeze %dma_start3A_775 : memref<1x1x64xf32, #tpu.memory_space<hbm>> -> memref<64xf32, #tpu.memory_space<hbm>>
          tpu.enqueue_dma source(%dma_start3A_776 : memref<64xf32, #tpu.memory_space<hbm>>) target(%dma_start3A_773 : memref<64xf32, #tpu.memory_space<vmem>>) target_semaphore(%arg11 : memref<!tpu.dma_semaphore, #tpu.memory_space<semaphore_mem>>)
          %slice3A_777 = vector.extract_strided_slice %get3A_606 {offsets = [8], sizes = [1], strides = [1]} : vector<16xi32> to vector<1xi32>
          %squeeze3A_778 = vector.extract %slice3A_777[0] : i32 from vector<1xi32>
          %shift_right_logical3A_779 = arith.constant 3 : i32
          %shift_right_logical3A_780 = arith.shrui %squeeze3A_778, %shift_right_logical3A_779 : i32
          %and3A_781 = arith.constant 7 : i32
          %and3A_782 = arith.andi %squeeze3A_778, %and3A_781 : i32
          %add3A_783 = arith.constant 1 : i32
          %add3A_784 = arith.addi %mul3A_608, %add3A_783 : i32
          %dma_start3A_785 = arith.constant 0 : i32
          %dma_start3A_786 = arith.constant 0 : i32
          %dma_start3A_787 = tpu.memref_slice %arg9[%add3A_784, %dma_start3A_785, %dma_start3A_786] : memref<25x8x64xf32, #tpu.memory_space<vmem>> -> memref<1x1x64xf32, #tpu.memory_space<vmem>>
          %dma_start3A_788 = tpu.memref_squeeze %dma_start3A_787 : memref<1x1x64xf32, #tpu.memory_space<vmem>> -> memref<64xf32, #tpu.memory_space<vmem>>
          %dma_start3A_789 = arith.constant 0 : i32
          %dma_start3A_790 = tpu.memref_slice %arg3[%shift_right_logical3A_780, %and3A_782, %dma_start3A_789] : memref<125000x8x64xf32, #tpu.memory_space<hbm>> -> memref<1x1x64xf32, #tpu.memory_space<hbm>>
          %dma_start3A_791 = tpu.memref_squeeze %dma_start3A_790 : memref<1x1x64xf32, #tpu.memory_space<hbm>> -> memref<64xf32, #tpu.memory_space<hbm>>
          %dma_start3A_792 = arith.constant 0 : i32
          %dma_start3A_793 = tpu.memref_slice %arg9[%add3A_784, %dma_start3A_785, %dma_start3A_792] : memref<25x8x64xf32, #tpu.memory_space<vmem>> -> memref<1x1x64xf32, #tpu.memory_space<vmem>>
          %dma_start3A_794 = tpu.memref_squeeze %dma_start3A_793 : memref<1x1x64xf32, #tpu.memory_space<vmem>> -> memref<64xf32, #tpu.memory_space<vmem>>
          %dma_start3A_795 = arith.constant 0 : i32
          %dma_start3A_796 = tpu.memref_slice %arg3[%shift_right_logical3A_780, %and3A_782, %dma_start3A_795] : memref<125000x8x64xf32, #tpu.memory_space<hbm>> -> memref<1x1x64xf32, #tpu.memory_space<hbm>>
          %dma_start3A_797 = tpu.memref_squeeze %dma_start3A_796 : memref<1x1x64xf32, #tpu.memory_space<hbm>> -> memref<64xf32, #tpu.memory_space<hbm>>
          tpu.enqueue_dma source(%dma_start3A_797 : memref<64xf32, #tpu.memory_space<hbm>>) target(%dma_start3A_794 : memref<64xf32, #tpu.memory_space<vmem>>) target_semaphore(%arg11 : memref<!tpu.dma_semaphore, #tpu.memory_space<semaphore_mem>>)
          %slice3A_798 = vector.extract_strided_slice %get3A_606 {offsets = [9], sizes = [1], strides = [1]} : vector<16xi32> to vector<1xi32>
          %squeeze3A_799 = vector.extract %slice3A_798[0] : i32 from vector<1xi32>
          %shift_right_logical3A_800 = arith.constant 3 : i32
          %shift_right_logical3A_801 = arith.shrui %squeeze3A_799, %shift_right_logical3A_800 : i32
          %and3A_802 = arith.constant 7 : i32
          %and3A_803 = arith.andi %squeeze3A_799, %and3A_802 : i32
          %add3A_804 = arith.constant 1 : i32
          %add3A_805 = arith.addi %mul3A_608, %add3A_804 : i32
          %dma_start3A_806 = arith.constant 1 : i32
          %dma_start3A_807 = arith.constant 0 : i32
          %dma_start3A_808 = tpu.memref_slice %arg9[%add3A_805, %dma_start3A_806, %dma_start3A_807] : memref<25x8x64xf32, #tpu.memory_space<vmem>> -> memref<1x1x64xf32, #tpu.memory_space<vmem>>
          %dma_start3A_809 = tpu.memref_squeeze %dma_start3A_808 : memref<1x1x64xf32, #tpu.memory_space<vmem>> -> memref<64xf32, #tpu.memory_space<vmem>>
          %dma_start3A_810 = arith.constant 0 : i32
          %dma_start3A_811 = tpu.memref_slice %arg3[%shift_right_logical3A_801, %and3A_803, %dma_start3A_810] : memref<125000x8x64xf32, #tpu.memory_space<hbm>> -> memref<1x1x64xf32, #tpu.memory_space<hbm>>
          %dma_start3A_812 = tpu.memref_squeeze %dma_start3A_811 : memref<1x1x64xf32, #tpu.memory_space<hbm>> -> memref<64xf32, #tpu.memory_space<hbm>>
          %dma_start3A_813 = arith.constant 0 : i32
          %dma_start3A_814 = tpu.memref_slice %arg9[%add3A_805, %dma_start3A_806, %dma_start3A_813] : memref<25x8x64xf32, #tpu.memory_space<vmem>> -> memref<1x1x64xf32, #tpu.memory_space<vmem>>
          %dma_start3A_815 = tpu.memref_squeeze %dma_start3A_814 : memref<1x1x64xf32, #tpu.memory_space<vmem>> -> memref<64xf32, #tpu.memory_space<vmem>>
          %dma_start3A_816 = arith.constant 0 : i32
          %dma_start3A_817 = tpu.memref_slice %arg3[%shift_right_logical3A_801, %and3A_803, %dma_start3A_816] : memref<125000x8x64xf32, #tpu.memory_space<hbm>> -> memref<1x1x64xf32, #tpu.memory_space<hbm>>
          %dma_start3A_818 = tpu.memref_squeeze %dma_start3A_817 : memref<1x1x64xf32, #tpu.memory_space<hbm>> -> memref<64xf32, #tpu.memory_space<hbm>>
          tpu.enqueue_dma source(%dma_start3A_818 : memref<64xf32, #tpu.memory_space<hbm>>) target(%dma_start3A_815 : memref<64xf32, #tpu.memory_space<vmem>>) target_semaphore(%arg11 : memref<!tpu.dma_semaphore, #tpu.memory_space<semaphore_mem>>)
          %slice3A_819 = vector.extract_strided_slice %get3A_606 {offsets = [10], sizes = [1], strides = [1]} : vector<16xi32> to vector<1xi32>
          %squeeze3A_820 = vector.extract %slice3A_819[0] : i32 from vector<1xi32>
          %shift_right_logical3A_821 = arith.constant 3 : i32
          %shift_right_logical3A_822 = arith.shrui %squeeze3A_820, %shift_right_logical3A_821 : i32
          %and3A_823 = arith.constant 7 : i32
          %and3A_824 = arith.andi %squeeze3A_820, %and3A_823 : i32
          %add3A_825 = arith.constant 1 : i32
          %add3A_826 = arith.addi %mul3A_608, %add3A_825 : i32
          %dma_start3A_827 = arith.constant 2 : i32
          %dma_start3A_828 = arith.constant 0 : i32
          %dma_start3A_829 = tpu.memref_slice %arg9[%add3A_826, %dma_start3A_827, %dma_start3A_828] : memref<25x8x64xf32, #tpu.memory_space<vmem>> -> memref<1x1x64xf32, #tpu.memory_space<vmem>>
          %dma_start3A_830 = tpu.memref_squeeze %dma_start3A_829 : memref<1x1x64xf32, #tpu.memory_space<vmem>> -> memref<64xf32, #tpu.memory_space<vmem>>
          %dma_start3A_831 = arith.constant 0 : i32
          %dma_start3A_832 = tpu.memref_slice %arg3[%shift_right_logical3A_822, %and3A_824, %dma_start3A_831] : memref<125000x8x64xf32, #tpu.memory_space<hbm>> -> memref<1x1x64xf32, #tpu.memory_space<hbm>>
          %dma_start3A_833 = tpu.memref_squeeze %dma_start3A_832 : memref<1x1x64xf32, #tpu.memory_space<hbm>> -> memref<64xf32, #tpu.memory_space<hbm>>
          %dma_start3A_834 = arith.constant 0 : i32
          %dma_start3A_835 = tpu.memref_slice %arg9[%add3A_826, %dma_start3A_827, %dma_start3A_834] : memref<25x8x64xf32, #tpu.memory_space<vmem>> -> memref<1x1x64xf32, #tpu.memory_space<vmem>>
          %dma_start3A_836 = tpu.memref_squeeze %dma_start3A_835 : memref<1x1x64xf32, #tpu.memory_space<vmem>> -> memref<64xf32, #tpu.memory_space<vmem>>
          %dma_start3A_837 = arith.constant 0 : i32
          %dma_start3A_838 = tpu.memref_slice %arg3[%shift_right_logical3A_822, %and3A_824, %dma_start3A_837] : memref<125000x8x64xf32, #tpu.memory_space<hbm>> -> memref<1x1x64xf32, #tpu.memory_space<hbm>>
          %dma_start3A_839 = tpu.memref_squeeze %dma_start3A_838 : memref<1x1x64xf32, #tpu.memory_space<hbm>> -> memref<64xf32, #tpu.memory_space<hbm>>
          tpu.enqueue_dma source(%dma_start3A_839 : memref<64xf32, #tpu.memory_space<hbm>>) target(%dma_start3A_836 : memref<64xf32, #tpu.memory_space<vmem>>) target_semaphore(%arg11 : memref<!tpu.dma_semaphore, #tpu.memory_space<semaphore_mem>>)
          %slice3A_840 = vector.extract_strided_slice %get3A_606 {offsets = [11], sizes = [1], strides = [1]} : vector<16xi32> to vector<1xi32>
          %squeeze3A_841 = vector.extract %slice3A_840[0] : i32 from vector<1xi32>
          %shift_right_logical3A_842 = arith.constant 3 : i32
          %shift_right_logical3A_843 = arith.shrui %squeeze3A_841, %shift_right_logical3A_842 : i32
          %and3A_844 = arith.constant 7 : i32
          %and3A_845 = arith.andi %squeeze3A_841, %and3A_844 : i32
          %add3A_846 = arith.constant 1 : i32
          %add3A_847 = arith.addi %mul3A_608, %add3A_846 : i32
          %dma_start3A_848 = arith.constant 3 : i32
          %dma_start3A_849 = arith.constant 0 : i32
          %dma_start3A_850 = tpu.memref_slice %arg9[%add3A_847, %dma_start3A_848, %dma_start3A_849] : memref<25x8x64xf32, #tpu.memory_space<vmem>> -> memref<1x1x64xf32, #tpu.memory_space<vmem>>
          %dma_start3A_851 = tpu.memref_squeeze %dma_start3A_850 : memref<1x1x64xf32, #tpu.memory_space<vmem>> -> memref<64xf32, #tpu.memory_space<vmem>>
          %dma_start3A_852 = arith.constant 0 : i32
          %dma_start3A_853 = tpu.memref_slice %arg3[%shift_right_logical3A_843, %and3A_845, %dma_start3A_852] : memref<125000x8x64xf32, #tpu.memory_space<hbm>> -> memref<1x1x64xf32, #tpu.memory_space<hbm>>
          %dma_start3A_854 = tpu.memref_squeeze %dma_start3A_853 : memref<1x1x64xf32, #tpu.memory_space<hbm>> -> memref<64xf32, #tpu.memory_space<hbm>>
          %dma_start3A_855 = arith.constant 0 : i32
          %dma_start3A_856 = tpu.memref_slice %arg9[%add3A_847, %dma_start3A_848, %dma_start3A_855] : memref<25x8x64xf32, #tpu.memory_space<vmem>> -> memref<1x1x64xf32, #tpu.memory_space<vmem>>
          %dma_start3A_857 = tpu.memref_squeeze %dma_start3A_856 : memref<1x1x64xf32, #tpu.memory_space<vmem>> -> memref<64xf32, #tpu.memory_space<vmem>>
          %dma_start3A_858 = arith.constant 0 : i32
          %dma_start3A_859 = tpu.memref_slice %arg3[%shift_right_logical3A_843, %and3A_845, %dma_start3A_858] : memref<125000x8x64xf32, #tpu.memory_space<hbm>> -> memref<1x1x64xf32, #tpu.memory_space<hbm>>
          %dma_start3A_860 = tpu.memref_squeeze %dma_start3A_859 : memref<1x1x64xf32, #tpu.memory_space<hbm>> -> memref<64xf32, #tpu.memory_space<hbm>>
          tpu.enqueue_dma source(%dma_start3A_860 : memref<64xf32, #tpu.memory_space<hbm>>) target(%dma_start3A_857 : memref<64xf32, #tpu.memory_space<vmem>>) target_semaphore(%arg11 : memref<!tpu.dma_semaphore, #tpu.memory_space<semaphore_mem>>)
          %slice3A_861 = vector.extract_strided_slice %get3A_606 {offsets = [12], sizes = [1], strides = [1]} : vector<16xi32> to vector<1xi32>
          %squeeze3A_862 = vector.extract %slice3A_861[0] : i32 from vector<1xi32>
          %shift_right_logical3A_863 = arith.constant 3 : i32
          %shift_right_logical3A_864 = arith.shrui %squeeze3A_862, %shift_right_logical3A_863 : i32
          %and3A_865 = arith.constant 7 : i32
          %and3A_866 = arith.andi %squeeze3A_862, %and3A_865 : i32
          %add3A_867 = arith.constant 1 : i32
          %add3A_868 = arith.addi %mul3A_608, %add3A_867 : i32
          %dma_start3A_869 = arith.constant 4 : i32
          %dma_start3A_870 = arith.constant 0 : i32
          %dma_start3A_871 = tpu.memref_slice %arg9[%add3A_868, %dma_start3A_869, %dma_start3A_870] : memref<25x8x64xf32, #tpu.memory_space<vmem>> -> memref<1x1x64xf32, #tpu.memory_space<vmem>>
          %dma_start3A_872 = tpu.memref_squeeze %dma_start3A_871 : memref<1x1x64xf32, #tpu.memory_space<vmem>> -> memref<64xf32, #tpu.memory_space<vmem>>
          %dma_start3A_873 = arith.constant 0 : i32
          %dma_start3A_874 = tpu.memref_slice %arg3[%shift_right_logical3A_864, %and3A_866, %dma_start3A_873] : memref<125000x8x64xf32, #tpu.memory_space<hbm>> -> memref<1x1x64xf32, #tpu.memory_space<hbm>>
          %dma_start3A_875 = tpu.memref_squeeze %dma_start3A_874 : memref<1x1x64xf32, #tpu.memory_space<hbm>> -> memref<64xf32, #tpu.memory_space<hbm>>
          %dma_start3A_876 = arith.constant 0 : i32
          %dma_start3A_877 = tpu.memref_slice %arg9[%add3A_868, %dma_start3A_869, %dma_start3A_876] : memref<25x8x64xf32, #tpu.memory_space<vmem>> -> memref<1x1x64xf32, #tpu.memory_space<vmem>>
          %dma_start3A_878 = tpu.memref_squeeze %dma_start3A_877 : memref<1x1x64xf32, #tpu.memory_space<vmem>> -> memref<64xf32, #tpu.memory_space<vmem>>
          %dma_start3A_879 = arith.constant 0 : i32
          %dma_start3A_880 = tpu.memref_slice %arg3[%shift_right_logical3A_864, %and3A_866, %dma_start3A_879] : memref<125000x8x64xf32, #tpu.memory_space<hbm>> -> memref<1x1x64xf32, #tpu.memory_space<hbm>>
          %dma_start3A_881 = tpu.memref_squeeze %dma_start3A_880 : memref<1x1x64xf32, #tpu.memory_space<hbm>> -> memref<64xf32, #tpu.memory_space<hbm>>
          tpu.enqueue_dma source(%dma_start3A_881 : memref<64xf32, #tpu.memory_space<hbm>>) target(%dma_start3A_878 : memref<64xf32, #tpu.memory_space<vmem>>) target_semaphore(%arg11 : memref<!tpu.dma_semaphore, #tpu.memory_space<semaphore_mem>>)
          %slice3A_882 = vector.extract_strided_slice %get3A_606 {offsets = [13], sizes = [1], strides = [1]} : vector<16xi32> to vector<1xi32>
          %squeeze3A_883 = vector.extract %slice3A_882[0] : i32 from vector<1xi32>
          %shift_right_logical3A_884 = arith.constant 3 : i32
          %shift_right_logical3A_885 = arith.shrui %squeeze3A_883, %shift_right_logical3A_884 : i32
          %and3A_886 = arith.constant 7 : i32
          %and3A_887 = arith.andi %squeeze3A_883, %and3A_886 : i32
          %add3A_888 = arith.constant 1 : i32
          %add3A_889 = arith.addi %mul3A_608, %add3A_888 : i32
          %dma_start3A_890 = arith.constant 5 : i32
          %dma_start3A_891 = arith.constant 0 : i32
          %dma_start3A_892 = tpu.memref_slice %arg9[%add3A_889, %dma_start3A_890, %dma_start3A_891] : memref<25x8x64xf32, #tpu.memory_space<vmem>> -> memref<1x1x64xf32, #tpu.memory_space<vmem>>
          %dma_start3A_893 = tpu.memref_squeeze %dma_start3A_892 : memref<1x1x64xf32, #tpu.memory_space<vmem>> -> memref<64xf32, #tpu.memory_space<vmem>>
          %dma_start3A_894 = arith.constant 0 : i32
          %dma_start3A_895 = tpu.memref_slice %arg3[%shift_right_logical3A_885, %and3A_887, %dma_start3A_894] : memref<125000x8x64xf32, #tpu.memory_space<hbm>> -> memref<1x1x64xf32, #tpu.memory_space<hbm>>
          %dma_start3A_896 = tpu.memref_squeeze %dma_start3A_895 : memref<1x1x64xf32, #tpu.memory_space<hbm>> -> memref<64xf32, #tpu.memory_space<hbm>>
          %dma_start3A_897 = arith.constant 0 : i32
          %dma_start3A_898 = tpu.memref_slice %arg9[%add3A_889, %dma_start3A_890, %dma_start3A_897] : memref<25x8x64xf32, #tpu.memory_space<vmem>> -> memref<1x1x64xf32, #tpu.memory_space<vmem>>
          %dma_start3A_899 = tpu.memref_squeeze %dma_start3A_898 : memref<1x1x64xf32, #tpu.memory_space<vmem>> -> memref<64xf32, #tpu.memory_space<vmem>>
          %dma_start3A_900 = arith.constant 0 : i32
          %dma_start3A_901 = tpu.memref_slice %arg3[%shift_right_logical3A_885, %and3A_887, %dma_start3A_900] : memref<125000x8x64xf32, #tpu.memory_space<hbm>> -> memref<1x1x64xf32, #tpu.memory_space<hbm>>
          %dma_start3A_902 = tpu.memref_squeeze %dma_start3A_901 : memref<1x1x64xf32, #tpu.memory_space<hbm>> -> memref<64xf32, #tpu.memory_space<hbm>>
          tpu.enqueue_dma source(%dma_start3A_902 : memref<64xf32, #tpu.memory_space<hbm>>) target(%dma_start3A_899 : memref<64xf32, #tpu.memory_space<vmem>>) target_semaphore(%arg11 : memref<!tpu.dma_semaphore, #tpu.memory_space<semaphore_mem>>)
          %slice3A_903 = vector.extract_strided_slice %get3A_606 {offsets = [14], sizes = [1], strides = [1]} : vector<16xi32> to vector<1xi32>
          %squeeze3A_904 = vector.extract %slice3A_903[0] : i32 from vector<1xi32>
          %shift_right_logical3A_905 = arith.constant 3 : i32
          %shift_right_logical3A_906 = arith.shrui %squeeze3A_904, %shift_right_logical3A_905 : i32
          %and3A_907 = arith.constant 7 : i32
          %and3A_908 = arith.andi %squeeze3A_904, %and3A_907 : i32
          %add3A_909 = arith.constant 1 : i32
          %add3A_910 = arith.addi %mul3A_608, %add3A_909 : i32
          %dma_start3A_911 = arith.constant 6 : i32
          %dma_start3A_912 = arith.constant 0 : i32
          %dma_start3A_913 = tpu.memref_slice %arg9[%add3A_910, %dma_start3A_911, %dma_start3A_912] : memref<25x8x64xf32, #tpu.memory_space<vmem>> -> memref<1x1x64xf32, #tpu.memory_space<vmem>>
          %dma_start3A_914 = tpu.memref_squeeze %dma_start3A_913 : memref<1x1x64xf32, #tpu.memory_space<vmem>> -> memref<64xf32, #tpu.memory_space<vmem>>
          %dma_start3A_915 = arith.constant 0 : i32
          %dma_start3A_916 = tpu.memref_slice %arg3[%shift_right_logical3A_906, %and3A_908, %dma_start3A_915] : memref<125000x8x64xf32, #tpu.memory_space<hbm>> -> memref<1x1x64xf32, #tpu.memory_space<hbm>>
          %dma_start3A_917 = tpu.memref_squeeze %dma_start3A_916 : memref<1x1x64xf32, #tpu.memory_space<hbm>> -> memref<64xf32, #tpu.memory_space<hbm>>
          %dma_start3A_918 = arith.constant 0 : i32
          %dma_start3A_919 = tpu.memref_slice %arg9[%add3A_910, %dma_start3A_911, %dma_start3A_918] : memref<25x8x64xf32, #tpu.memory_space<vmem>> -> memref<1x1x64xf32, #tpu.memory_space<vmem>>
          %dma_start3A_920 = tpu.memref_squeeze %dma_start3A_919 : memref<1x1x64xf32, #tpu.memory_space<vmem>> -> memref<64xf32, #tpu.memory_space<vmem>>
          %dma_start3A_921 = arith.constant 0 : i32
          %dma_start3A_922 = tpu.memref_slice %arg3[%shift_right_logical3A_906, %and3A_908, %dma_start3A_921] : memref<125000x8x64xf32, #tpu.memory_space<hbm>> -> memref<1x1x64xf32, #tpu.memory_space<hbm>>
          %dma_start3A_923 = tpu.memref_squeeze %dma_start3A_922 : memref<1x1x64xf32, #tpu.memory_space<hbm>> -> memref<64xf32, #tpu.memory_space<hbm>>
          tpu.enqueue_dma source(%dma_start3A_923 : memref<64xf32, #tpu.memory_space<hbm>>) target(%dma_start3A_920 : memref<64xf32, #tpu.memory_space<vmem>>) target_semaphore(%arg11 : memref<!tpu.dma_semaphore, #tpu.memory_space<semaphore_mem>>)
          %slice3A_924 = vector.extract_strided_slice %get3A_606 {offsets = [15], sizes = [1], strides = [1]} : vector<16xi32> to vector<1xi32>
          %squeeze3A_925 = vector.extract %slice3A_924[0] : i32 from vector<1xi32>
          %shift_right_logical3A_926 = arith.constant 3 : i32
          %shift_right_logical3A_927 = arith.shrui %squeeze3A_925, %shift_right_logical3A_926 : i32
          %and3A_928 = arith.constant 7 : i32
          %and3A_929 = arith.andi %squeeze3A_925, %and3A_928 : i32
          %add3A_930 = arith.constant 1 : i32
          %add3A_931 = arith.addi %mul3A_608, %add3A_930 : i32
          %dma_start3A_932 = arith.constant 7 : i32
          %dma_start3A_933 = arith.constant 0 : i32
          %dma_start3A_934 = tpu.memref_slice %arg9[%add3A_931, %dma_start3A_932, %dma_start3A_933] : memref<25x8x64xf32, #tpu.memory_space<vmem>> -> memref<1x1x64xf32, #tpu.memory_space<vmem>>
          %dma_start3A_935 = tpu.memref_squeeze %dma_start3A_934 : memref<1x1x64xf32, #tpu.memory_space<vmem>> -> memref<64xf32, #tpu.memory_space<vmem>>
          %dma_start3A_936 = arith.constant 0 : i32
          %dma_start3A_937 = tpu.memref_slice %arg3[%shift_right_logical3A_927, %and3A_929, %dma_start3A_936] : memref<125000x8x64xf32, #tpu.memory_space<hbm>> -> memref<1x1x64xf32, #tpu.memory_space<hbm>>
          %dma_start3A_938 = tpu.memref_squeeze %dma_start3A_937 : memref<1x1x64xf32, #tpu.memory_space<hbm>> -> memref<64xf32, #tpu.memory_space<hbm>>
          %dma_start3A_939 = arith.constant 0 : i32
          %dma_start3A_940 = tpu.memref_slice %arg9[%add3A_931, %dma_start3A_932, %dma_start3A_939] : memref<25x8x64xf32, #tpu.memory_space<vmem>> -> memref<1x1x64xf32, #tpu.memory_space<vmem>>
          %dma_start3A_941 = tpu.memref_squeeze %dma_start3A_940 : memref<1x1x64xf32, #tpu.memory_space<vmem>> -> memref<64xf32, #tpu.memory_space<vmem>>
          %dma_start3A_942 = arith.constant 0 : i32
          %dma_start3A_943 = tpu.memref_slice %arg3[%shift_right_logical3A_927, %and3A_929, %dma_start3A_942] : memref<125000x8x64xf32, #tpu.memory_space<hbm>> -> memref<1x1x64xf32, #tpu.memory_space<hbm>>
          %dma_start3A_944 = tpu.memref_squeeze %dma_start3A_943 : memref<1x1x64xf32, #tpu.memory_space<hbm>> -> memref<64xf32, #tpu.memory_space<hbm>>
          tpu.enqueue_dma source(%dma_start3A_944 : memref<64xf32, #tpu.memory_space<hbm>>) target(%dma_start3A_941 : memref<64xf32, #tpu.memory_space<vmem>>) target_semaphore(%arg11 : memref<!tpu.dma_semaphore, #tpu.memory_space<semaphore_mem>>)
        }
        %scan3A_434 = arith.constant 12 : i32
        %add3A_435 = arith.constant 192 : i32
        %add3A_436 = arith.addi %mul3A_428, %add3A_435 : i32
        %get3A_437 = arith.index_cast %add3A_436 : i32 to index
        %get3A_438 = tpu.vector_load %arg6[%get3A_437] {strides = array<i32>} : memref<6400xi32, #tpu.memory_space<vmem>>, vector<16xi32>,
        %get3A_439 = vector.shape_cast %get3A_438 : vector<16xi32> to vector<16xi32>
        %slice3A_440 = vector.extract_strided_slice %get3A_439 {offsets = [0], sizes = [1], strides = [1]} : vector<16xi32> to vector<1xi32>
        %squeeze3A_441 = vector.extract %slice3A_440[0] : i32 from vector<1xi32>
        %shift_right_logical3A_442 = arith.constant 3 : i32
        %shift_right_logical3A_443 = arith.shrui %squeeze3A_441, %shift_right_logical3A_442 : i32
        %and3A_444 = arith.constant 7 : i32
        %and3A_445 = arith.andi %squeeze3A_441, %and3A_444 : i32
        %dma_start3A_446 = arith.constant 24 : i32
        %dma_start3A_447 = arith.constant 0 : i32
        %dma_start3A_448 = arith.constant 0 : i32
        %dma_start3A_449 = tpu.memref_slice %arg9[%dma_start3A_446, %dma_start3A_447, %dma_start3A_448] : memref<25x8x64xf32, #tpu.memory_space<vmem>> -> memref<1x1x64xf32, #tpu.memory_space<vmem>>
        %dma_start3A_450 = tpu.memref_squeeze %dma_start3A_449 : memref<1x1x64xf32, #tpu.memory_space<vmem>> -> memref<64xf32, #tpu.memory_space<vmem>>
        %dma_start3A_451 = arith.constant 0 : i32
        %dma_start3A_452 = tpu.memref_slice %arg3[%shift_right_logical3A_443, %and3A_445, %dma_start3A_451] : memref<125000x8x64xf32, #tpu.memory_space<hbm>> -> memref<1x1x64xf32, #tpu.memory_space<hbm>>
        %dma_start3A_453 = tpu.memref_squeeze %dma_start3A_452 : memref<1x1x64xf32, #tpu.memory_space<hbm>> -> memref<64xf32, #tpu.memory_space<hbm>>
        %dma_start3A_454 = arith.constant 0 : i32
        %dma_start3A_455 = tpu.memref_slice %arg9[%dma_start3A_446, %dma_start3A_447, %dma_start3A_454] : memref<25x8x64xf32, #tpu.memory_space<vmem>> -> memref<1x1x64xf32, #tpu.memory_space<vmem>>
        %dma_start3A_456 = tpu.memref_squeeze %dma_start3A_455 : memref<1x1x64xf32, #tpu.memory_space<vmem>> -> memref<64xf32, #tpu.memory_space<vmem>>
        %dma_start3A_457 = arith.constant 0 : i32
        %dma_start3A_458 = tpu.memref_slice %arg3[%shift_right_logical3A_443, %and3A_445, %dma_start3A_457] : memref<125000x8x64xf32, #tpu.memory_space<hbm>> -> memref<1x1x64xf32, #tpu.memory_space<hbm>>
        %dma_start3A_459 = tpu.memref_squeeze %dma_start3A_458 : memref<1x1x64xf32, #tpu.memory_space<hbm>> -> memref<64xf32, #tpu.memory_space<hbm>>
        tpu.enqueue_dma source(%dma_start3A_459 : memref<64xf32, #tpu.memory_space<hbm>>) target(%dma_start3A_456 : memref<64xf32, #tpu.memory_space<vmem>>) target_semaphore(%arg11 : memref<!tpu.dma_semaphore, #tpu.memory_space<semaphore_mem>>)
        %slice3A_460 = vector.extract_strided_slice %get3A_439 {offsets = [1], sizes = [1], strides = [1]} : vector<16xi32> to vector<1xi32>
        %squeeze3A_461 = vector.extract %slice3A_460[0] : i32 from vector<1xi32>
        %shift_right_logical3A_462 = arith.constant 3 : i32
        %shift_right_logical3A_463 = arith.shrui %squeeze3A_461, %shift_right_logical3A_462 : i32
        %and3A_464 = arith.constant 7 : i32
        %and3A_465 = arith.andi %squeeze3A_461, %and3A_464 : i32
        %dma_start3A_466 = arith.constant 24 : i32
        %dma_start3A_467 = arith.constant 1 : i32
        %dma_start3A_468 = arith.constant 0 : i32
        %dma_start3A_469 = tpu.memref_slice %arg9[%dma_start3A_466, %dma_start3A_467, %dma_start3A_468] : memref<25x8x64xf32, #tpu.memory_space<vmem>> -> memref<1x1x64xf32, #tpu.memory_space<vmem>>
        %dma_start3A_470 = tpu.memref_squeeze %dma_start3A_469 : memref<1x1x64xf32, #tpu.memory_space<vmem>> -> memref<64xf32, #tpu.memory_space<vmem>>
        %dma_start3A_471 = arith.constant 0 : i32
        %dma_start3A_472 = tpu.memref_slice %arg3[%shift_right_logical3A_463, %and3A_465, %dma_start3A_471] : memref<125000x8x64xf32, #tpu.memory_space<hbm>> -> memref<1x1x64xf32, #tpu.memory_space<hbm>>
        %dma_start3A_473 = tpu.memref_squeeze %dma_start3A_472 : memref<1x1x64xf32, #tpu.memory_space<hbm>> -> memref<64xf32, #tpu.memory_space<hbm>>
        %dma_start3A_474 = arith.constant 0 : i32
        %dma_start3A_475 = tpu.memref_slice %arg9[%dma_start3A_466, %dma_start3A_467, %dma_start3A_474] : memref<25x8x64xf32, #tpu.memory_space<vmem>> -> memref<1x1x64xf32, #tpu.memory_space<vmem>>
        %dma_start3A_476 = tpu.memref_squeeze %dma_start3A_475 : memref<1x1x64xf32, #tpu.memory_space<vmem>> -> memref<64xf32, #tpu.memory_space<vmem>>
        %dma_start3A_477 = arith.constant 0 : i32
        %dma_start3A_478 = tpu.memref_slice %arg3[%shift_right_logical3A_463, %and3A_465, %dma_start3A_477] : memref<125000x8x64xf32, #tpu.memory_space<hbm>> -> memref<1x1x64xf32, #tpu.memory_space<hbm>>
        %dma_start3A_479 = tpu.memref_squeeze %dma_start3A_478 : memref<1x1x64xf32, #tpu.memory_space<hbm>> -> memref<64xf32, #tpu.memory_space<hbm>>
        tpu.enqueue_dma source(%dma_start3A_479 : memref<64xf32, #tpu.memory_space<hbm>>) target(%dma_start3A_476 : memref<64xf32, #tpu.memory_space<vmem>>) target_semaphore(%arg11 : memref<!tpu.dma_semaphore, #tpu.memory_space<semaphore_mem>>)
        %slice3A_480 = vector.extract_strided_slice %get3A_439 {offsets = [2], sizes = [1], strides = [1]} : vector<16xi32> to vector<1xi32>
        %squeeze3A_481 = vector.extract %slice3A_480[0] : i32 from vector<1xi32>
        %shift_right_logical3A_482 = arith.constant 3 : i32
        %shift_right_logical3A_483 = arith.shrui %squeeze3A_481, %shift_right_logical3A_482 : i32
        %and3A_484 = arith.constant 7 : i32
        %and3A_485 = arith.andi %squeeze3A_481, %and3A_484 : i32
        %dma_start3A_486 = arith.constant 24 : i32
        %dma_start3A_487 = arith.constant 2 : i32
        %dma_start3A_488 = arith.constant 0 : i32
        %dma_start3A_489 = tpu.memref_slice %arg9[%dma_start3A_486, %dma_start3A_487, %dma_start3A_488] : memref<25x8x64xf32, #tpu.memory_space<vmem>> -> memref<1x1x64xf32, #tpu.memory_space<vmem>>
        %dma_start3A_490 = tpu.memref_squeeze %dma_start3A_489 : memref<1x1x64xf32, #tpu.memory_space<vmem>> -> memref<64xf32, #tpu.memory_space<vmem>>
        %dma_start3A_491 = arith.constant 0 : i32
        %dma_start3A_492 = tpu.memref_slice %arg3[%shift_right_logical3A_483, %and3A_485, %dma_start3A_491] : memref<125000x8x64xf32, #tpu.memory_space<hbm>> -> memref<1x1x64xf32, #tpu.memory_space<hbm>>
        %dma_start3A_493 = tpu.memref_squeeze %dma_start3A_492 : memref<1x1x64xf32, #tpu.memory_space<hbm>> -> memref<64xf32, #tpu.memory_space<hbm>>
        %dma_start3A_494 = arith.constant 0 : i32
        %dma_start3A_495 = tpu.memref_slice %arg9[%dma_start3A_486, %dma_start3A_487, %dma_start3A_494] : memref<25x8x64xf32, #tpu.memory_space<vmem>> -> memref<1x1x64xf32, #tpu.memory_space<vmem>>
        %dma_start3A_496 = tpu.memref_squeeze %dma_start3A_495 : memref<1x1x64xf32, #tpu.memory_space<vmem>> -> memref<64xf32, #tpu.memory_space<vmem>>
        %dma_start3A_497 = arith.constant 0 : i32
        %dma_start3A_498 = tpu.memref_slice %arg3[%shift_right_logical3A_483, %and3A_485, %dma_start3A_497] : memref<125000x8x64xf32, #tpu.memory_space<hbm>> -> memref<1x1x64xf32, #tpu.memory_space<hbm>>
        %dma_start3A_499 = tpu.memref_squeeze %dma_start3A_498 : memref<1x1x64xf32, #tpu.memory_space<hbm>> -> memref<64xf32, #tpu.memory_space<hbm>>
        tpu.enqueue_dma source(%dma_start3A_499 : memref<64xf32, #tpu.memory_space<hbm>>) target(%dma_start3A_496 : memref<64xf32, #tpu.memory_space<vmem>>) target_semaphore(%arg11 : memref<!tpu.dma_semaphore, #tpu.memory_space<semaphore_mem>>)
        %slice3A_500 = vector.extract_strided_slice %get3A_439 {offsets = [3], sizes = [1], strides = [1]} : vector<16xi32> to vector<1xi32>
        %squeeze3A_501 = vector.extract %slice3A_500[0] : i32 from vector<1xi32>
        %shift_right_logical3A_502 = arith.constant 3 : i32
        %shift_right_logical3A_503 = arith.shrui %squeeze3A_501, %shift_right_logical3A_502 : i32
        %and3A_504 = arith.constant 7 : i32
        %and3A_505 = arith.andi %squeeze3A_501, %and3A_504 : i32
        %dma_start3A_506 = arith.constant 24 : i32
        %dma_start3A_507 = arith.constant 3 : i32
        %dma_start3A_508 = arith.constant 0 : i32
        %dma_start3A_509 = tpu.memref_slice %arg9[%dma_start3A_506, %dma_start3A_507, %dma_start3A_508] : memref<25x8x64xf32, #tpu.memory_space<vmem>> -> memref<1x1x64xf32, #tpu.memory_space<vmem>>
        %dma_start3A_510 = tpu.memref_squeeze %dma_start3A_509 : memref<1x1x64xf32, #tpu.memory_space<vmem>> -> memref<64xf32, #tpu.memory_space<vmem>>
        %dma_start3A_511 = arith.constant 0 : i32
        %dma_start3A_512 = tpu.memref_slice %arg3[%shift_right_logical3A_503, %and3A_505, %dma_start3A_511] : memref<125000x8x64xf32, #tpu.memory_space<hbm>> -> memref<1x1x64xf32, #tpu.memory_space<hbm>>
        %dma_start3A_513 = tpu.memref_squeeze %dma_start3A_512 : memref<1x1x64xf32, #tpu.memory_space<hbm>> -> memref<64xf32, #tpu.memory_space<hbm>>
        %dma_start3A_514 = arith.constant 0 : i32
        %dma_start3A_515 = tpu.memref_slice %arg9[%dma_start3A_506, %dma_start3A_507, %dma_start3A_514] : memref<25x8x64xf32, #tpu.memory_space<vmem>> -> memref<1x1x64xf32, #tpu.memory_space<vmem>>
        %dma_start3A_516 = tpu.memref_squeeze %dma_start3A_515 : memref<1x1x64xf32, #tpu.memory_space<vmem>> -> memref<64xf32, #tpu.memory_space<vmem>>
        %dma_start3A_517 = arith.constant 0 : i32
        %dma_start3A_518 = tpu.memref_slice %arg3[%shift_right_logical3A_503, %and3A_505, %dma_start3A_517] : memref<125000x8x64xf32, #tpu.memory_space<hbm>> -> memref<1x1x64xf32, #tpu.memory_space<hbm>>
        %dma_start3A_519 = tpu.memref_squeeze %dma_start3A_518 : memref<1x1x64xf32, #tpu.memory_space<hbm>> -> memref<64xf32, #tpu.memory_space<hbm>>
        tpu.enqueue_dma source(%dma_start3A_519 : memref<64xf32, #tpu.memory_space<hbm>>) target(%dma_start3A_516 : memref<64xf32, #tpu.memory_space<vmem>>) target_semaphore(%arg11 : memref<!tpu.dma_semaphore, #tpu.memory_space<semaphore_mem>>)
        %slice3A_520 = vector.extract_strided_slice %get3A_439 {offsets = [4], sizes = [1], strides = [1]} : vector<16xi32> to vector<1xi32>
        %squeeze3A_521 = vector.extract %slice3A_520[0] : i32 from vector<1xi32>
        %shift_right_logical3A_522 = arith.constant 3 : i32
        %shift_right_logical3A_523 = arith.shrui %squeeze3A_521, %shift_right_logical3A_522 : i32
        %and3A_524 = arith.constant 7 : i32
        %and3A_525 = arith.andi %squeeze3A_521, %and3A_524 : i32
        %dma_start3A_526 = arith.constant 24 : i32
        %dma_start3A_527 = arith.constant 4 : i32
        %dma_start3A_528 = arith.constant 0 : i32
        %dma_start3A_529 = tpu.memref_slice %arg9[%dma_start3A_526, %dma_start3A_527, %dma_start3A_528] : memref<25x8x64xf32, #tpu.memory_space<vmem>> -> memref<1x1x64xf32, #tpu.memory_space<vmem>>
        %dma_start3A_530 = tpu.memref_squeeze %dma_start3A_529 : memref<1x1x64xf32, #tpu.memory_space<vmem>> -> memref<64xf32, #tpu.memory_space<vmem>>
        %dma_start3A_531 = arith.constant 0 : i32
        %dma_start3A_532 = tpu.memref_slice %arg3[%shift_right_logical3A_523, %and3A_525, %dma_start3A_531] : memref<125000x8x64xf32, #tpu.memory_space<hbm>> -> memref<1x1x64xf32, #tpu.memory_space<hbm>>
        %dma_start3A_533 = tpu.memref_squeeze %dma_start3A_532 : memref<1x1x64xf32, #tpu.memory_space<hbm>> -> memref<64xf32, #tpu.memory_space<hbm>>
        %dma_start3A_534 = arith.constant 0 : i32
        %dma_start3A_535 = tpu.memref_slice %arg9[%dma_start3A_526, %dma_start3A_527, %dma_start3A_534] : memref<25x8x64xf32, #tpu.memory_space<vmem>> -> memref<1x1x64xf32, #tpu.memory_space<vmem>>
        %dma_start3A_536 = tpu.memref_squeeze %dma_start3A_535 : memref<1x1x64xf32, #tpu.memory_space<vmem>> -> memref<64xf32, #tpu.memory_space<vmem>>
        %dma_start3A_537 = arith.constant 0 : i32
        %dma_start3A_538 = tpu.memref_slice %arg3[%shift_right_logical3A_523, %and3A_525, %dma_start3A_537] : memref<125000x8x64xf32, #tpu.memory_space<hbm>> -> memref<1x1x64xf32, #tpu.memory_space<hbm>>
        %dma_start3A_539 = tpu.memref_squeeze %dma_start3A_538 : memref<1x1x64xf32, #tpu.memory_space<hbm>> -> memref<64xf32, #tpu.memory_space<hbm>>
        tpu.enqueue_dma source(%dma_start3A_539 : memref<64xf32, #tpu.memory_space<hbm>>) target(%dma_start3A_536 : memref<64xf32, #tpu.memory_space<vmem>>) target_semaphore(%arg11 : memref<!tpu.dma_semaphore, #tpu.memory_space<semaphore_mem>>)
        %slice3A_540 = vector.extract_strided_slice %get3A_439 {offsets = [5], sizes = [1], strides = [1]} : vector<16xi32> to vector<1xi32>
        %squeeze3A_541 = vector.extract %slice3A_540[0] : i32 from vector<1xi32>
        %shift_right_logical3A_542 = arith.constant 3 : i32
        %shift_right_logical3A_543 = arith.shrui %squeeze3A_541, %shift_right_logical3A_542 : i32
        %and3A_544 = arith.constant 7 : i32
        %and3A_545 = arith.andi %squeeze3A_541, %and3A_544 : i32
        %dma_start3A_546 = arith.constant 24 : i32
        %dma_start3A_547 = arith.constant 5 : i32
        %dma_start3A_548 = arith.constant 0 : i32
        %dma_start3A_549 = tpu.memref_slice %arg9[%dma_start3A_546, %dma_start3A_547, %dma_start3A_548] : memref<25x8x64xf32, #tpu.memory_space<vmem>> -> memref<1x1x64xf32, #tpu.memory_space<vmem>>
        %dma_start3A_550 = tpu.memref_squeeze %dma_start3A_549 : memref<1x1x64xf32, #tpu.memory_space<vmem>> -> memref<64xf32, #tpu.memory_space<vmem>>
        %dma_start3A_551 = arith.constant 0 : i32
        %dma_start3A_552 = tpu.memref_slice %arg3[%shift_right_logical3A_543, %and3A_545, %dma_start3A_551] : memref<125000x8x64xf32, #tpu.memory_space<hbm>> -> memref<1x1x64xf32, #tpu.memory_space<hbm>>
        %dma_start3A_553 = tpu.memref_squeeze %dma_start3A_552 : memref<1x1x64xf32, #tpu.memory_space<hbm>> -> memref<64xf32, #tpu.memory_space<hbm>>
        %dma_start3A_554 = arith.constant 0 : i32
        %dma_start3A_555 = tpu.memref_slice %arg9[%dma_start3A_546, %dma_start3A_547, %dma_start3A_554] : memref<25x8x64xf32, #tpu.memory_space<vmem>> -> memref<1x1x64xf32, #tpu.memory_space<vmem>>
        %dma_start3A_556 = tpu.memref_squeeze %dma_start3A_555 : memref<1x1x64xf32, #tpu.memory_space<vmem>> -> memref<64xf32, #tpu.memory_space<vmem>>
        %dma_start3A_557 = arith.constant 0 : i32
        %dma_start3A_558 = tpu.memref_slice %arg3[%shift_right_logical3A_543, %and3A_545, %dma_start3A_557] : memref<125000x8x64xf32, #tpu.memory_space<hbm>> -> memref<1x1x64xf32, #tpu.memory_space<hbm>>
        %dma_start3A_559 = tpu.memref_squeeze %dma_start3A_558 : memref<1x1x64xf32, #tpu.memory_space<hbm>> -> memref<64xf32, #tpu.memory_space<hbm>>
        tpu.enqueue_dma source(%dma_start3A_559 : memref<64xf32, #tpu.memory_space<hbm>>) target(%dma_start3A_556 : memref<64xf32, #tpu.memory_space<vmem>>) target_semaphore(%arg11 : memref<!tpu.dma_semaphore, #tpu.memory_space<semaphore_mem>>)
        %slice3A_560 = vector.extract_strided_slice %get3A_439 {offsets = [6], sizes = [1], strides = [1]} : vector<16xi32> to vector<1xi32>
        %squeeze3A_561 = vector.extract %slice3A_560[0] : i32 from vector<1xi32>
        %shift_right_logical3A_562 = arith.constant 3 : i32
        %shift_right_logical3A_563 = arith.shrui %squeeze3A_561, %shift_right_logical3A_562 : i32
        %and3A_564 = arith.constant 7 : i32
        %and3A_565 = arith.andi %squeeze3A_561, %and3A_564 : i32
        %dma_start3A_566 = arith.constant 24 : i32
        %dma_start3A_567 = arith.constant 6 : i32
        %dma_start3A_568 = arith.constant 0 : i32
        %dma_start3A_569 = tpu.memref_slice %arg9[%dma_start3A_566, %dma_start3A_567, %dma_start3A_568] : memref<25x8x64xf32, #tpu.memory_space<vmem>> -> memref<1x1x64xf32, #tpu.memory_space<vmem>>
        %dma_start3A_570 = tpu.memref_squeeze %dma_start3A_569 : memref<1x1x64xf32, #tpu.memory_space<vmem>> -> memref<64xf32, #tpu.memory_space<vmem>>
        %dma_start3A_571 = arith.constant 0 : i32
        %dma_start3A_572 = tpu.memref_slice %arg3[%shift_right_logical3A_563, %and3A_565, %dma_start3A_571] : memref<125000x8x64xf32, #tpu.memory_space<hbm>> -> memref<1x1x64xf32, #tpu.memory_space<hbm>>
        %dma_start3A_573 = tpu.memref_squeeze %dma_start3A_572 : memref<1x1x64xf32, #tpu.memory_space<hbm>> -> memref<64xf32, #tpu.memory_space<hbm>>
        %dma_start3A_574 = arith.constant 0 : i32
        %dma_start3A_575 = tpu.memref_slice %arg9[%dma_start3A_566, %dma_start3A_567, %dma_start3A_574] : memref<25x8x64xf32, #tpu.memory_space<vmem>> -> memref<1x1x64xf32, #tpu.memory_space<vmem>>
        %dma_start3A_576 = tpu.memref_squeeze %dma_start3A_575 : memref<1x1x64xf32, #tpu.memory_space<vmem>> -> memref<64xf32, #tpu.memory_space<vmem>>
        %dma_start3A_577 = arith.constant 0 : i32
        %dma_start3A_578 = tpu.memref_slice %arg3[%shift_right_logical3A_563, %and3A_565, %dma_start3A_577] : memref<125000x8x64xf32, #tpu.memory_space<hbm>> -> memref<1x1x64xf32, #tpu.memory_space<hbm>>
        %dma_start3A_579 = tpu.memref_squeeze %dma_start3A_578 : memref<1x1x64xf32, #tpu.memory_space<hbm>> -> memref<64xf32, #tpu.memory_space<hbm>>
        tpu.enqueue_dma source(%dma_start3A_579 : memref<64xf32, #tpu.memory_space<hbm>>) target(%dma_start3A_576 : memref<64xf32, #tpu.memory_space<vmem>>) target_semaphore(%arg11 : memref<!tpu.dma_semaphore, #tpu.memory_space<semaphore_mem>>)
        %slice3A_580 = vector.extract_strided_slice %get3A_439 {offsets = [7], sizes = [1], strides = [1]} : vector<16xi32> to vector<1xi32>
        %squeeze3A_581 = vector.extract %slice3A_580[0] : i32 from vector<1xi32>
        %shift_right_logical3A_582 = arith.constant 3 : i32
        %shift_right_logical3A_583 = arith.shrui %squeeze3A_581, %shift_right_logical3A_582 : i32
        %and3A_584 = arith.constant 7 : i32
        %and3A_585 = arith.andi %squeeze3A_581, %and3A_584 : i32
        %dma_start3A_586 = arith.constant 24 : i32
        %dma_start3A_587 = arith.constant 7 : i32
        %dma_start3A_588 = arith.constant 0 : i32
        %dma_start3A_589 = tpu.memref_slice %arg9[%dma_start3A_586, %dma_start3A_587, %dma_start3A_588] : memref<25x8x64xf32, #tpu.memory_space<vmem>> -> memref<1x1x64xf32, #tpu.memory_space<vmem>>
        %dma_start3A_590 = tpu.memref_squeeze %dma_start3A_589 : memref<1x1x64xf32, #tpu.memory_space<vmem>> -> memref<64xf32, #tpu.memory_space<vmem>>
        %dma_start3A_591 = arith.constant 0 : i32
        %dma_start3A_592 = tpu.memref_slice %arg3[%shift_right_logical3A_583, %and3A_585, %dma_start3A_591] : memref<125000x8x64xf32, #tpu.memory_space<hbm>> -> memref<1x1x64xf32, #tpu.memory_space<hbm>>
        %dma_start3A_593 = tpu.memref_squeeze %dma_start3A_592 : memref<1x1x64xf32, #tpu.memory_space<hbm>> -> memref<64xf32, #tpu.memory_space<hbm>>
        %dma_start3A_594 = arith.constant 0 : i32
        %dma_start3A_595 = tpu.memref_slice %arg9[%dma_start3A_586, %dma_start3A_587, %dma_start3A_594] : memref<25x8x64xf32, #tpu.memory_space<vmem>> -> memref<1x1x64xf32, #tpu.memory_space<vmem>>
        %dma_start3A_596 = tpu.memref_squeeze %dma_start3A_595 : memref<1x1x64xf32, #tpu.memory_space<vmem>> -> memref<64xf32, #tpu.memory_space<vmem>>
        %dma_start3A_597 = arith.constant 0 : i32
        %dma_start3A_598 = tpu.memref_slice %arg3[%shift_right_logical3A_583, %and3A_585, %dma_start3A_597] : memref<125000x8x64xf32, #tpu.memory_space<hbm>> -> memref<1x1x64xf32, #tpu.memory_space<hbm>>
        %dma_start3A_599 = tpu.memref_squeeze %dma_start3A_598 : memref<1x1x64xf32, #tpu.memory_space<hbm>> -> memref<64xf32, #tpu.memory_space<hbm>>
        tpu.enqueue_dma source(%dma_start3A_599 : memref<64xf32, #tpu.memory_space<hbm>>) target(%dma_start3A_596 : memref<64xf32, #tpu.memory_space<vmem>>) target_semaphore(%arg11 : memref<!tpu.dma_semaphore, #tpu.memory_space<semaphore_mem>>)
      } else {
      }
    }
    %scan3A_339 = arith.constant 16 : i32
    return
  }
}

</mosaic_0001>

<sc_bundles>
// kernel: kernel.3.cloned.1.call-start
scs
__scs_entry_jumppad:
0x0: {  	(pc) =	sbr.rel $0x88, $3  }
0x1: {  	(tag) =	ssettag $0x0;
	lr =	simm.s32 $0x1  }
0x2: {  	[smem:$0x3F9E] =	sst lr;
	_ =	strace $0xD0000000  }
0x3: {  	_ = 	snop  }
0x4: {  	_ = 	snop  }
0x5: {  	_ = 	snop  }
0x6: {  	_ = 	snop  }
0x7: {  	_ = 	snop  }
__scs_overlays_trampoline_lowered:
0x8: {  	[smem:$0x3FAD] =	sst s0  }
0x9: {  	[smem:$0x3FAE] =	sst s1  }
0xa: {  	[smem:$0x3FAF] =	sst s2  }
0xb: {  	[smem:$0x3FB0] =	sst s3  }
0xc: {  	[smem:$0x3FB1] =	sst s4  }
0xd: {  	[smem:$0x3FB2] =	sst s5  }
0xe: {  	[smem:$0x3FB3] =	sst s6  }
0xf: {  	[smem:$0x3FB4] =	sst s7  }
0x10: {  	[smem:$0x3FB5] =	sst s8  }
0x11: {  	[smem:$0x3FB6] =	sst s9;
	s0 =	simm.s32 @!p0 $0x0  }
0x12: {  	s1 =	sld [smem:$0x3F9C];
	s0 =	simm.s32 @p0 $0x1  }
0x13: {  	[smem:$0x3FB7] =	sst s0;
	s0 =	simm.s32 @!p1 $0x0  }
0x14: {  	s2 =	sld [smem:$0x3F9B];
	s0 =	simm.s32 @p1 $0x1  }
0x15: {  	[smem:$0x3FB8] =	sst s0;
	s0 =	simm.s32 @!p2 $0x0  }
0x16: {  	s3 =	sld [smem:$0x3FDB];
	s0 =	simm.s32 @p2 $0x1  }
0x17: {  	s4 =	simm.s32 $0x1BF5;
	[smem:$0x3FBA] =	sst s0  }
0x18: {  	s0 =	sld [smem:$0x3F9D];
	_ =	swait.ge [sflag:s4], $0x0  }
0x19: {  	s7 =	sld [smem:$0x3F9E]  }
0x1a: {  	s8 =	sadd.s32 $0xFFFFE003, lr  }
0x1b: {  	s9 =	sadd.s32 $0xFFFFFEF7, lr;
	s5 =	simm.s32 $0xFFFFFFFF;
	p2 =	slt.u32 s8, $0xFFFFF086  }
0x1c: {  	p1 =	slt.u32 s9, $0xF7A;
	s5 =	simm.s32 @!p2 $0x0  }
0x1d: {  	s5 =	simm.s32 @p1 $0x1;
	p0 =	seq.s32 s7, s2  }
0x1e: {  	s7 =	smul.u32 @!p0 $0xF7A, s2;
	p2 =	seq.s32 @!p0 s5, $0x0  }
0x1f: {  	s9 =	smul.u32 $0xF7A, s1;
	s8 =	simm.s32 @!p0 $0x1BF5;
	p2 =	por !p2, p0  }
0x20: {  	[sflag:s8] =	ssyncset.s32 @!p0 $0xFFFFF086;
	s6 =	sadd.s32 @!p0 s3, s7;
	s7 =	simm.s32 @!p0 $0x108  }
0x21: {  	s3 =	sadd.s32 s3, s9;
	s6 =	sadd.s32 @!p0 $0x88, s6;
	s7 =	simm.s32 @p2 $0x1082  }
0x22: {  	[simem:s7], [sflag:s8] =	dma.local @!p0 [hbm:s6], $0xF7A  }
0x23: {  	s9 =	sor.u32 $0xD0000000, s2;
	s6 =	simm.s32 $0x108;
	_ =	swait.ge @!p0 [sflag:s8], $0x0  }
0x24: {  	s3 =	sadd.s32 $0x88, s3;
	s6 =	simm.s32 @!p1 $0x1082;
	[sflag:s4] =	ssyncset.s32 $0xFFFFF086  }
0x25: {  	[simem:s6], [sflag:s4] =	dma.local [hbm:s3], $0xF7A  }
0x26: {  	[smem:$0x3F9E] =	sst s1;
	(tag) =	ssettag s2;
	_ =	strace s9  }
0x27: {  	s1 =	sld [smem:$0x3FAE]  }
0x28: {  	s2 =	sld [smem:$0x3FAF]  }
0x29: {  	s4 =	sld [smem:$0x3FB1]  }
0x2a: {  	p0 =	seq.s32 s5, $0x0;
	s5 =	sld [smem:$0x3FB2]  }
0x2b: {  	s6 =	sld [smem:$0x3FB3]  }
0x2c: {  	s7 =	sld [smem:$0x3FB4]  }
0x2d: {  	s3 =	simm.s32 $0x108;
	s8 =	sld [smem:$0x3FB5]  }
0x2e: {  	s3 =	simm.s32 @!p0 $0x1082;
	s9 =	sld [smem:$0x3FB6]  }
0x2f: {  	lr =	sadd.s32 s0, s3;
	s0 =	sld [smem:$0x3FAD]  }
0x30: {  	s3 =	sld [smem:$0x3FB0]  }
0x31: {  	[smem:$0x3FB9] =	sst s10  }
0x32: {  	s10 =	sld [smem:$0x3FB7];
	_ =	sdelay $0x3  }
0x33: {  	p0 =	seq.s32 s10, $0x1;
	s10 =	sld [smem:$0x3FB9];
	_ =	sdelay $0x3  }
0x34: {  	[smem:$0x3FB9] =	sst s10  }
0x35: {  	s10 =	sld [smem:$0x3FB8];
	_ =	sdelay $0x3  }
0x36: {  	p1 =	seq.s32 s10, $0x1;
	s10 =	sld [smem:$0x3FB9];
	_ =	sdelay $0x3  }
0x37: {  	[smem:$0x3FB9] =	sst s10  }
0x38: {  	s10 =	sld [smem:$0x3FBA]  }
0x39: {  	_ = 	snop;
	(pc) =	sbr.ind lr, $3  }
0x3a: {  	_ = 	snop  }
0x3b: {  	_ = 	snop  }
0x3c: {  	p2 =	seq.s32 s10, $0x1;
	s10 =	sld [smem:$0x3FB9]  }
0x3d: {  	_ =	shalt  }
0x3e: {  	_ =	shalt  }
0x3f: {  	_ =	shalt  }
0x40: {  	_ =	shalt  }
0x41: {  	_ =	shalt  }
0x42: {  	_ =	shalt  }
0x43: {  	_ =	shalt  }
0x44: {  	_ =	shalt  }
0x45: {  	_ =	shalt  }
0x46: {  	_ =	shalt  }
0x47: {  	_ =	shalt  }
0x48: {  	_ =	shalt  }
0x49: {  	_ =	shalt  }
0x4a: {  	_ =	shalt  }
0x4b: {  	_ =	shalt  }
0x4c: {  	_ =	shalt  }
0x4d: {  	_ =	shalt  }
0x4e: {  	_ =	shalt  }
0x4f: {  	_ =	shalt  }
0x50: {  	_ =	shalt  }
0x51: {  	_ =	shalt  }
0x52: {  	_ =	shalt  }
0x53: {  	_ =	shalt  }
0x54: {  	_ =	shalt  }
0x55: {  	_ =	shalt  }
0x56: {  	_ =	shalt  }
0x57: {  	_ =	shalt  }
0x58: {  	_ =	shalt  }
0x59: {  	_ =	shalt  }
0x5a: {  	_ =	shalt  }
0x5b: {  	_ =	shalt  }
0x5c: {  	_ =	shalt  }
0x5d: {  	_ =	shalt  }
0x5e: {  	_ =	shalt  }
0x5f: {  	_ =	shalt  }
0x60: {  	_ =	shalt  }
0x61: {  	_ =	shalt  }
0x62: {  	_ =	shalt  }
0x63: {  	_ =	shalt  }
0x64: {  	_ =	shalt  }
0x65: {  	_ =	shalt  }
0x66: {  	_ =	shalt  }
0x67: {  	_ =	shalt  }
0x68: {  	_ =	shalt  }
0x69: {  	_ =	shalt  }
0x6a: {  	_ =	shalt  }
0x6b: {  	_ =	shalt  }
0x6c: {  	_ =	shalt  }
0x6d: {  	_ =	shalt  }
0x6e: {  	_ =	shalt  }
0x6f: {  	_ =	shalt  }
0x70: {  	_ =	shalt  }
0x71: {  	_ =	shalt  }
0x72: {  	_ =	shalt  }
0x73: {  	_ =	shalt  }
0x74: {  	_ =	shalt  }
0x75: {  	_ =	shalt  }
0x76: {  	_ =	shalt  }
0x77: {  	_ =	shalt  }
0x78: {  	_ =	shalt  }
0x79: {  	_ =	shalt  }
0x7a: {  	_ =	shalt  }
0x7b: {  	_ =	shalt  }
0x7c: {  	_ =	shalt  }
0x7d: {  	_ =	shalt  }
0x7e: {  	_ =	shalt  }
0x7f: {  	_ =	shalt  }
0x80: {  	_ =	shalt  }
0x81: {  	_ =	shalt  }
0x82: {  	_ =	shalt  }
0x83: {  	_ =	shalt  }
0x84: {  	_ =	shalt  }
0x85: {  	_ =	shalt  }
0x86: {  	_ =	shalt  }
0x87: {  	_ =	shalt  }
.Lfunc_end0:
.L_simem_size_0:
called_computation.1_lowered:
.L_overlay_start_0:
0x88: {  	s2 =	sld [smem:$0x3FD9]  }
0x89: {  	s3 =	sld [smem:$0x3FFE];
	_ =	sdelay $0x1  }
0x8a: {  	s1 =	srdreg.scid  }
0x8b: {  	s0 =	sand.u32 $0x1, s1  }
0x8c: {  	s17 =	sshll.u32 s0, $0xA;
	s2 =	sadd.s32 s3, s2  }
0x8d: {  	s2 =	sadd.s32 s2, s17  }
0x8e: {  	[smem:$0x3FC5] =	sst s2  }
0x8f: {  	_ = 	snop  }
0x90: {  	s2 =	sld [smem:$0x3FD0];
	(tm) =	ssettm $0x1  }
0x91: {  	s18 =	sld [smem:$0x3FFB];
	_ =	sdelay $0x3  }
0x92: {  	_ =	strace s18  }
0x93: {  	s3 =	sld [smem:$0x3FFC];
	_ =	sdelay $0x3  }
0x94: {  	_ =	strace s3  }
0x95: {  	s3 =	sld [smem:$0x3FFD];
	_ =	sdelay $0x3  }
0x96: {  	_ =	strace s3  }
0x97: {  	_ =	strace $0x8FFFFFFF  }
0x98: {  	s19 =	sld [smem:$0x3FDB];
	_ =	sdelay $0x1  }
0x99: {  	s4 =	simm.s32 $_scs_section_size  }
0x9a: {  	s5 =	simm.s32 $_size__tile_overlayer_lowered;
	s6 =	simm.s32 $_tile_overlayer_lowered  }
0x9b: {  	s22 =	simm.s32 $0x1BFF;
	s21 =	sshll.u32 s6, $0x1;
	s3 =	sadd.s32 s4, s19  }
0x9c: {  	s7 =	simm.s32 $0x0;
	s20 =	sshll.u32 s5, $0x1;
	s5 =	sadd.s32 s21, s3  }
0x9d: {  	[timem:s7], [sflag:s22] =	dma.local [hbm:s5], s20  }
0x9e: {  	_ =	swait.ge [sflag:s22], s20  }
0x9f: {  	s4 =	ssub.s32 $0x0, s20;
	[sflag:s22] =	ssyncset.done $0x0  }
0xa0: {  	[sflag:s22] =	ssyncadd.s32 s4;
	_ =	sdelay $0x1  }
0xa1: {  	s23 =	simm.s32 $0x1B8B  }
0xa2: {  	_ =	swait.ge [sflag:s23], $0x1  }
0xa3: {  	[sflag:s23] =	ssyncset.done $0x0  }
0xa4: {  	s25 =	simm.s32 $0x1B8E;
	s24 =	sld [smem:$0x3FFE];
	[sflag:s23] =	ssyncadd.s32 $0xFFFFFFFF  }
0xa5: {  	s26 =	simm.s32 $execute0_lowered;
	[smem:$0x3FD2] =	sst s25  }
0xa6: {  	s5 =	sshll.u32 s26, $0x1;
	_ =	strace $0x80000046;
	[dreg:$0x1] =	wrdreg $0xFFFFFFFF  }
0xa7: {  	s28 =	simm.s32 $_size_execute0_lowered;
	s3 =	sadd.s32 s3, s5;
	[dreg:$0x0] =	wrdreg $0x0  }
0xa8: {  	s5 =	sshll.u32 s28, $0x1;
	[dreg:$0x2] =	wrdreg s3  }
0xa9: {  	[dreg:$0x3] =	wrdreg s5  }
0xaa: {  	[dreg:$0x4] =	wrdreg $0xC0  }
0xab: {  	_ =	task [dreg:s7], $0x5FFFF  }
0xac: {  	[dreg:$0x1] =	wrdreg $0xFFFFFFFF  }
0xad: {  	[dreg:$0x0] =	wrdreg $0x60  }
0xae: {  	[dreg:$0x2] =	wrdreg s2  }
0xaf: {  	[dreg:$0x3] =	wrdreg s24  }
0xb0: {  	[dreg:$0x4] =	wrdreg $0x9  }
0xb1: {  	_ =	task.clear_ibuf [dreg:s7], $0x5FFFF;
	_ =	strace $0x90000046  }
0xb2: {  	s29 =	simm.s32 $0x9;
	_ =	strace $0x80000048  }
0xb3: {  	_ =	swait.ge [sflag:s29], $0x1  }
0xb4: {  	[sflag:s29] =	ssyncadd.s32 $0xFFFFFFFF  }
0xb5: {  	_ =	strace $0x90000048  }
0xb6: {  	_ =	sfence  }
0xb7: {  	s30 =	sld [smem:$0x0];
	_ =	sdelay $0x2  }
0xb8: {  	s31 =	sshll.u32 s1, $0xD;
	s1 =	sshrl.u32 s1, $0x2  }
0xb9: {  	s3 =	sand.u32 $0x4000, s31;
	s1 =	sadd.s32 s1, s30  }
0xba: {  	s0 =	sor.u32 s3, s0;
	s1 =	sshll.u32 s1, $0x11  }
0xbb: {  	s0 =	sor.u32 s1, s0  }
0xbc: {  	s0 =	sadd.s32 $0x8F2B, s0  }
0xbd: {  	[sflag:s0] =	ssyncadd.remote.s32 $0x1  }
0xbe: {  	_ =	sfence.sel $0xFFFF  }
0xbf: {  	[dreg:$0x0] =	wrdreg $0xFFFFFFFF;
	(pc) =	sbr.abs _section_cstart, $3  }
0xc0: {  	[dreg:$0x1] =	wrdreg $0xFFFFFFFF  }
0xc1: {  	_ =	task.clear_ibuf [dreg:s7], $0x2FFFF;
	_ =	strace $0x9FFFFFFF  }
0xc2: {  	(tm) =	ssettm $0x7FFFFFFF  }
0xc3: {  	_ =	shalt  }
tec
execute0_lowered:
.L_overlay_start_1:
0x0: {  	(tag) =	ssettag $0x1  }
0x1: {  	s0 =	rddreg [dreg:$0x0]  }
0x2: {  	s1 =	rddreg [dreg:$0x1]  }
0x3: {  	s3 =	srdreg.scid;
	s4 =	stileid.u32  }
0x4: {  	s2 =	simm.s32 $0x0;
	s29 =	simm.s32 $0x1;
	s31 =	simm.s32 $0x2  }
0x5: {  	s11 =	simm.s32 $0x4;
	s3 =	sand.u32 $0x1, s3;
	s4 =	sshll.u32 s4, $0x1  }
0x6: {  	[smem:$0x7FF] =	sst s2;
	s6 =	sadd.s32 $0x800, s1;
	s4 =	sor.u32 s3, s4  }
0x7: {  	_ =	strace $0x80000047;
	s5 =	ssub.s32 $0x2, s3;
	s25 =	smul.u32 $0x320, s4  }
.Ltmp0:
0x8: {  	[dreg:$0x4] =	wrdreg s6;
	s6 =	sadd.s32 $0xF44C00, s1;
	(pc) =	sbr.rel .LBB2_1-.Ltmp0, $4  }
0x9: {  	s7 =	sshrl.u32 s5, $0x1;
	s0 =	sadd.s32 s0, s25;
	[dreg:$0x3] =	wrdreg s25  }
0xa: {  	s26 =	ssub.s32 s5, s7;
	s28 =	sor.u32 $0x19, s25;
	[dreg:$0x5] =	wrdreg s0  }
0xb: {  	s3 =	simm.s32 $0x0;
	s30 =	smax.u32 s26, $0x1;
	[dreg:$0x6] =	wrdreg s28  }
0xc: {  	s4 =	sadd.s32 $0x2800, s1;
	s1 =	simm.s32 $0x3;
	[dreg:$0x7] =	wrdreg s30  }
.LBB2_16:
0xd: {  	_ =	swait.ge [sflag:s11], $0x6400  }
0xe: {  	s3 =	rddreg [dreg:$0x8]  }
0xf: {  	s0 =	rddreg [dreg:$0x7];
	s3 =	sadd.s32 $0x1, s3  }
0x10: {  	p0 =	sne.s32 s3, s0  }
.Ltmp1:
0x11: {  	_ = 	snop;
	(pc) =	sbr.rel @!p0 .LBB2_17-.Ltmp1, $3  }
0x12: {  	_ =	sdelay $0x1  }
0x13: {  	[sflag:s11] =	ssyncset.done $0x0  }
0x14: {  	[sflag:s11] =	ssyncadd.s32 $0xFFFF9C00  }
.LBB2_1:
0x15: {  	[dreg:$0x8] =	wrdreg s3  }
0x16: {  	s0 =	rddreg [dreg:$0x5];
	s28 =	simm.s32 $0x5  }
0x17: {  	[tilespmem:s2], [sflag:$0x5] =	stream.linear.gather [hbm4b:s0+s2], $0x1900, $0x38;
	[tilespmem:$0x14500] =	vst v63  }
0x18: {  	_ =	swait.ge [sflag:s28], $0x1900  }
0x19: {  	[sflag:s28] =	ssyncset.done $0x0  }
0x1a: {  	s5 =	simm.s32 $0x1900;
	s30 =	rddreg [dreg:$0x4];
	[sflag:s28] =	ssyncadd.s32 $0xFFFFE700  }
0x1b: {  	[tilespmem:s5], [sflag:$0x5] =	stream.linear.gather [hbm4b:s30+s2], $0x6400, $0x38;
	[tilespmem:$0x14500] =	vst v63  }
0x1c: {  	_ =	swait.ge [sflag:s28], $0x6400  }
0x1d: {  	[sflag:s28] =	ssyncset.done $0x0  }
0x1e: {  	[sflag:s28] =	ssyncadd.s32 $0xFFFF9C00  }
0x1f: {  	v0 =	vld [tilespmem:s2+$0x0];
	_ =	sdelay $0x4  }
0x20: {  	v0 =	vshll.u32 v0, $0x4  }
0x21: {  	(v2sf) =	vpush v0, $0x0  }
0x22: {  	(v2sf) =	vpush v0, $0x1  }
0x23: {  	(v2sf) =	vpush v0, $0x2;
	_ =	sdelay $0x1  }
0x24: {  	(v2sf) =	vpush v0, $0x4;
	_ =	sdelay $0x1  }
0x25: {  	(v2sf) =	vpush v0, $0x3  }
0x26: {  	(v2sf) =	vpush v0, $0x5  }
0x27: {  	s7 =	simm.s32 $0x2000;
	s9 =	simm.s32 $0x0;
	s5 =	simm.s32 $0x0;
	(v2sf) =	vpush v0, $0x6  }
.LBB2_2:
0x28: {  	p0 =	sne.s32 s7, $0x16000  }
0x29: {  	s20 =	sadd.s32 $0x7D80, s5;
	s14 =	sadd.s32 $0x8280, s5;
	s10 =	smov.u32 s7  }
0x2a: {  	s7 =	sadd.s32 $0x2000, s7;
	s17 =	sadd.s32 $0x8080, s5;
	s12 =	sadd.s32 $0x8300, s5;
	(v2sf) =	vpush v0, $0x7  }
0x2b: {  	s19 =	sadd.s32 $0x7F80, s5;
	s16 =	sadd.s32 $0x8100, s5;
	s13 =	sadd.s32 $0x8380, s5  }
0x2c: {  	s21 =	sadd.s32 $0x7D00, s5;
	s22 =	sadd.s32 $0x7F00, s5;
	(v2sf) =	vpush v0, $0x8  }
0x2d: {  	s23 =	sadd.s32 $0x8000, s5;
	s9 =	sadd.s32 $0x10, s9  }
0x2e: {  	s24 =	sadd.s32 $0x7E00, s5;
	s15 =	sadd.s32 $0x8200, s5;
	s18 =	spop (v2sf);
	(v2sf) =	vpush v0, $0x9  }
0x2f: {  	s25 =	sand.u32 $0x1FFFFFF0, s18;
	s18 =	sadd.s32 $0x8180, s5;
	s26 =	spop (v2sf)  }
0x30: {  	s25 =	sadd.s32 s4, s25;
	s26 =	sand.u32 $0x1FFFFFF0, s26;
	s28 =	spop (v2sf);
	(v2sf) =	vpush v0, $0xA  }
0x31: {  	[tilespmem:s21], [sflag:$0x1] =	stream.linear.gather [hbm4b:s25+s2], $0x80, $0x38;
	[tilespmem:$0x14500] =	vst v63  }
0x32: {  	s21 =	sadd.s32 s4, s26;
	s25 =	sadd.s32 $0x7E80, s5;
	s26 =	spop (v2sf);
	(v2sf) =	vpush v0, $0xB  }
0x33: {  	[tilespmem:s20], [sflag:$0x1] =	stream.linear.gather [hbm4b:s21+s2], $0x80, $0x38;
	[tilespmem:$0x14500] =	vst v63  }
0x34: {  	s20 =	sand.u32 $0x1FFFFFF0, s28;
	s21 =	sand.u32 $0x1FFFFFF0, s26;
	s26 =	spop (v2sf);
	(v2sf) =	vpush v0, $0xC  }
0x35: {  	s20 =	sadd.s32 s4, s20;
	s26 =	sand.u32 $0x1FFFFFF0, s26;
	s28 =	spop (v2sf)  }
0x36: {  	[tilespmem:s24], [sflag:$0x1] =	stream.linear.gather [hbm4b:s20+s2], $0x80, $0x38;
	(v2sf) =	vpush v0, $0xD;
	[tilespmem:$0x14500] =	vst v63  }
0x37: {  	s20 =	sadd.s32 s4, s26;
	s24 =	sand.u32 $0x1FFFFFF0, s28;
	s26 =	spop (v2sf)  }
0x38: {  	[tilespmem:s25], [sflag:$0x1] =	stream.linear.gather [hbm4b:s20+s2], $0x80, $0x38;
	(v2sf) =	vpush v0, $0xE;
	[tilespmem:$0x14500] =	vst v63  }
0x39: {  	s20 =	sadd.s32 s4, s21;
	s21 =	sand.u32 $0x1FFFFFF0, s26;
	s25 =	spop (v2sf)  }
0x3a: {  	[tilespmem:s22], [sflag:$0x1] =	stream.linear.gather [hbm4b:s20+s2], $0x80, $0x38;
	(v2sf) =	vpush v0, $0xF;
	[tilespmem:$0x14500] =	vst v63  }
0x3b: {  	s20 =	sadd.s32 s4, s24;
	s22 =	sand.u32 $0x1FFFFFF0, s25;
	s24 =	spop (v2sf)  }
0x3c: {  	[tilespmem:s19], [sflag:$0x1] =	stream.linear.gather [hbm4b:s20+s2], $0x80, $0x38;
	[tilespmem:$0x14500] =	vst v63  }
0x3d: {  	s19 =	sadd.s32 s4, s21;
	s20 =	sand.u32 $0x1FFFFFF0, s24;
	s21 =	spop (v2sf)  }
0x3e: {  	[tilespmem:s23], [sflag:$0x1] =	stream.linear.gather [hbm4b:s19+s2], $0x80, $0x38;
	[tilespmem:$0x14500] =	vst v63  }
0x3f: {  	s19 =	sadd.s32 s4, s22;
	s21 =	sand.u32 $0x1FFFFFF0, s21;
	s22 =	spop (v2sf)  }
0x40: {  	[tilespmem:s17], [sflag:$0x1] =	stream.linear.gather [hbm4b:s19+s2], $0x80, $0x38;
	[tilespmem:$0x14500] =	vst v63  }
0x41: {  	s17 =	sadd.s32 s4, s20;
	s19 =	sand.u32 $0x1FFFFFF0, s22;
	s20 =	spop (v2sf)  }
0x42: {  	[tilespmem:s16], [sflag:$0x1] =	stream.linear.gather [hbm4b:s17+s2], $0x80, $0x38;
	[tilespmem:$0x14500] =	vst v63  }
0x43: {  	s16 =	sadd.s32 s4, s21;
	s17 =	sand.u32 $0x1FFFFFF0, s20;
	s20 =	spop (v2sf)  }
0x44: {  	[tilespmem:s18], [sflag:$0x1] =	stream.linear.gather [hbm4b:s16+s2], $0x80, $0x38;
	[tilespmem:$0x14500] =	vst v63  }
0x45: {  	s16 =	sadd.s32 s4, s19;
	s18 =	sand.u32 $0x1FFFFFF0, s20;
	s19 =	spop (v2sf)  }
0x46: {  	[tilespmem:s15], [sflag:$0x1] =	stream.linear.gather [hbm4b:s16+s2], $0x80, $0x38;
	[tilespmem:$0x14500] =	vst v63  }
0x47: {  	s15 =	sadd.s32 s4, s17;
	s16 =	sand.u32 $0x1FFFFFF0, s19;
	s17 =	spop (v2sf)  }
0x48: {  	[tilespmem:s14], [sflag:$0x1] =	stream.linear.gather [hbm4b:s15+s2], $0x80, $0x38;
	[tilespmem:$0x14500] =	vst v63  }
0x49: {  	s14 =	sadd.s32 s4, s18;
	s15 =	sand.u32 $0x1FFFFFF0, s17;
	s17 =	spop (v2sf)  }
0x4a: {  	[tilespmem:s12], [sflag:$0x1] =	stream.linear.gather [hbm4b:s14+s2], $0x80, $0x38;
	[tilespmem:$0x14500] =	vst v63  }
0x4b: {  	s12 =	sadd.s32 s4, s16;
	s14 =	sand.u32 $0x1FFFFFF0, s17  }
0x4c: {  	[tilespmem:s13], [sflag:$0x1] =	stream.linear.gather [hbm4b:s12+s2], $0x80, $0x38;
	[tilespmem:$0x14500] =	vst v63  }
0x4d: {  	s12 =	sadd.s32 $0x8400, s5;
	s13 =	sadd.s32 s4, s15  }
0x4e: {  	[tilespmem:s12], [sflag:$0x1] =	stream.linear.gather [hbm4b:s13+s2], $0x80, $0x38;
	[tilespmem:$0x14500] =	vst v63  }
0x4f: {  	s5 =	sadd.s32 $0x8480, s5;
	s12 =	sadd.s32 s4, s14  }
0x50: {  	[tilespmem:s5], [sflag:$0x1] =	stream.linear.gather [hbm4b:s12+s2], $0x80, $0x38;
	[tilespmem:$0x14500] =	vst v63  }
0x51: {  	v0 =	vld [tilespmem:s9+$0x0];
	_ =	sdelay $0x4  }
0x52: {  	v0 =	vshll.u32 v0, $0x4  }
0x53: {  	(v2sf) =	vpush v0, $0x0  }
0x54: {  	(v2sf) =	vpush v0, $0x1  }
0x55: {  	(v2sf) =	vpush v0, $0x2;
	_ =	sdelay $0x1  }
0x56: {  	(v2sf) =	vpush v0, $0x4  }
.Ltmp2:
0x57: {  	(pc) =	sbr.rel @p0 .LBB2_2-.Ltmp2, $3  }
0x58: {  	(v2sf) =	vpush v0, $0x3  }
0x59: {  	(v2sf) =	vpush v0, $0x5;
	_ =	sdelay $0x1  }
0x5a: {  	s5 =	sshra.s32 s10, $0x2;
	(v2sf) =	vpush v0, $0x6  }
0x5b: {  	_ =	sdelay $0x4  }
0x5c: {  	s10 =	sadd.s32 $0x7D00, s5;
	s7 =	spop (v2sf)  }
0x5d: {  	s25 =	sadd.s32 $0x7D80, s5;
	(v2sf) =	vpush v0, $0x7;
	s7 =	sand.u32 $0x1FFFFFF0, s7;
	s9 =	spop (v2sf)  }
0x5e: {  	s7 =	sadd.s32 s4, s7;
	s9 =	sand.u32 $0x1FFFFFF0, s9;
	s26 =	spop (v2sf)  }
0x5f: {  	[tilespmem:s10], [sflag:$0x1] =	stream.linear.gather [hbm4b:s7+s2], $0x80, $0x38;
	[tilespmem:$0x14500] =	vst v63  }
0x60: {  	s9 =	sadd.s32 s4, s9;
	s28 =	sand.u32 $0x1FFFFFF0, s26;
	s0 =	spop (v2sf)  }
0x61: {  	[tilespmem:s25], [sflag:$0x1] =	stream.linear.gather [hbm4b:s9+s2], $0x80, $0x38;
	[tilespmem:$0x14500] =	vst v63  }
0x62: {  	s30 =	sadd.s32 $0x7E00, s5;
	s7 =	sadd.s32 s4, s28;
	s3 =	spop (v2sf);
	(v2sf) =	vpush v0, $0x8  }
0x63: {  	[tilespmem:s30], [sflag:$0x1] =	stream.linear.gather [hbm4b:s7+s2], $0x80, $0x38;
	[tilespmem:$0x14500] =	vst v63  }
0x64: {  	s7 =	sand.u32 $0x1FFFFFF0, s3;
	(v2sf) =	vpush v0, $0x9  }
0x65: {  	s8 =	sadd.s32 $0x7E80, s5;
	s9 =	sand.u32 $0x1FFFFFF0, s0;
	s7 =	sadd.s32 s4, s7  }
0x66: {  	(v2sf) =	vpush v0, $0xA;
	[tilespmem:s8], [sflag:$0x1] =	stream.linear.gather [hbm4b:s7+s2], $0x80, $0x38;
	[tilespmem:$0x14500] =	vst v63  }
0x67: {  	s10 =	sadd.s32 $0x7F00, s5;
	s12 =	spop (v2sf);
	s7 =	sadd.s32 s4, s9  }
0x68: {  	[tilespmem:s10], [sflag:$0x1] =	stream.linear.gather [hbm4b:s7+s2], $0x80, $0x38;
	[tilespmem:$0x14500] =	vst v63  }
0x69: {  	s7 =	sand.u32 $0x1FFFFFF0, s12  }
0x6a: {  	s13 =	sadd.s32 $0x7F80, s5;
	s14 =	spop (v2sf);
	s7 =	sadd.s32 s4, s7  }
0x6b: {  	[tilespmem:s13], [sflag:$0x1] =	stream.linear.gather [hbm4b:s7+s2], $0x80, $0x38;
	[tilespmem:$0x14500] =	vst v63  }
0x6c: {  	s16 =	spop (v2sf);
	(v2sf) =	vpush v0, $0xB  }
0x6d: {  	s7 =	sand.u32 $0x1FFFFFF0, s14  }
0x6e: {  	s15 =	sadd.s32 $0x8000, s5;
	s7 =	sadd.s32 s4, s7  }
0x6f: {  	[tilespmem:s15], [sflag:$0x1] =	stream.linear.gather [hbm4b:s7+s2], $0x80, $0x38;
	[tilespmem:$0x14500] =	vst v63  }
0x70: {  	s7 =	sand.u32 $0x1FFFFFF0, s16  }
0x71: {  	s17 =	sadd.s32 $0x8080, s5;
	s7 =	sadd.s32 s4, s7;
	s18 =	spop (v2sf);
	(v2sf) =	vpush v0, $0xC  }
0x72: {  	[tilespmem:s17], [sflag:$0x1] =	stream.linear.gather [hbm4b:s7+s2], $0x80, $0x38;
	[tilespmem:$0x14500] =	vst v63  }
0x73: {  	s20 =	spop (v2sf);
	(v2sf) =	vpush v0, $0xD  }
0x74: {  	s7 =	sand.u32 $0x1FFFFFF0, s18  }
0x75: {  	s19 =	sadd.s32 $0x8100, s5;
	s7 =	sadd.s32 s4, s7;
	s22 =	spop (v2sf)  }
0x76: {  	(v2sf) =	vpush v0, $0xE;
	[tilespmem:s19], [sflag:$0x1] =	stream.linear.gather [hbm4b:s7+s2], $0x80, $0x38;
	[tilespmem:$0x14500] =	vst v63  }
0x77: {  	s7 =	sand.u32 $0x1FFFFFF0, s20  }
0x78: {  	s21 =	sadd.s32 $0x8180, s5;
	s7 =	sadd.s32 s4, s7  }
0x79: {  	[tilespmem:s21], [sflag:$0x1] =	stream.linear.gather [hbm4b:s7+s2], $0x80, $0x38;
	[tilespmem:$0x14500] =	vst v63  }
0x7a: {  	s7 =	sand.u32 $0x1FFFFFF0, s22  }
0x7b: {  	s23 =	sadd.s32 $0x8200, s5;
	s7 =	sadd.s32 s4, s7;
	s24 =	spop (v2sf);
	(v2sf) =	vpush v0, $0xF  }
0x7c: {  	[tilespmem:s23], [sflag:$0x1] =	stream.linear.gather [hbm4b:s7+s2], $0x80, $0x38;
	[tilespmem:$0x14500] =	vst v63  }
0x7d: {  	s7 =	sand.u32 $0x1FFFFFF0, s24  }
0x7e: {  	s25 =	sadd.s32 $0x8280, s5;
	s7 =	sadd.s32 s4, s7  }
0x7f: {  	[tilespmem:s25], [sflag:$0x1] =	stream.linear.gather [hbm4b:s7+s2], $0x80, $0x38;
	[tilespmem:$0x14500] =	vst v63  }
0x80: {  	s26 =	spop (v2sf)  }
0x81: {  	s7 =	sand.u32 $0x1FFFFFF0, s26  }
0x82: {  	s28 =	sadd.s32 $0x8300, s5;
	s30 =	spop (v2sf);
	s7 =	sadd.s32 s4, s7  }
0x83: {  	[tilespmem:s28], [sflag:$0x1] =	stream.linear.gather [hbm4b:s7+s2], $0x80, $0x38;
	[tilespmem:$0x14500] =	vst v63  }
0x84: {  	s7 =	sand.u32 $0x1FFFFFF0, s30  }
0x85: {  	s0 =	sadd.s32 $0x8380, s5;
	s3 =	spop (v2sf);
	s7 =	sadd.s32 s4, s7  }
0x86: {  	[tilespmem:s0], [sflag:$0x1] =	stream.linear.gather [hbm4b:s7+s2], $0x80, $0x38;
	[tilespmem:$0x14500] =	vst v63  }
0x87: {  	s7 =	sand.u32 $0x1FFFFFF0, s3  }
0x88: {  	s8 =	sadd.s32 $0x8400, s5;
	s7 =	sadd.s32 s4, s7  }
0x89: {  	[tilespmem:s8], [sflag:$0x1] =	stream.linear.gather [hbm4b:s7+s2], $0x80, $0x38;
	[tilespmem:$0x14500] =	vst v63  }
0x8a: {  	s10 =	spop (v2sf)  }
0x8b: {  	s7 =	sand.u32 $0x1FFFFFF0, s10  }
0x8c: {  	s12 =	sadd.s32 $0x8480, s5;
	s7 =	sadd.s32 s4, s7  }
0x8d: {  	[tilespmem:s12], [sflag:$0x1] =	stream.linear.gather [hbm4b:s7+s2], $0x80, $0x38;
	[tilespmem:$0x14500] =	vst v63  }
0x8e: {  	v0 =	vld [tilespmem:$0xC0];
	_ =	sdelay $0x4  }
0x8f: {  	v0 =	vshll.u32 v0, $0x4  }
0x90: {  	(v2sf) =	vpush v0, $0x0  }
0x91: {  	(v2sf) =	vpush v0, $0x1  }
0x92: {  	(v2sf) =	vpush v0, $0x2;
	_ =	sdelay $0x2  }
0x93: {  	(v2sf) =	vpush v0, $0x3;
	_ =	sdelay $0x5  }
0x94: {  	(v2sf) =	vpush v0, $0x4;
	_ =	sdelay $0x3  }
0x95: {  	s13 =	spop (v2sf)  }
0x96: {  	s14 =	simm.s32 $0x0;
	s5 =	sand.u32 $0x1FFFFFF0, s13;
	s15 =	spop (v2sf);
	(v2sf) =	vpush v0, $0x5  }
0x97: {  	s0 =	simm.s32 $0xDD00;
	s5 =	sadd.s32 s4, s5;
	s17 =	spop (v2sf)  }
0x98: {  	(v2sf) =	vpush v0, $0x6;
	[tilespmem:s0], [sflag:$0x1] =	stream.linear.gather [hbm4b:s5+s14], $0x80, $0x38;
	[tilespmem:$0x14500] =	vst v63  }
0x99: {  	s5 =	sand.u32 $0x1FFFFFF0, s15  }
0x9a: {  	s16 =	simm.s32 $0xDD80;
	s19 =	spop (v2sf);
	s5 =	sadd.s32 s4, s5  }
0x9b: {  	(v2sf) =	vpush v0, $0x7;
	[tilespmem:s16], [sflag:$0x1] =	stream.linear.gather [hbm4b:s5+s14], $0x80, $0x38;
	[tilespmem:$0x14500] =	vst v63  }
0x9c: {  	s5 =	sand.u32 $0x1FFFFFF0, s17  }
0x9d: {  	s18 =	simm.s32 $0xDE00;
	s5 =	sadd.s32 s4, s5  }
0x9e: {  	[tilespmem:s18], [sflag:$0x1] =	stream.linear.gather [hbm4b:s5+s14], $0x80, $0x38;
	[tilespmem:$0x14500] =	vst v63  }
0x9f: {  	s5 =	sand.u32 $0x1FFFFFF0, s19  }
0xa0: {  	s20 =	simm.s32 $0xDE80;
	s21 =	spop (v2sf);
	s5 =	sadd.s32 s4, s5  }
0xa1: {  	[tilespmem:s20], [sflag:$0x1] =	stream.linear.gather [hbm4b:s5+s14], $0x80, $0x38;
	[tilespmem:$0x14500] =	vst v63  }
0xa2: {  	s5 =	sand.u32 $0x1FFFFFF0, s21  }
0xa3: {  	s22 =	simm.s32 $0xDF00;
	s5 =	sadd.s32 s4, s5  }
0xa4: {  	[tilespmem:s22], [sflag:$0x1] =	stream.linear.gather [hbm4b:s5+s14], $0x80, $0x38;
	[tilespmem:$0x14500] =	vst v63  }
0xa5: {  	s23 =	spop (v2sf)  }
0xa6: {  	s5 =	sand.u32 $0x1FFFFFF0, s23  }
0xa7: {  	s24 =	simm.s32 $0xDF80;
	s25 =	spop (v2sf);
	s5 =	sadd.s32 s4, s5  }
0xa8: {  	[tilespmem:s24], [sflag:$0x1] =	stream.linear.gather [hbm4b:s5+s14], $0x80, $0x38;
	[tilespmem:$0x14500] =	vst v63  }
0xa9: {  	s5 =	sand.u32 $0x1FFFFFF0, s25  }
0xaa: {  	s26 =	simm.s32 $0xE000;
	s28 =	spop (v2sf);
	s5 =	sadd.s32 s4, s5  }
0xab: {  	[tilespmem:s26], [sflag:$0x1] =	stream.linear.gather [hbm4b:s5+s14], $0x80, $0x38;
	[tilespmem:$0x14500] =	vst v63  }
0xac: {  	s5 =	sand.u32 $0x1FFFFFF0, s28  }
0xad: {  	s30 =	simm.s32 $0xE080;
	s7 =	simm.s32 $0xC8;
	s5 =	sadd.s32 s4, s5  }
0xae: {  	[tilespmem:s30], [sflag:$0x1] =	stream.linear.gather [hbm4b:s5+s14], $0x80, $0x38;
	[tilespmem:$0x14500] =	vst v63  }
0xaf: {  	v0 =	vld [tilespmem:s7+$0x0];
	_ =	sdelay $0x4  }
0xb0: {  	v0 =	vshll.u32 v0, $0x4  }
0xb1: {  	(v2sf) =	vpush v0, $0x0  }
0xb2: {  	(v2sf) =	vpush v0, $0x1  }
0xb3: {  	(v2sf) =	vpush v0, $0x2;
	_ =	sdelay $0x1  }
0xb4: {  	(v2sf) =	vpush v0, $0x4;
	_ =	sdelay $0x1  }
0xb5: {  	(v2sf) =	vpush v0, $0x3  }
0xb6: {  	(v2sf) =	vpush v0, $0x5  }
0xb7: {  	s9 =	simm.s32 $0x2000;
	s5 =	simm.s32 $0x0;
	(v2sf) =	vpush v0, $0x6  }
.LBB2_4:
0xb8: {  	p0 =	sne.s32 s9, $0x16000  }
0xb9: {  	s20 =	sadd.s32 $0xE180, s5;
	s14 =	sadd.s32 $0xE680, s5;
	s10 =	smov.u32 s9  }
0xba: {  	s9 =	sadd.s32 $0x2000, s9;
	s17 =	sadd.s32 $0xE480, s5;
	s12 =	sadd.s32 $0xE700, s5;
	(v2sf) =	vpush v0, $0x7  }
0xbb: {  	s19 =	sadd.s32 $0xE380, s5;
	s16 =	sadd.s32 $0xE500, s5;
	s13 =	sadd.s32 $0xE780, s5  }
0xbc: {  	s21 =	sadd.s32 $0xE100, s5;
	s22 =	sadd.s32 $0xE300, s5;
	(v2sf) =	vpush v0, $0x8  }
0xbd: {  	s23 =	sadd.s32 $0xE400, s5;
	s7 =	sadd.s32 $0x10, s7  }
0xbe: {  	s24 =	sadd.s32 $0xE200, s5;
	s15 =	sadd.s32 $0xE600, s5;
	s18 =	spop (v2sf);
	(v2sf) =	vpush v0, $0x9  }
0xbf: {  	s25 =	sand.u32 $0x1FFFFFF0, s18;
	s18 =	sadd.s32 $0xE580, s5;
	s26 =	spop (v2sf)  }
0xc0: {  	s25 =	sadd.s32 s4, s25;
	s26 =	sand.u32 $0x1FFFFFF0, s26;
	s28 =	spop (v2sf);
	(v2sf) =	vpush v0, $0xA  }
0xc1: {  	[tilespmem:s21], [sflag:$0x2] =	stream.linear.gather [hbm4b:s25+s2], $0x80, $0x38;
	[tilespmem:$0x14500] =	vst v63  }
0xc2: {  	s21 =	sadd.s32 s4, s26;
	s25 =	sadd.s32 $0xE280, s5;
	s26 =	spop (v2sf);
	(v2sf) =	vpush v0, $0xB  }
0xc3: {  	[tilespmem:s20], [sflag:$0x2] =	stream.linear.gather [hbm4b:s21+s2], $0x80, $0x38;
	[tilespmem:$0x14500] =	vst v63  }
0xc4: {  	s20 =	sand.u32 $0x1FFFFFF0, s28;
	s21 =	sand.u32 $0x1FFFFFF0, s26;
	s26 =	spop (v2sf);
	(v2sf) =	vpush v0, $0xC  }
0xc5: {  	s20 =	sadd.s32 s4, s20;
	s26 =	sand.u32 $0x1FFFFFF0, s26;
	s28 =	spop (v2sf)  }
0xc6: {  	[tilespmem:s24], [sflag:$0x2] =	stream.linear.gather [hbm4b:s20+s2], $0x80, $0x38;
	(v2sf) =	vpush v0, $0xD;
	[tilespmem:$0x14500] =	vst v63  }
0xc7: {  	s20 =	sadd.s32 s4, s26;
	s24 =	sand.u32 $0x1FFFFFF0, s28;
	s26 =	spop (v2sf)  }
0xc8: {  	[tilespmem:s25], [sflag:$0x2] =	stream.linear.gather [hbm4b:s20+s2], $0x80, $0x38;
	(v2sf) =	vpush v0, $0xE;
	[tilespmem:$0x14500] =	vst v63  }
0xc9: {  	s20 =	sadd.s32 s4, s21;
	s21 =	sand.u32 $0x1FFFFFF0, s26;
	s25 =	spop (v2sf)  }
0xca: {  	[tilespmem:s22], [sflag:$0x2] =	stream.linear.gather [hbm4b:s20+s2], $0x80, $0x38;
	(v2sf) =	vpush v0, $0xF;
	[tilespmem:$0x14500] =	vst v63  }
0xcb: {  	s20 =	sadd.s32 s4, s24;
	s22 =	sand.u32 $0x1FFFFFF0, s25;
	s24 =	spop (v2sf)  }
0xcc: {  	[tilespmem:s19], [sflag:$0x2] =	stream.linear.gather [hbm4b:s20+s2], $0x80, $0x38;
	[tilespmem:$0x14500] =	vst v63  }
0xcd: {  	s19 =	sadd.s32 s4, s21;
	s20 =	sand.u32 $0x1FFFFFF0, s24;
	s21 =	spop (v2sf)  }
0xce: {  	[tilespmem:s23], [sflag:$0x2] =	stream.linear.gather [hbm4b:s19+s2], $0x80, $0x38;
	[tilespmem:$0x14500] =	vst v63  }
0xcf: {  	s19 =	sadd.s32 s4, s22;
	s21 =	sand.u32 $0x1FFFFFF0, s21;
	s22 =	spop (v2sf)  }
0xd0: {  	[tilespmem:s17], [sflag:$0x2] =	stream.linear.gather [hbm4b:s19+s2], $0x80, $0x38;
	[tilespmem:$0x14500] =	vst v63  }
0xd1: {  	s17 =	sadd.s32 s4, s20;
	s19 =	sand.u32 $0x1FFFFFF0, s22;
	s20 =	spop (v2sf)  }
0xd2: {  	[tilespmem:s16], [sflag:$0x2] =	stream.linear.gather [hbm4b:s17+s2], $0x80, $0x38;
	[tilespmem:$0x14500] =	vst v63  }
0xd3: {  	s16 =	sadd.s32 s4, s21;
	s17 =	sand.u32 $0x1FFFFFF0, s20;
	s20 =	spop (v2sf)  }
0xd4: {  	[tilespmem:s18], [sflag:$0x2] =	stream.linear.gather [hbm4b:s16+s2], $0x80, $0x38;
	[tilespmem:$0x14500] =	vst v63  }
0xd5: {  	s16 =	sadd.s32 s4, s19;
	s18 =	sand.u32 $0x1FFFFFF0, s20;
	s19 =	spop (v2sf)  }
0xd6: {  	[tilespmem:s15], [sflag:$0x2] =	stream.linear.gather [hbm4b:s16+s2], $0x80, $0x38;
	[tilespmem:$0x14500] =	vst v63  }
0xd7: {  	s15 =	sadd.s32 s4, s17;
	s16 =	sand.u32 $0x1FFFFFF0, s19;
	s17 =	spop (v2sf)  }
0xd8: {  	[tilespmem:s14], [sflag:$0x2] =	stream.linear.gather [hbm4b:s15+s2], $0x80, $0x38;
	[tilespmem:$0x14500] =	vst v63  }
0xd9: {  	s14 =	sadd.s32 s4, s18;
	s15 =	sand.u32 $0x1FFFFFF0, s17;
	s17 =	spop (v2sf)  }
0xda: {  	[tilespmem:s12], [sflag:$0x2] =	stream.linear.gather [hbm4b:s14+s2], $0x80, $0x38;
	[tilespmem:$0x14500] =	vst v63  }
0xdb: {  	s12 =	sadd.s32 s4, s16;
	s14 =	sand.u32 $0x1FFFFFF0, s17  }
0xdc: {  	[tilespmem:s13], [sflag:$0x2] =	stream.linear.gather [hbm4b:s12+s2], $0x80, $0x38;
	[tilespmem:$0x14500] =	vst v63  }
0xdd: {  	s12 =	sadd.s32 $0xE800, s5;
	s13 =	sadd.s32 s4, s15  }
0xde: {  	[tilespmem:s12], [sflag:$0x2] =	stream.linear.gather [hbm4b:s13+s2], $0x80, $0x38;
	[tilespmem:$0x14500] =	vst v63  }
0xdf: {  	s5 =	sadd.s32 $0xE880, s5;
	s12 =	sadd.s32 s4, s14  }
0xe0: {  	[tilespmem:s5], [sflag:$0x2] =	stream.linear.gather [hbm4b:s12+s2], $0x80, $0x38;
	[tilespmem:$0x14500] =	vst v63  }
0xe1: {  	v0 =	vld [tilespmem:s7+$0x0];
	_ =	sdelay $0x4  }
0xe2: {  	v0 =	vshll.u32 v0, $0x4  }
0xe3: {  	(v2sf) =	vpush v0, $0x0  }
0xe4: {  	(v2sf) =	vpush v0, $0x1  }
0xe5: {  	(v2sf) =	vpush v0, $0x2;
	_ =	sdelay $0x1  }
0xe6: {  	(v2sf) =	vpush v0, $0x4  }
.Ltmp3:
0xe7: {  	(pc) =	sbr.rel @p0 .LBB2_4-.Ltmp3, $3  }
0xe8: {  	(v2sf) =	vpush v0, $0x3  }
0xe9: {  	(v2sf) =	vpush v0, $0x5;
	_ =	sdelay $0x1  }
0xea: {  	s5 =	sshra.s32 s10, $0x2;
	(v2sf) =	vpush v0, $0x6  }
0xeb: {  	_ =	sdelay $0x5  }
0xec: {  	s7 =	spop (v2sf)  }
0xed: {  	s9 =	spop (v2sf)  }
0xee: {  	s26 =	spop (v2sf)  }
0xef: {  	s0 =	spop (v2sf);
	(v2sf) =	vpush v0, $0x7  }
0xf0: {  	s7 =	sand.u32 $0x1FFFFFF0, s7  }
0xf1: {  	s10 =	sadd.s32 $0xE100, s5;
	s7 =	sadd.s32 s4, s7  }
0xf2: {  	[tilespmem:s10], [sflag:$0x2] =	stream.linear.gather [hbm4b:s7+s2], $0x80, $0x38;
	[tilespmem:$0x14500] =	vst v63  }
0xf3: {  	s9 =	sand.u32 $0x1FFFFFF0, s9;
	s3 =	spop (v2sf);
	(v2sf) =	vpush v0, $0x8  }
0xf4: {  	s25 =	sadd.s32 $0xE180, s5;
	s9 =	sadd.s32 s4, s9  }
0xf5: {  	[tilespmem:s25], [sflag:$0x2] =	stream.linear.gather [hbm4b:s9+s2], $0x80, $0x38;
	[tilespmem:$0x14500] =	vst v63  }
0xf6: {  	s28 =	sand.u32 $0x1FFFFFF0, s26;
	s14 =	spop (v2sf);
	(v2sf) =	vpush v0, $0x9  }
0xf7: {  	s30 =	sadd.s32 $0xE200, s5;
	s7 =	sadd.s32 s4, s28  }
0xf8: {  	[tilespmem:s30], [sflag:$0x2] =	stream.linear.gather [hbm4b:s7+s2], $0x80, $0x38;
	[tilespmem:$0x14500] =	vst v63  }
0xf9: {  	s7 =	sand.u32 $0x1FFFFFF0, s3;
	s16 =	spop (v2sf);
	(v2sf) =	vpush v0, $0xA  }
0xfa: {  	s8 =	sadd.s32 $0xE280, s5;
	s12 =	sand.u32 $0x1FFFFFF0, s0;
	s7 =	sadd.s32 s4, s7  }
0xfb: {  	[tilespmem:s8], [sflag:$0x2] =	stream.linear.gather [hbm4b:s7+s2], $0x80, $0x38;
	[tilespmem:$0x14500] =	vst v63  }
0xfc: {  	s13 =	sadd.s32 $0xE300, s5;
	s7 =	sadd.s32 s4, s12  }
0xfd: {  	[tilespmem:s13], [sflag:$0x2] =	stream.linear.gather [hbm4b:s7+s2], $0x80, $0x38;
	[tilespmem:$0x14500] =	vst v63  }
0xfe: {  	s7 =	sand.u32 $0x1FFFFFF0, s14;
	s18 =	spop (v2sf);
	(v2sf) =	vpush v0, $0xB  }
0xff: {  	s15 =	sadd.s32 $0xE380, s5;
	s7 =	sadd.s32 s4, s7  }
0x100: {  	[tilespmem:s15], [sflag:$0x2] =	stream.linear.gather [hbm4b:s7+s2], $0x80, $0x38;
	[tilespmem:$0x14500] =	vst v63  }
0x101: {  	s7 =	sand.u32 $0x1FFFFFF0, s16  }
0x102: {  	s17 =	sadd.s32 $0xE400, s5;
	s7 =	sadd.s32 s4, s7;
	s20 =	spop (v2sf);
	(v2sf) =	vpush v0, $0xC  }
0x103: {  	[tilespmem:s17], [sflag:$0x2] =	stream.linear.gather [hbm4b:s7+s2], $0x80, $0x38;
	[tilespmem:$0x14500] =	vst v63  }
0x104: {  	s7 =	sand.u32 $0x1FFFFFF0, s18  }
0x105: {  	s19 =	sadd.s32 $0xE480, s5;
	s7 =	sadd.s32 s4, s7;
	s22 =	spop (v2sf);
	(v2sf) =	vpush v0, $0xD  }
0x106: {  	[tilespmem:s19], [sflag:$0x2] =	stream.linear.gather [hbm4b:s7+s2], $0x80, $0x38;
	[tilespmem:$0x14500] =	vst v63  }
0x107: {  	s7 =	sand.u32 $0x1FFFFFF0, s20  }
0x108: {  	s21 =	sadd.s32 $0xE500, s5;
	s7 =	sadd.s32 s4, s7;
	s24 =	spop (v2sf);
	(v2sf) =	vpush v0, $0xE  }
0x109: {  	[tilespmem:s21], [sflag:$0x2] =	stream.linear.gather [hbm4b:s7+s2], $0x80, $0x38;
	[tilespmem:$0x14500] =	vst v63  }
0x10a: {  	s7 =	sand.u32 $0x1FFFFFF0, s22  }
0x10b: {  	s23 =	sadd.s32 $0xE580, s5;
	s7 =	sadd.s32 s4, s7  }
0x10c: {  	[tilespmem:s23], [sflag:$0x2] =	stream.linear.gather [hbm4b:s7+s2], $0x80, $0x38;
	[tilespmem:$0x14500] =	vst v63  }
0x10d: {  	s7 =	sand.u32 $0x1FFFFFF0, s24;
	s26 =	spop (v2sf);
	(v2sf) =	vpush v0, $0xF  }
0x10e: {  	s25 =	sadd.s32 $0xE600, s5;
	s7 =	sadd.s32 s4, s7  }
0x10f: {  	[tilespmem:s25], [sflag:$0x2] =	stream.linear.gather [hbm4b:s7+s2], $0x80, $0x38;
	[tilespmem:$0x14500] =	vst v63  }
0x110: {  	s7 =	sand.u32 $0x1FFFFFF0, s26  }
0x111: {  	s28 =	sadd.s32 $0xE680, s5;
	s7 =	sadd.s32 s4, s7;
	s30 =	spop (v2sf)  }
0x112: {  	[tilespmem:s28], [sflag:$0x2] =	stream.linear.gather [hbm4b:s7+s2], $0x80, $0x38;
	[tilespmem:$0x14500] =	vst v63  }
0x113: {  	s7 =	sand.u32 $0x1FFFFFF0, s30  }
0x114: {  	s0 =	sadd.s32 $0xE700, s5;
	s3 =	spop (v2sf);
	s7 =	sadd.s32 s4, s7  }
0x115: {  	[tilespmem:s0], [sflag:$0x2] =	stream.linear.gather [hbm4b:s7+s2], $0x80, $0x38;
	[tilespmem:$0x14500] =	vst v63  }
0x116: {  	s7 =	sand.u32 $0x1FFFFFF0, s3  }
0x117: {  	s8 =	sadd.s32 $0xE780, s5;
	s9 =	spop (v2sf);
	s7 =	sadd.s32 s4, s7  }
0x118: {  	[tilespmem:s8], [sflag:$0x2] =	stream.linear.gather [hbm4b:s7+s2], $0x80, $0x38;
	[tilespmem:$0x14500] =	vst v63  }
0x119: {  	s7 =	sand.u32 $0x1FFFFFF0, s9  }
0x11a: {  	s10 =	sadd.s32 $0xE800, s5;
	s7 =	sadd.s32 s4, s7  }
0x11b: {  	[tilespmem:s10], [sflag:$0x2] =	stream.linear.gather [hbm4b:s7+s2], $0x80, $0x38;
	[tilespmem:$0x14500] =	vst v63  }
0x11c: {  	s12 =	spop (v2sf)  }
0x11d: {  	s7 =	sand.u32 $0x1FFFFFF0, s12  }
0x11e: {  	s13 =	sadd.s32 $0xE880, s5;
	s7 =	sadd.s32 s4, s7  }
0x11f: {  	[tilespmem:s13], [sflag:$0x2] =	stream.linear.gather [hbm4b:s7+s2], $0x80, $0x38;
	[tilespmem:$0x14500] =	vst v63  }
0x120: {  	v63 =	vld [tilespmem:$0x188];
	_ =	sdelay $0x4  }
0x121: {  	v0 =	vshll.u32 v63, $0x4  }
0x122: {  	(v2sf) =	vpush v0, $0x0;
	_ =	sdelay $0x1  }
0x123: {  	(v2sf) =	vpush v0, $0x1;
	_ =	sdelay $0x1  }
0x124: {  	(v2sf) =	vpush v0, $0x2;
	_ =	sdelay $0x2  }
0x125: {  	(v2sf) =	vpush v0, $0x3;
	_ =	sdelay $0x7  }
0x126: {  	s14 =	spop (v2sf);
	(v2sf) =	vpush v0, $0x4;
	_ =	sdelay $0x1  }
0x127: {  	s15 =	spop (v2sf);
	(v2sf) =	vpush v0, $0x5  }
0x128: {  	s0 =	simm.s32 $0x14100;
	s5 =	sand.u32 $0x1FFFFFF0, s14  }
0x129: {  	s7 =	simm.s32 $0x0;
	s5 =	sadd.s32 s4, s5;
	s17 =	spop (v2sf)  }
0x12a: {  	(v2sf) =	vpush v0, $0x6;
	[tilespmem:s0], [sflag:$0x2] =	stream.linear.gather [hbm4b:s5+s7], $0x80, $0x38;
	[tilespmem:$0x14500] =	vst v63  }
0x12b: {  	s5 =	sand.u32 $0x1FFFFFF0, s15  }
0x12c: {  	s16 =	simm.s32 $0x14180;
	s19 =	spop (v2sf);
	s5 =	sadd.s32 s4, s5  }
0x12d: {  	(v2sf) =	vpush v0, $0x7;
	[tilespmem:s16], [sflag:$0x2] =	stream.linear.gather [hbm4b:s5+s7], $0x80, $0x38;
	[tilespmem:$0x14500] =	vst v63  }
0x12e: {  	s5 =	sand.u32 $0x1FFFFFF0, s17  }
0x12f: {  	s18 =	simm.s32 $0x14200;
	s5 =	sadd.s32 s4, s5  }
0x130: {  	[tilespmem:s18], [sflag:$0x2] =	stream.linear.gather [hbm4b:s5+s7], $0x80, $0x38;
	[tilespmem:$0x14500] =	vst v63  }
0x131: {  	s5 =	sand.u32 $0x1FFFFFF0, s19  }
0x132: {  	s20 =	simm.s32 $0x14280;
	s5 =	sadd.s32 s4, s5  }
0x133: {  	[tilespmem:s20], [sflag:$0x2] =	stream.linear.gather [hbm4b:s5+s7], $0x80, $0x38;
	[tilespmem:$0x14500] =	vst v63  }
0x134: {  	s21 =	spop (v2sf)  }
0x135: {  	s5 =	sand.u32 $0x1FFFFFF0, s21  }
0x136: {  	s22 =	simm.s32 $0x14300;
	s23 =	spop (v2sf);
	s5 =	sadd.s32 s4, s5  }
0x137: {  	[tilespmem:s22], [sflag:$0x2] =	stream.linear.gather [hbm4b:s5+s7], $0x80, $0x38;
	[tilespmem:$0x14500] =	vst v63  }
0x138: {  	s5 =	sand.u32 $0x1FFFFFF0, s23  }
0x139: {  	s24 =	simm.s32 $0x14380;
	s25 =	spop (v2sf);
	s5 =	sadd.s32 s4, s5  }
0x13a: {  	[tilespmem:s24], [sflag:$0x2] =	stream.linear.gather [hbm4b:s5+s7], $0x80, $0x38;
	[tilespmem:$0x14500] =	vst v63  }
0x13b: {  	s5 =	sand.u32 $0x1FFFFFF0, s25  }
0x13c: {  	s26 =	simm.s32 $0x14400;
	s28 =	spop (v2sf);
	s5 =	sadd.s32 s4, s5  }
0x13d: {  	[tilespmem:s26], [sflag:$0x2] =	stream.linear.gather [hbm4b:s5+s7], $0x80, $0x38;
	[tilespmem:$0x14500] =	vst v63  }
0x13e: {  	s30 =	simm.s32 $0x14480;
	s5 =	sand.u32 $0x1FFFFFF0, s28  }
0x13f: {  	s10 =	simm.s32 $0x258;
	s14 =	simm.s32 $0x190;
	s5 =	sadd.s32 s4, s5  }
0x140: {  	[tilespmem:s30], [sflag:$0x2] =	stream.linear.gather [hbm4b:s5+s7], $0x80, $0x38;
	[tilespmem:$0x14500] =	vst v63  }
.LBB2_6:
0x141: {  	_ =	swait.ge [sflag:s29], $0x6400  }
0x142: {  	[sflag:s29] =	ssyncset.done $0x0  }
0x143: {  	s12 =	simm.s32 $0x0;
	[sflag:s29] =	ssyncadd.s32 $0xFFFF9C00  }
0x144: {  	v6 =	vld [tilespmem:s12+$0x1900]  }
0x145: {  	v7 =	vld [tilespmem:s12+$0x1910]  }
0x146: {  	v8 =	vld [tilespmem:s12+$0x1920]  }
0x147: {  	v9 =	vld [tilespmem:s12+$0x1930]  }
0x148: {  	v10 =	vld [tilespmem:s12+$0x1980]  }
0x149: {  	v11 =	vld [tilespmem:s12+$0x1990]  }
0x14a: {  	v12 =	vld [tilespmem:s12+$0x19A0]  }
0x14b: {  	v13 =	vld [tilespmem:s12+$0x19B0]  }
0x14c: {  	v14 =	vld [tilespmem:s12+$0x1A00]  }
0x14d: {  	v15 =	vld [tilespmem:s12+$0x1A10]  }
0x14e: {  	v16 =	vld [tilespmem:s12+$0x1A20]  }
0x14f: {  	v17 =	vld [tilespmem:s12+$0x1A30]  }
0x150: {  	v18 =	vld [tilespmem:s12+$0x1A80]  }
0x151: {  	v19 =	vld [tilespmem:s12+$0x1A90]  }
0x152: {  	v20 =	vld [tilespmem:s12+$0x1AA0]  }
0x153: {  	v21 =	vld [tilespmem:s12+$0x1AB0]  }
0x154: {  	v22 =	vld [tilespmem:s12+$0x1B00]  }
0x155: {  	v23 =	vld [tilespmem:s12+$0x1B10]  }
0x156: {  	v24 =	vld [tilespmem:s12+$0x1B20]  }
0x157: {  	v25 =	vld [tilespmem:s12+$0x1B30]  }
0x158: {  	v26 =	vld [tilespmem:s12+$0x1B80]  }
0x159: {  	v27 =	vld [tilespmem:s12+$0x1B90]  }
0x15a: {  	v28 =	vld [tilespmem:s12+$0x1BA0]  }
0x15b: {  	v29 =	vld [tilespmem:s12+$0x1BB0]  }
0x15c: {  	v30 =	vld [tilespmem:s12+$0x1C00]  }
0x15d: {  	v31 =	vld [tilespmem:s12+$0x1C10]  }
0x15e: {  	v5 =	vld [tilespmem:s12+$0x1C20]  }
0x15f: {  	v4 =	vld [tilespmem:s12+$0x1C30]  }
0x160: {  	v3 =	vld [tilespmem:s12+$0x1C80]  }
0x161: {  	v2 =	vld [tilespmem:s12+$0x1C90]  }
0x162: {  	v1 =	vld [tilespmem:s12+$0x1CA0]  }
0x163: {  	v32 =	vld [tilespmem:s12+$0x7D00]  }
0x164: {  	v33 =	vld [tilespmem:s12+$0x7D10]  }
0x165: {  	v34 =	vld [tilespmem:s12+$0x7D20]  }
0x166: {  	v35 =	vld [tilespmem:s12+$0x7D30]  }
0x167: {  	v36 =	vld [tilespmem:s12+$0x7D80]  }
0x168: {  	v63 =	vld [tilespmem:s12+$0x7D90];
	v6 =	vadd.f32 v6, v32  }
0x169: {  	v37 =	vld [tilespmem:s12+$0x7DA0];
	v7 =	vadd.f32 v7, v33  }
0x16a: {  	v8 =	vadd.f32 v8, v34;
	[tilespmem:s12+$0x7D00] =	vst v6;
	v6 =	vld [tilespmem:s12+$0x7DB0]  }
0x16b: {  	v9 =	vadd.f32 v9, v35;
	[tilespmem:s12+$0x7D10] =	vst v7;
	v7 =	vld [tilespmem:s12+$0x7E00]  }
0x16c: {  	v10 =	vadd.f32 v10, v36;
	[tilespmem:s12+$0x7D20] =	vst v8;
	v8 =	vld [tilespmem:s12+$0x7E10]  }
0x16d: {  	v11 =	vadd.f32 v11, v63;
	[tilespmem:s12+$0x7D30] =	vst v9;
	v9 =	vld [tilespmem:s12+$0x7E20]  }
0x16e: {  	v12 =	vadd.f32 v12, v37;
	[tilespmem:s12+$0x7D80] =	vst v10;
	v10 =	vld [tilespmem:s12+$0x7E30]  }
0x16f: {  	[tilespmem:s12+$0x7D90] =	vst v11;
	v11 =	vld [tilespmem:s12+$0x7E80];
	v6 =	vadd.f32 v13, v6  }
0x170: {  	[tilespmem:s12+$0x7DA0] =	vst v12;
	v12 =	vld [tilespmem:s12+$0x7E90];
	v7 =	vadd.f32 v14, v7  }
0x171: {  	v8 =	vadd.f32 v15, v8;
	[tilespmem:s12+$0x7DB0] =	vst v6;
	v6 =	vld [tilespmem:s12+$0x7EA0]  }
0x172: {  	v9 =	vadd.f32 v16, v9;
	[tilespmem:s12+$0x7E00] =	vst v7;
	v7 =	vld [tilespmem:s12+$0x7EB0]  }
0x173: {  	v10 =	vadd.f32 v17, v10;
	[tilespmem:s12+$0x7E10] =	vst v8;
	v8 =	vld [tilespmem:s12+$0x7F00]  }
0x174: {  	v11 =	vadd.f32 v18, v11;
	[tilespmem:s12+$0x7E20] =	vst v9;
	v9 =	vld [tilespmem:s12+$0x7F10]  }
0x175: {  	v12 =	vadd.f32 v19, v12;
	[tilespmem:s12+$0x7E30] =	vst v10;
	v10 =	vld [tilespmem:s12+$0x7F20]  }
0x176: {  	[tilespmem:s12+$0x7E80] =	vst v11;
	v11 =	vld [tilespmem:s12+$0x7F30];
	v6 =	vadd.f32 v20, v6  }
0x177: {  	[tilespmem:s12+$0x7E90] =	vst v12;
	v12 =	vld [tilespmem:s12+$0x7F80]  }
0x178: {  	v7 =	vadd.f32 v21, v7;
	[tilespmem:s12+$0x7EA0] =	vst v6;
	v6 =	vld [tilespmem:s12+$0x7F90]  }
0x179: {  	v0 =	vld [tilespmem:s12+$0x1CB0];
	v8 =	vadd.f32 v22, v8  }
0x17a: {  	[tilespmem:s12+$0x7EB0] =	vst v7;
	v7 =	vadd.f32 v23, v9;
	v9 =	vld [tilespmem:s12+$0x7FB0]  }
0x17b: {  	v13 =	vld [tilespmem:s12+$0x7FA0];
	[tilespmem:s12+$0x7F00] =	vst v8;
	v8 =	vadd.f32 v24, v10  }
0x17c: {  	v10 =	vld [tilespmem:s12+$0x8000];
	[tilespmem:s12+$0x7F10] =	vst v7;
	v7 =	vadd.f32 v25, v11  }
0x17d: {  	[tilespmem:s12+$0x7F20] =	vst v8;
	v11 =	vld [tilespmem:s12+$0x8010];
	v8 =	vadd.f32 v26, v12;
	v12 =	vadd.f32 v27, v6  }
0x17e: {  	[tilespmem:s12+$0x7F30] =	vst v7;
	v7 =	vld [tilespmem:s12+$0x8020]  }
0x17f: {  	v6 =	vld [tilespmem:s12+$0x8030];
	[tilespmem:s12+$0x7F90] =	vst v12;
	v12 =	vadd.f32 v29, v9  }
0x180: {  	v13 =	vadd.f32 v28, v13;
	[tilespmem:s12+$0x7F80] =	vst v8;
	v8 =	vld [tilespmem:s12+$0x8080]  }
0x181: {  	v9 =	vld [tilespmem:s12+$0x8090];
	[tilespmem:s12+$0x7FB0] =	vst v12;
	v12 =	vadd.f32 v30, v10  }
0x182: {  	s5 =	simm.s32 $0x1000;
	[tilespmem:s12+$0x7FA0] =	vst v13;
	v11 =	vadd.f32 v31, v11;
	v10 =	vld [tilespmem:s12+$0x80A0]  }
.LBB2_7:
0x183: {  	s9 =	sshra.s32 s5, $0x2;
	p0 =	sne.s32 s5, $0x18000;
	[tilespmem:s12+$0x8000] =	vst v12;
	v5 =	vadd.f32 v5, v7;
	v7 =	vld [tilespmem:s12+$0x80B0]  }
0x184: {  	v12 =	vld [tilespmem:s9+$0x1900];
	[tilespmem:s12+$0x8010] =	vst v11;
	v4 =	vadd.f32 v4, v6  }
0x185: {  	v6 =	vld [tilespmem:s9+$0x1910];
	[tilespmem:s12+$0x8020] =	vst v5;
	v3 =	vadd.f32 v3, v8  }
0x186: {  	v8 =	vld [tilespmem:s9+$0x1920];
	[tilespmem:s12+$0x8030] =	vst v4;
	v2 =	vadd.f32 v2, v9  }
0x187: {  	v9 =	vld [tilespmem:s9+$0x1930];
	[tilespmem:s12+$0x8080] =	vst v3;
	v1 =	vadd.f32 v1, v10  }
0x188: {  	v10 =	vld [tilespmem:s9+$0x1980];
	[tilespmem:s12+$0x8090] =	vst v2;
	v0 =	vadd.f32 v0, v7  }
0x189: {  	v7 =	vld [tilespmem:s9+$0x1990];
	[tilespmem:s12+$0x80A0] =	vst v1  }
0x18a: {  	v11 =	vld [tilespmem:s9+$0x19A0];
	[tilespmem:s12+$0x80B0] =	vst v0;
	s12 =	smov.u32 s9  }
0x18b: {  	v13 =	vld [tilespmem:s12+$0x19B0]  }
0x18c: {  	v14 =	vld [tilespmem:s12+$0x1A00]  }
0x18d: {  	v15 =	vld [tilespmem:s12+$0x1A10]  }
0x18e: {  	v16 =	vld [tilespmem:s12+$0x1A20]  }
0x18f: {  	v17 =	vld [tilespmem:s12+$0x1A30]  }
0x190: {  	v18 =	vld [tilespmem:s12+$0x1A80]  }
0x191: {  	v19 =	vld [tilespmem:s12+$0x1A90]  }
0x192: {  	v20 =	vld [tilespmem:s12+$0x1AA0]  }
0x193: {  	v21 =	vld [tilespmem:s12+$0x1AB0]  }
0x194: {  	v22 =	vld [tilespmem:s12+$0x1B00]  }
0x195: {  	v23 =	vld [tilespmem:s12+$0x1B10]  }
0x196: {  	v24 =	vld [tilespmem:s12+$0x1B20]  }
0x197: {  	v25 =	vld [tilespmem:s12+$0x1B30]  }
0x198: {  	v26 =	vld [tilespmem:s12+$0x1B80]  }
0x199: {  	v27 =	vld [tilespmem:s12+$0x1B90]  }
0x19a: {  	v28 =	vld [tilespmem:s12+$0x1BA0]  }
0x19b: {  	v29 =	vld [tilespmem:s12+$0x1BB0]  }
0x19c: {  	v30 =	vld [tilespmem:s12+$0x1C00]  }
0x19d: {  	v31 =	vld [tilespmem:s12+$0x1C10]  }
0x19e: {  	v5 =	vld [tilespmem:s12+$0x1C20]  }
0x19f: {  	v4 =	vld [tilespmem:s12+$0x1C30]  }
0x1a0: {  	v3 =	vld [tilespmem:s12+$0x1C80]  }
0x1a1: {  	v2 =	vld [tilespmem:s12+$0x1C90]  }
0x1a2: {  	v1 =	vld [tilespmem:s12+$0x1CA0]  }
0x1a3: {  	v0 =	vld [tilespmem:s12+$0x1CB0]  }
0x1a4: {  	v32 =	vld [tilespmem:s12+$0x7D00]  }
0x1a5: {  	v33 =	vld [tilespmem:s12+$0x7D10]  }
0x1a6: {  	v34 =	vld [tilespmem:s12+$0x7D20]  }
0x1a7: {  	v35 =	vld [tilespmem:s12+$0x7D30]  }
0x1a8: {  	v36 =	vld [tilespmem:s12+$0x7D80]  }
0x1a9: {  	v12 =	vadd.f32 v12, v32;
	v32 =	vld [tilespmem:s12+$0x7D90]  }
0x1aa: {  	v6 =	vadd.f32 v6, v33;
	v33 =	vld [tilespmem:s12+$0x7DA0]  }
0x1ab: {  	[tilespmem:s12+$0x7D00] =	vst v12;
	v8 =	vadd.f32 v8, v34;
	v12 =	vld [tilespmem:s12+$0x7DB0]  }
0x1ac: {  	[tilespmem:s12+$0x7D10] =	vst v6;
	v6 =	vadd.f32 v9, v35;
	v9 =	vld [tilespmem:s12+$0x7E00]  }
0x1ad: {  	[tilespmem:s12+$0x7D20] =	vst v8;
	v8 =	vadd.f32 v10, v36;
	v10 =	vld [tilespmem:s12+$0x7E10]  }
0x1ae: {  	[tilespmem:s12+$0x7D30] =	vst v6;
	v6 =	vadd.f32 v7, v32;
	v7 =	vld [tilespmem:s12+$0x7E20]  }
0x1af: {  	[tilespmem:s12+$0x7D80] =	vst v8;
	v8 =	vadd.f32 v11, v33;
	v11 =	vld [tilespmem:s12+$0x7E30]  }
0x1b0: {  	[tilespmem:s12+$0x7D90] =	vst v6;
	v6 =	vadd.f32 v13, v12;
	v12 =	vld [tilespmem:s12+$0x7E80]  }
0x1b1: {  	[tilespmem:s12+$0x7DA0] =	vst v8;
	v8 =	vadd.f32 v14, v9;
	v9 =	vld [tilespmem:s12+$0x7E90]  }
0x1b2: {  	[tilespmem:s12+$0x7DB0] =	vst v6;
	v6 =	vadd.f32 v15, v10;
	v10 =	vld [tilespmem:s12+$0x7EA0]  }
0x1b3: {  	[tilespmem:s12+$0x7E00] =	vst v8;
	v7 =	vadd.f32 v16, v7;
	v8 =	vld [tilespmem:s12+$0x7EB0]  }
0x1b4: {  	[tilespmem:s12+$0x7E10] =	vst v6;
	v6 =	vadd.f32 v17, v11;
	v11 =	vld [tilespmem:s12+$0x7F00]  }
0x1b5: {  	[tilespmem:s12+$0x7E20] =	vst v7;
	v7 =	vadd.f32 v18, v12;
	v12 =	vld [tilespmem:s12+$0x7F10]  }
0x1b6: {  	[tilespmem:s12+$0x7E30] =	vst v6;
	v6 =	vadd.f32 v19, v9;
	v9 =	vld [tilespmem:s12+$0x7F20]  }
0x1b7: {  	[tilespmem:s12+$0x7E80] =	vst v7;
	v7 =	vadd.f32 v20, v10;
	v10 =	vld [tilespmem:s12+$0x7F30]  }
0x1b8: {  	[tilespmem:s12+$0x7E90] =	vst v6;
	v6 =	vadd.f32 v21, v8;
	v8 =	vld [tilespmem:s12+$0x7F80]  }
0x1b9: {  	[tilespmem:s12+$0x7EA0] =	vst v7;
	v7 =	vadd.f32 v22, v11;
	v11 =	vld [tilespmem:s12+$0x7F90]  }
0x1ba: {  	[tilespmem:s12+$0x7EB0] =	vst v6;
	v6 =	vadd.f32 v23, v12;
	v12 =	vld [tilespmem:s12+$0x7FA0]  }
0x1bb: {  	[tilespmem:s12+$0x7F00] =	vst v7;
	v7 =	vadd.f32 v24, v9;
	v9 =	vld [tilespmem:s12+$0x7FB0]  }
0x1bc: {  	[tilespmem:s12+$0x7F10] =	vst v6;
	v6 =	vadd.f32 v25, v10;
	v10 =	vld [tilespmem:s12+$0x8000]  }
0x1bd: {  	[tilespmem:s12+$0x7F20] =	vst v7;
	v8 =	vadd.f32 v26, v8;
	v13 =	vld [tilespmem:s12+$0x8010]  }
.Ltmp4:
0x1be: {  	[tilespmem:s12+$0x7F30] =	vst v6;
	v11 =	vadd.f32 v27, v11;
	v7 =	vld [tilespmem:s12+$0x8020];
	(pc) =	sbr.rel @p0 .LBB2_7-.Ltmp4, $4  }
0x1bf: {  	[tilespmem:s12+$0x7F80] =	vst v8;
	v12 =	vadd.f32 v28, v12;
	v6 =	vld [tilespmem:s12+$0x8030]  }
0x1c0: {  	[tilespmem:s12+$0x7F90] =	vst v11;
	v11 =	vadd.f32 v29, v9;
	v8 =	vld [tilespmem:s12+$0x8080]  }
0x1c1: {  	[tilespmem:s12+$0x7FA0] =	vst v12;
	v12 =	vadd.f32 v30, v10;
	v9 =	vld [tilespmem:s12+$0x8090]  }
0x1c2: {  	s5 =	sadd.s32 $0x1000, s5;
	[tilespmem:s12+$0x7FB0] =	vst v11;
	v11 =	vadd.f32 v31, v13;
	v10 =	vld [tilespmem:s12+$0x80A0]  }
0x1c3: {  	[tilespmem:s12+$0x8000] =	vst v12;
	v5 =	vadd.f32 v5, v7;
	v7 =	vld [tilespmem:s12+$0x80B0]  }
0x1c4: {  	[tilespmem:s12+$0x8010] =	vst v11;
	v4 =	vadd.f32 v4, v6  }
0x1c5: {  	[tilespmem:s12+$0x8020] =	vst v5;
	v3 =	vadd.f32 v3, v8  }
0x1c6: {  	s5 =	smul.u32 $0x32, s7;
	[tilespmem:s12+$0x8030] =	vst v4;
	v2 =	vadd.f32 v2, v9  }
0x1c7: {  	s0 =	rddreg [dreg:$0x3];
	[tilespmem:s12+$0x8080] =	vst v3;
	v1 =	vadd.f32 v1, v10  }
0x1c8: {  	s9 =	sadd.s32 s0, s5;
	[tilespmem:s12+$0x8090] =	vst v2;
	v0 =	vadd.f32 v0, v7  }
0x1c9: {  	s9 =	sshll.u32 s9, $0x7;
	[tilespmem:s12+$0x80A0] =	vst v1  }
0x1ca: {  	s28 =	simm.s32 $0x0;
	s30 =	simm.s32 $0x7D00;
	s9 =	sadd.s32 s6, s9;
	[tilespmem:s12+$0x80B0] =	vst v0  }
0x1cb: {  	[hbm4b:s9+s28] =	stream.linear.scatter [tilespmem:s30], [sflag:$0x3], $0x6400, $0x38;
	[tilespmem:$0x14500] =	vst v63  }
0x1cc: {  	_ =	swait.ge [sflag:s31], $0x6400  }
0x1cd: {  	[sflag:s31] =	ssyncset.done $0x0  }
0x1ce: {  	s12 =	simm.s32 $0x0;
	[sflag:s31] =	ssyncadd.s32 $0xFFFF9C00  }
0x1cf: {  	v6 =	vld [tilespmem:s12+$0x1900]  }
0x1d0: {  	v7 =	vld [tilespmem:s12+$0x1910]  }
0x1d1: {  	v8 =	vld [tilespmem:s12+$0x1920]  }
0x1d2: {  	v9 =	vld [tilespmem:s12+$0x1930]  }
0x1d3: {  	v10 =	vld [tilespmem:s12+$0x1980]  }
0x1d4: {  	v11 =	vld [tilespmem:s12+$0x1990]  }
0x1d5: {  	v12 =	vld [tilespmem:s12+$0x19A0]  }
0x1d6: {  	v13 =	vld [tilespmem:s12+$0x19B0]  }
0x1d7: {  	v14 =	vld [tilespmem:s12+$0x1A00]  }
0x1d8: {  	v15 =	vld [tilespmem:s12+$0x1A10]  }
0x1d9: {  	v16 =	vld [tilespmem:s12+$0x1A20]  }
0x1da: {  	v17 =	vld [tilespmem:s12+$0x1A30]  }
0x1db: {  	v18 =	vld [tilespmem:s12+$0x1A80]  }
0x1dc: {  	v19 =	vld [tilespmem:s12+$0x1A90]  }
0x1dd: {  	v20 =	vld [tilespmem:s12+$0x1AA0]  }
0x1de: {  	v21 =	vld [tilespmem:s12+$0x1AB0]  }
0x1df: {  	v22 =	vld [tilespmem:s12+$0x1B00]  }
0x1e0: {  	v23 =	vld [tilespmem:s12+$0x1B10]  }
0x1e1: {  	v24 =	vld [tilespmem:s12+$0x1B20]  }
0x1e2: {  	v25 =	vld [tilespmem:s12+$0x1B30]  }
0x1e3: {  	v26 =	vld [tilespmem:s12+$0x1B80]  }
0x1e4: {  	v27 =	vld [tilespmem:s12+$0x1B90]  }
0x1e5: {  	v28 =	vld [tilespmem:s12+$0x1BA0]  }
0x1e6: {  	v29 =	vld [tilespmem:s12+$0x1BB0]  }
0x1e7: {  	v30 =	vld [tilespmem:s12+$0x1C00]  }
0x1e8: {  	v31 =	vld [tilespmem:s12+$0x1C10]  }
0x1e9: {  	v5 =	vld [tilespmem:s12+$0x1C20]  }
0x1ea: {  	v4 =	vld [tilespmem:s12+$0x1C30]  }
0x1eb: {  	v3 =	vld [tilespmem:s12+$0x1C80]  }
0x1ec: {  	v2 =	vld [tilespmem:s12+$0x1C90]  }
0x1ed: {  	v1 =	vld [tilespmem:s12+$0x1CA0]  }
0x1ee: {  	v32 =	vld [tilespmem:s12+$0xE100]  }
0x1ef: {  	v33 =	vld [tilespmem:s12+$0xE110]  }
0x1f0: {  	v34 =	vld [tilespmem:s12+$0xE120]  }
0x1f1: {  	v35 =	vld [tilespmem:s12+$0xE130]  }
0x1f2: {  	v36 =	vld [tilespmem:s12+$0xE180]  }
0x1f3: {  	v63 =	vld [tilespmem:s12+$0xE190];
	v6 =	vadd.f32 v6, v32  }
0x1f4: {  	v37 =	vld [tilespmem:s12+$0xE1A0];
	v7 =	vadd.f32 v7, v33  }
0x1f5: {  	v8 =	vadd.f32 v8, v34;
	[tilespmem:s12+$0xE100] =	vst v6;
	v6 =	vld [tilespmem:s12+$0xE1B0]  }
0x1f6: {  	v9 =	vadd.f32 v9, v35;
	[tilespmem:s12+$0xE110] =	vst v7;
	v7 =	vld [tilespmem:s12+$0xE200]  }
0x1f7: {  	v10 =	vadd.f32 v10, v36;
	[tilespmem:s12+$0xE120] =	vst v8;
	v8 =	vld [tilespmem:s12+$0xE210]  }
0x1f8: {  	v11 =	vadd.f32 v11, v63;
	[tilespmem:s12+$0xE130] =	vst v9;
	v9 =	vld [tilespmem:s12+$0xE220]  }
0x1f9: {  	v12 =	vadd.f32 v12, v37;
	[tilespmem:s12+$0xE180] =	vst v10;
	v10 =	vld [tilespmem:s12+$0xE230]  }
0x1fa: {  	[tilespmem:s12+$0xE190] =	vst v11;
	v11 =	vld [tilespmem:s12+$0xE280];
	v6 =	vadd.f32 v13, v6  }
0x1fb: {  	[tilespmem:s12+$0xE1A0] =	vst v12;
	v12 =	vld [tilespmem:s12+$0xE290];
	v7 =	vadd.f32 v14, v7  }
0x1fc: {  	v8 =	vadd.f32 v15, v8;
	[tilespmem:s12+$0xE1B0] =	vst v6;
	v6 =	vld [tilespmem:s12+$0xE2A0]  }
0x1fd: {  	v9 =	vadd.f32 v16, v9;
	[tilespmem:s12+$0xE200] =	vst v7;
	v7 =	vld [tilespmem:s12+$0xE2B0]  }
0x1fe: {  	v10 =	vadd.f32 v17, v10;
	[tilespmem:s12+$0xE210] =	vst v8;
	v8 =	vld [tilespmem:s12+$0xE300]  }
0x1ff: {  	v11 =	vadd.f32 v18, v11;
	[tilespmem:s12+$0xE220] =	vst v9;
	v9 =	vld [tilespmem:s12+$0xE310]  }
0x200: {  	v12 =	vadd.f32 v19, v12;
	[tilespmem:s12+$0xE230] =	vst v10;
	v10 =	vld [tilespmem:s12+$0xE320]  }
0x201: {  	[tilespmem:s12+$0xE280] =	vst v11;
	v11 =	vld [tilespmem:s12+$0xE330];
	v6 =	vadd.f32 v20, v6  }
0x202: {  	[tilespmem:s12+$0xE290] =	vst v12;
	v12 =	vld [tilespmem:s12+$0xE380]  }
0x203: {  	v7 =	vadd.f32 v21, v7;
	[tilespmem:s12+$0xE2A0] =	vst v6;
	v6 =	vld [tilespmem:s12+$0xE390]  }
0x204: {  	v0 =	vld [tilespmem:s12+$0x1CB0];
	v8 =	vadd.f32 v22, v8  }
0x205: {  	[tilespmem:s12+$0xE2B0] =	vst v7;
	v7 =	vadd.f32 v23, v9;
	v9 =	vld [tilespmem:s12+$0xE3B0]  }
0x206: {  	v13 =	vld [tilespmem:s12+$0xE3A0];
	[tilespmem:s12+$0xE300] =	vst v8;
	v8 =	vadd.f32 v24, v10  }
0x207: {  	v10 =	vld [tilespmem:s12+$0xE400];
	[tilespmem:s12+$0xE310] =	vst v7;
	v7 =	vadd.f32 v25, v11  }
0x208: {  	[tilespmem:s12+$0xE320] =	vst v8;
	v11 =	vld [tilespmem:s12+$0xE410];
	v8 =	vadd.f32 v26, v12;
	v12 =	vadd.f32 v27, v6  }
0x209: {  	[tilespmem:s12+$0xE330] =	vst v7;
	v7 =	vld [tilespmem:s12+$0xE420]  }
0x20a: {  	v6 =	vld [tilespmem:s12+$0xE430];
	[tilespmem:s12+$0xE390] =	vst v12;
	v12 =	vadd.f32 v29, v9  }
0x20b: {  	v13 =	vadd.f32 v28, v13;
	[tilespmem:s12+$0xE380] =	vst v8;
	v8 =	vld [tilespmem:s12+$0xE480]  }
0x20c: {  	v9 =	vld [tilespmem:s12+$0xE490];
	[tilespmem:s12+$0xE3B0] =	vst v12;
	v12 =	vadd.f32 v30, v10  }
0x20d: {  	s13 =	simm.s32 $0x1000;
	[tilespmem:s12+$0xE3A0] =	vst v13;
	v11 =	vadd.f32 v31, v11;
	v10 =	vld [tilespmem:s12+$0xE4A0]  }
.LBB2_9:
0x20e: {  	s9 =	sshra.s32 s13, $0x2;
	p0 =	sne.s32 s13, $0x18000;
	[tilespmem:s12+$0xE400] =	vst v12;
	v5 =	vadd.f32 v5, v7;
	v7 =	vld [tilespmem:s12+$0xE4B0]  }
0x20f: {  	v12 =	vld [tilespmem:s9+$0x1900];
	[tilespmem:s12+$0xE410] =	vst v11;
	v4 =	vadd.f32 v4, v6  }
0x210: {  	v6 =	vld [tilespmem:s9+$0x1910];
	[tilespmem:s12+$0xE420] =	vst v5;
	v3 =	vadd.f32 v3, v8  }
0x211: {  	v8 =	vld [tilespmem:s9+$0x1920];
	[tilespmem:s12+$0xE430] =	vst v4;
	v2 =	vadd.f32 v2, v9  }
0x212: {  	v9 =	vld [tilespmem:s9+$0x1930];
	[tilespmem:s12+$0xE480] =	vst v3;
	v1 =	vadd.f32 v1, v10  }
0x213: {  	v10 =	vld [tilespmem:s9+$0x1980];
	[tilespmem:s12+$0xE490] =	vst v2;
	v0 =	vadd.f32 v0, v7  }
0x214: {  	v7 =	vld [tilespmem:s9+$0x1990];
	[tilespmem:s12+$0xE4A0] =	vst v1  }
0x215: {  	v11 =	vld [tilespmem:s9+$0x19A0];
	[tilespmem:s12+$0xE4B0] =	vst v0;
	s12 =	smov.u32 s9  }
0x216: {  	v13 =	vld [tilespmem:s12+$0x19B0]  }
0x217: {  	v14 =	vld [tilespmem:s12+$0x1A00]  }
0x218: {  	v15 =	vld [tilespmem:s12+$0x1A10]  }
0x219: {  	v16 =	vld [tilespmem:s12+$0x1A20]  }
0x21a: {  	v17 =	vld [tilespmem:s12+$0x1A30]  }
0x21b: {  	v18 =	vld [tilespmem:s12+$0x1A80]  }
0x21c: {  	v19 =	vld [tilespmem:s12+$0x1A90]  }
0x21d: {  	v20 =	vld [tilespmem:s12+$0x1AA0]  }
0x21e: {  	v21 =	vld [tilespmem:s12+$0x1AB0]  }
0x21f: {  	v22 =	vld [tilespmem:s12+$0x1B00]  }
0x220: {  	v23 =	vld [tilespmem:s12+$0x1B10]  }
0x221: {  	v24 =	vld [tilespmem:s12+$0x1B20]  }
0x222: {  	v25 =	vld [tilespmem:s12+$0x1B30]  }
0x223: {  	v26 =	vld [tilespmem:s12+$0x1B80]  }
0x224: {  	v27 =	vld [tilespmem:s12+$0x1B90]  }
0x225: {  	v28 =	vld [tilespmem:s12+$0x1BA0]  }
0x226: {  	v29 =	vld [tilespmem:s12+$0x1BB0]  }
0x227: {  	v30 =	vld [tilespmem:s12+$0x1C00]  }
0x228: {  	v31 =	vld [tilespmem:s12+$0x1C10]  }
0x229: {  	v5 =	vld [tilespmem:s12+$0x1C20]  }
0x22a: {  	v4 =	vld [tilespmem:s12+$0x1C30]  }
0x22b: {  	v3 =	vld [tilespmem:s12+$0x1C80]  }
0x22c: {  	v2 =	vld [tilespmem:s12+$0x1C90]  }
0x22d: {  	v1 =	vld [tilespmem:s12+$0x1CA0]  }
0x22e: {  	v0 =	vld [tilespmem:s12+$0x1CB0]  }
0x22f: {  	v32 =	vld [tilespmem:s12+$0xE100]  }
0x230: {  	v33 =	vld [tilespmem:s12+$0xE110]  }
0x231: {  	v34 =	vld [tilespmem:s12+$0xE120]  }
0x232: {  	v35 =	vld [tilespmem:s12+$0xE130]  }
0x233: {  	v36 =	vld [tilespmem:s12+$0xE180]  }
0x234: {  	v12 =	vadd.f32 v12, v32;
	v32 =	vld [tilespmem:s12+$0xE190]  }
0x235: {  	v6 =	vadd.f32 v6, v33;
	v33 =	vld [tilespmem:s12+$0xE1A0]  }
0x236: {  	[tilespmem:s12+$0xE100] =	vst v12;
	v8 =	vadd.f32 v8, v34;
	v12 =	vld [tilespmem:s12+$0xE1B0]  }
0x237: {  	[tilespmem:s12+$0xE110] =	vst v6;
	v6 =	vadd.f32 v9, v35;
	v9 =	vld [tilespmem:s12+$0xE200]  }
0x238: {  	[tilespmem:s12+$0xE120] =	vst v8;
	v8 =	vadd.f32 v10, v36;
	v10 =	vld [tilespmem:s12+$0xE210]  }
0x239: {  	[tilespmem:s12+$0xE130] =	vst v6;
	v6 =	vadd.f32 v7, v32;
	v7 =	vld [tilespmem:s12+$0xE220]  }
0x23a: {  	[tilespmem:s12+$0xE180] =	vst v8;
	v8 =	vadd.f32 v11, v33;
	v11 =	vld [tilespmem:s12+$0xE230]  }
0x23b: {  	[tilespmem:s12+$0xE190] =	vst v6;
	v6 =	vadd.f32 v13, v12;
	v12 =	vld [tilespmem:s12+$0xE280]  }
0x23c: {  	[tilespmem:s12+$0xE1A0] =	vst v8;
	v8 =	vadd.f32 v14, v9;
	v9 =	vld [tilespmem:s12+$0xE290]  }
0x23d: {  	[tilespmem:s12+$0xE1B0] =	vst v6;
	v6 =	vadd.f32 v15, v10;
	v10 =	vld [tilespmem:s12+$0xE2A0]  }
0x23e: {  	[tilespmem:s12+$0xE200] =	vst v8;
	v7 =	vadd.f32 v16, v7;
	v8 =	vld [tilespmem:s12+$0xE2B0]  }
0x23f: {  	[tilespmem:s12+$0xE210] =	vst v6;
	v6 =	vadd.f32 v17, v11;
	v11 =	vld [tilespmem:s12+$0xE300]  }
0x240: {  	[tilespmem:s12+$0xE220] =	vst v7;
	v7 =	vadd.f32 v18, v12;
	v12 =	vld [tilespmem:s12+$0xE310]  }
0x241: {  	[tilespmem:s12+$0xE230] =	vst v6;
	v6 =	vadd.f32 v19, v9;
	v9 =	vld [tilespmem:s12+$0xE320]  }
0x242: {  	[tilespmem:s12+$0xE280] =	vst v7;
	v7 =	vadd.f32 v20, v10;
	v10 =	vld [tilespmem:s12+$0xE330]  }
0x243: {  	[tilespmem:s12+$0xE290] =	vst v6;
	v6 =	vadd.f32 v21, v8;
	v8 =	vld [tilespmem:s12+$0xE380]  }
0x244: {  	[tilespmem:s12+$0xE2A0] =	vst v7;
	v7 =	vadd.f32 v22, v11;
	v11 =	vld [tilespmem:s12+$0xE390]  }
0x245: {  	[tilespmem:s12+$0xE2B0] =	vst v6;
	v6 =	vadd.f32 v23, v12;
	v12 =	vld [tilespmem:s12+$0xE3A0]  }
0x246: {  	[tilespmem:s12+$0xE300] =	vst v7;
	v7 =	vadd.f32 v24, v9;
	v9 =	vld [tilespmem:s12+$0xE3B0]  }
0x247: {  	[tilespmem:s12+$0xE310] =	vst v6;
	v6 =	vadd.f32 v25, v10;
	v10 =	vld [tilespmem:s12+$0xE400]  }
0x248: {  	[tilespmem:s12+$0xE320] =	vst v7;
	v8 =	vadd.f32 v26, v8;
	v13 =	vld [tilespmem:s12+$0xE410]  }
.Ltmp5:
0x249: {  	[tilespmem:s12+$0xE330] =	vst v6;
	v11 =	vadd.f32 v27, v11;
	v7 =	vld [tilespmem:s12+$0xE420];
	(pc) =	sbr.rel @p0 .LBB2_9-.Ltmp5, $4  }
0x24a: {  	[tilespmem:s12+$0xE380] =	vst v8;
	v12 =	vadd.f32 v28, v12;
	v6 =	vld [tilespmem:s12+$0xE430]  }
0x24b: {  	[tilespmem:s12+$0xE390] =	vst v11;
	v11 =	vadd.f32 v29, v9;
	v8 =	vld [tilespmem:s12+$0xE480]  }
0x24c: {  	[tilespmem:s12+$0xE3A0] =	vst v12;
	v12 =	vadd.f32 v30, v10;
	v9 =	vld [tilespmem:s12+$0xE490]  }
0x24d: {  	s13 =	sadd.s32 $0x1000, s13;
	[tilespmem:s12+$0xE3B0] =	vst v11;
	v11 =	vadd.f32 v31, v13;
	v10 =	vld [tilespmem:s12+$0xE4A0]  }
0x24e: {  	[tilespmem:s12+$0xE400] =	vst v12;
	v5 =	vadd.f32 v5, v7;
	v63 =	vld [tilespmem:s12+$0xE4B0]  }
0x24f: {  	[tilespmem:s12+$0xE410] =	vst v11;
	v4 =	vadd.f32 v4, v6  }
0x250: {  	[tilespmem:s12+$0xE420] =	vst v5;
	v3 =	vadd.f32 v3, v8  }
0x251: {  	s0 =	rddreg [dreg:$0x6];
	[tilespmem:s12+$0xE430] =	vst v4;
	v2 =	vadd.f32 v2, v9  }
0x252: {  	s5 =	sadd.s32 s5, s0;
	[tilespmem:s12+$0xE480] =	vst v3;
	v1 =	vadd.f32 v1, v10  }
0x253: {  	s5 =	sshll.u32 s5, $0x7;
	[tilespmem:s12+$0xE490] =	vst v2;
	v0 =	vadd.f32 v0, v63  }
0x254: {  	p0 =	seq.s32 s7, $0xF;
	s5 =	sand.u32 $0x1FFFFF80, s5;
	[tilespmem:s12+$0xE4A0] =	vst v1  }
.Ltmp6:
0x255: {  	s30 =	simm.s32 $0xE100;
	s5 =	sadd.s32 s6, s5;
	[tilespmem:s12+$0xE4B0] =	vst v0;
	(pc) =	sbr.rel @p0 .LBB2_16-.Ltmp6, $4  }
0x256: {  	[hbm4b:s5+s2] =	stream.linear.scatter [tilespmem:s30], [sflag:$0x4], $0x6400, $0x38;
	[tilespmem:$0x14500] =	vst v63  }
0x257: {  	_ =	swait.ge [sflag:s1], $0x6400  }
0x258: {  	[sflag:s1] =	ssyncset.done $0x0  }
0x259: {  	[sflag:s1] =	ssyncadd.s32 $0xFFFF9C00  }
0x25a: {  	v0 =	vld [tilespmem:s14+$0x0];
	_ =	sdelay $0x4  }
0x25b: {  	v0 =	vshll.u32 v0, $0x4  }
0x25c: {  	(v2sf) =	vpush v0, $0x0  }
0x25d: {  	(v2sf) =	vpush v0, $0x1  }
0x25e: {  	(v2sf) =	vpush v0, $0x2;
	_ =	sdelay $0x1  }
0x25f: {  	(v2sf) =	vpush v0, $0x4;
	_ =	sdelay $0x1  }
0x260: {  	s5 =	smul.u32 $0x640, s7;
	(v2sf) =	vpush v0, $0x3  }
0x261: {  	s13 =	simm.s32 $0x2000;
	(v2sf) =	vpush v0, $0x5  }
0x262: {  	s12 =	simm.s32 $0x0;
	s9 =	smov.u32 s14;
	s5 =	sshra.s32 s5, $0x2;
	(v2sf) =	vpush v0, $0x6  }
.LBB2_12:
0x263: {  	p0 =	sne.s32 s13, $0x16000  }
0x264: {  	s24 =	sadd.s32 $0x7D80, s12;
	s18 =	sadd.s32 $0x8280, s12;
	s15 =	smov.u32 s13  }
0x265: {  	s13 =	sadd.s32 $0x2000, s13;
	s21 =	sadd.s32 $0x8080, s12;
	s16 =	sadd.s32 $0x8300, s12;
	(v2sf) =	vpush v0, $0x7  }
0x266: {  	s23 =	sadd.s32 $0x7F80, s12;
	s20 =	sadd.s32 $0x8100, s12;
	s17 =	sadd.s32 $0x8380, s12  }
0x267: {  	s25 =	sadd.s32 $0x7D00, s12;
	s26 =	sadd.s32 $0x7F00, s12;
	(v2sf) =	vpush v0, $0x8  }
0x268: {  	s28 =	sadd.s32 $0x8000, s12;
	s9 =	sadd.s32 $0x10, s9  }
0x269: {  	s30 =	sadd.s32 $0x7E00, s12;
	s19 =	sadd.s32 $0x8200, s12;
	s22 =	spop (v2sf);
	(v2sf) =	vpush v0, $0x9  }
0x26a: {  	s0 =	sand.u32 $0x1FFFFFF0, s22;
	s22 =	sadd.s32 $0x8180, s12;
	s3 =	spop (v2sf)  }
0x26b: {  	s0 =	sadd.s32 s4, s0;
	s3 =	sand.u32 $0x1FFFFFF0, s3;
	s8 =	spop (v2sf);
	(v2sf) =	vpush v0, $0xA  }
0x26c: {  	[tilespmem:s25], [sflag:$0x1] =	stream.linear.gather [hbm4b:s0+s2], $0x80, $0x38;
	[tilespmem:$0x14500] =	vst v63  }
0x26d: {  	s0 =	sadd.s32 s4, s3;
	s3 =	sadd.s32 $0x7E80, s12;
	s25 =	spop (v2sf);
	(v2sf) =	vpush v0, $0xB  }
0x26e: {  	[tilespmem:s24], [sflag:$0x1] =	stream.linear.gather [hbm4b:s0+s2], $0x80, $0x38;
	[tilespmem:$0x14500] =	vst v63  }
0x26f: {  	s0 =	sand.u32 $0x1FFFFFF0, s8;
	s8 =	sand.u32 $0x1FFFFFF0, s25;
	s24 =	spop (v2sf);
	(v2sf) =	vpush v0, $0xC  }
0x270: {  	s0 =	sadd.s32 s4, s0;
	s24 =	sand.u32 $0x1FFFFFF0, s24;
	s25 =	spop (v2sf)  }
0x271: {  	[tilespmem:s30], [sflag:$0x1] =	stream.linear.gather [hbm4b:s0+s2], $0x80, $0x38;
	(v2sf) =	vpush v0, $0xD;
	[tilespmem:$0x14500] =	vst v63  }
0x272: {  	s0 =	sadd.s32 s4, s24;
	s24 =	sand.u32 $0x1FFFFFF0, s25;
	s25 =	spop (v2sf)  }
0x273: {  	[tilespmem:s3], [sflag:$0x1] =	stream.linear.gather [hbm4b:s0+s2], $0x80, $0x38;
	(v2sf) =	vpush v0, $0xE;
	[tilespmem:$0x14500] =	vst v63  }
0x274: {  	s0 =	sadd.s32 s4, s8;
	s3 =	sand.u32 $0x1FFFFFF0, s25;
	s8 =	spop (v2sf)  }
0x275: {  	[tilespmem:s26], [sflag:$0x1] =	stream.linear.gather [hbm4b:s0+s2], $0x80, $0x38;
	(v2sf) =	vpush v0, $0xF;
	[tilespmem:$0x14500] =	vst v63  }
0x276: {  	s0 =	sadd.s32 s4, s24;
	s8 =	sand.u32 $0x1FFFFFF0, s8;
	s24 =	spop (v2sf)  }
0x277: {  	[tilespmem:s23], [sflag:$0x1] =	stream.linear.gather [hbm4b:s0+s2], $0x80, $0x38;
	[tilespmem:$0x14500] =	vst v63  }
0x278: {  	s0 =	sadd.s32 s4, s3;
	s3 =	sand.u32 $0x1FFFFFF0, s24;
	s23 =	spop (v2sf)  }
0x279: {  	[tilespmem:s28], [sflag:$0x1] =	stream.linear.gather [hbm4b:s0+s2], $0x80, $0x38;
	[tilespmem:$0x14500] =	vst v63  }
0x27a: {  	s0 =	sadd.s32 s4, s8;
	s8 =	sand.u32 $0x1FFFFFF0, s23;
	s23 =	spop (v2sf)  }
0x27b: {  	[tilespmem:s21], [sflag:$0x1] =	stream.linear.gather [hbm4b:s0+s2], $0x80, $0x38;
	[tilespmem:$0x14500] =	vst v63  }
0x27c: {  	s0 =	sadd.s32 s4, s3;
	s3 =	sand.u32 $0x1FFFFFF0, s23;
	s21 =	spop (v2sf)  }
0x27d: {  	[tilespmem:s20], [sflag:$0x1] =	stream.linear.gather [hbm4b:s0+s2], $0x80, $0x38;
	[tilespmem:$0x14500] =	vst v63  }
0x27e: {  	s0 =	sadd.s32 s4, s8;
	s8 =	sand.u32 $0x1FFFFFF0, s21;
	s20 =	spop (v2sf)  }
0x27f: {  	[tilespmem:s22], [sflag:$0x1] =	stream.linear.gather [hbm4b:s0+s2], $0x80, $0x38;
	[tilespmem:$0x14500] =	vst v63  }
0x280: {  	s0 =	sadd.s32 s4, s3;
	s3 =	sand.u32 $0x1FFFFFF0, s20;
	s20 =	spop (v2sf)  }
0x281: {  	[tilespmem:s19], [sflag:$0x1] =	stream.linear.gather [hbm4b:s0+s2], $0x80, $0x38;
	[tilespmem:$0x14500] =	vst v63  }
0x282: {  	s0 =	sadd.s32 s4, s8;
	s8 =	sand.u32 $0x1FFFFFF0, s20;
	s19 =	spop (v2sf)  }
0x283: {  	[tilespmem:s18], [sflag:$0x1] =	stream.linear.gather [hbm4b:s0+s2], $0x80, $0x38;
	[tilespmem:$0x14500] =	vst v63  }
0x284: {  	s0 =	sadd.s32 s4, s3;
	s3 =	sand.u32 $0x1FFFFFF0, s19;
	s18 =	spop (v2sf)  }
0x285: {  	[tilespmem:s16], [sflag:$0x1] =	stream.linear.gather [hbm4b:s0+s2], $0x80, $0x38;
	[tilespmem:$0x14500] =	vst v63  }
0x286: {  	s0 =	sadd.s32 s4, s8;
	s8 =	sand.u32 $0x1FFFFFF0, s18  }
0x287: {  	[tilespmem:s17], [sflag:$0x1] =	stream.linear.gather [hbm4b:s0+s2], $0x80, $0x38;
	[tilespmem:$0x14500] =	vst v63  }
0x288: {  	s3 =	sadd.s32 s4, s3;
	s0 =	sadd.s32 $0x8400, s12  }
0x289: {  	[tilespmem:s0], [sflag:$0x1] =	stream.linear.gather [hbm4b:s3+s2], $0x80, $0x38;
	[tilespmem:$0x14500] =	vst v63  }
0x28a: {  	s0 =	sadd.s32 $0x8480, s12;
	s3 =	sadd.s32 s4, s8  }
0x28b: {  	[tilespmem:s0], [sflag:$0x1] =	stream.linear.gather [hbm4b:s3+s2], $0x80, $0x38;
	[tilespmem:$0x14500] =	vst v63  }
0x28c: {  	v0 =	vld [tilespmem:s9+$0x0];
	_ =	sdelay $0x4  }
0x28d: {  	v0 =	vshll.u32 v0, $0x4  }
0x28e: {  	(v2sf) =	vpush v0, $0x0  }
0x28f: {  	(v2sf) =	vpush v0, $0x1  }
0x290: {  	(v2sf) =	vpush v0, $0x2;
	_ =	sdelay $0x1  }
0x291: {  	(v2sf) =	vpush v0, $0x4  }
.Ltmp7:
0x292: {  	(pc) =	sbr.rel @p0 .LBB2_12-.Ltmp7, $3  }
0x293: {  	(v2sf) =	vpush v0, $0x3  }
0x294: {  	(v2sf) =	vpush v0, $0x5;
	_ =	sdelay $0x1  }
0x295: {  	s12 =	sshra.s32 s15, $0x2;
	(v2sf) =	vpush v0, $0x6  }
0x296: {  	_ =	sdelay $0x4  }
0x297: {  	s8 =	sadd.s32 $0x7D00, s12;
	s0 =	spop (v2sf)  }
0x298: {  	s18 =	sadd.s32 $0x7D80, s12;
	(v2sf) =	vpush v0, $0x7;
	s0 =	sand.u32 $0x1FFFFFF0, s0;
	s3 =	spop (v2sf)  }
0x299: {  	s0 =	sadd.s32 s4, s0;
	s3 =	sand.u32 $0x1FFFFFF0, s3;
	s19 =	spop (v2sf)  }
0x29a: {  	[tilespmem:s8], [sflag:$0x1] =	stream.linear.gather [hbm4b:s0+s2], $0x80, $0x38;
	[tilespmem:$0x14500] =	vst v63  }
0x29b: {  	s3 =	sadd.s32 s4, s3;
	s20 =	sand.u32 $0x1FFFFFF0, s19;
	s22 =	spop (v2sf)  }
0x29c: {  	[tilespmem:s18], [sflag:$0x1] =	stream.linear.gather [hbm4b:s3+s2], $0x80, $0x38;
	[tilespmem:$0x14500] =	vst v63  }
0x29d: {  	s21 =	sadd.s32 $0x7E00, s12;
	s0 =	sadd.s32 s4, s20;
	s23 =	spop (v2sf);
	(v2sf) =	vpush v0, $0x8  }
0x29e: {  	[tilespmem:s21], [sflag:$0x1] =	stream.linear.gather [hbm4b:s0+s2], $0x80, $0x38;
	[tilespmem:$0x14500] =	vst v63  }
0x29f: {  	s0 =	sand.u32 $0x1FFFFFF0, s23;
	(v2sf) =	vpush v0, $0x9  }
0x2a0: {  	s24 =	sadd.s32 $0x7E80, s12;
	s25 =	sand.u32 $0x1FFFFFF0, s22;
	s0 =	sadd.s32 s4, s0  }
0x2a1: {  	(v2sf) =	vpush v0, $0xA;
	[tilespmem:s24], [sflag:$0x1] =	stream.linear.gather [hbm4b:s0+s2], $0x80, $0x38;
	[tilespmem:$0x14500] =	vst v63  }
0x2a2: {  	s26 =	sadd.s32 $0x7F00, s12;
	s28 =	spop (v2sf);
	s0 =	sadd.s32 s4, s25  }
0x2a3: {  	[tilespmem:s26], [sflag:$0x1] =	stream.linear.gather [hbm4b:s0+s2], $0x80, $0x38;
	[tilespmem:$0x14500] =	vst v63  }
0x2a4: {  	s0 =	sand.u32 $0x1FFFFFF0, s28  }
0x2a5: {  	s30 =	sadd.s32 $0x7F80, s12;
	s3 =	spop (v2sf);
	s0 =	sadd.s32 s4, s0  }
0x2a6: {  	[tilespmem:s30], [sflag:$0x1] =	stream.linear.gather [hbm4b:s0+s2], $0x80, $0x38;
	[tilespmem:$0x14500] =	vst v63  }
0x2a7: {  	s9 =	spop (v2sf);
	(v2sf) =	vpush v0, $0xB  }
0x2a8: {  	s0 =	sand.u32 $0x1FFFFFF0, s3  }
0x2a9: {  	s8 =	sadd.s32 $0x8000, s12;
	s0 =	sadd.s32 s4, s0  }
0x2aa: {  	[tilespmem:s8], [sflag:$0x1] =	stream.linear.gather [hbm4b:s0+s2], $0x80, $0x38;
	[tilespmem:$0x14500] =	vst v63  }
0x2ab: {  	s0 =	sand.u32 $0x1FFFFFF0, s9  }
0x2ac: {  	s13 =	sadd.s32 $0x8080, s12;
	s0 =	sadd.s32 s4, s0;
	s15 =	spop (v2sf);
	(v2sf) =	vpush v0, $0xC  }
0x2ad: {  	[tilespmem:s13], [sflag:$0x1] =	stream.linear.gather [hbm4b:s0+s2], $0x80, $0x38;
	[tilespmem:$0x14500] =	vst v63  }
0x2ae: {  	s17 =	spop (v2sf);
	(v2sf) =	vpush v0, $0xD  }
0x2af: {  	s0 =	sand.u32 $0x1FFFFFF0, s15  }
0x2b0: {  	s16 =	sadd.s32 $0x8100, s12;
	s0 =	sadd.s32 s4, s0;
	s19 =	spop (v2sf)  }
0x2b1: {  	(v2sf) =	vpush v0, $0xE;
	[tilespmem:s16], [sflag:$0x1] =	stream.linear.gather [hbm4b:s0+s2], $0x80, $0x38;
	[tilespmem:$0x14500] =	vst v63  }
0x2b2: {  	s0 =	sand.u32 $0x1FFFFFF0, s17  }
0x2b3: {  	s18 =	sadd.s32 $0x8180, s12;
	s0 =	sadd.s32 s4, s0  }
0x2b4: {  	[tilespmem:s18], [sflag:$0x1] =	stream.linear.gather [hbm4b:s0+s2], $0x80, $0x38;
	[tilespmem:$0x14500] =	vst v63  }
0x2b5: {  	s0 =	sand.u32 $0x1FFFFFF0, s19  }
0x2b6: {  	s20 =	sadd.s32 $0x8200, s12;
	s0 =	sadd.s32 s4, s0;
	s21 =	spop (v2sf);
	(v2sf) =	vpush v0, $0xF  }
0x2b7: {  	[tilespmem:s20], [sflag:$0x1] =	stream.linear.gather [hbm4b:s0+s2], $0x80, $0x38;
	[tilespmem:$0x14500] =	vst v63  }
0x2b8: {  	s0 =	sand.u32 $0x1FFFFFF0, s21  }
0x2b9: {  	s22 =	sadd.s32 $0x8280, s12;
	s0 =	sadd.s32 s4, s0  }
0x2ba: {  	[tilespmem:s22], [sflag:$0x1] =	stream.linear.gather [hbm4b:s0+s2], $0x80, $0x38;
	[tilespmem:$0x14500] =	vst v63  }
0x2bb: {  	s23 =	spop (v2sf)  }
0x2bc: {  	s0 =	sand.u32 $0x1FFFFFF0, s23  }
0x2bd: {  	s24 =	sadd.s32 $0x8300, s12;
	s25 =	spop (v2sf);
	s0 =	sadd.s32 s4, s0  }
0x2be: {  	[tilespmem:s24], [sflag:$0x1] =	stream.linear.gather [hbm4b:s0+s2], $0x80, $0x38;
	[tilespmem:$0x14500] =	vst v63  }
0x2bf: {  	s0 =	sand.u32 $0x1FFFFFF0, s25  }
0x2c0: {  	s26 =	sadd.s32 $0x8380, s12;
	s28 =	spop (v2sf);
	s0 =	sadd.s32 s4, s0  }
0x2c1: {  	[tilespmem:s26], [sflag:$0x1] =	stream.linear.gather [hbm4b:s0+s2], $0x80, $0x38;
	[tilespmem:$0x14500] =	vst v63  }
0x2c2: {  	s0 =	sand.u32 $0x1FFFFFF0, s28  }
0x2c3: {  	s30 =	sadd.s32 $0x8400, s12;
	s0 =	sadd.s32 s4, s0  }
0x2c4: {  	[tilespmem:s30], [sflag:$0x1] =	stream.linear.gather [hbm4b:s0+s2], $0x80, $0x38;
	[tilespmem:$0x14500] =	vst v63  }
0x2c5: {  	s3 =	spop (v2sf)  }
0x2c6: {  	s0 =	sand.u32 $0x1FFFFFF0, s3  }
0x2c7: {  	s8 =	sadd.s32 $0x8480, s12;
	s0 =	sadd.s32 s4, s0  }
0x2c8: {  	[tilespmem:s8], [sflag:$0x1] =	stream.linear.gather [hbm4b:s0+s2], $0x80, $0x38;
	[tilespmem:$0x14500] =	vst v63  }
0x2c9: {  	v0 =	vld [tilespmem:s5+$0x250];
	_ =	sdelay $0x4  }
0x2ca: {  	v0 =	vshll.u32 v0, $0x4  }
0x2cb: {  	(v2sf) =	vpush v0, $0x0  }
0x2cc: {  	(v2sf) =	vpush v0, $0x1  }
0x2cd: {  	(v2sf) =	vpush v0, $0x2;
	_ =	sdelay $0x2  }
0x2ce: {  	(v2sf) =	vpush v0, $0x3;
	_ =	sdelay $0x5  }
0x2cf: {  	(v2sf) =	vpush v0, $0x4;
	_ =	sdelay $0x3  }
0x2d0: {  	s9 =	spop (v2sf)  }
0x2d1: {  	s12 =	simm.s32 $0x0;
	s0 =	sand.u32 $0x1FFFFFF0, s9;
	s15 =	spop (v2sf);
	(v2sf) =	vpush v0, $0x5  }
0x2d2: {  	s13 =	simm.s32 $0xDD00;
	s0 =	sadd.s32 s4, s0;
	s17 =	spop (v2sf)  }
0x2d3: {  	(v2sf) =	vpush v0, $0x6;
	[tilespmem:s13], [sflag:$0x1] =	stream.linear.gather [hbm4b:s0+s12], $0x80, $0x38;
	[tilespmem:$0x14500] =	vst v63  }
0x2d4: {  	s0 =	sand.u32 $0x1FFFFFF0, s15  }
0x2d5: {  	s16 =	simm.s32 $0xDD80;
	s19 =	spop (v2sf);
	s0 =	sadd.s32 s4, s0  }
0x2d6: {  	(v2sf) =	vpush v0, $0x7;
	[tilespmem:s16], [sflag:$0x1] =	stream.linear.gather [hbm4b:s0+s12], $0x80, $0x38;
	[tilespmem:$0x14500] =	vst v63  }
0x2d7: {  	s0 =	sand.u32 $0x1FFFFFF0, s17  }
0x2d8: {  	s18 =	simm.s32 $0xDE00;
	s0 =	sadd.s32 s4, s0  }
0x2d9: {  	[tilespmem:s18], [sflag:$0x1] =	stream.linear.gather [hbm4b:s0+s12], $0x80, $0x38;
	[tilespmem:$0x14500] =	vst v63  }
0x2da: {  	s0 =	sand.u32 $0x1FFFFFF0, s19  }
0x2db: {  	s20 =	simm.s32 $0xDE80;
	s21 =	spop (v2sf);
	s0 =	sadd.s32 s4, s0  }
0x2dc: {  	[tilespmem:s20], [sflag:$0x1] =	stream.linear.gather [hbm4b:s0+s12], $0x80, $0x38;
	[tilespmem:$0x14500] =	vst v63  }
0x2dd: {  	s0 =	sand.u32 $0x1FFFFFF0, s21  }
0x2de: {  	s22 =	simm.s32 $0xDF00;
	s0 =	sadd.s32 s4, s0  }
0x2df: {  	[tilespmem:s22], [sflag:$0x1] =	stream.linear.gather [hbm4b:s0+s12], $0x80, $0x38;
	[tilespmem:$0x14500] =	vst v63  }
0x2e0: {  	s23 =	spop (v2sf)  }
0x2e1: {  	s0 =	sand.u32 $0x1FFFFFF0, s23  }
0x2e2: {  	s24 =	simm.s32 $0xDF80;
	s25 =	spop (v2sf);
	s0 =	sadd.s32 s4, s0  }
0x2e3: {  	[tilespmem:s24], [sflag:$0x1] =	stream.linear.gather [hbm4b:s0+s12], $0x80, $0x38;
	[tilespmem:$0x14500] =	vst v63  }
0x2e4: {  	s0 =	sand.u32 $0x1FFFFFF0, s25  }
0x2e5: {  	s26 =	simm.s32 $0xE000;
	s28 =	spop (v2sf);
	s0 =	sadd.s32 s4, s0  }
0x2e6: {  	[tilespmem:s26], [sflag:$0x1] =	stream.linear.gather [hbm4b:s0+s12], $0x80, $0x38;
	[tilespmem:$0x14500] =	vst v63  }
0x2e7: {  	s0 =	sand.u32 $0x1FFFFFF0, s28  }
0x2e8: {  	s30 =	simm.s32 $0xE080;
	s0 =	sadd.s32 s4, s0  }
0x2e9: {  	[tilespmem:s30], [sflag:$0x1] =	stream.linear.gather [hbm4b:s0+s12], $0x80, $0x38;
	[tilespmem:$0x14500] =	vst v63  }
0x2ea: {  	_ =	swait.ge [sflag:s11], $0x6400  }
0x2eb: {  	[sflag:s11] =	ssyncset.done $0x0  }
0x2ec: {  	[sflag:s11] =	ssyncadd.s32 $0xFFFF9C00  }
0x2ed: {  	v0 =	vld [tilespmem:s10+$0x0];
	_ =	sdelay $0x4  }
0x2ee: {  	v0 =	vshll.u32 v0, $0x4  }
0x2ef: {  	(v2sf) =	vpush v0, $0x0  }
0x2f0: {  	(v2sf) =	vpush v0, $0x1  }
0x2f1: {  	(v2sf) =	vpush v0, $0x2;
	_ =	sdelay $0x1  }
0x2f2: {  	(v2sf) =	vpush v0, $0x4;
	_ =	sdelay $0x1  }
0x2f3: {  	(v2sf) =	vpush v0, $0x3  }
0x2f4: {  	(v2sf) =	vpush v0, $0x5  }
0x2f5: {  	s9 =	smov.u32 s10;
	s13 =	simm.s32 $0x2000;
	s12 =	simm.s32 $0x0;
	(v2sf) =	vpush v0, $0x6  }
.LBB2_14:
0x2f6: {  	p0 =	sne.s32 s13, $0x16000  }
0x2f7: {  	s0 =	sadd.s32 $0xE180, s12;
	s18 =	sadd.s32 $0xE680, s12;
	s15 =	smov.u32 s13  }
0x2f8: {  	s13 =	sadd.s32 $0x2000, s13;
	s21 =	sadd.s32 $0xE480, s12;
	s16 =	sadd.s32 $0xE700, s12;
	(v2sf) =	vpush v0, $0x7  }
0x2f9: {  	s23 =	sadd.s32 $0xE380, s12;
	s20 =	sadd.s32 $0xE500, s12;
	s17 =	sadd.s32 $0xE780, s12  }
0x2fa: {  	s3 =	sadd.s32 $0xE100, s12;
	s8 =	sadd.s32 $0xE300, s12;
	(v2sf) =	vpush v0, $0x8  }
0x2fb: {  	s24 =	sadd.s32 $0xE400, s12;
	s9 =	sadd.s32 $0x10, s9  }
0x2fc: {  	s25 =	sadd.s32 $0xE200, s12;
	s19 =	sadd.s32 $0xE600, s12;
	s22 =	spop (v2sf);
	(v2sf) =	vpush v0, $0x9  }
0x2fd: {  	s26 =	sand.u32 $0x1FFFFFF0, s22;
	s22 =	sadd.s32 $0xE580, s12;
	s28 =	spop (v2sf)  }
0x2fe: {  	s26 =	sadd.s32 s4, s26;
	s28 =	sand.u32 $0x1FFFFFF0, s28;
	s30 =	spop (v2sf);
	(v2sf) =	vpush v0, $0xA  }
0x2ff: {  	[tilespmem:s3], [sflag:$0x2] =	stream.linear.gather [hbm4b:s26+s2], $0x80, $0x38;
	[tilespmem:$0x14500] =	vst v63  }
0x300: {  	s3 =	sadd.s32 s4, s28;
	s26 =	sadd.s32 $0xE280, s12;
	s28 =	spop (v2sf);
	(v2sf) =	vpush v0, $0xB  }
0x301: {  	[tilespmem:s0], [sflag:$0x2] =	stream.linear.gather [hbm4b:s3+s2], $0x80, $0x38;
	[tilespmem:$0x14500] =	vst v63  }
0x302: {  	s0 =	sand.u32 $0x1FFFFFF0, s30;
	s3 =	sand.u32 $0x1FFFFFF0, s28;
	s28 =	spop (v2sf);
	(v2sf) =	vpush v0, $0xC  }
0x303: {  	s0 =	sadd.s32 s4, s0;
	s28 =	sand.u32 $0x1FFFFFF0, s28;
	s30 =	spop (v2sf)  }
0x304: {  	[tilespmem:s25], [sflag:$0x2] =	stream.linear.gather [hbm4b:s0+s2], $0x80, $0x38;
	(v2sf) =	vpush v0, $0xD;
	[tilespmem:$0x14500] =	vst v63  }
0x305: {  	s0 =	sadd.s32 s4, s28;
	s25 =	sand.u32 $0x1FFFFFF0, s30;
	s28 =	spop (v2sf)  }
0x306: {  	[tilespmem:s26], [sflag:$0x2] =	stream.linear.gather [hbm4b:s0+s2], $0x80, $0x38;
	(v2sf) =	vpush v0, $0xE;
	[tilespmem:$0x14500] =	vst v63  }
0x307: {  	s0 =	sadd.s32 s4, s3;
	s3 =	sand.u32 $0x1FFFFFF0, s28;
	s26 =	spop (v2sf)  }
0x308: {  	[tilespmem:s8], [sflag:$0x2] =	stream.linear.gather [hbm4b:s0+s2], $0x80, $0x38;
	(v2sf) =	vpush v0, $0xF;
	[tilespmem:$0x14500] =	vst v63  }
0x309: {  	s0 =	sadd.s32 s4, s25;
	s8 =	sand.u32 $0x1FFFFFF0, s26;
	s25 =	spop (v2sf)  }
0x30a: {  	[tilespmem:s23], [sflag:$0x2] =	stream.linear.gather [hbm4b:s0+s2], $0x80, $0x38;
	[tilespmem:$0x14500] =	vst v63  }
0x30b: {  	s0 =	sadd.s32 s4, s3;
	s3 =	sand.u32 $0x1FFFFFF0, s25;
	s23 =	spop (v2sf)  }
0x30c: {  	[tilespmem:s24], [sflag:$0x2] =	stream.linear.gather [hbm4b:s0+s2], $0x80, $0x38;
	[tilespmem:$0x14500] =	vst v63  }
0x30d: {  	s0 =	sadd.s32 s4, s8;
	s8 =	sand.u32 $0x1FFFFFF0, s23;
	s23 =	spop (v2sf)  }
0x30e: {  	[tilespmem:s21], [sflag:$0x2] =	stream.linear.gather [hbm4b:s0+s2], $0x80, $0x38;
	[tilespmem:$0x14500] =	vst v63  }
0x30f: {  	s0 =	sadd.s32 s4, s3;
	s3 =	sand.u32 $0x1FFFFFF0, s23;
	s21 =	spop (v2sf)  }
0x310: {  	[tilespmem:s20], [sflag:$0x2] =	stream.linear.gather [hbm4b:s0+s2], $0x80, $0x38;
	[tilespmem:$0x14500] =	vst v63  }
0x311: {  	s0 =	sadd.s32 s4, s8;
	s8 =	sand.u32 $0x1FFFFFF0, s21;
	s20 =	spop (v2sf)  }
0x312: {  	[tilespmem:s22], [sflag:$0x2] =	stream.linear.gather [hbm4b:s0+s2], $0x80, $0x38;
	[tilespmem:$0x14500] =	vst v63  }
0x313: {  	s0 =	sadd.s32 s4, s3;
	s3 =	sand.u32 $0x1FFFFFF0, s20;
	s20 =	spop (v2sf)  }
0x314: {  	[tilespmem:s19], [sflag:$0x2] =	stream.linear.gather [hbm4b:s0+s2], $0x80, $0x38;
	[tilespmem:$0x14500] =	vst v63  }
0x315: {  	s0 =	sadd.s32 s4, s8;
	s8 =	sand.u32 $0x1FFFFFF0, s20;
	s19 =	spop (v2sf)  }
0x316: {  	[tilespmem:s18], [sflag:$0x2] =	stream.linear.gather [hbm4b:s0+s2], $0x80, $0x38;
	[tilespmem:$0x14500] =	vst v63  }
0x317: {  	s0 =	sadd.s32 s4, s3;
	s3 =	sand.u32 $0x1FFFFFF0, s19;
	s18 =	spop (v2sf)  }
0x318: {  	[tilespmem:s16], [sflag:$0x2] =	stream.linear.gather [hbm4b:s0+s2], $0x80, $0x38;
	[tilespmem:$0x14500] =	vst v63  }
0x319: {  	s0 =	sadd.s32 s4, s8;
	s8 =	sand.u32 $0x1FFFFFF0, s18  }
0x31a: {  	[tilespmem:s17], [sflag:$0x2] =	stream.linear.gather [hbm4b:s0+s2], $0x80, $0x38;
	[tilespmem:$0x14500] =	vst v63  }
0x31b: {  	s3 =	sadd.s32 s4, s3;
	s0 =	sadd.s32 $0xE800, s12  }
0x31c: {  	[tilespmem:s0], [sflag:$0x2] =	stream.linear.gather [hbm4b:s3+s2], $0x80, $0x38;
	[tilespmem:$0x14500] =	vst v63  }
0x31d: {  	s0 =	sadd.s32 $0xE880, s12;
	s3 =	sadd.s32 s4, s8  }
0x31e: {  	[tilespmem:s0], [sflag:$0x2] =	stream.linear.gather [hbm4b:s3+s2], $0x80, $0x38;
	[tilespmem:$0x14500] =	vst v63  }
0x31f: {  	v0 =	vld [tilespmem:s9+$0x0];
	_ =	sdelay $0x4  }
0x320: {  	v0 =	vshll.u32 v0, $0x4  }
0x321: {  	(v2sf) =	vpush v0, $0x0  }
0x322: {  	(v2sf) =	vpush v0, $0x1  }
0x323: {  	(v2sf) =	vpush v0, $0x2;
	_ =	sdelay $0x1  }
0x324: {  	(v2sf) =	vpush v0, $0x4  }
.Ltmp8:
0x325: {  	(pc) =	sbr.rel @p0 .LBB2_14-.Ltmp8, $3  }
0x326: {  	(v2sf) =	vpush v0, $0x3  }
0x327: {  	(v2sf) =	vpush v0, $0x5;
	_ =	sdelay $0x1  }
0x328: {  	s12 =	sshra.s32 s15, $0x2;
	(v2sf) =	vpush v0, $0x6  }
0x329: {  	_ =	sdelay $0x5  }
0x32a: {  	s0 =	spop (v2sf)  }
0x32b: {  	s3 =	spop (v2sf)  }
0x32c: {  	s19 =	spop (v2sf)  }
0x32d: {  	s22 =	spop (v2sf);
	(v2sf) =	vpush v0, $0x7  }
0x32e: {  	s0 =	sand.u32 $0x1FFFFFF0, s0  }
0x32f: {  	s8 =	sadd.s32 $0xE100, s12;
	s0 =	sadd.s32 s4, s0  }
0x330: {  	[tilespmem:s8], [sflag:$0x2] =	stream.linear.gather [hbm4b:s0+s2], $0x80, $0x38;
	[tilespmem:$0x14500] =	vst v63  }
0x331: {  	s3 =	sand.u32 $0x1FFFFFF0, s3;
	s23 =	spop (v2sf);
	(v2sf) =	vpush v0, $0x8  }
0x332: {  	s18 =	sadd.s32 $0xE180, s12;
	s3 =	sadd.s32 s4, s3  }
0x333: {  	[tilespmem:s18], [sflag:$0x2] =	stream.linear.gather [hbm4b:s3+s2], $0x80, $0x38;
	[tilespmem:$0x14500] =	vst v63  }
0x334: {  	s20 =	sand.u32 $0x1FFFFFF0, s19;
	s28 =	spop (v2sf);
	(v2sf) =	vpush v0, $0x9  }
0x335: {  	s21 =	sadd.s32 $0xE200, s12;
	s0 =	sadd.s32 s4, s20  }
0x336: {  	[tilespmem:s21], [sflag:$0x2] =	stream.linear.gather [hbm4b:s0+s2], $0x80, $0x38;
	[tilespmem:$0x14500] =	vst v63  }
0x337: {  	s0 =	sand.u32 $0x1FFFFFF0, s23;
	s3 =	spop (v2sf);
	(v2sf) =	vpush v0, $0xA  }
0x338: {  	s24 =	sadd.s32 $0xE280, s12;
	s25 =	sand.u32 $0x1FFFFFF0, s22;
	s0 =	sadd.s32 s4, s0  }
0x339: {  	[tilespmem:s24], [sflag:$0x2] =	stream.linear.gather [hbm4b:s0+s2], $0x80, $0x38;
	[tilespmem:$0x14500] =	vst v63  }
0x33a: {  	s26 =	sadd.s32 $0xE300, s12;
	s0 =	sadd.s32 s4, s25  }
0x33b: {  	[tilespmem:s26], [sflag:$0x2] =	stream.linear.gather [hbm4b:s0+s2], $0x80, $0x38;
	[tilespmem:$0x14500] =	vst v63  }
0x33c: {  	s0 =	sand.u32 $0x1FFFFFF0, s28;
	s9 =	spop (v2sf);
	(v2sf) =	vpush v0, $0xB  }
0x33d: {  	s30 =	sadd.s32 $0xE380, s12;
	s0 =	sadd.s32 s4, s0  }
0x33e: {  	[tilespmem:s30], [sflag:$0x2] =	stream.linear.gather [hbm4b:s0+s2], $0x80, $0x38;
	[tilespmem:$0x14500] =	vst v63  }
0x33f: {  	s0 =	sand.u32 $0x1FFFFFF0, s3  }
0x340: {  	s8 =	sadd.s32 $0xE400, s12;
	s0 =	sadd.s32 s4, s0;
	s15 =	spop (v2sf);
	(v2sf) =	vpush v0, $0xC  }
0x341: {  	[tilespmem:s8], [sflag:$0x2] =	stream.linear.gather [hbm4b:s0+s2], $0x80, $0x38;
	[tilespmem:$0x14500] =	vst v63  }
0x342: {  	s0 =	sand.u32 $0x1FFFFFF0, s9  }
0x343: {  	s13 =	sadd.s32 $0xE480, s12;
	s0 =	sadd.s32 s4, s0;
	s17 =	spop (v2sf);
	(v2sf) =	vpush v0, $0xD  }
0x344: {  	[tilespmem:s13], [sflag:$0x2] =	stream.linear.gather [hbm4b:s0+s2], $0x80, $0x38;
	[tilespmem:$0x14500] =	vst v63  }
0x345: {  	s0 =	sand.u32 $0x1FFFFFF0, s15  }
0x346: {  	s16 =	sadd.s32 $0xE500, s12;
	s0 =	sadd.s32 s4, s0;
	s19 =	spop (v2sf);
	(v2sf) =	vpush v0, $0xE  }
0x347: {  	[tilespmem:s16], [sflag:$0x2] =	stream.linear.gather [hbm4b:s0+s2], $0x80, $0x38;
	[tilespmem:$0x14500] =	vst v63  }
0x348: {  	s0 =	sand.u32 $0x1FFFFFF0, s17  }
0x349: {  	s18 =	sadd.s32 $0xE580, s12;
	s0 =	sadd.s32 s4, s0  }
0x34a: {  	[tilespmem:s18], [sflag:$0x2] =	stream.linear.gather [hbm4b:s0+s2], $0x80, $0x38;
	[tilespmem:$0x14500] =	vst v63  }
0x34b: {  	s0 =	sand.u32 $0x1FFFFFF0, s19;
	s21 =	spop (v2sf);
	(v2sf) =	vpush v0, $0xF  }
0x34c: {  	s20 =	sadd.s32 $0xE600, s12;
	s0 =	sadd.s32 s4, s0  }
0x34d: {  	[tilespmem:s20], [sflag:$0x2] =	stream.linear.gather [hbm4b:s0+s2], $0x80, $0x38;
	[tilespmem:$0x14500] =	vst v63  }
0x34e: {  	s0 =	sand.u32 $0x1FFFFFF0, s21  }
0x34f: {  	s22 =	sadd.s32 $0xE680, s12;
	s0 =	sadd.s32 s4, s0;
	s23 =	spop (v2sf)  }
0x350: {  	[tilespmem:s22], [sflag:$0x2] =	stream.linear.gather [hbm4b:s0+s2], $0x80, $0x38;
	[tilespmem:$0x14500] =	vst v63  }
0x351: {  	s0 =	sand.u32 $0x1FFFFFF0, s23  }
0x352: {  	s24 =	sadd.s32 $0xE700, s12;
	s25 =	spop (v2sf);
	s0 =	sadd.s32 s4, s0  }
0x353: {  	[tilespmem:s24], [sflag:$0x2] =	stream.linear.gather [hbm4b:s0+s2], $0x80, $0x38;
	[tilespmem:$0x14500] =	vst v63  }
0x354: {  	s0 =	sand.u32 $0x1FFFFFF0, s25  }
0x355: {  	s26 =	sadd.s32 $0xE780, s12;
	s28 =	spop (v2sf);
	s0 =	sadd.s32 s4, s0  }
0x356: {  	[tilespmem:s26], [sflag:$0x2] =	stream.linear.gather [hbm4b:s0+s2], $0x80, $0x38;
	[tilespmem:$0x14500] =	vst v63  }
0x357: {  	s0 =	sand.u32 $0x1FFFFFF0, s28  }
0x358: {  	s30 =	sadd.s32 $0xE800, s12;
	s0 =	sadd.s32 s4, s0  }
0x359: {  	[tilespmem:s30], [sflag:$0x2] =	stream.linear.gather [hbm4b:s0+s2], $0x80, $0x38;
	[tilespmem:$0x14500] =	vst v63  }
0x35a: {  	s8 =	spop (v2sf)  }
0x35b: {  	s0 =	sand.u32 $0x1FFFFFF0, s8  }
0x35c: {  	s9 =	sadd.s32 $0xE880, s12;
	s0 =	sadd.s32 s4, s0  }
0x35d: {  	[tilespmem:s9], [sflag:$0x2] =	stream.linear.gather [hbm4b:s0+s2], $0x80, $0x38;
	[tilespmem:$0x14500] =	vst v63  }
0x35e: {  	v63 =	vld [tilespmem:s5+$0x318];
	_ =	sdelay $0x4  }
0x35f: {  	v0 =	vshll.u32 v63, $0x4  }
0x360: {  	(v2sf) =	vpush v0, $0x0;
	_ =	sdelay $0x1  }
0x361: {  	(v2sf) =	vpush v0, $0x1;
	_ =	sdelay $0x1  }
0x362: {  	(v2sf) =	vpush v0, $0x2;
	_ =	sdelay $0x2  }
0x363: {  	(v2sf) =	vpush v0, $0x3;
	_ =	sdelay $0x7  }
0x364: {  	s12 =	spop (v2sf);
	(v2sf) =	vpush v0, $0x4;
	_ =	sdelay $0x1  }
0x365: {  	s15 =	spop (v2sf);
	(v2sf) =	vpush v0, $0x5  }
0x366: {  	s0 =	sand.u32 $0x1FFFFFF0, s12  }
0x367: {  	s13 =	simm.s32 $0x14100;
	s0 =	sadd.s32 s4, s0;
	s17 =	spop (v2sf)  }
0x368: {  	(v2sf) =	vpush v0, $0x6;
	[tilespmem:s13], [sflag:$0x2] =	stream.linear.gather [hbm4b:s0+s2], $0x80, $0x38;
	[tilespmem:$0x14500] =	vst v63  }
0x369: {  	s0 =	sand.u32 $0x1FFFFFF0, s15  }
0x36a: {  	s16 =	simm.s32 $0x14180;
	s19 =	spop (v2sf);
	s0 =	sadd.s32 s4, s0  }
0x36b: {  	(v2sf) =	vpush v0, $0x7;
	[tilespmem:s16], [sflag:$0x2] =	stream.linear.gather [hbm4b:s0+s2], $0x80, $0x38;
	[tilespmem:$0x14500] =	vst v63  }
0x36c: {  	s0 =	sand.u32 $0x1FFFFFF0, s17  }
0x36d: {  	s18 =	simm.s32 $0x14200;
	s0 =	sadd.s32 s4, s0  }
0x36e: {  	[tilespmem:s18], [sflag:$0x2] =	stream.linear.gather [hbm4b:s0+s2], $0x80, $0x38;
	[tilespmem:$0x14500] =	vst v63  }
0x36f: {  	s0 =	sand.u32 $0x1FFFFFF0, s19  }
0x370: {  	s20 =	simm.s32 $0x14280;
	s0 =	sadd.s32 s4, s0  }
0x371: {  	[tilespmem:s20], [sflag:$0x2] =	stream.linear.gather [hbm4b:s0+s2], $0x80, $0x38;
	[tilespmem:$0x14500] =	vst v63  }
0x372: {  	s21 =	spop (v2sf)  }
0x373: {  	s0 =	sand.u32 $0x1FFFFFF0, s21  }
0x374: {  	s22 =	simm.s32 $0x14300;
	s23 =	spop (v2sf);
	s0 =	sadd.s32 s4, s0  }
0x375: {  	[tilespmem:s22], [sflag:$0x2] =	stream.linear.gather [hbm4b:s0+s2], $0x80, $0x38;
	[tilespmem:$0x14500] =	vst v63  }
0x376: {  	s0 =	sand.u32 $0x1FFFFFF0, s23  }
0x377: {  	s24 =	simm.s32 $0x14380;
	s25 =	spop (v2sf);
	s0 =	sadd.s32 s4, s0  }
0x378: {  	[tilespmem:s24], [sflag:$0x2] =	stream.linear.gather [hbm4b:s0+s2], $0x80, $0x38;
	[tilespmem:$0x14500] =	vst v63  }
0x379: {  	s26 =	simm.s32 $0x14400;
	s0 =	sand.u32 $0x1FFFFFF0, s25  }
.Ltmp9:
0x37a: {  	s28 =	spop (v2sf);
	s0 =	sadd.s32 s4, s0;
	(pc) =	sbr.rel .LBB2_6-.Ltmp9, $4  }
0x37b: {  	[tilespmem:s26], [sflag:$0x2] =	stream.linear.gather [hbm4b:s0+s2], $0x80, $0x38;
	[tilespmem:$0x14500] =	vst v63  }
0x37c: {  	s7 =	sadd.s32 $0x1, s7;
	s14 =	sadd.s32 $0x190, s14;
	s0 =	sand.u32 $0x1FFFFFF0, s28  }
0x37d: {  	s10 =	sadd.s32 $0x190, s10;
	s30 =	simm.s32 $0x14480;
	s0 =	sadd.s32 s4, s0  }
0x37e: {  	[tilespmem:s30], [sflag:$0x2] =	stream.linear.gather [hbm4b:s0+s2], $0x80, $0x38;
	[tilespmem:$0x14500] =	vst v63  }
.LBB2_17:
0x37f: {  	_ =	sfence.sel $0x180000  }
0x380: {  	[bflag:$0x0] =	sbarrier.arrive $0xFFFF  }
0x381: {  	_ =	strace $0x90000047  }
0x382: {  	s0 =	stileid.u32;
	[bflag:$0x2] =	sbarrier.arrive $0xFFFF  }
0x383: {  	p0 =	sne.s32 s0, $0x0;
	s0 =	rddreg [dreg:$0x2]  }
0x384: {  	s0 =	sadd.s32 @!p0 $0x100000, s0  }
0x385: {  	[sflag:s0] =	ssyncadd.tile.s32 @!p0 $0x1;
	_ =	shalt  }
.Lfunc_end2:
_tile_overlayer_lowered:
.L_overlay_start_2:
0x386: {  	(tag) =	ssettag $0x2  }
0x387: {  	s0 =	rddreg [dreg:$0x0];
	s2 =	stileid.u32  }
0x388: {  	s1 =	rddreg [dreg:$0x1];
	p0 =	sne.s32 s2, $0x0  }
0x389: {  	s3 =	rddreg [dreg:$0x2];
	[bflag:$0x3] =	sbarrier.arrive $0xFFFF;
	s2 =	simm.s32 @!p0 $0x1C05  }
0x38a: {  	[timem:s3], [sflag:s2] =	dma.local @!p0 [hbm:s0], s1  }
0x38b: {  	s0 =	simm.s32 @!p0 $0x5  }
0x38c: {  	_ =	swait.ge @!p0 [sflag:s0], s1  }
0x38d: {  	s1 =	ssub.s32 @!p0 $0x0, s1;
	[sflag:s0] =	ssyncset.done @!p0 $0x0  }
0x38e: {  	[sflag:s0] =	ssyncadd.s32 @!p0 s1  }
0x38f: {  	[bflag:$0x3] =	sbarrier.arrive $0xFFFF  }
0x390: {  	_ =	shalt  }

// kernel: sparse-core-data-format-call.cloned.1.call-start
scs
called_computation_lowered:
.L_overlay_start_0:
0x0: {  	s2 =	sld [smem:$0x3FD9]  }
0x1: {  	s3 =	sld [smem:$0x3FFE];
	_ =	sdelay $0x1  }
0x2: {  	s1 =	srdreg.scid  }
0x3: {  	s0 =	sand.u32 $0x1, s1  }
0x4: {  	s18 =	sshll.u32 s0, $0xA;
	s2 =	sadd.s32 s3, s2  }
0x5: {  	s2 =	sadd.s32 s2, s18  }
0x6: {  	[smem:$0x3FC5] =	sst s2  }
0x7: {  	_ = 	snop  }
0x8: {  	s2 =	sld [smem:$0x3FD0];
	(tm) =	ssettm $0x1  }
0x9: {  	s19 =	sld [smem:$0x3FFB];
	_ =	sdelay $0x3  }
0xa: {  	_ =	strace s19  }
0xb: {  	s3 =	sld [smem:$0x3FFC];
	_ =	sdelay $0x3  }
0xc: {  	_ =	strace s3  }
0xd: {  	s3 =	sld [smem:$0x3FFD];
	_ =	sdelay $0x3  }
0xe: {  	_ =	strace s3  }
0xf: {  	_ =	strace $0x8FFFFFFF  }
0x10: {  	s20 =	sld [smem:$0x3FDB];
	_ =	sdelay $0x1  }
0x11: {  	s4 =	simm.s32 $_scs_section_size  }
0x12: {  	s5 =	simm.s32 $_size__tile_overlayer_lowered;
	s6 =	simm.s32 $_tile_overlayer_lowered  }
0x13: {  	s23 =	simm.s32 $0x1BFF;
	s22 =	sshll.u32 s6, $0x1;
	s3 =	sadd.s32 s4, s20  }
0x14: {  	s7 =	simm.s32 $0x0;
	s21 =	sshll.u32 s5, $0x1;
	s5 =	sadd.s32 s22, s3  }
0x15: {  	[timem:s7], [sflag:s23] =	dma.local [hbm:s5], s21  }
0x16: {  	_ =	swait.ge [sflag:s23], s21  }
0x17: {  	s4 =	ssub.s32 $0x0, s21;
	[sflag:s23] =	ssyncset.done $0x0  }
0x18: {  	[sflag:s23] =	ssyncadd.s32 s4;
	_ =	sdelay $0x1  }
0x19: {  	s24 =	simm.s32 $0x1B8B  }
0x1a: {  	_ =	swait.ge [sflag:s24], $0x1  }
0x1b: {  	[sflag:s24] =	ssyncset.done $0x0  }
0x1c: {  	s26 =	simm.s32 $0x1B8E;
	s25 =	sld [smem:$0x3FFE];
	[sflag:s24] =	ssyncadd.s32 $0xFFFFFFFF  }
0x1d: {  	s27 =	simm.s32 $execute0_lowered;
	[smem:$0x3FD2] =	sst s26  }
0x1e: {  	s5 =	sshll.u32 s27, $0x1;
	_ =	strace $0x80000049;
	[dreg:$0x1] =	wrdreg $0xFFFFFFFF  }
0x1f: {  	s28 =	simm.s32 $_size_execute0_lowered;
	s3 =	sadd.s32 s3, s5;
	[dreg:$0x0] =	wrdreg $0x0  }
0x20: {  	s5 =	sshll.u32 s28, $0x1;
	[dreg:$0x2] =	wrdreg s3  }
0x21: {  	[dreg:$0x3] =	wrdreg s5  }
0x22: {  	[dreg:$0x4] =	wrdreg $0xC0  }
0x23: {  	_ =	task [dreg:s7], $0x5FFFF  }
0x24: {  	[dreg:$0x1] =	wrdreg $0xFFFFFFFF  }
0x25: {  	[dreg:$0x0] =	wrdreg $0x60  }
0x26: {  	[dreg:$0x2] =	wrdreg s25  }
0x27: {  	[dreg:$0x3] =	wrdreg s2  }
0x28: {  	[dreg:$0x4] =	wrdreg $0x9  }
0x29: {  	_ =	task.clear_ibuf [dreg:s7], $0x5FFFF;
	_ =	strace $0x90000049  }
0x2a: {  	s29 =	simm.s32 $0x9;
	_ =	strace $0x8000004B  }
0x2b: {  	_ =	swait.ge [sflag:s29], $0x1  }
0x2c: {  	[sflag:s29] =	ssyncadd.s32 $0xFFFFFFFF  }
0x2d: {  	_ =	strace $0x9000004B  }
0x2e: {  	_ =	sfence  }
0x2f: {  	s30 =	sld [smem:$0x0];
	_ =	sdelay $0x2  }
0x30: {  	s31 =	sshll.u32 s1, $0xD;
	s1 =	sshrl.u32 s1, $0x2  }
0x31: {  	s3 =	sand.u32 $0x4000, s31;
	s1 =	sadd.s32 s1, s30  }
0x32: {  	s0 =	sor.u32 s3, s0;
	s1 =	sshll.u32 s1, $0x11  }
0x33: {  	s0 =	sor.u32 s1, s0  }
0x34: {  	s0 =	sadd.s32 $0x8F2B, s0  }
0x35: {  	[sflag:s0] =	ssyncadd.remote.s32 $0x1  }
0x36: {  	_ =	sfence.sel $0xFFFF  }
0x37: {  	[dreg:$0x0] =	wrdreg $0xFFFFFFFF;
	(pc) =	sbr.abs _section_cstart, $3  }
0x38: {  	[dreg:$0x1] =	wrdreg $0xFFFFFFFF  }
0x39: {  	_ =	task.clear_ibuf [dreg:s7], $0x2FFFF;
	_ =	strace $0x9FFFFFFF  }
0x3a: {  	(tm) =	ssettm $0x7FFFFFFF  }
0x3b: {  	_ =	shalt  }
tec
execute0_lowered:
.L_overlay_start_1:
0x0: {  	(tag) =	ssettag $0x1  }
0x1: {  	s0 =	stileid.u32;
	s6 =	rddreg [dreg:$0x0]  }
0x2: {  	s2 =	rddreg [dreg:$0x1];
	s5 =	srdreg.scid  }
0x3: {  	s31 =	simm.s32 $0x2;
	s13 =	simm.s32 $0x0;
	s1 =	sshll.u32 s0, $0x7  }
0x4: {  	s14 =	simm.s32 $0x0;
	s12 =	simm.s32 $0x0;
	s3 =	sand.u32 $0x380, s1  }
0x5: {  	s5 =	sshll.u32 s5, $0x4;
	s6 =	sadd.s32 $0xF44C00, s6;
	s4 =	ssub.s32 $0x400, s3  }
0x6: {  	s1 =	rddreg [dreg:$0x2];
	_ =	strace $0x8000004A;
	s7 =	sand.u32 $0x380, s4  }
0x7: {  	s5 =	sand.u32 $0x10, s5;
	p0 =	sne.s32 s7, $0x0;
	s7 =	simm.s32 $0x1  }
.Ltmp0:
0x8: {  	s8 =	sshrl.u32 s4, $0xA;
	s7 =	simm.s32 @!p0 $0x0;
	(pc) =	sbr.rel .LBB1_1-.Ltmp0, $4  }
0x9: {  	s9 =	sor.u32 s0, s5;
	s4 =	simm.s32 $0x1;
	s30 =	sadd.s32 s7, s8  }
0xa: {  	s11 =	smov.u32 s3;
	[sflag:s4] =	ssyncpa.u1 $0x0;
	s5 =	smul.u32 $0x32, s30  }
0xb: {  	[sflag:s31] =	ssyncpa.u1 $0x0;
	p0 =	por $0x0, $0x0;
	s7 =	sshrl.u32 s9, $0x3  }
0xc: {  	s9 =	simm.s32 $0x2000;
	s10 =	smov.u32 s7;
	s8 =	sor.u32 $0x1, s5  }
.LBB1_4:
0xd: {  	s17 =	sand.u32 $0x1F80, s14;
	s13 =	sshll.u32 s13, $0xD  }
0xe: {  	[tilespmem:s16+$0x810 ss:$0x81] =	vst.msk $0xffff, v2;
	s18 =	sshrl.u32 s14, $0x3;
	s31 =	sand.u32 $0x7, s14;
	s17 =	sadd.s32 s2, s17  }
0xf: {  	[tilespmem:s16+$0x1020 ss:$0x81] =	vst.msk $0xffff, v0;
	s18 =	sand.u32 $0xF, s18;
	s14 =	sshll.u32 s31, $0x12;
	s13 =	sadd.s32 s13, s17  }
0x10: {  	[tilespmem:s16+$0x0 ss:$0x81] =	vst.msk $0xffff, v1;
	s14 =	sor.u32 $0x400, s14;
	s13 =	sadd.s32 s18, s13  }
0x11: {  	[hbm4b:s13+s14] =	stream.strided.scatter [tilespmem:s15], [sflag:$0x2], $0x2000, s9, s14, $0x20;
	[tilespmem:$0x8080] =	vst v63  }
.LBB1_5:
0x12: {  	s15 =	sadd.s32 $0x4, s10  }
0x13: {  	s13 =	sadd.s32 $0x400, s11;
	s17 =	smov.u32 s11;
	p2 =	sgt.s32 s15, $0xC7  }
0x14: {  	s17 =	smov.u32 @p2 s13  }
0x15: {  	s15 =	smov.u32 @p2 s7;
	p2 =	sgt.s32 s17, $0x3FF  }
0x16: {  	s17 =	smov.u32 @p2 s3;
	p2 =	sne.s32 s12, s8  }
.Ltmp1:
0x17: {  	p1 =	slt.u32 s12, $0x2;
	(pc) =	sbr.rel @!p2 .LBB1_6-.Ltmp1, $4  }
0x18: {  	s16 =	simm.s32 @!p1 $0x2  }
0x19: {  	s14 =	smov.u32 s11;
	p0 =	por !p0, !p0;
	_ =	swait.ge @!p1 [sflag:s16], $0x2000  }
0x1a: {  	s13 =	smov.u32 s10;
	[sflag:s16] =	ssyncset.done @!p1 $0x0;
	s10 =	smov.u32 s15  }
0x1b: {  	s12 =	sadd.s32 $0x1, s12;
	[sflag:s16] =	ssyncadd.s32 @!p1 $0xFFFFE000;
	s11 =	smov.u32 s17  }
.LBB1_1:
0x1c: {  	p1 =	sge.u32 s12, s5  }
0x1d: {  	s15 =	sand.u32 @!p1 $0x1FFFFFF, s10  }
0x1e: {  	s16 =	smulhi.u32 @!p1 $0x147AE15, s15;
	_ =	sdelay $0x1  }
0x1f: {  	s16 =	smul.u32 @!p1 $0xC8, s16  }
0x20: {  	s17 =	sxor.u32 @!p1 $0xFFFFFFFF, s12;
	s18 =	smul.u32 @!p1 $0xC80, s11  }
0x21: {  	s31 =	sadd.s32 $0xFFFFFFFF, s12;
	s17 =	sshll.u32 @!p1 s17, $0xD;
	s15 =	ssub.s32 @!p1 s15, s16  }
0x22: {  	s16 =	sand.u32 @!p1 $0x2000, s17;
	s17 =	sadd.s32 @!p1 s6, s18;
	s15 =	sshll.u32 @!p1 s15, $0x4  }
0x23: {  	s18 =	simm.s32 @!p1 $0x6400;
	s15 =	sadd.s32 @!p1 s15, s17;
	s17 =	simm.s32 @!p1 $0x40  }
0x24: {  	[tilespmem:s16], [sflag:$0x1] =	stream.strided.gather @!p1 [hbm4b:s15+s17], $0x2000, s18, s17, $0x38;
	[tilespmem:$0x8080] =	vst v63  }
0x25: {  	p1 =	sge.u32 s31, s5  }
.Ltmp2:
0x26: {  	_ = 	snop;
	(pc) =	sbr.rel @p1 .LBB1_5-.Ltmp2, $1  }
0x27: {  	_ =	sdelay $0x3  }
0x28: {  	s15 =	simm.s32 $0x1  }
0x29: {  	_ =	swait.ge [sflag:s4], $0x2000;
	s15 =	simm.s32 @!p0 $0x0  }
0x2a: {  	[sflag:s4] =	ssyncset.done $0x0;
	s16 =	sshll.u32 s15, $0xD  }
0x2b: {  	[sflag:s4] =	ssyncadd.s32 $0xFFFFE000;
	s19 =	sor.u32 $0x20, s16  }
0x2c: {  	s15 =	smul.u32 $0x8100, s15;
	v3 =	vld [tilespmem:s19+$0x10]  }
0x2d: {  	s30 =	sand.u32 $0x1, s12;
	v2 =	vld [tilespmem:s19+$0xFFFFFFF0]  }
0x2e: {  	s16 =	smul.u32 $0x8100, s30;
	s15 =	sshrl.u32 s15, $0x2;
	v0 =	vld [tilespmem:s19+$0x0]  }
0x2f: {  	v1 =	vld [tilespmem:s19+$0xFFFFFFE0];
	s17 =	sor.u32 $0x4000, s15  }
0x30: {  	s31 =	sshrl.u32 s16, $0x2;
	s16 =	sadd.s32 $0x0, s17  }
0x31: {  	s18 =	simm.s32 $0x4;
	s19 =	sadd.s32 $0x40, s19;
	s15 =	sor.u32 $0x4000, s31;
	[tilespmem:s16+$0x1830 ss:$0x81] =	vst.msk $0xffff, v3  }
.LBB1_3:
0x32: {  	v3 =	vld [tilespmem:s19+$0x10];
	p1 =	sne.s32 s18, $0x1FC;
	[tilespmem:s16+$0x810 ss:$0x81] =	vst.msk $0xffff, v2;
	s20 =	smov.u32 s18;
	s18 =	sadd.s32 $0x4, s18  }
.Ltmp3:
0x33: {  	v2 =	vld [tilespmem:s19+$0xFFFFFFF0];
	[tilespmem:s16+$0x1020 ss:$0x81] =	vst.msk $0xffff, v0;
	(pc) =	sbr.rel @p1 .LBB1_3-.Ltmp3, $4  }
0x34: {  	v0 =	vld [tilespmem:s19+$0x0];
	[tilespmem:s16+$0x0 ss:$0x81] =	vst.msk $0xffff, v1  }
0x35: {  	s16 =	sshra.s32 s20, $0x2;
	v1 =	vld [tilespmem:s19+$0xFFFFFFE0]  }
0x36: {  	s16 =	sadd.s32 s16, s17  }
0x37: {  	s19 =	sadd.s32 $0x40, s19;
	[tilespmem:s16+$0x1830 ss:$0x81] =	vst.msk $0xffff, v3  }
.Ltmp4:
0x38: {  	_ = 	snop;
	(pc) =	sbr.rel .LBB1_4-.Ltmp4, $1  }
0x39: {  	_ =	sdelay $0x3  }
.LBB1_6:
0x3a: {  	_ =	sfence.sel $0x180000  }
0x3b: {  	s2 =	simm.s32 $0x1;
	[bflag:$0x0] =	sbarrier.arrive $0xFFFF  }
0x3c: {  	s31 =	simm.s32 $0x2;
	[sflag:s2] =	ssyncpa.u1 $0x1  }
0x3d: {  	[sflag:s31] =	ssyncpa.u1 $0x1  }
0x3e: {  	p0 =	sne.s32 s0, $0x0;
	_ =	strace $0x9000004A  }
0x3f: {  	s0 =	sadd.s32 @!p0 $0x100000, s1;
	[bflag:$0x2] =	sbarrier.arrive $0xFFFF  }
0x40: {  	[sflag:s0] =	ssyncadd.tile.s32 @!p0 $0x1;
	_ =	shalt  }
.Lfunc_end1:
_tile_overlayer_lowered:
.L_overlay_start_2:
0x41: {  	(tag) =	ssettag $0x2  }
0x42: {  	s0 =	rddreg [dreg:$0x0];
	s2 =	stileid.u32  }
0x43: {  	s1 =	rddreg [dreg:$0x1];
	p0 =	sne.s32 s2, $0x0  }
0x44: {  	s3 =	rddreg [dreg:$0x2];
	[bflag:$0x3] =	sbarrier.arrive $0xFFFF;
	s2 =	simm.s32 @!p0 $0x1C01  }
0x45: {  	[timem:s3], [sflag:s2] =	dma.local @!p0 [hbm:s0], s1  }
0x46: {  	s0 =	simm.s32 @!p0 $0x1  }
0x47: {  	_ =	swait.ge @!p0 [sflag:s0], s1  }
0x48: {  	s1 =	ssub.s32 @!p0 $0x0, s1;
	[sflag:s0] =	ssyncset.done @!p0 $0x0  }
0x49: {  	[sflag:s0] =	ssyncadd.s32 @!p0 s1  }
0x4a: {  	[bflag:$0x3] =	sbarrier.arrive $0xFFFF  }
0x4b: {  	_ =	shalt  }

</sc_bundles>
